<compile_context>
chip_gen: v7x
topology: tpu7x:2x2x1
jax: 0.10.2.dev20260603
libtpu: 0.0.44.dev20260713+nightly
codegen_flags: <defaults>
</compile_context>

<pallas_src>
import functools
import math

import jax
import jax.numpy as jnp
from jax import lax
from jax.experimental import pallas as pl
from jax.experimental.pallas import tpu as pltpu
from jax.experimental.pallas import tpu_sc as plsc

_EMB = 32
_B = 16384
_L = 50
_NW = 32
_BW = _B // _NW
_CHUNK = 128
_NCH = _BW // _CHUNK
_SCALE = math.sqrt(_EMB)

_mesh = plsc.VectorSubcoreMesh(core_axis_name="c", subcore_axis_name="s")


@functools.partial(
    pl.kernel,
    mesh=_mesh,
    compiler_params=pltpu.CompilerParams(use_tc_tiling_on_sc=False),
    out_type=jax.ShapeDtypeStruct((_B, _L, _EMB), jnp.float32),
    scratch_types=[
        pltpu.VMEM((_L, _NCH, _CHUNK), jnp.int32),
        pltpu.VMEM((_BW, _EMB), jnp.float32),
        pltpu.VMEM((_BW, _EMB), jnp.float32),
        pltpu.VMEM((_BW, _EMB), jnp.float32),
        pltpu.SemaphoreType.DMA,
        pltpu.SemaphoreType.DMA,
        pltpu.SemaphoreType.DMA,
        pltpu.SemaphoreType.DMA,
        pltpu.SemaphoreType.DMA,
        pltpu.SemaphoreType.DMA,
    ],
)
def _emb_lookup(tokt_hbm, table_hbm, out_hbm, tok_v, b0_, b1_, b2_,
                g0, g1, g2, o0, o1, o2):
    wid = lax.axis_index("s") * 2 + lax.axis_index("c")
    base = wid * _BW
    for k in range(_NCH):
        pltpu.sync_copy(
            tokt_hbm.at[:, pl.ds(base + k * _CHUNK, _CHUNK)],
            tok_v.at[:, k],
        )

    bufs = ((b0_, g0, o0), (b1_, g1, o1), (b2_, g2, o2))

    def issue_g(l, buf, gsem):
        for k in range(_NCH):
            pltpu.make_async_copy(
                table_hbm.at[tok_v.at[l, k]],
                buf.at[pl.ds(k * _CHUNK, _CHUNK)],
                gsem,
            ).start()

    def wait_g(buf, gsem):
        for k in range(_NCH):
            pltpu.make_async_copy(
                table_hbm.at[tok_v.at[0, k]],
                buf.at[pl.ds(k * _CHUNK, _CHUNK)],
                gsem,
            ).wait()

    def issue_o(l, buf, osem):
        pltpu.make_async_copy(
            buf, out_hbm.at[pl.ds(base, _BW), l], osem,
        ).start()

    def wait_o(buf, osem):
        pltpu.make_async_copy(
            buf, out_hbm.at[pl.ds(base, _BW), 0], osem,
        ).wait()

    def scale(buf):
        def body(i, c):
            for r in range(8):
                row = i * 8 + r
                buf[row, pl.ds(0, 16)] = buf[row, pl.ds(0, 16)] * _SCALE
                buf[row, pl.ds(16, 16)] = buf[row, pl.ds(16, 16)] * _SCALE
            return c
        lax.fori_loop(0, _BW // 8, body, 0)

    def stage(l, b, prefetch, first):
        buf, gsem, osem = bufs[b]
        wait_g(buf, gsem)
        scale(buf)
        issue_o(l, buf, osem)
        if prefetch:
            nbuf, ngsem, nosem = bufs[(b + 2) % 3]
            if not first:
                wait_o(nbuf, nosem)
            issue_g(l + 2, nbuf, ngsem)

    issue_g(0, b0_, g0)
    issue_g(1, b1_, g1)
    stage(0, 0, True, True)
    stage(1, 1, True, False)
    stage(2, 2, True, False)

    def triple(t, c):
        for b in range(3):
            stage(t * 3 + b, b, True, False)
        return c
    lax.fori_loop(1, (_L - 2) // 3, triple, 0)

    stage(_L - 2, (_L - 2) % 3, False, False)
    stage(_L - 1, (_L - 1) % 3, False, False)
    for l in (_L - 3, _L - 2, _L - 1):
        buf, _, osem = bufs[l % 3]
        wait_o(buf, osem)


def kernel(tokens, table):
    return _emb_lookup(tokens.T.astype(jnp.int32), table)

# --- scband reference (transcript-rebuilt; emitter-appended) ---
"""Pipeline reference for scband-token-embedding-463856467977 (READ-ONLY COPY).

The authoritative reference and input builder live on the scoring server;
editing this copy changes nothing except your own understanding.
"""

import jax, jax.numpy as jnp
import numpy as np
import math

VOCAB = 1000000
EMB = 32
B = 16384
L = 50

def setup_inputs(seed: int = 0) -> dict:
    key = jax.random.key(seed)
    k1, k2 = jax.random.split(key)
    tokens = jax.random.randint(k1, (B, L), 0, VOCAB, dtype=jnp.int64 if jax.config.jax_enable_x64 else jnp.int32)
    table = jax.random.normal(k2, (VOCAB, EMB), dtype=jnp.float32)
    return {"tokens": tokens, "table": table}

def reference(tokens, table):
    # nn.Embedding lookup followed by scale by sqrt(emb_size)
    emb = jnp.take(table, tokens, axis=0)
    return emb * math.sqrt(EMB)

if __name__ == "__main__":
    import jax
    _d = setup_inputs()
    print(jax.jit(kernel)(*tuple(_d.values())))

</pallas_src>

<mosaic_0001>
#map = affine_map<(d0, d1) -> (0, 0)>
#map1 = affine_map<(d0, d1) -> (0, 0, 0)>
module attributes {stable_mosaic.version = 14 : i64} {
  func.func @_emb_lookup(%arg0: i32, %arg1: i32, %arg2: memref<50x16384xi32, #tpu.memory_space<hbm>>, %arg3: memref<1000000x32xf32, #tpu.memory_space<hbm>>, %arg4: memref<16384x50x32xf32, #tpu.memory_space<hbm>>, %arg5: memref<50x4x128xi32, #tpu.memory_space<vmem>>, %arg6: memref<512x32xf32, #tpu.memory_space<vmem>>, %arg7: memref<512x32xf32, #tpu.memory_space<vmem>>, %arg8: memref<512x32xf32, #tpu.memory_space<vmem>>, %arg9: memref<!tpu.dma_semaphore, #tpu.memory_space<semaphore_mem>>, %arg10: memref<!tpu.dma_semaphore, #tpu.memory_space<semaphore_mem>>, %arg11: memref<!tpu.dma_semaphore, #tpu.memory_space<semaphore_mem>>, %arg12: memref<!tpu.dma_semaphore, #tpu.memory_space<semaphore_mem>>, %arg13: memref<!tpu.dma_semaphore, #tpu.memory_space<semaphore_mem>>, %arg14: memref<!tpu.dma_semaphore, #tpu.memory_space<semaphore_mem>>) attributes {dimension_semantics = [#tpu.dimension_semantics<core_parallel>, #tpu.dimension_semantics<subcore_parallel>], iteration_bounds = array<i64: 2, 16>, scalar_prefetch = 0 : i64, scratch_operands = 10 : i64, tpu.core_type = #tpu.core_type<sc_vector_subcore>, window_params = [{transform_indices = #map}, {transform_indices = #map}, {transform_indices = #map1}]} {
    %mul3A = arith.constant 2 : i32
    %mul3A_0 = arith.muli %arg1, %mul3A : i32
    %add3A = arith.addi %mul3A_0, %arg0 : i32
    %mul3A_1 = arith.constant 512 : i32
    %mul3A_2 = arith.muli %add3A, %mul3A_1 : i32
    %add3A_3 = arith.constant 0 : i32
    %add3A_4 = arith.addi %mul3A_2, %add3A_3 : i32
    %run_scoped3A = arith.constant 0 : i32
    "tpu.region"() ({
      %run_scoped3A_557 = tpu.sem_alloc : memref<!tpu.dma_semaphore, #tpu.memory_space<semaphore_mem>>
      %dma_start3A_558 = arith.constant 0 : i32
      %dma_start3A_559 = arith.constant 0 : i32
      %dma_start3A_560 = tpu.memref_slice %arg5[%dma_start3A_558, %run_scoped3A, %dma_start3A_559] : memref<50x4x128xi32, #tpu.memory_space<vmem>> -> memref<50x1x128xi32, #tpu.memory_space<vmem>>
      %dma_start3A_561 = tpu.memref_squeeze %dma_start3A_560 : memref<50x1x128xi32, #tpu.memory_space<vmem>> -> memref<50x128xi32, #tpu.memory_space<vmem>>
      %dma_start3A_562 = arith.constant 0 : i32
      %dma_start3A_563 = tpu.memref_slice %arg2[%dma_start3A_562, %add3A_4] : memref<50x16384xi32, #tpu.memory_space<hbm>> -> memref<50x128xi32, #tpu.memory_space<hbm>>
      %dma_start3A_564 = arith.constant 0 : i32
      %dma_start3A_565 = arith.constant 0 : i32
      %dma_start3A_566 = tpu.memref_slice %arg5[%dma_start3A_564, %run_scoped3A, %dma_start3A_565] : memref<50x4x128xi32, #tpu.memory_space<vmem>> -> memref<50x1x128xi32, #tpu.memory_space<vmem>>
      %dma_start3A_567 = tpu.memref_squeeze %dma_start3A_566 : memref<50x1x128xi32, #tpu.memory_space<vmem>> -> memref<50x128xi32, #tpu.memory_space<vmem>>
      %dma_start3A_568 = arith.constant 0 : i32
      %dma_start3A_569 = tpu.memref_slice %arg2[%dma_start3A_568, %add3A_4] : memref<50x16384xi32, #tpu.memory_space<hbm>> -> memref<50x128xi32, #tpu.memory_space<hbm>>
      tpu.enqueue_dma source(%dma_start3A_569 : memref<50x128xi32, #tpu.memory_space<hbm>>) target(%dma_start3A_567 : memref<50x128xi32, #tpu.memory_space<vmem>>) target_semaphore(%run_scoped3A_557 : memref<!tpu.dma_semaphore, #tpu.memory_space<semaphore_mem>>)
      %dma_wait3A_570 = arith.constant 0 : i32
      %dma_wait3A_571 = arith.constant 0 : i32
      %dma_wait3A_572 = tpu.memref_slice %arg5[%dma_wait3A_570, %run_scoped3A, %dma_wait3A_571] : memref<50x4x128xi32, #tpu.memory_space<vmem>> -> memref<50x1x128xi32, #tpu.memory_space<vmem>>
      %dma_wait3A_573 = tpu.memref_squeeze %dma_wait3A_572 : memref<50x1x128xi32, #tpu.memory_space<vmem>> -> memref<50x128xi32, #tpu.memory_space<vmem>>
      %dma_wait3A_574 = arith.constant 0 : i32
      %dma_wait3A_575 = tpu.memref_slice %arg2[%dma_wait3A_574, %add3A_4] : memref<50x16384xi32, #tpu.memory_space<hbm>> -> memref<50x128xi32, #tpu.memory_space<hbm>>
      %dma_wait3A_576 = arith.constant 0 : i32
      %dma_wait3A_577 = arith.constant 0 : i32
      %dma_wait3A_578 = tpu.memref_slice %arg5[%dma_wait3A_576, %run_scoped3A, %dma_wait3A_577] : memref<50x4x128xi32, #tpu.memory_space<vmem>> -> memref<50x1x128xi32, #tpu.memory_space<vmem>>
      %dma_wait3A_579 = tpu.memref_squeeze %dma_wait3A_578 : memref<50x1x128xi32, #tpu.memory_space<vmem>> -> memref<50x128xi32, #tpu.memory_space<vmem>>
      %dma_wait3A_580 = arith.constant 0 : i32
      %dma_wait3A_581 = tpu.memref_slice %arg2[%dma_wait3A_580, %add3A_4] : memref<50x16384xi32, #tpu.memory_space<hbm>> -> memref<50x128xi32, #tpu.memory_space<hbm>>
      tpu.wait_dma2 semaphore(%run_scoped3A_557 : memref<!tpu.dma_semaphore, #tpu.memory_space<semaphore_mem>>) src(%dma_wait3A_581 : memref<50x128xi32, #tpu.memory_space<hbm>>) dst(%dma_wait3A_579 : memref<50x128xi32, #tpu.memory_space<vmem>>)
      tpu.yield
    }) : () -> ()
    %add3A_5 = arith.constant 128 : i32
    %add3A_6 = arith.addi %mul3A_2, %add3A_5 : i32
    %run_scoped3A_7 = arith.constant 1 : i32
    "tpu.region"() ({
      %run_scoped3A_557 = tpu.sem_alloc : memref<!tpu.dma_semaphore, #tpu.memory_space<semaphore_mem>>
      %dma_start3A_558 = arith.constant 0 : i32
      %dma_start3A_559 = arith.constant 0 : i32
      %dma_start3A_560 = tpu.memref_slice %arg5[%dma_start3A_558, %run_scoped3A_7, %dma_start3A_559] : memref<50x4x128xi32, #tpu.memory_space<vmem>> -> memref<50x1x128xi32, #tpu.memory_space<vmem>>
      %dma_start3A_561 = tpu.memref_squeeze %dma_start3A_560 : memref<50x1x128xi32, #tpu.memory_space<vmem>> -> memref<50x128xi32, #tpu.memory_space<vmem>>
      %dma_start3A_562 = arith.constant 0 : i32
      %dma_start3A_563 = tpu.memref_slice %arg2[%dma_start3A_562, %add3A_6] : memref<50x16384xi32, #tpu.memory_space<hbm>> -> memref<50x128xi32, #tpu.memory_space<hbm>>
      %dma_start3A_564 = arith.constant 0 : i32
      %dma_start3A_565 = arith.constant 0 : i32
      %dma_start3A_566 = tpu.memref_slice %arg5[%dma_start3A_564, %run_scoped3A_7, %dma_start3A_565] : memref<50x4x128xi32, #tpu.memory_space<vmem>> -> memref<50x1x128xi32, #tpu.memory_space<vmem>>
      %dma_start3A_567 = tpu.memref_squeeze %dma_start3A_566 : memref<50x1x128xi32, #tpu.memory_space<vmem>> -> memref<50x128xi32, #tpu.memory_space<vmem>>
      %dma_start3A_568 = arith.constant 0 : i32
      %dma_start3A_569 = tpu.memref_slice %arg2[%dma_start3A_568, %add3A_6] : memref<50x16384xi32, #tpu.memory_space<hbm>> -> memref<50x128xi32, #tpu.memory_space<hbm>>
      tpu.enqueue_dma source(%dma_start3A_569 : memref<50x128xi32, #tpu.memory_space<hbm>>) target(%dma_start3A_567 : memref<50x128xi32, #tpu.memory_space<vmem>>) target_semaphore(%run_scoped3A_557 : memref<!tpu.dma_semaphore, #tpu.memory_space<semaphore_mem>>)
      %dma_wait3A_570 = arith.constant 0 : i32
      %dma_wait3A_571 = arith.constant 0 : i32
      %dma_wait3A_572 = tpu.memref_slice %arg5[%dma_wait3A_570, %run_scoped3A_7, %dma_wait3A_571] : memref<50x4x128xi32, #tpu.memory_space<vmem>> -> memref<50x1x128xi32, #tpu.memory_space<vmem>>
      %dma_wait3A_573 = tpu.memref_squeeze %dma_wait3A_572 : memref<50x1x128xi32, #tpu.memory_space<vmem>> -> memref<50x128xi32, #tpu.memory_space<vmem>>
      %dma_wait3A_574 = arith.constant 0 : i32
      %dma_wait3A_575 = tpu.memref_slice %arg2[%dma_wait3A_574, %add3A_6] : memref<50x16384xi32, #tpu.memory_space<hbm>> -> memref<50x128xi32, #tpu.memory_space<hbm>>
      %dma_wait3A_576 = arith.constant 0 : i32
      %dma_wait3A_577 = arith.constant 0 : i32
      %dma_wait3A_578 = tpu.memref_slice %arg5[%dma_wait3A_576, %run_scoped3A_7, %dma_wait3A_577] : memref<50x4x128xi32, #tpu.memory_space<vmem>> -> memref<50x1x128xi32, #tpu.memory_space<vmem>>
      %dma_wait3A_579 = tpu.memref_squeeze %dma_wait3A_578 : memref<50x1x128xi32, #tpu.memory_space<vmem>> -> memref<50x128xi32, #tpu.memory_space<vmem>>
      %dma_wait3A_580 = arith.constant 0 : i32
      %dma_wait3A_581 = tpu.memref_slice %arg2[%dma_wait3A_580, %add3A_6] : memref<50x16384xi32, #tpu.memory_space<hbm>> -> memref<50x128xi32, #tpu.memory_space<hbm>>
      tpu.wait_dma2 semaphore(%run_scoped3A_557 : memref<!tpu.dma_semaphore, #tpu.memory_space<semaphore_mem>>) src(%dma_wait3A_581 : memref<50x128xi32, #tpu.memory_space<hbm>>) dst(%dma_wait3A_579 : memref<50x128xi32, #tpu.memory_space<vmem>>)
      tpu.yield
    }) : () -> ()
    %add3A_8 = arith.constant 256 : i32
    %add3A_9 = arith.addi %mul3A_2, %add3A_8 : i32
    %run_scoped3A_10 = arith.constant 2 : i32
    "tpu.region"() ({
      %run_scoped3A_557 = tpu.sem_alloc : memref<!tpu.dma_semaphore, #tpu.memory_space<semaphore_mem>>
      %dma_start3A_558 = arith.constant 0 : i32
      %dma_start3A_559 = arith.constant 0 : i32
      %dma_start3A_560 = tpu.memref_slice %arg5[%dma_start3A_558, %run_scoped3A_10, %dma_start3A_559] : memref<50x4x128xi32, #tpu.memory_space<vmem>> -> memref<50x1x128xi32, #tpu.memory_space<vmem>>
      %dma_start3A_561 = tpu.memref_squeeze %dma_start3A_560 : memref<50x1x128xi32, #tpu.memory_space<vmem>> -> memref<50x128xi32, #tpu.memory_space<vmem>>
      %dma_start3A_562 = arith.constant 0 : i32
      %dma_start3A_563 = tpu.memref_slice %arg2[%dma_start3A_562, %add3A_9] : memref<50x16384xi32, #tpu.memory_space<hbm>> -> memref<50x128xi32, #tpu.memory_space<hbm>>
      %dma_start3A_564 = arith.constant 0 : i32
      %dma_start3A_565 = arith.constant 0 : i32
      %dma_start3A_566 = tpu.memref_slice %arg5[%dma_start3A_564, %run_scoped3A_10, %dma_start3A_565] : memref<50x4x128xi32, #tpu.memory_space<vmem>> -> memref<50x1x128xi32, #tpu.memory_space<vmem>>
      %dma_start3A_567 = tpu.memref_squeeze %dma_start3A_566 : memref<50x1x128xi32, #tpu.memory_space<vmem>> -> memref<50x128xi32, #tpu.memory_space<vmem>>
      %dma_start3A_568 = arith.constant 0 : i32
      %dma_start3A_569 = tpu.memref_slice %arg2[%dma_start3A_568, %add3A_9] : memref<50x16384xi32, #tpu.memory_space<hbm>> -> memref<50x128xi32, #tpu.memory_space<hbm>>
      tpu.enqueue_dma source(%dma_start3A_569 : memref<50x128xi32, #tpu.memory_space<hbm>>) target(%dma_start3A_567 : memref<50x128xi32, #tpu.memory_space<vmem>>) target_semaphore(%run_scoped3A_557 : memref<!tpu.dma_semaphore, #tpu.memory_space<semaphore_mem>>)
      %dma_wait3A_570 = arith.constant 0 : i32
      %dma_wait3A_571 = arith.constant 0 : i32
      %dma_wait3A_572 = tpu.memref_slice %arg5[%dma_wait3A_570, %run_scoped3A_10, %dma_wait3A_571] : memref<50x4x128xi32, #tpu.memory_space<vmem>> -> memref<50x1x128xi32, #tpu.memory_space<vmem>>
      %dma_wait3A_573 = tpu.memref_squeeze %dma_wait3A_572 : memref<50x1x128xi32, #tpu.memory_space<vmem>> -> memref<50x128xi32, #tpu.memory_space<vmem>>
      %dma_wait3A_574 = arith.constant 0 : i32
      %dma_wait3A_575 = tpu.memref_slice %arg2[%dma_wait3A_574, %add3A_9] : memref<50x16384xi32, #tpu.memory_space<hbm>> -> memref<50x128xi32, #tpu.memory_space<hbm>>
      %dma_wait3A_576 = arith.constant 0 : i32
      %dma_wait3A_577 = arith.constant 0 : i32
      %dma_wait3A_578 = tpu.memref_slice %arg5[%dma_wait3A_576, %run_scoped3A_10, %dma_wait3A_577] : memref<50x4x128xi32, #tpu.memory_space<vmem>> -> memref<50x1x128xi32, #tpu.memory_space<vmem>>
      %dma_wait3A_579 = tpu.memref_squeeze %dma_wait3A_578 : memref<50x1x128xi32, #tpu.memory_space<vmem>> -> memref<50x128xi32, #tpu.memory_space<vmem>>
      %dma_wait3A_580 = arith.constant 0 : i32
      %dma_wait3A_581 = tpu.memref_slice %arg2[%dma_wait3A_580, %add3A_9] : memref<50x16384xi32, #tpu.memory_space<hbm>> -> memref<50x128xi32, #tpu.memory_space<hbm>>
      tpu.wait_dma2 semaphore(%run_scoped3A_557 : memref<!tpu.dma_semaphore, #tpu.memory_space<semaphore_mem>>) src(%dma_wait3A_581 : memref<50x128xi32, #tpu.memory_space<hbm>>) dst(%dma_wait3A_579 : memref<50x128xi32, #tpu.memory_space<vmem>>)
      tpu.yield
    }) : () -> ()
    %add3A_11 = arith.constant 384 : i32
    %add3A_12 = arith.addi %mul3A_2, %add3A_11 : i32
    %run_scoped3A_13 = arith.constant 3 : i32
    "tpu.region"() ({
      %run_scoped3A_557 = tpu.sem_alloc : memref<!tpu.dma_semaphore, #tpu.memory_space<semaphore_mem>>
      %dma_start3A_558 = arith.constant 0 : i32
      %dma_start3A_559 = arith.constant 0 : i32
      %dma_start3A_560 = tpu.memref_slice %arg5[%dma_start3A_558, %run_scoped3A_13, %dma_start3A_559] : memref<50x4x128xi32, #tpu.memory_space<vmem>> -> memref<50x1x128xi32, #tpu.memory_space<vmem>>
      %dma_start3A_561 = tpu.memref_squeeze %dma_start3A_560 : memref<50x1x128xi32, #tpu.memory_space<vmem>> -> memref<50x128xi32, #tpu.memory_space<vmem>>
      %dma_start3A_562 = arith.constant 0 : i32
      %dma_start3A_563 = tpu.memref_slice %arg2[%dma_start3A_562, %add3A_12] : memref<50x16384xi32, #tpu.memory_space<hbm>> -> memref<50x128xi32, #tpu.memory_space<hbm>>
      %dma_start3A_564 = arith.constant 0 : i32
      %dma_start3A_565 = arith.constant 0 : i32
      %dma_start3A_566 = tpu.memref_slice %arg5[%dma_start3A_564, %run_scoped3A_13, %dma_start3A_565] : memref<50x4x128xi32, #tpu.memory_space<vmem>> -> memref<50x1x128xi32, #tpu.memory_space<vmem>>
      %dma_start3A_567 = tpu.memref_squeeze %dma_start3A_566 : memref<50x1x128xi32, #tpu.memory_space<vmem>> -> memref<50x128xi32, #tpu.memory_space<vmem>>
      %dma_start3A_568 = arith.constant 0 : i32
      %dma_start3A_569 = tpu.memref_slice %arg2[%dma_start3A_568, %add3A_12] : memref<50x16384xi32, #tpu.memory_space<hbm>> -> memref<50x128xi32, #tpu.memory_space<hbm>>
      tpu.enqueue_dma source(%dma_start3A_569 : memref<50x128xi32, #tpu.memory_space<hbm>>) target(%dma_start3A_567 : memref<50x128xi32, #tpu.memory_space<vmem>>) target_semaphore(%run_scoped3A_557 : memref<!tpu.dma_semaphore, #tpu.memory_space<semaphore_mem>>)
      %dma_wait3A_570 = arith.constant 0 : i32
      %dma_wait3A_571 = arith.constant 0 : i32
      %dma_wait3A_572 = tpu.memref_slice %arg5[%dma_wait3A_570, %run_scoped3A_13, %dma_wait3A_571] : memref<50x4x128xi32, #tpu.memory_space<vmem>> -> memref<50x1x128xi32, #tpu.memory_space<vmem>>
      %dma_wait3A_573 = tpu.memref_squeeze %dma_wait3A_572 : memref<50x1x128xi32, #tpu.memory_space<vmem>> -> memref<50x128xi32, #tpu.memory_space<vmem>>
      %dma_wait3A_574 = arith.constant 0 : i32
      %dma_wait3A_575 = tpu.memref_slice %arg2[%dma_wait3A_574, %add3A_12] : memref<50x16384xi32, #tpu.memory_space<hbm>> -> memref<50x128xi32, #tpu.memory_space<hbm>>
      %dma_wait3A_576 = arith.constant 0 : i32
      %dma_wait3A_577 = arith.constant 0 : i32
      %dma_wait3A_578 = tpu.memref_slice %arg5[%dma_wait3A_576, %run_scoped3A_13, %dma_wait3A_577] : memref<50x4x128xi32, #tpu.memory_space<vmem>> -> memref<50x1x128xi32, #tpu.memory_space<vmem>>
      %dma_wait3A_579 = tpu.memref_squeeze %dma_wait3A_578 : memref<50x1x128xi32, #tpu.memory_space<vmem>> -> memref<50x128xi32, #tpu.memory_space<vmem>>
      %dma_wait3A_580 = arith.constant 0 : i32
      %dma_wait3A_581 = tpu.memref_slice %arg2[%dma_wait3A_580, %add3A_12] : memref<50x16384xi32, #tpu.memory_space<hbm>> -> memref<50x128xi32, #tpu.memory_space<hbm>>
      tpu.wait_dma2 semaphore(%run_scoped3A_557 : memref<!tpu.dma_semaphore, #tpu.memory_space<semaphore_mem>>) src(%dma_wait3A_581 : memref<50x128xi32, #tpu.memory_space<hbm>>) dst(%dma_wait3A_579 : memref<50x128xi32, #tpu.memory_space<vmem>>)
      tpu.yield
    }) : () -> ()
    %dma_start3A = arith.constant 0 : i32
    %dma_start3A_14 = arith.constant 0 : i32
    %dma_start3A_15 = arith.constant 0 : i32
    %dma_start3A_16 = arith.constant 0 : i32
    %dma_start3A_17 = tpu.memref_slice %arg6[%dma_start3A_15, %dma_start3A_16] : memref<512x32xf32, #tpu.memory_space<vmem>> -> memref<128x32xf32, #tpu.memory_space<vmem>>
    %dma_start3A_18 = arith.constant 0 : i32
    %dma_start3A_19 = tpu.memref_slice %arg5[%dma_start3A, %dma_start3A_14, %dma_start3A_18] : memref<50x4x128xi32, #tpu.memory_space<vmem>> -> memref<1x1x128xi32, #tpu.memory_space<vmem>>
    %dma_start3A_20 = tpu.memref_squeeze %dma_start3A_19 : memref<1x1x128xi32, #tpu.memory_space<vmem>> -> memref<128xi32, #tpu.memory_space<vmem>>
    %dma_start3A_21 = arith.constant 0 : i32
    %dma_start3A_22 = arith.constant 0 : i32
    %dma_start3A_23 = tpu.memref_slice %arg3[%dma_start3A_21, %dma_start3A_22] : memref<1000000x32xf32, #tpu.memory_space<hbm>> -> memref<1000000x32xf32, #tpu.memory_space<hbm>>
    tpu.enqueue_indirect_dma source(%dma_start3A_23 : memref<1000000x32xf32, #tpu.memory_space<hbm>>) target(%dma_start3A_17 : memref<128x32xf32, #tpu.memory_space<vmem>>) offsets(%dma_start3A_20 : memref<128xi32, #tpu.memory_space<vmem>>) semaphore(%arg9 : memref<!tpu.dma_semaphore, #tpu.memory_space<semaphore_mem>>)
    %dma_start3A_24 = arith.constant 0 : i32
    %dma_start3A_25 = arith.constant 1 : i32
    %dma_start3A_26 = arith.constant 128 : i32
    %dma_start3A_27 = arith.constant 0 : i32
    %dma_start3A_28 = tpu.memref_slice %arg6[%dma_start3A_26, %dma_start3A_27] : memref<512x32xf32, #tpu.memory_space<vmem>> -> memref<128x32xf32, #tpu.memory_space<vmem>>
    %dma_start3A_29 = arith.constant 0 : i32
    %dma_start3A_30 = tpu.memref_slice %arg5[%dma_start3A_24, %dma_start3A_25, %dma_start3A_29] : memref<50x4x128xi32, #tpu.memory_space<vmem>> -> memref<1x1x128xi32, #tpu.memory_space<vmem>>
    %dma_start3A_31 = tpu.memref_squeeze %dma_start3A_30 : memref<1x1x128xi32, #tpu.memory_space<vmem>> -> memref<128xi32, #tpu.memory_space<vmem>>
    %dma_start3A_32 = arith.constant 0 : i32
    %dma_start3A_33 = arith.constant 0 : i32
    %dma_start3A_34 = tpu.memref_slice %arg3[%dma_start3A_32, %dma_start3A_33] : memref<1000000x32xf32, #tpu.memory_space<hbm>> -> memref<1000000x32xf32, #tpu.memory_space<hbm>>
    tpu.enqueue_indirect_dma source(%dma_start3A_34 : memref<1000000x32xf32, #tpu.memory_space<hbm>>) target(%dma_start3A_28 : memref<128x32xf32, #tpu.memory_space<vmem>>) offsets(%dma_start3A_31 : memref<128xi32, #tpu.memory_space<vmem>>) semaphore(%arg9 : memref<!tpu.dma_semaphore, #tpu.memory_space<semaphore_mem>>)
    %dma_start3A_35 = arith.constant 0 : i32
    %dma_start3A_36 = arith.constant 2 : i32
    %dma_start3A_37 = arith.constant 256 : i32
    %dma_start3A_38 = arith.constant 0 : i32
    %dma_start3A_39 = tpu.memref_slice %arg6[%dma_start3A_37, %dma_start3A_38] : memref<512x32xf32, #tpu.memory_space<vmem>> -> memref<128x32xf32, #tpu.memory_space<vmem>>
    %dma_start3A_40 = arith.constant 0 : i32
    %dma_start3A_41 = tpu.memref_slice %arg5[%dma_start3A_35, %dma_start3A_36, %dma_start3A_40] : memref<50x4x128xi32, #tpu.memory_space<vmem>> -> memref<1x1x128xi32, #tpu.memory_space<vmem>>
    %dma_start3A_42 = tpu.memref_squeeze %dma_start3A_41 : memref<1x1x128xi32, #tpu.memory_space<vmem>> -> memref<128xi32, #tpu.memory_space<vmem>>
    %dma_start3A_43 = arith.constant 0 : i32
    %dma_start3A_44 = arith.constant 0 : i32
    %dma_start3A_45 = tpu.memref_slice %arg3[%dma_start3A_43, %dma_start3A_44] : memref<1000000x32xf32, #tpu.memory_space<hbm>> -> memref<1000000x32xf32, #tpu.memory_space<hbm>>
    tpu.enqueue_indirect_dma source(%dma_start3A_45 : memref<1000000x32xf32, #tpu.memory_space<hbm>>) target(%dma_start3A_39 : memref<128x32xf32, #tpu.memory_space<vmem>>) offsets(%dma_start3A_42 : memref<128xi32, #tpu.memory_space<vmem>>) semaphore(%arg9 : memref<!tpu.dma_semaphore, #tpu.memory_space<semaphore_mem>>)
    %dma_start3A_46 = arith.constant 0 : i32
    %dma_start3A_47 = arith.constant 3 : i32
    %dma_start3A_48 = arith.constant 384 : i32
    %dma_start3A_49 = arith.constant 0 : i32
    %dma_start3A_50 = tpu.memref_slice %arg6[%dma_start3A_48, %dma_start3A_49] : memref<512x32xf32, #tpu.memory_space<vmem>> -> memref<128x32xf32, #tpu.memory_space<vmem>>
    %dma_start3A_51 = arith.constant 0 : i32
    %dma_start3A_52 = tpu.memref_slice %arg5[%dma_start3A_46, %dma_start3A_47, %dma_start3A_51] : memref<50x4x128xi32, #tpu.memory_space<vmem>> -> memref<1x1x128xi32, #tpu.memory_space<vmem>>
    %dma_start3A_53 = tpu.memref_squeeze %dma_start3A_52 : memref<1x1x128xi32, #tpu.memory_space<vmem>> -> memref<128xi32, #tpu.memory_space<vmem>>
    %dma_start3A_54 = arith.constant 0 : i32
    %dma_start3A_55 = arith.constant 0 : i32
    %dma_start3A_56 = tpu.memref_slice %arg3[%dma_start3A_54, %dma_start3A_55] : memref<1000000x32xf32, #tpu.memory_space<hbm>> -> memref<1000000x32xf32, #tpu.memory_space<hbm>>
    tpu.enqueue_indirect_dma source(%dma_start3A_56 : memref<1000000x32xf32, #tpu.memory_space<hbm>>) target(%dma_start3A_50 : memref<128x32xf32, #tpu.memory_space<vmem>>) offsets(%dma_start3A_53 : memref<128xi32, #tpu.memory_space<vmem>>) semaphore(%arg9 : memref<!tpu.dma_semaphore, #tpu.memory_space<semaphore_mem>>)
    %dma_start3A_57 = arith.constant 1 : i32
    %dma_start3A_58 = arith.constant 0 : i32
    %dma_start3A_59 = arith.constant 0 : i32
    %dma_start3A_60 = arith.constant 0 : i32
    %dma_start3A_61 = tpu.memref_slice %arg7[%dma_start3A_59, %dma_start3A_60] : memref<512x32xf32, #tpu.memory_space<vmem>> -> memref<128x32xf32, #tpu.memory_space<vmem>>
    %dma_start3A_62 = arith.constant 0 : i32
    %dma_start3A_63 = tpu.memref_slice %arg5[%dma_start3A_57, %dma_start3A_58, %dma_start3A_62] : memref<50x4x128xi32, #tpu.memory_space<vmem>> -> memref<1x1x128xi32, #tpu.memory_space<vmem>>
    %dma_start3A_64 = tpu.memref_squeeze %dma_start3A_63 : memref<1x1x128xi32, #tpu.memory_space<vmem>> -> memref<128xi32, #tpu.memory_space<vmem>>
    %dma_start3A_65 = arith.constant 0 : i32
    %dma_start3A_66 = arith.constant 0 : i32
    %dma_start3A_67 = tpu.memref_slice %arg3[%dma_start3A_65, %dma_start3A_66] : memref<1000000x32xf32, #tpu.memory_space<hbm>> -> memref<1000000x32xf32, #tpu.memory_space<hbm>>
    tpu.enqueue_indirect_dma source(%dma_start3A_67 : memref<1000000x32xf32, #tpu.memory_space<hbm>>) target(%dma_start3A_61 : memref<128x32xf32, #tpu.memory_space<vmem>>) offsets(%dma_start3A_64 : memref<128xi32, #tpu.memory_space<vmem>>) semaphore(%arg10 : memref<!tpu.dma_semaphore, #tpu.memory_space<semaphore_mem>>)
    %dma_start3A_68 = arith.constant 1 : i32
    %dma_start3A_69 = arith.constant 1 : i32
    %dma_start3A_70 = arith.constant 128 : i32
    %dma_start3A_71 = arith.constant 0 : i32
    %dma_start3A_72 = tpu.memref_slice %arg7[%dma_start3A_70, %dma_start3A_71] : memref<512x32xf32, #tpu.memory_space<vmem>> -> memref<128x32xf32, #tpu.memory_space<vmem>>
    %dma_start3A_73 = arith.constant 0 : i32
    %dma_start3A_74 = tpu.memref_slice %arg5[%dma_start3A_68, %dma_start3A_69, %dma_start3A_73] : memref<50x4x128xi32, #tpu.memory_space<vmem>> -> memref<1x1x128xi32, #tpu.memory_space<vmem>>
    %dma_start3A_75 = tpu.memref_squeeze %dma_start3A_74 : memref<1x1x128xi32, #tpu.memory_space<vmem>> -> memref<128xi32, #tpu.memory_space<vmem>>
    %dma_start3A_76 = arith.constant 0 : i32
    %dma_start3A_77 = arith.constant 0 : i32
    %dma_start3A_78 = tpu.memref_slice %arg3[%dma_start3A_76, %dma_start3A_77] : memref<1000000x32xf32, #tpu.memory_space<hbm>> -> memref<1000000x32xf32, #tpu.memory_space<hbm>>
    tpu.enqueue_indirect_dma source(%dma_start3A_78 : memref<1000000x32xf32, #tpu.memory_space<hbm>>) target(%dma_start3A_72 : memref<128x32xf32, #tpu.memory_space<vmem>>) offsets(%dma_start3A_75 : memref<128xi32, #tpu.memory_space<vmem>>) semaphore(%arg10 : memref<!tpu.dma_semaphore, #tpu.memory_space<semaphore_mem>>)
    %dma_start3A_79 = arith.constant 1 : i32
    %dma_start3A_80 = arith.constant 2 : i32
    %dma_start3A_81 = arith.constant 256 : i32
    %dma_start3A_82 = arith.constant 0 : i32
    %dma_start3A_83 = tpu.memref_slice %arg7[%dma_start3A_81, %dma_start3A_82] : memref<512x32xf32, #tpu.memory_space<vmem>> -> memref<128x32xf32, #tpu.memory_space<vmem>>
    %dma_start3A_84 = arith.constant 0 : i32
    %dma_start3A_85 = tpu.memref_slice %arg5[%dma_start3A_79, %dma_start3A_80, %dma_start3A_84] : memref<50x4x128xi32, #tpu.memory_space<vmem>> -> memref<1x1x128xi32, #tpu.memory_space<vmem>>
    %dma_start3A_86 = tpu.memref_squeeze %dma_start3A_85 : memref<1x1x128xi32, #tpu.memory_space<vmem>> -> memref<128xi32, #tpu.memory_space<vmem>>
    %dma_start3A_87 = arith.constant 0 : i32
    %dma_start3A_88 = arith.constant 0 : i32
    %dma_start3A_89 = tpu.memref_slice %arg3[%dma_start3A_87, %dma_start3A_88] : memref<1000000x32xf32, #tpu.memory_space<hbm>> -> memref<1000000x32xf32, #tpu.memory_space<hbm>>
    tpu.enqueue_indirect_dma source(%dma_start3A_89 : memref<1000000x32xf32, #tpu.memory_space<hbm>>) target(%dma_start3A_83 : memref<128x32xf32, #tpu.memory_space<vmem>>) offsets(%dma_start3A_86 : memref<128xi32, #tpu.memory_space<vmem>>) semaphore(%arg10 : memref<!tpu.dma_semaphore, #tpu.memory_space<semaphore_mem>>)
    %dma_start3A_90 = arith.constant 1 : i32
    %dma_start3A_91 = arith.constant 3 : i32
    %dma_start3A_92 = arith.constant 384 : i32
    %dma_start3A_93 = arith.constant 0 : i32
    %dma_start3A_94 = tpu.memref_slice %arg7[%dma_start3A_92, %dma_start3A_93] : memref<512x32xf32, #tpu.memory_space<vmem>> -> memref<128x32xf32, #tpu.memory_space<vmem>>
    %dma_start3A_95 = arith.constant 0 : i32
    %dma_start3A_96 = tpu.memref_slice %arg5[%dma_start3A_90, %dma_start3A_91, %dma_start3A_95] : memref<50x4x128xi32, #tpu.memory_space<vmem>> -> memref<1x1x128xi32, #tpu.memory_space<vmem>>
    %dma_start3A_97 = tpu.memref_squeeze %dma_start3A_96 : memref<1x1x128xi32, #tpu.memory_space<vmem>> -> memref<128xi32, #tpu.memory_space<vmem>>
    %dma_start3A_98 = arith.constant 0 : i32
    %dma_start3A_99 = arith.constant 0 : i32
    %dma_start3A_100 = tpu.memref_slice %arg3[%dma_start3A_98, %dma_start3A_99] : memref<1000000x32xf32, #tpu.memory_space<hbm>> -> memref<1000000x32xf32, #tpu.memory_space<hbm>>
    tpu.enqueue_indirect_dma source(%dma_start3A_100 : memref<1000000x32xf32, #tpu.memory_space<hbm>>) target(%dma_start3A_94 : memref<128x32xf32, #tpu.memory_space<vmem>>) offsets(%dma_start3A_97 : memref<128xi32, #tpu.memory_space<vmem>>) semaphore(%arg10 : memref<!tpu.dma_semaphore, #tpu.memory_space<semaphore_mem>>)
    %dma_wait3A = arith.constant 0 : i32
    %dma_wait3A_101 = arith.constant 0 : i32
    %dma_wait3A_102 = arith.constant 0 : i32
    %dma_wait3A_103 = arith.constant 0 : i32
    %dma_wait3A_104 = tpu.memref_slice %arg6[%dma_wait3A_102, %dma_wait3A_103] : memref<512x32xf32, #tpu.memory_space<vmem>> -> memref<128x32xf32, #tpu.memory_space<vmem>>
    %dma_wait3A_105 = arith.constant 0 : i32
    %dma_wait3A_106 = tpu.memref_slice %arg5[%dma_wait3A, %dma_wait3A_101, %dma_wait3A_105] : memref<50x4x128xi32, #tpu.memory_space<vmem>> -> memref<1x1x128xi32, #tpu.memory_space<vmem>>
    %dma_wait3A_107 = tpu.memref_squeeze %dma_wait3A_106 : memref<1x1x128xi32, #tpu.memory_space<vmem>> -> memref<128xi32, #tpu.memory_space<vmem>>
    %dma_wait3A_108 = arith.constant 0 : i32
    %dma_wait3A_109 = arith.constant 0 : i32
    %dma_wait3A_110 = tpu.memref_slice %arg3[%dma_wait3A_108, %dma_wait3A_109] : memref<1000000x32xf32, #tpu.memory_space<hbm>> -> memref<1000000x32xf32, #tpu.memory_space<hbm>>
    tpu.wait_indirect_dma semaphore(%arg9 : memref<!tpu.dma_semaphore, #tpu.memory_space<semaphore_mem>>) src(%dma_wait3A_110 : memref<1000000x32xf32, #tpu.memory_space<hbm>>) dst(%dma_wait3A_104 : memref<128x32xf32, #tpu.memory_space<vmem>>)
    %dma_wait3A_111 = arith.constant 0 : i32
    %dma_wait3A_112 = arith.constant 1 : i32
    %dma_wait3A_113 = arith.constant 128 : i32
    %dma_wait3A_114 = arith.constant 0 : i32
    %dma_wait3A_115 = tpu.memref_slice %arg6[%dma_wait3A_113, %dma_wait3A_114] : memref<512x32xf32, #tpu.memory_space<vmem>> -> memref<128x32xf32, #tpu.memory_space<vmem>>
    %dma_wait3A_116 = arith.constant 0 : i32
    %dma_wait3A_117 = tpu.memref_slice %arg5[%dma_wait3A_111, %dma_wait3A_112, %dma_wait3A_116] : memref<50x4x128xi32, #tpu.memory_space<vmem>> -> memref<1x1x128xi32, #tpu.memory_space<vmem>>
    %dma_wait3A_118 = tpu.memref_squeeze %dma_wait3A_117 : memref<1x1x128xi32, #tpu.memory_space<vmem>> -> memref<128xi32, #tpu.memory_space<vmem>>
    %dma_wait3A_119 = arith.constant 0 : i32
    %dma_wait3A_120 = arith.constant 0 : i32
    %dma_wait3A_121 = tpu.memref_slice %arg3[%dma_wait3A_119, %dma_wait3A_120] : memref<1000000x32xf32, #tpu.memory_space<hbm>> -> memref<1000000x32xf32, #tpu.memory_space<hbm>>
    tpu.wait_indirect_dma semaphore(%arg9 : memref<!tpu.dma_semaphore, #tpu.memory_space<semaphore_mem>>) src(%dma_wait3A_121 : memref<1000000x32xf32, #tpu.memory_space<hbm>>) dst(%dma_wait3A_115 : memref<128x32xf32, #tpu.memory_space<vmem>>)
    %dma_wait3A_122 = arith.constant 0 : i32
    %dma_wait3A_123 = arith.constant 2 : i32
    %dma_wait3A_124 = arith.constant 256 : i32
    %dma_wait3A_125 = arith.constant 0 : i32
    %dma_wait3A_126 = tpu.memref_slice %arg6[%dma_wait3A_124, %dma_wait3A_125] : memref<512x32xf32, #tpu.memory_space<vmem>> -> memref<128x32xf32, #tpu.memory_space<vmem>>
    %dma_wait3A_127 = arith.constant 0 : i32
    %dma_wait3A_128 = tpu.memref_slice %arg5[%dma_wait3A_122, %dma_wait3A_123, %dma_wait3A_127] : memref<50x4x128xi32, #tpu.memory_space<vmem>> -> memref<1x1x128xi32, #tpu.memory_space<vmem>>
    %dma_wait3A_129 = tpu.memref_squeeze %dma_wait3A_128 : memref<1x1x128xi32, #tpu.memory_space<vmem>> -> memref<128xi32, #tpu.memory_space<vmem>>
    %dma_wait3A_130 = arith.constant 0 : i32
    %dma_wait3A_131 = arith.constant 0 : i32
    %dma_wait3A_132 = tpu.memref_slice %arg3[%dma_wait3A_130, %dma_wait3A_131] : memref<1000000x32xf32, #tpu.memory_space<hbm>> -> memref<1000000x32xf32, #tpu.memory_space<hbm>>
    tpu.wait_indirect_dma semaphore(%arg9 : memref<!tpu.dma_semaphore, #tpu.memory_space<semaphore_mem>>) src(%dma_wait3A_132 : memref<1000000x32xf32, #tpu.memory_space<hbm>>) dst(%dma_wait3A_126 : memref<128x32xf32, #tpu.memory_space<vmem>>)
    %dma_wait3A_133 = arith.constant 0 : i32
    %dma_wait3A_134 = arith.constant 3 : i32
    %dma_wait3A_135 = arith.constant 384 : i32
    %dma_wait3A_136 = arith.constant 0 : i32
    %dma_wait3A_137 = tpu.memref_slice %arg6[%dma_wait3A_135, %dma_wait3A_136] : memref<512x32xf32, #tpu.memory_space<vmem>> -> memref<128x32xf32, #tpu.memory_space<vmem>>
    %dma_wait3A_138 = arith.constant 0 : i32
    %dma_wait3A_139 = tpu.memref_slice %arg5[%dma_wait3A_133, %dma_wait3A_134, %dma_wait3A_138] : memref<50x4x128xi32, #tpu.memory_space<vmem>> -> memref<1x1x128xi32, #tpu.memory_space<vmem>>
    %dma_wait3A_140 = tpu.memref_squeeze %dma_wait3A_139 : memref<1x1x128xi32, #tpu.memory_space<vmem>> -> memref<128xi32, #tpu.memory_space<vmem>>
    %dma_wait3A_141 = arith.constant 0 : i32
    %dma_wait3A_142 = arith.constant 0 : i32
    %dma_wait3A_143 = tpu.memref_slice %arg3[%dma_wait3A_141, %dma_wait3A_142] : memref<1000000x32xf32, #tpu.memory_space<hbm>> -> memref<1000000x32xf32, #tpu.memory_space<hbm>>
    tpu.wait_indirect_dma semaphore(%arg9 : memref<!tpu.dma_semaphore, #tpu.memory_space<semaphore_mem>>) src(%dma_wait3A_143 : memref<1000000x32xf32, #tpu.memory_space<hbm>>) dst(%dma_wait3A_137 : memref<128x32xf32, #tpu.memory_space<vmem>>)
    %scan3A = arith.constant 0 : i32
    %scan3A_144 = arith.constant 0 : i32
    %scan3A_145 = arith.constant 64 : i32
    %scan3A_146 = arith.addi %scan3A_144, %scan3A_145 : i32
    %scan3A_147 = arith.constant 1 : i32
    scf.for %scan3A_557 = %scan3A_144 to %scan3A_146 step %scan3A_147  : i32 {
      %mul3A_558 = arith.constant 8 : i32
      %mul3A_559 = arith.muli %scan3A_557, %mul3A_558 : i32
      %add3A_560 = arith.constant 0 : i32
      %add3A_561 = arith.addi %mul3A_559, %add3A_560 : i32
      %get3A = arith.index_cast %add3A_561 : i32 to index
      %get3A_562 = arith.constant 0 : index
      %get3A_563 = tpu.vector_load %arg6[%get3A, %get3A_562] {strides = array<i32>} : memref<512x32xf32, #tpu.memory_space<vmem>>, vector<1x16xf32>,
      %get3A_564 = vector.shape_cast %get3A_563 : vector<1x16xf32> to vector<16xf32>
      %mul3A_565 = arith.constant 5.65685415 : f32
      %mul3A_566 = vector.broadcast %mul3A_565 : f32 to vector<16xf32>
      %mul3A_567 = arith.mulf %get3A_564, %mul3A_566 : vector<16xf32>
      %swap3A = arith.index_cast %add3A_561 : i32 to index
      %swap3A_568 = arith.constant 0 : index
      %swap3A_569 = tpu.vector_load %arg6[%swap3A, %swap3A_568] {strides = array<i32>} : memref<512x32xf32, #tpu.memory_space<vmem>>, vector<1x16xf32>,
      %swap3A_570 = vector.shape_cast %swap3A_569 : vector<1x16xf32> to vector<16xf32>
      %swap3A_571 = vector.shape_cast %mul3A_567 : vector<16xf32> to vector<1x16xf32>
      tpu.vector_store %arg6[%swap3A, %swap3A_568], %swap3A_571 {strides = array<i32>} : memref<512x32xf32, #tpu.memory_space<vmem>>, vector<1x16xf32>,
      %get3A_572 = arith.index_cast %add3A_561 : i32 to index
      %get3A_573 = arith.constant 16 : index
      %get3A_574 = tpu.vector_load %arg6[%get3A_572, %get3A_573] {strides = array<i32>} : memref<512x32xf32, #tpu.memory_space<vmem>>, vector<1x16xf32>,
      %get3A_575 = vector.shape_cast %get3A_574 : vector<1x16xf32> to vector<16xf32>
      %mul3A_576 = arith.constant 5.65685415 : f32
      %mul3A_577 = vector.broadcast %mul3A_576 : f32 to vector<16xf32>
      %mul3A_578 = arith.mulf %get3A_575, %mul3A_577 : vector<16xf32>
      %swap3A_579 = arith.index_cast %add3A_561 : i32 to index
      %swap3A_580 = arith.constant 16 : index
      %swap3A_581 = tpu.vector_load %arg6[%swap3A_579, %swap3A_580] {strides = array<i32>} : memref<512x32xf32, #tpu.memory_space<vmem>>, vector<1x16xf32>,
      %swap3A_582 = vector.shape_cast %swap3A_581 : vector<1x16xf32> to vector<16xf32>
      %swap3A_583 = vector.shape_cast %mul3A_578 : vector<16xf32> to vector<1x16xf32>
      tpu.vector_store %arg6[%swap3A_579, %swap3A_580], %swap3A_583 {strides = array<i32>} : memref<512x32xf32, #tpu.memory_space<vmem>>, vector<1x16xf32>,
      %mul3A_584 = arith.constant 8 : i32
      %mul3A_585 = arith.muli %scan3A_557, %mul3A_584 : i32
      %add3A_586 = arith.constant 1 : i32
      %add3A_587 = arith.addi %mul3A_585, %add3A_586 : i32
      %get3A_588 = arith.index_cast %add3A_587 : i32 to index
      %get3A_589 = arith.constant 0 : index
      %get3A_590 = tpu.vector_load %arg6[%get3A_588, %get3A_589] {strides = array<i32>} : memref<512x32xf32, #tpu.memory_space<vmem>>, vector<1x16xf32>,
      %get3A_591 = vector.shape_cast %get3A_590 : vector<1x16xf32> to vector<16xf32>
      %mul3A_592 = arith.constant 5.65685415 : f32
      %mul3A_593 = vector.broadcast %mul3A_592 : f32 to vector<16xf32>
      %mul3A_594 = arith.mulf %get3A_591, %mul3A_593 : vector<16xf32>
      %swap3A_595 = arith.index_cast %add3A_587 : i32 to index
      %swap3A_596 = arith.constant 0 : index
      %swap3A_597 = tpu.vector_load %arg6[%swap3A_595, %swap3A_596] {strides = array<i32>} : memref<512x32xf32, #tpu.memory_space<vmem>>, vector<1x16xf32>,
      %swap3A_598 = vector.shape_cast %swap3A_597 : vector<1x16xf32> to vector<16xf32>
      %swap3A_599 = vector.shape_cast %mul3A_594 : vector<16xf32> to vector<1x16xf32>
      tpu.vector_store %arg6[%swap3A_595, %swap3A_596], %swap3A_599 {strides = array<i32>} : memref<512x32xf32, #tpu.memory_space<vmem>>, vector<1x16xf32>,
      %get3A_600 = arith.index_cast %add3A_587 : i32 to index
      %get3A_601 = arith.constant 16 : index
      %get3A_602 = tpu.vector_load %arg6[%get3A_600, %get3A_601] {strides = array<i32>} : memref<512x32xf32, #tpu.memory_space<vmem>>, vector<1x16xf32>,
      %get3A_603 = vector.shape_cast %get3A_602 : vector<1x16xf32> to vector<16xf32>
      %mul3A_604 = arith.constant 5.65685415 : f32
      %mul3A_605 = vector.broadcast %mul3A_604 : f32 to vector<16xf32>
      %mul3A_606 = arith.mulf %get3A_603, %mul3A_605 : vector<16xf32>
      %swap3A_607 = arith.index_cast %add3A_587 : i32 to index
      %swap3A_608 = arith.constant 16 : index
      %swap3A_609 = tpu.vector_load %arg6[%swap3A_607, %swap3A_608] {strides = array<i32>} : memref<512x32xf32, #tpu.memory_space<vmem>>, vector<1x16xf32>,
      %swap3A_610 = vector.shape_cast %swap3A_609 : vector<1x16xf32> to vector<16xf32>
      %swap3A_611 = vector.shape_cast %mul3A_606 : vector<16xf32> to vector<1x16xf32>
      tpu.vector_store %arg6[%swap3A_607, %swap3A_608], %swap3A_611 {strides = array<i32>} : memref<512x32xf32, #tpu.memory_space<vmem>>, vector<1x16xf32>,
      %mul3A_612 = arith.constant 8 : i32
      %mul3A_613 = arith.muli %scan3A_557, %mul3A_612 : i32
      %add3A_614 = arith.constant 2 : i32
      %add3A_615 = arith.addi %mul3A_613, %add3A_614 : i32
      %get3A_616 = arith.index_cast %add3A_615 : i32 to index
      %get3A_617 = arith.constant 0 : index
      %get3A_618 = tpu.vector_load %arg6[%get3A_616, %get3A_617] {strides = array<i32>} : memref<512x32xf32, #tpu.memory_space<vmem>>, vector<1x16xf32>,
      %get3A_619 = vector.shape_cast %get3A_618 : vector<1x16xf32> to vector<16xf32>
      %mul3A_620 = arith.constant 5.65685415 : f32
      %mul3A_621 = vector.broadcast %mul3A_620 : f32 to vector<16xf32>
      %mul3A_622 = arith.mulf %get3A_619, %mul3A_621 : vector<16xf32>
      %swap3A_623 = arith.index_cast %add3A_615 : i32 to index
      %swap3A_624 = arith.constant 0 : index
      %swap3A_625 = tpu.vector_load %arg6[%swap3A_623, %swap3A_624] {strides = array<i32>} : memref<512x32xf32, #tpu.memory_space<vmem>>, vector<1x16xf32>,
      %swap3A_626 = vector.shape_cast %swap3A_625 : vector<1x16xf32> to vector<16xf32>
      %swap3A_627 = vector.shape_cast %mul3A_622 : vector<16xf32> to vector<1x16xf32>
      tpu.vector_store %arg6[%swap3A_623, %swap3A_624], %swap3A_627 {strides = array<i32>} : memref<512x32xf32, #tpu.memory_space<vmem>>, vector<1x16xf32>,
      %get3A_628 = arith.index_cast %add3A_615 : i32 to index
      %get3A_629 = arith.constant 16 : index
      %get3A_630 = tpu.vector_load %arg6[%get3A_628, %get3A_629] {strides = array<i32>} : memref<512x32xf32, #tpu.memory_space<vmem>>, vector<1x16xf32>,
      %get3A_631 = vector.shape_cast %get3A_630 : vector<1x16xf32> to vector<16xf32>
      %mul3A_632 = arith.constant 5.65685415 : f32
      %mul3A_633 = vector.broadcast %mul3A_632 : f32 to vector<16xf32>
      %mul3A_634 = arith.mulf %get3A_631, %mul3A_633 : vector<16xf32>
      %swap3A_635 = arith.index_cast %add3A_615 : i32 to index
      %swap3A_636 = arith.constant 16 : index
      %swap3A_637 = tpu.vector_load %arg6[%swap3A_635, %swap3A_636] {strides = array<i32>} : memref<512x32xf32, #tpu.memory_space<vmem>>, vector<1x16xf32>,
      %swap3A_638 = vector.shape_cast %swap3A_637 : vector<1x16xf32> to vector<16xf32>
      %swap3A_639 = vector.shape_cast %mul3A_634 : vector<16xf32> to vector<1x16xf32>
      tpu.vector_store %arg6[%swap3A_635, %swap3A_636], %swap3A_639 {strides = array<i32>} : memref<512x32xf32, #tpu.memory_space<vmem>>, vector<1x16xf32>,
      %mul3A_640 = arith.constant 8 : i32
      %mul3A_641 = arith.muli %scan3A_557, %mul3A_640 : i32
      %add3A_642 = arith.constant 3 : i32
      %add3A_643 = arith.addi %mul3A_641, %add3A_642 : i32
      %get3A_644 = arith.index_cast %add3A_643 : i32 to index
      %get3A_645 = arith.constant 0 : index
      %get3A_646 = tpu.vector_load %arg6[%get3A_644, %get3A_645] {strides = array<i32>} : memref<512x32xf32, #tpu.memory_space<vmem>>, vector<1x16xf32>,
      %get3A_647 = vector.shape_cast %get3A_646 : vector<1x16xf32> to vector<16xf32>
      %mul3A_648 = arith.constant 5.65685415 : f32
      %mul3A_649 = vector.broadcast %mul3A_648 : f32 to vector<16xf32>
      %mul3A_650 = arith.mulf %get3A_647, %mul3A_649 : vector<16xf32>
      %swap3A_651 = arith.index_cast %add3A_643 : i32 to index
      %swap3A_652 = arith.constant 0 : index
      %swap3A_653 = tpu.vector_load %arg6[%swap3A_651, %swap3A_652] {strides = array<i32>} : memref<512x32xf32, #tpu.memory_space<vmem>>, vector<1x16xf32>,
      %swap3A_654 = vector.shape_cast %swap3A_653 : vector<1x16xf32> to vector<16xf32>
      %swap3A_655 = vector.shape_cast %mul3A_650 : vector<16xf32> to vector<1x16xf32>
      tpu.vector_store %arg6[%swap3A_651, %swap3A_652], %swap3A_655 {strides = array<i32>} : memref<512x32xf32, #tpu.memory_space<vmem>>, vector<1x16xf32>,
      %get3A_656 = arith.index_cast %add3A_643 : i32 to index
      %get3A_657 = arith.constant 16 : index
      %get3A_658 = tpu.vector_load %arg6[%get3A_656, %get3A_657] {strides = array<i32>} : memref<512x32xf32, #tpu.memory_space<vmem>>, vector<1x16xf32>,
      %get3A_659 = vector.shape_cast %get3A_658 : vector<1x16xf32> to vector<16xf32>
      %mul3A_660 = arith.constant 5.65685415 : f32
      %mul3A_661 = vector.broadcast %mul3A_660 : f32 to vector<16xf32>
      %mul3A_662 = arith.mulf %get3A_659, %mul3A_661 : vector<16xf32>
      %swap3A_663 = arith.index_cast %add3A_643 : i32 to index
      %swap3A_664 = arith.constant 16 : index
      %swap3A_665 = tpu.vector_load %arg6[%swap3A_663, %swap3A_664] {strides = array<i32>} : memref<512x32xf32, #tpu.memory_space<vmem>>, vector<1x16xf32>,
      %swap3A_666 = vector.shape_cast %swap3A_665 : vector<1x16xf32> to vector<16xf32>
      %swap3A_667 = vector.shape_cast %mul3A_662 : vector<16xf32> to vector<1x16xf32>
      tpu.vector_store %arg6[%swap3A_663, %swap3A_664], %swap3A_667 {strides = array<i32>} : memref<512x32xf32, #tpu.memory_space<vmem>>, vector<1x16xf32>,
      %mul3A_668 = arith.constant 8 : i32
      %mul3A_669 = arith.muli %scan3A_557, %mul3A_668 : i32
      %add3A_670 = arith.constant 4 : i32
      %add3A_671 = arith.addi %mul3A_669, %add3A_670 : i32
      %get3A_672 = arith.index_cast %add3A_671 : i32 to index
      %get3A_673 = arith.constant 0 : index
      %get3A_674 = tpu.vector_load %arg6[%get3A_672, %get3A_673] {strides = array<i32>} : memref<512x32xf32, #tpu.memory_space<vmem>>, vector<1x16xf32>,
      %get3A_675 = vector.shape_cast %get3A_674 : vector<1x16xf32> to vector<16xf32>
      %mul3A_676 = arith.constant 5.65685415 : f32
      %mul3A_677 = vector.broadcast %mul3A_676 : f32 to vector<16xf32>
      %mul3A_678 = arith.mulf %get3A_675, %mul3A_677 : vector<16xf32>
      %swap3A_679 = arith.index_cast %add3A_671 : i32 to index
      %swap3A_680 = arith.constant 0 : index
      %swap3A_681 = tpu.vector_load %arg6[%swap3A_679, %swap3A_680] {strides = array<i32>} : memref<512x32xf32, #tpu.memory_space<vmem>>, vector<1x16xf32>,
      %swap3A_682 = vector.shape_cast %swap3A_681 : vector<1x16xf32> to vector<16xf32>
      %swap3A_683 = vector.shape_cast %mul3A_678 : vector<16xf32> to vector<1x16xf32>
      tpu.vector_store %arg6[%swap3A_679, %swap3A_680], %swap3A_683 {strides = array<i32>} : memref<512x32xf32, #tpu.memory_space<vmem>>, vector<1x16xf32>,
      %get3A_684 = arith.index_cast %add3A_671 : i32 to index
      %get3A_685 = arith.constant 16 : index
      %get3A_686 = tpu.vector_load %arg6[%get3A_684, %get3A_685] {strides = array<i32>} : memref<512x32xf32, #tpu.memory_space<vmem>>, vector<1x16xf32>,
      %get3A_687 = vector.shape_cast %get3A_686 : vector<1x16xf32> to vector<16xf32>
      %mul3A_688 = arith.constant 5.65685415 : f32
      %mul3A_689 = vector.broadcast %mul3A_688 : f32 to vector<16xf32>
      %mul3A_690 = arith.mulf %get3A_687, %mul3A_689 : vector<16xf32>
      %swap3A_691 = arith.index_cast %add3A_671 : i32 to index
      %swap3A_692 = arith.constant 16 : index
      %swap3A_693 = tpu.vector_load %arg6[%swap3A_691, %swap3A_692] {strides = array<i32>} : memref<512x32xf32, #tpu.memory_space<vmem>>, vector<1x16xf32>,
      %swap3A_694 = vector.shape_cast %swap3A_693 : vector<1x16xf32> to vector<16xf32>
      %swap3A_695 = vector.shape_cast %mul3A_690 : vector<16xf32> to vector<1x16xf32>
      tpu.vector_store %arg6[%swap3A_691, %swap3A_692], %swap3A_695 {strides = array<i32>} : memref<512x32xf32, #tpu.memory_space<vmem>>, vector<1x16xf32>,
      %mul3A_696 = arith.constant 8 : i32
      %mul3A_697 = arith.muli %scan3A_557, %mul3A_696 : i32
      %add3A_698 = arith.constant 5 : i32
      %add3A_699 = arith.addi %mul3A_697, %add3A_698 : i32
      %get3A_700 = arith.index_cast %add3A_699 : i32 to index
      %get3A_701 = arith.constant 0 : index
      %get3A_702 = tpu.vector_load %arg6[%get3A_700, %get3A_701] {strides = array<i32>} : memref<512x32xf32, #tpu.memory_space<vmem>>, vector<1x16xf32>,
      %get3A_703 = vector.shape_cast %get3A_702 : vector<1x16xf32> to vector<16xf32>
      %mul3A_704 = arith.constant 5.65685415 : f32
      %mul3A_705 = vector.broadcast %mul3A_704 : f32 to vector<16xf32>
      %mul3A_706 = arith.mulf %get3A_703, %mul3A_705 : vector<16xf32>
      %swap3A_707 = arith.index_cast %add3A_699 : i32 to index
      %swap3A_708 = arith.constant 0 : index
      %swap3A_709 = tpu.vector_load %arg6[%swap3A_707, %swap3A_708] {strides = array<i32>} : memref<512x32xf32, #tpu.memory_space<vmem>>, vector<1x16xf32>,
      %swap3A_710 = vector.shape_cast %swap3A_709 : vector<1x16xf32> to vector<16xf32>
      %swap3A_711 = vector.shape_cast %mul3A_706 : vector<16xf32> to vector<1x16xf32>
      tpu.vector_store %arg6[%swap3A_707, %swap3A_708], %swap3A_711 {strides = array<i32>} : memref<512x32xf32, #tpu.memory_space<vmem>>, vector<1x16xf32>,
      %get3A_712 = arith.index_cast %add3A_699 : i32 to index
      %get3A_713 = arith.constant 16 : index
      %get3A_714 = tpu.vector_load %arg6[%get3A_712, %get3A_713] {strides = array<i32>} : memref<512x32xf32, #tpu.memory_space<vmem>>, vector<1x16xf32>,
      %get3A_715 = vector.shape_cast %get3A_714 : vector<1x16xf32> to vector<16xf32>
      %mul3A_716 = arith.constant 5.65685415 : f32
      %mul3A_717 = vector.broadcast %mul3A_716 : f32 to vector<16xf32>
      %mul3A_718 = arith.mulf %get3A_715, %mul3A_717 : vector<16xf32>
      %swap3A_719 = arith.index_cast %add3A_699 : i32 to index
      %swap3A_720 = arith.constant 16 : index
      %swap3A_721 = tpu.vector_load %arg6[%swap3A_719, %swap3A_720] {strides = array<i32>} : memref<512x32xf32, #tpu.memory_space<vmem>>, vector<1x16xf32>,
      %swap3A_722 = vector.shape_cast %swap3A_721 : vector<1x16xf32> to vector<16xf32>
      %swap3A_723 = vector.shape_cast %mul3A_718 : vector<16xf32> to vector<1x16xf32>
      tpu.vector_store %arg6[%swap3A_719, %swap3A_720], %swap3A_723 {strides = array<i32>} : memref<512x32xf32, #tpu.memory_space<vmem>>, vector<1x16xf32>,
      %mul3A_724 = arith.constant 8 : i32
      %mul3A_725 = arith.muli %scan3A_557, %mul3A_724 : i32
      %add3A_726 = arith.constant 6 : i32
      %add3A_727 = arith.addi %mul3A_725, %add3A_726 : i32
      %get3A_728 = arith.index_cast %add3A_727 : i32 to index
      %get3A_729 = arith.constant 0 : index
      %get3A_730 = tpu.vector_load %arg6[%get3A_728, %get3A_729] {strides = array<i32>} : memref<512x32xf32, #tpu.memory_space<vmem>>, vector<1x16xf32>,
      %get3A_731 = vector.shape_cast %get3A_730 : vector<1x16xf32> to vector<16xf32>
      %mul3A_732 = arith.constant 5.65685415 : f32
      %mul3A_733 = vector.broadcast %mul3A_732 : f32 to vector<16xf32>
      %mul3A_734 = arith.mulf %get3A_731, %mul3A_733 : vector<16xf32>
      %swap3A_735 = arith.index_cast %add3A_727 : i32 to index
      %swap3A_736 = arith.constant 0 : index
      %swap3A_737 = tpu.vector_load %arg6[%swap3A_735, %swap3A_736] {strides = array<i32>} : memref<512x32xf32, #tpu.memory_space<vmem>>, vector<1x16xf32>,
      %swap3A_738 = vector.shape_cast %swap3A_737 : vector<1x16xf32> to vector<16xf32>
      %swap3A_739 = vector.shape_cast %mul3A_734 : vector<16xf32> to vector<1x16xf32>
      tpu.vector_store %arg6[%swap3A_735, %swap3A_736], %swap3A_739 {strides = array<i32>} : memref<512x32xf32, #tpu.memory_space<vmem>>, vector<1x16xf32>,
      %get3A_740 = arith.index_cast %add3A_727 : i32 to index
      %get3A_741 = arith.constant 16 : index
      %get3A_742 = tpu.vector_load %arg6[%get3A_740, %get3A_741] {strides = array<i32>} : memref<512x32xf32, #tpu.memory_space<vmem>>, vector<1x16xf32>,
      %get3A_743 = vector.shape_cast %get3A_742 : vector<1x16xf32> to vector<16xf32>
      %mul3A_744 = arith.constant 5.65685415 : f32
      %mul3A_745 = vector.broadcast %mul3A_744 : f32 to vector<16xf32>
      %mul3A_746 = arith.mulf %get3A_743, %mul3A_745 : vector<16xf32>
      %swap3A_747 = arith.index_cast %add3A_727 : i32 to index
      %swap3A_748 = arith.constant 16 : index
      %swap3A_749 = tpu.vector_load %arg6[%swap3A_747, %swap3A_748] {strides = array<i32>} : memref<512x32xf32, #tpu.memory_space<vmem>>, vector<1x16xf32>,
      %swap3A_750 = vector.shape_cast %swap3A_749 : vector<1x16xf32> to vector<16xf32>
      %swap3A_751 = vector.shape_cast %mul3A_746 : vector<16xf32> to vector<1x16xf32>
      tpu.vector_store %arg6[%swap3A_747, %swap3A_748], %swap3A_751 {strides = array<i32>} : memref<512x32xf32, #tpu.memory_space<vmem>>, vector<1x16xf32>,
      %mul3A_752 = arith.constant 8 : i32
      %mul3A_753 = arith.muli %scan3A_557, %mul3A_752 : i32
      %add3A_754 = arith.constant 7 : i32
      %add3A_755 = arith.addi %mul3A_753, %add3A_754 : i32
      %get3A_756 = arith.index_cast %add3A_755 : i32 to index
      %get3A_757 = arith.constant 0 : index
      %get3A_758 = tpu.vector_load %arg6[%get3A_756, %get3A_757] {strides = array<i32>} : memref<512x32xf32, #tpu.memory_space<vmem>>, vector<1x16xf32>,
      %get3A_759 = vector.shape_cast %get3A_758 : vector<1x16xf32> to vector<16xf32>
      %mul3A_760 = arith.constant 5.65685415 : f32
      %mul3A_761 = vector.broadcast %mul3A_760 : f32 to vector<16xf32>
      %mul3A_762 = arith.mulf %get3A_759, %mul3A_761 : vector<16xf32>
      %swap3A_763 = arith.index_cast %add3A_755 : i32 to index
      %swap3A_764 = arith.constant 0 : index
      %swap3A_765 = tpu.vector_load %arg6[%swap3A_763, %swap3A_764] {strides = array<i32>} : memref<512x32xf32, #tpu.memory_space<vmem>>, vector<1x16xf32>,
      %swap3A_766 = vector.shape_cast %swap3A_765 : vector<1x16xf32> to vector<16xf32>
      %swap3A_767 = vector.shape_cast %mul3A_762 : vector<16xf32> to vector<1x16xf32>
      tpu.vector_store %arg6[%swap3A_763, %swap3A_764], %swap3A_767 {strides = array<i32>} : memref<512x32xf32, #tpu.memory_space<vmem>>, vector<1x16xf32>,
      %get3A_768 = arith.index_cast %add3A_755 : i32 to index
      %get3A_769 = arith.constant 16 : index
      %get3A_770 = tpu.vector_load %arg6[%get3A_768, %get3A_769] {strides = array<i32>} : memref<512x32xf32, #tpu.memory_space<vmem>>, vector<1x16xf32>,
      %get3A_771 = vector.shape_cast %get3A_770 : vector<1x16xf32> to vector<16xf32>
      %mul3A_772 = arith.constant 5.65685415 : f32
      %mul3A_773 = vector.broadcast %mul3A_772 : f32 to vector<16xf32>
      %mul3A_774 = arith.mulf %get3A_771, %mul3A_773 : vector<16xf32>
      %swap3A_775 = arith.index_cast %add3A_755 : i32 to index
      %swap3A_776 = arith.constant 16 : index
      %swap3A_777 = tpu.vector_load %arg6[%swap3A_775, %swap3A_776] {strides = array<i32>} : memref<512x32xf32, #tpu.memory_space<vmem>>, vector<1x16xf32>,
      %swap3A_778 = vector.shape_cast %swap3A_777 : vector<1x16xf32> to vector<16xf32>
      %swap3A_779 = vector.shape_cast %mul3A_774 : vector<16xf32> to vector<1x16xf32>
      tpu.vector_store %arg6[%swap3A_775, %swap3A_776], %swap3A_779 {strides = array<i32>} : memref<512x32xf32, #tpu.memory_space<vmem>>, vector<1x16xf32>,
    }
    %scan3A_148 = arith.constant 64 : i32
    %dma_start3A_149 = arith.constant 0 : i32
    %dma_start3A_150 = arith.constant 0 : i32
    %dma_start3A_151 = tpu.memref_slice %arg4[%mul3A_2, %dma_start3A_149, %dma_start3A_150] : memref<16384x50x32xf32, #tpu.memory_space<hbm>> -> memref<512x1x32xf32, #tpu.memory_space<hbm>>
    %dma_start3A_152 = tpu.memref_squeeze %dma_start3A_151 : memref<512x1x32xf32, #tpu.memory_space<hbm>> -> memref<512x32xf32, #tpu.memory_space<hbm>>
    %dma_start3A_153 = arith.constant 0 : i32
    %dma_start3A_154 = tpu.memref_slice %arg4[%mul3A_2, %dma_start3A_149, %dma_start3A_153] : memref<16384x50x32xf32, #tpu.memory_space<hbm>> -> memref<512x1x32xf32, #tpu.memory_space<hbm>>
    %dma_start3A_155 = tpu.memref_squeeze %dma_start3A_154 : memref<512x1x32xf32, #tpu.memory_space<hbm>> -> memref<512x32xf32, #tpu.memory_space<hbm>>
    tpu.enqueue_dma source(%arg6 : memref<512x32xf32, #tpu.memory_space<vmem>>) target(%dma_start3A_155 : memref<512x32xf32, #tpu.memory_space<hbm>>) target_semaphore(%arg12 : memref<!tpu.dma_semaphore, #tpu.memory_space<semaphore_mem>>)
    %dma_start3A_156 = arith.constant 2 : i32
    %dma_start3A_157 = arith.constant 0 : i32
    %dma_start3A_158 = arith.constant 0 : i32
    %dma_start3A_159 = arith.constant 0 : i32
    %dma_start3A_160 = tpu.memref_slice %arg8[%dma_start3A_158, %dma_start3A_159] : memref<512x32xf32, #tpu.memory_space<vmem>> -> memref<128x32xf32, #tpu.memory_space<vmem>>
    %dma_start3A_161 = arith.constant 0 : i32
    %dma_start3A_162 = tpu.memref_slice %arg5[%dma_start3A_156, %dma_start3A_157, %dma_start3A_161] : memref<50x4x128xi32, #tpu.memory_space<vmem>> -> memref<1x1x128xi32, #tpu.memory_space<vmem>>
    %dma_start3A_163 = tpu.memref_squeeze %dma_start3A_162 : memref<1x1x128xi32, #tpu.memory_space<vmem>> -> memref<128xi32, #tpu.memory_space<vmem>>
    %dma_start3A_164 = arith.constant 0 : i32
    %dma_start3A_165 = arith.constant 0 : i32
    %dma_start3A_166 = tpu.memref_slice %arg3[%dma_start3A_164, %dma_start3A_165] : memref<1000000x32xf32, #tpu.memory_space<hbm>> -> memref<1000000x32xf32, #tpu.memory_space<hbm>>
    tpu.enqueue_indirect_dma source(%dma_start3A_166 : memref<1000000x32xf32, #tpu.memory_space<hbm>>) target(%dma_start3A_160 : memref<128x32xf32, #tpu.memory_space<vmem>>) offsets(%dma_start3A_163 : memref<128xi32, #tpu.memory_space<vmem>>) semaphore(%arg11 : memref<!tpu.dma_semaphore, #tpu.memory_space<semaphore_mem>>)
    %dma_start3A_167 = arith.constant 2 : i32
    %dma_start3A_168 = arith.constant 1 : i32
    %dma_start3A_169 = arith.constant 128 : i32
    %dma_start3A_170 = arith.constant 0 : i32
    %dma_start3A_171 = tpu.memref_slice %arg8[%dma_start3A_169, %dma_start3A_170] : memref<512x32xf32, #tpu.memory_space<vmem>> -> memref<128x32xf32, #tpu.memory_space<vmem>>
    %dma_start3A_172 = arith.constant 0 : i32
    %dma_start3A_173 = tpu.memref_slice %arg5[%dma_start3A_167, %dma_start3A_168, %dma_start3A_172] : memref<50x4x128xi32, #tpu.memory_space<vmem>> -> memref<1x1x128xi32, #tpu.memory_space<vmem>>
    %dma_start3A_174 = tpu.memref_squeeze %dma_start3A_173 : memref<1x1x128xi32, #tpu.memory_space<vmem>> -> memref<128xi32, #tpu.memory_space<vmem>>
    %dma_start3A_175 = arith.constant 0 : i32
    %dma_start3A_176 = arith.constant 0 : i32
    %dma_start3A_177 = tpu.memref_slice %arg3[%dma_start3A_175, %dma_start3A_176] : memref<1000000x32xf32, #tpu.memory_space<hbm>> -> memref<1000000x32xf32, #tpu.memory_space<hbm>>
    tpu.enqueue_indirect_dma source(%dma_start3A_177 : memref<1000000x32xf32, #tpu.memory_space<hbm>>) target(%dma_start3A_171 : memref<128x32xf32, #tpu.memory_space<vmem>>) offsets(%dma_start3A_174 : memref<128xi32, #tpu.memory_space<vmem>>) semaphore(%arg11 : memref<!tpu.dma_semaphore, #tpu.memory_space<semaphore_mem>>)
    %dma_start3A_178 = arith.constant 2 : i32
    %dma_start3A_179 = arith.constant 2 : i32
    %dma_start3A_180 = arith.constant 256 : i32
    %dma_start3A_181 = arith.constant 0 : i32
    %dma_start3A_182 = tpu.memref_slice %arg8[%dma_start3A_180, %dma_start3A_181] : memref<512x32xf32, #tpu.memory_space<vmem>> -> memref<128x32xf32, #tpu.memory_space<vmem>>
    %dma_start3A_183 = arith.constant 0 : i32
    %dma_start3A_184 = tpu.memref_slice %arg5[%dma_start3A_178, %dma_start3A_179, %dma_start3A_183] : memref<50x4x128xi32, #tpu.memory_space<vmem>> -> memref<1x1x128xi32, #tpu.memory_space<vmem>>
    %dma_start3A_185 = tpu.memref_squeeze %dma_start3A_184 : memref<1x1x128xi32, #tpu.memory_space<vmem>> -> memref<128xi32, #tpu.memory_space<vmem>>
    %dma_start3A_186 = arith.constant 0 : i32
    %dma_start3A_187 = arith.constant 0 : i32
    %dma_start3A_188 = tpu.memref_slice %arg3[%dma_start3A_186, %dma_start3A_187] : memref<1000000x32xf32, #tpu.memory_space<hbm>> -> memref<1000000x32xf32, #tpu.memory_space<hbm>>
    tpu.enqueue_indirect_dma source(%dma_start3A_188 : memref<1000000x32xf32, #tpu.memory_space<hbm>>) target(%dma_start3A_182 : memref<128x32xf32, #tpu.memory_space<vmem>>) offsets(%dma_start3A_185 : memref<128xi32, #tpu.memory_space<vmem>>) semaphore(%arg11 : memref<!tpu.dma_semaphore, #tpu.memory_space<semaphore_mem>>)
    %dma_start3A_189 = arith.constant 2 : i32
    %dma_start3A_190 = arith.constant 3 : i32
    %dma_start3A_191 = arith.constant 384 : i32
    %dma_start3A_192 = arith.constant 0 : i32
    %dma_start3A_193 = tpu.memref_slice %arg8[%dma_start3A_191, %dma_start3A_192] : memref<512x32xf32, #tpu.memory_space<vmem>> -> memref<128x32xf32, #tpu.memory_space<vmem>>
    %dma_start3A_194 = arith.constant 0 : i32
    %dma_start3A_195 = tpu.memref_slice %arg5[%dma_start3A_189, %dma_start3A_190, %dma_start3A_194] : memref<50x4x128xi32, #tpu.memory_space<vmem>> -> memref<1x1x128xi32, #tpu.memory_space<vmem>>
    %dma_start3A_196 = tpu.memref_squeeze %dma_start3A_195 : memref<1x1x128xi32, #tpu.memory_space<vmem>> -> memref<128xi32, #tpu.memory_space<vmem>>
    %dma_start3A_197 = arith.constant 0 : i32
    %dma_start3A_198 = arith.constant 0 : i32
    %dma_start3A_199 = tpu.memref_slice %arg3[%dma_start3A_197, %dma_start3A_198] : memref<1000000x32xf32, #tpu.memory_space<hbm>> -> memref<1000000x32xf32, #tpu.memory_space<hbm>>
    tpu.enqueue_indirect_dma source(%dma_start3A_199 : memref<1000000x32xf32, #tpu.memory_space<hbm>>) target(%dma_start3A_193 : memref<128x32xf32, #tpu.memory_space<vmem>>) offsets(%dma_start3A_196 : memref<128xi32, #tpu.memory_space<vmem>>) semaphore(%arg11 : memref<!tpu.dma_semaphore, #tpu.memory_space<semaphore_mem>>)
    %dma_wait3A_200 = arith.constant 0 : i32
    %dma_wait3A_201 = arith.constant 0 : i32
    %dma_wait3A_202 = arith.constant 0 : i32
    %dma_wait3A_203 = arith.constant 0 : i32
    %dma_wait3A_204 = tpu.memref_slice %arg7[%dma_wait3A_202, %dma_wait3A_203] : memref<512x32xf32, #tpu.memory_space<vmem>> -> memref<128x32xf32, #tpu.memory_space<vmem>>
    %dma_wait3A_205 = arith.constant 0 : i32
    %dma_wait3A_206 = tpu.memref_slice %arg5[%dma_wait3A_200, %dma_wait3A_201, %dma_wait3A_205] : memref<50x4x128xi32, #tpu.memory_space<vmem>> -> memref<1x1x128xi32, #tpu.memory_space<vmem>>
    %dma_wait3A_207 = tpu.memref_squeeze %dma_wait3A_206 : memref<1x1x128xi32, #tpu.memory_space<vmem>> -> memref<128xi32, #tpu.memory_space<vmem>>
    %dma_wait3A_208 = arith.constant 0 : i32
    %dma_wait3A_209 = arith.constant 0 : i32
    %dma_wait3A_210 = tpu.memref_slice %arg3[%dma_wait3A_208, %dma_wait3A_209] : memref<1000000x32xf32, #tpu.memory_space<hbm>> -> memref<1000000x32xf32, #tpu.memory_space<hbm>>
    tpu.wait_indirect_dma semaphore(%arg10 : memref<!tpu.dma_semaphore, #tpu.memory_space<semaphore_mem>>) src(%dma_wait3A_210 : memref<1000000x32xf32, #tpu.memory_space<hbm>>) dst(%dma_wait3A_204 : memref<128x32xf32, #tpu.memory_space<vmem>>)
    %dma_wait3A_211 = arith.constant 0 : i32
    %dma_wait3A_212 = arith.constant 1 : i32
    %dma_wait3A_213 = arith.constant 128 : i32
    %dma_wait3A_214 = arith.constant 0 : i32
    %dma_wait3A_215 = tpu.memref_slice %arg7[%dma_wait3A_213, %dma_wait3A_214] : memref<512x32xf32, #tpu.memory_space<vmem>> -> memref<128x32xf32, #tpu.memory_space<vmem>>
    %dma_wait3A_216 = arith.constant 0 : i32
    %dma_wait3A_217 = tpu.memref_slice %arg5[%dma_wait3A_211, %dma_wait3A_212, %dma_wait3A_216] : memref<50x4x128xi32, #tpu.memory_space<vmem>> -> memref<1x1x128xi32, #tpu.memory_space<vmem>>
    %dma_wait3A_218 = tpu.memref_squeeze %dma_wait3A_217 : memref<1x1x128xi32, #tpu.memory_space<vmem>> -> memref<128xi32, #tpu.memory_space<vmem>>
    %dma_wait3A_219 = arith.constant 0 : i32
    %dma_wait3A_220 = arith.constant 0 : i32
    %dma_wait3A_221 = tpu.memref_slice %arg3[%dma_wait3A_219, %dma_wait3A_220] : memref<1000000x32xf32, #tpu.memory_space<hbm>> -> memref<1000000x32xf32, #tpu.memory_space<hbm>>
    tpu.wait_indirect_dma semaphore(%arg10 : memref<!tpu.dma_semaphore, #tpu.memory_space<semaphore_mem>>) src(%dma_wait3A_221 : memref<1000000x32xf32, #tpu.memory_space<hbm>>) dst(%dma_wait3A_215 : memref<128x32xf32, #tpu.memory_space<vmem>>)
    %dma_wait3A_222 = arith.constant 0 : i32
    %dma_wait3A_223 = arith.constant 2 : i32
    %dma_wait3A_224 = arith.constant 256 : i32
    %dma_wait3A_225 = arith.constant 0 : i32
    %dma_wait3A_226 = tpu.memref_slice %arg7[%dma_wait3A_224, %dma_wait3A_225] : memref<512x32xf32, #tpu.memory_space<vmem>> -> memref<128x32xf32, #tpu.memory_space<vmem>>
    %dma_wait3A_227 = arith.constant 0 : i32
    %dma_wait3A_228 = tpu.memref_slice %arg5[%dma_wait3A_222, %dma_wait3A_223, %dma_wait3A_227] : memref<50x4x128xi32, #tpu.memory_space<vmem>> -> memref<1x1x128xi32, #tpu.memory_space<vmem>>
    %dma_wait3A_229 = tpu.memref_squeeze %dma_wait3A_228 : memref<1x1x128xi32, #tpu.memory_space<vmem>> -> memref<128xi32, #tpu.memory_space<vmem>>
    %dma_wait3A_230 = arith.constant 0 : i32
    %dma_wait3A_231 = arith.constant 0 : i32
    %dma_wait3A_232 = tpu.memref_slice %arg3[%dma_wait3A_230, %dma_wait3A_231] : memref<1000000x32xf32, #tpu.memory_space<hbm>> -> memref<1000000x32xf32, #tpu.memory_space<hbm>>
    tpu.wait_indirect_dma semaphore(%arg10 : memref<!tpu.dma_semaphore, #tpu.memory_space<semaphore_mem>>) src(%dma_wait3A_232 : memref<1000000x32xf32, #tpu.memory_space<hbm>>) dst(%dma_wait3A_226 : memref<128x32xf32, #tpu.memory_space<vmem>>)
    %dma_wait3A_233 = arith.constant 0 : i32
    %dma_wait3A_234 = arith.constant 3 : i32
    %dma_wait3A_235 = arith.constant 384 : i32
    %dma_wait3A_236 = arith.constant 0 : i32
    %dma_wait3A_237 = tpu.memref_slice %arg7[%dma_wait3A_235, %dma_wait3A_236] : memref<512x32xf32, #tpu.memory_space<vmem>> -> memref<128x32xf32, #tpu.memory_space<vmem>>
    %dma_wait3A_238 = arith.constant 0 : i32
    %dma_wait3A_239 = tpu.memref_slice %arg5[%dma_wait3A_233, %dma_wait3A_234, %dma_wait3A_238] : memref<50x4x128xi32, #tpu.memory_space<vmem>> -> memref<1x1x128xi32, #tpu.memory_space<vmem>>
    %dma_wait3A_240 = tpu.memref_squeeze %dma_wait3A_239 : memref<1x1x128xi32, #tpu.memory_space<vmem>> -> memref<128xi32, #tpu.memory_space<vmem>>
    %dma_wait3A_241 = arith.constant 0 : i32
    %dma_wait3A_242 = arith.constant 0 : i32
    %dma_wait3A_243 = tpu.memref_slice %arg3[%dma_wait3A_241, %dma_wait3A_242] : memref<1000000x32xf32, #tpu.memory_space<hbm>> -> memref<1000000x32xf32, #tpu.memory_space<hbm>>
    tpu.wait_indirect_dma semaphore(%arg10 : memref<!tpu.dma_semaphore, #tpu.memory_space<semaphore_mem>>) src(%dma_wait3A_243 : memref<1000000x32xf32, #tpu.memory_space<hbm>>) dst(%dma_wait3A_237 : memref<128x32xf32, #tpu.memory_space<vmem>>)
    %scan3A_244 = arith.constant 0 : i32
    %scan3A_245 = arith.constant 0 : i32
    %scan3A_246 = arith.constant 64 : i32
    %scan3A_247 = arith.addi %scan3A_245, %scan3A_246 : i32
    %scan3A_248 = arith.constant 1 : i32
    scf.for %scan3A_557 = %scan3A_245 to %scan3A_247 step %scan3A_248  : i32 {
      %mul3A_558 = arith.constant 8 : i32
      %mul3A_559 = arith.muli %scan3A_557, %mul3A_558 : i32
      %add3A_560 = arith.constant 0 : i32
      %add3A_561 = arith.addi %mul3A_559, %add3A_560 : i32
      %get3A = arith.index_cast %add3A_561 : i32 to index
      %get3A_562 = arith.constant 0 : index
      %get3A_563 = tpu.vector_load %arg7[%get3A, %get3A_562] {strides = array<i32>} : memref<512x32xf32, #tpu.memory_space<vmem>>, vector<1x16xf32>,
      %get3A_564 = vector.shape_cast %get3A_563 : vector<1x16xf32> to vector<16xf32>
      %mul3A_565 = arith.constant 5.65685415 : f32
      %mul3A_566 = vector.broadcast %mul3A_565 : f32 to vector<16xf32>
      %mul3A_567 = arith.mulf %get3A_564, %mul3A_566 : vector<16xf32>
      %swap3A = arith.index_cast %add3A_561 : i32 to index
      %swap3A_568 = arith.constant 0 : index
      %swap3A_569 = tpu.vector_load %arg7[%swap3A, %swap3A_568] {strides = array<i32>} : memref<512x32xf32, #tpu.memory_space<vmem>>, vector<1x16xf32>,
      %swap3A_570 = vector.shape_cast %swap3A_569 : vector<1x16xf32> to vector<16xf32>
      %swap3A_571 = vector.shape_cast %mul3A_567 : vector<16xf32> to vector<1x16xf32>
      tpu.vector_store %arg7[%swap3A, %swap3A_568], %swap3A_571 {strides = array<i32>} : memref<512x32xf32, #tpu.memory_space<vmem>>, vector<1x16xf32>,
      %get3A_572 = arith.index_cast %add3A_561 : i32 to index
      %get3A_573 = arith.constant 16 : index
      %get3A_574 = tpu.vector_load %arg7[%get3A_572, %get3A_573] {strides = array<i32>} : memref<512x32xf32, #tpu.memory_space<vmem>>, vector<1x16xf32>,
      %get3A_575 = vector.shape_cast %get3A_574 : vector<1x16xf32> to vector<16xf32>
      %mul3A_576 = arith.constant 5.65685415 : f32
      %mul3A_577 = vector.broadcast %mul3A_576 : f32 to vector<16xf32>
      %mul3A_578 = arith.mulf %get3A_575, %mul3A_577 : vector<16xf32>
      %swap3A_579 = arith.index_cast %add3A_561 : i32 to index
      %swap3A_580 = arith.constant 16 : index
      %swap3A_581 = tpu.vector_load %arg7[%swap3A_579, %swap3A_580] {strides = array<i32>} : memref<512x32xf32, #tpu.memory_space<vmem>>, vector<1x16xf32>,
      %swap3A_582 = vector.shape_cast %swap3A_581 : vector<1x16xf32> to vector<16xf32>
      %swap3A_583 = vector.shape_cast %mul3A_578 : vector<16xf32> to vector<1x16xf32>
      tpu.vector_store %arg7[%swap3A_579, %swap3A_580], %swap3A_583 {strides = array<i32>} : memref<512x32xf32, #tpu.memory_space<vmem>>, vector<1x16xf32>,
      %mul3A_584 = arith.constant 8 : i32
      %mul3A_585 = arith.muli %scan3A_557, %mul3A_584 : i32
      %add3A_586 = arith.constant 1 : i32
      %add3A_587 = arith.addi %mul3A_585, %add3A_586 : i32
      %get3A_588 = arith.index_cast %add3A_587 : i32 to index
      %get3A_589 = arith.constant 0 : index
      %get3A_590 = tpu.vector_load %arg7[%get3A_588, %get3A_589] {strides = array<i32>} : memref<512x32xf32, #tpu.memory_space<vmem>>, vector<1x16xf32>,
      %get3A_591 = vector.shape_cast %get3A_590 : vector<1x16xf32> to vector<16xf32>
      %mul3A_592 = arith.constant 5.65685415 : f32
      %mul3A_593 = vector.broadcast %mul3A_592 : f32 to vector<16xf32>
      %mul3A_594 = arith.mulf %get3A_591, %mul3A_593 : vector<16xf32>
      %swap3A_595 = arith.index_cast %add3A_587 : i32 to index
      %swap3A_596 = arith.constant 0 : index
      %swap3A_597 = tpu.vector_load %arg7[%swap3A_595, %swap3A_596] {strides = array<i32>} : memref<512x32xf32, #tpu.memory_space<vmem>>, vector<1x16xf32>,
      %swap3A_598 = vector.shape_cast %swap3A_597 : vector<1x16xf32> to vector<16xf32>
      %swap3A_599 = vector.shape_cast %mul3A_594 : vector<16xf32> to vector<1x16xf32>
      tpu.vector_store %arg7[%swap3A_595, %swap3A_596], %swap3A_599 {strides = array<i32>} : memref<512x32xf32, #tpu.memory_space<vmem>>, vector<1x16xf32>,
      %get3A_600 = arith.index_cast %add3A_587 : i32 to index
      %get3A_601 = arith.constant 16 : index
      %get3A_602 = tpu.vector_load %arg7[%get3A_600, %get3A_601] {strides = array<i32>} : memref<512x32xf32, #tpu.memory_space<vmem>>, vector<1x16xf32>,
      %get3A_603 = vector.shape_cast %get3A_602 : vector<1x16xf32> to vector<16xf32>
      %mul3A_604 = arith.constant 5.65685415 : f32
      %mul3A_605 = vector.broadcast %mul3A_604 : f32 to vector<16xf32>
      %mul3A_606 = arith.mulf %get3A_603, %mul3A_605 : vector<16xf32>
      %swap3A_607 = arith.index_cast %add3A_587 : i32 to index
      %swap3A_608 = arith.constant 16 : index
      %swap3A_609 = tpu.vector_load %arg7[%swap3A_607, %swap3A_608] {strides = array<i32>} : memref<512x32xf32, #tpu.memory_space<vmem>>, vector<1x16xf32>,
      %swap3A_610 = vector.shape_cast %swap3A_609 : vector<1x16xf32> to vector<16xf32>
      %swap3A_611 = vector.shape_cast %mul3A_606 : vector<16xf32> to vector<1x16xf32>
      tpu.vector_store %arg7[%swap3A_607, %swap3A_608], %swap3A_611 {strides = array<i32>} : memref<512x32xf32, #tpu.memory_space<vmem>>, vector<1x16xf32>,
      %mul3A_612 = arith.constant 8 : i32
      %mul3A_613 = arith.muli %scan3A_557, %mul3A_612 : i32
      %add3A_614 = arith.constant 2 : i32
      %add3A_615 = arith.addi %mul3A_613, %add3A_614 : i32
      %get3A_616 = arith.index_cast %add3A_615 : i32 to index
      %get3A_617 = arith.constant 0 : index
      %get3A_618 = tpu.vector_load %arg7[%get3A_616, %get3A_617] {strides = array<i32>} : memref<512x32xf32, #tpu.memory_space<vmem>>, vector<1x16xf32>,
      %get3A_619 = vector.shape_cast %get3A_618 : vector<1x16xf32> to vector<16xf32>
      %mul3A_620 = arith.constant 5.65685415 : f32
      %mul3A_621 = vector.broadcast %mul3A_620 : f32 to vector<16xf32>
      %mul3A_622 = arith.mulf %get3A_619, %mul3A_621 : vector<16xf32>
      %swap3A_623 = arith.index_cast %add3A_615 : i32 to index
      %swap3A_624 = arith.constant 0 : index
      %swap3A_625 = tpu.vector_load %arg7[%swap3A_623, %swap3A_624] {strides = array<i32>} : memref<512x32xf32, #tpu.memory_space<vmem>>, vector<1x16xf32>,
      %swap3A_626 = vector.shape_cast %swap3A_625 : vector<1x16xf32> to vector<16xf32>
      %swap3A_627 = vector.shape_cast %mul3A_622 : vector<16xf32> to vector<1x16xf32>
      tpu.vector_store %arg7[%swap3A_623, %swap3A_624], %swap3A_627 {strides = array<i32>} : memref<512x32xf32, #tpu.memory_space<vmem>>, vector<1x16xf32>,
      %get3A_628 = arith.index_cast %add3A_615 : i32 to index
      %get3A_629 = arith.constant 16 : index
      %get3A_630 = tpu.vector_load %arg7[%get3A_628, %get3A_629] {strides = array<i32>} : memref<512x32xf32, #tpu.memory_space<vmem>>, vector<1x16xf32>,
      %get3A_631 = vector.shape_cast %get3A_630 : vector<1x16xf32> to vector<16xf32>
      %mul3A_632 = arith.constant 5.65685415 : f32
      %mul3A_633 = vector.broadcast %mul3A_632 : f32 to vector<16xf32>
      %mul3A_634 = arith.mulf %get3A_631, %mul3A_633 : vector<16xf32>
      %swap3A_635 = arith.index_cast %add3A_615 : i32 to index
      %swap3A_636 = arith.constant 16 : index
      %swap3A_637 = tpu.vector_load %arg7[%swap3A_635, %swap3A_636] {strides = array<i32>} : memref<512x32xf32, #tpu.memory_space<vmem>>, vector<1x16xf32>,
      %swap3A_638 = vector.shape_cast %swap3A_637 : vector<1x16xf32> to vector<16xf32>
      %swap3A_639 = vector.shape_cast %mul3A_634 : vector<16xf32> to vector<1x16xf32>
      tpu.vector_store %arg7[%swap3A_635, %swap3A_636], %swap3A_639 {strides = array<i32>} : memref<512x32xf32, #tpu.memory_space<vmem>>, vector<1x16xf32>,
      %mul3A_640 = arith.constant 8 : i32
      %mul3A_641 = arith.muli %scan3A_557, %mul3A_640 : i32
      %add3A_642 = arith.constant 3 : i32
      %add3A_643 = arith.addi %mul3A_641, %add3A_642 : i32
      %get3A_644 = arith.index_cast %add3A_643 : i32 to index
      %get3A_645 = arith.constant 0 : index
      %get3A_646 = tpu.vector_load %arg7[%get3A_644, %get3A_645] {strides = array<i32>} : memref<512x32xf32, #tpu.memory_space<vmem>>, vector<1x16xf32>,
      %get3A_647 = vector.shape_cast %get3A_646 : vector<1x16xf32> to vector<16xf32>
      %mul3A_648 = arith.constant 5.65685415 : f32
      %mul3A_649 = vector.broadcast %mul3A_648 : f32 to vector<16xf32>
      %mul3A_650 = arith.mulf %get3A_647, %mul3A_649 : vector<16xf32>
      %swap3A_651 = arith.index_cast %add3A_643 : i32 to index
      %swap3A_652 = arith.constant 0 : index
      %swap3A_653 = tpu.vector_load %arg7[%swap3A_651, %swap3A_652] {strides = array<i32>} : memref<512x32xf32, #tpu.memory_space<vmem>>, vector<1x16xf32>,
      %swap3A_654 = vector.shape_cast %swap3A_653 : vector<1x16xf32> to vector<16xf32>
      %swap3A_655 = vector.shape_cast %mul3A_650 : vector<16xf32> to vector<1x16xf32>
      tpu.vector_store %arg7[%swap3A_651, %swap3A_652], %swap3A_655 {strides = array<i32>} : memref<512x32xf32, #tpu.memory_space<vmem>>, vector<1x16xf32>,
      %get3A_656 = arith.index_cast %add3A_643 : i32 to index
      %get3A_657 = arith.constant 16 : index
      %get3A_658 = tpu.vector_load %arg7[%get3A_656, %get3A_657] {strides = array<i32>} : memref<512x32xf32, #tpu.memory_space<vmem>>, vector<1x16xf32>,
      %get3A_659 = vector.shape_cast %get3A_658 : vector<1x16xf32> to vector<16xf32>
      %mul3A_660 = arith.constant 5.65685415 : f32
      %mul3A_661 = vector.broadcast %mul3A_660 : f32 to vector<16xf32>
      %mul3A_662 = arith.mulf %get3A_659, %mul3A_661 : vector<16xf32>
      %swap3A_663 = arith.index_cast %add3A_643 : i32 to index
      %swap3A_664 = arith.constant 16 : index
      %swap3A_665 = tpu.vector_load %arg7[%swap3A_663, %swap3A_664] {strides = array<i32>} : memref<512x32xf32, #tpu.memory_space<vmem>>, vector<1x16xf32>,
      %swap3A_666 = vector.shape_cast %swap3A_665 : vector<1x16xf32> to vector<16xf32>
      %swap3A_667 = vector.shape_cast %mul3A_662 : vector<16xf32> to vector<1x16xf32>
      tpu.vector_store %arg7[%swap3A_663, %swap3A_664], %swap3A_667 {strides = array<i32>} : memref<512x32xf32, #tpu.memory_space<vmem>>, vector<1x16xf32>,
      %mul3A_668 = arith.constant 8 : i32
      %mul3A_669 = arith.muli %scan3A_557, %mul3A_668 : i32
      %add3A_670 = arith.constant 4 : i32
      %add3A_671 = arith.addi %mul3A_669, %add3A_670 : i32
      %get3A_672 = arith.index_cast %add3A_671 : i32 to index
      %get3A_673 = arith.constant 0 : index
      %get3A_674 = tpu.vector_load %arg7[%get3A_672, %get3A_673] {strides = array<i32>} : memref<512x32xf32, #tpu.memory_space<vmem>>, vector<1x16xf32>,
      %get3A_675 = vector.shape_cast %get3A_674 : vector<1x16xf32> to vector<16xf32>
      %mul3A_676 = arith.constant 5.65685415 : f32
      %mul3A_677 = vector.broadcast %mul3A_676 : f32 to vector<16xf32>
      %mul3A_678 = arith.mulf %get3A_675, %mul3A_677 : vector<16xf32>
      %swap3A_679 = arith.index_cast %add3A_671 : i32 to index
      %swap3A_680 = arith.constant 0 : index
      %swap3A_681 = tpu.vector_load %arg7[%swap3A_679, %swap3A_680] {strides = array<i32>} : memref<512x32xf32, #tpu.memory_space<vmem>>, vector<1x16xf32>,
      %swap3A_682 = vector.shape_cast %swap3A_681 : vector<1x16xf32> to vector<16xf32>
      %swap3A_683 = vector.shape_cast %mul3A_678 : vector<16xf32> to vector<1x16xf32>
      tpu.vector_store %arg7[%swap3A_679, %swap3A_680], %swap3A_683 {strides = array<i32>} : memref<512x32xf32, #tpu.memory_space<vmem>>, vector<1x16xf32>,
      %get3A_684 = arith.index_cast %add3A_671 : i32 to index
      %get3A_685 = arith.constant 16 : index
      %get3A_686 = tpu.vector_load %arg7[%get3A_684, %get3A_685] {strides = array<i32>} : memref<512x32xf32, #tpu.memory_space<vmem>>, vector<1x16xf32>,
      %get3A_687 = vector.shape_cast %get3A_686 : vector<1x16xf32> to vector<16xf32>
      %mul3A_688 = arith.constant 5.65685415 : f32
      %mul3A_689 = vector.broadcast %mul3A_688 : f32 to vector<16xf32>
      %mul3A_690 = arith.mulf %get3A_687, %mul3A_689 : vector<16xf32>
      %swap3A_691 = arith.index_cast %add3A_671 : i32 to index
      %swap3A_692 = arith.constant 16 : index
      %swap3A_693 = tpu.vector_load %arg7[%swap3A_691, %swap3A_692] {strides = array<i32>} : memref<512x32xf32, #tpu.memory_space<vmem>>, vector<1x16xf32>,
      %swap3A_694 = vector.shape_cast %swap3A_693 : vector<1x16xf32> to vector<16xf32>
      %swap3A_695 = vector.shape_cast %mul3A_690 : vector<16xf32> to vector<1x16xf32>
      tpu.vector_store %arg7[%swap3A_691, %swap3A_692], %swap3A_695 {strides = array<i32>} : memref<512x32xf32, #tpu.memory_space<vmem>>, vector<1x16xf32>,
      %mul3A_696 = arith.constant 8 : i32
      %mul3A_697 = arith.muli %scan3A_557, %mul3A_696 : i32
      %add3A_698 = arith.constant 5 : i32
      %add3A_699 = arith.addi %mul3A_697, %add3A_698 : i32
      %get3A_700 = arith.index_cast %add3A_699 : i32 to index
      %get3A_701 = arith.constant 0 : index
      %get3A_702 = tpu.vector_load %arg7[%get3A_700, %get3A_701] {strides = array<i32>} : memref<512x32xf32, #tpu.memory_space<vmem>>, vector<1x16xf32>,
      %get3A_703 = vector.shape_cast %get3A_702 : vector<1x16xf32> to vector<16xf32>
      %mul3A_704 = arith.constant 5.65685415 : f32
      %mul3A_705 = vector.broadcast %mul3A_704 : f32 to vector<16xf32>
      %mul3A_706 = arith.mulf %get3A_703, %mul3A_705 : vector<16xf32>
      %swap3A_707 = arith.index_cast %add3A_699 : i32 to index
      %swap3A_708 = arith.constant 0 : index
      %swap3A_709 = tpu.vector_load %arg7[%swap3A_707, %swap3A_708] {strides = array<i32>} : memref<512x32xf32, #tpu.memory_space<vmem>>, vector<1x16xf32>,
      %swap3A_710 = vector.shape_cast %swap3A_709 : vector<1x16xf32> to vector<16xf32>
      %swap3A_711 = vector.shape_cast %mul3A_706 : vector<16xf32> to vector<1x16xf32>
      tpu.vector_store %arg7[%swap3A_707, %swap3A_708], %swap3A_711 {strides = array<i32>} : memref<512x32xf32, #tpu.memory_space<vmem>>, vector<1x16xf32>,
      %get3A_712 = arith.index_cast %add3A_699 : i32 to index
      %get3A_713 = arith.constant 16 : index
      %get3A_714 = tpu.vector_load %arg7[%get3A_712, %get3A_713] {strides = array<i32>} : memref<512x32xf32, #tpu.memory_space<vmem>>, vector<1x16xf32>,
      %get3A_715 = vector.shape_cast %get3A_714 : vector<1x16xf32> to vector<16xf32>
      %mul3A_716 = arith.constant 5.65685415 : f32
      %mul3A_717 = vector.broadcast %mul3A_716 : f32 to vector<16xf32>
      %mul3A_718 = arith.mulf %get3A_715, %mul3A_717 : vector<16xf32>
      %swap3A_719 = arith.index_cast %add3A_699 : i32 to index
      %swap3A_720 = arith.constant 16 : index
      %swap3A_721 = tpu.vector_load %arg7[%swap3A_719, %swap3A_720] {strides = array<i32>} : memref<512x32xf32, #tpu.memory_space<vmem>>, vector<1x16xf32>,
      %swap3A_722 = vector.shape_cast %swap3A_721 : vector<1x16xf32> to vector<16xf32>
      %swap3A_723 = vector.shape_cast %mul3A_718 : vector<16xf32> to vector<1x16xf32>
      tpu.vector_store %arg7[%swap3A_719, %swap3A_720], %swap3A_723 {strides = array<i32>} : memref<512x32xf32, #tpu.memory_space<vmem>>, vector<1x16xf32>,
      %mul3A_724 = arith.constant 8 : i32
      %mul3A_725 = arith.muli %scan3A_557, %mul3A_724 : i32
      %add3A_726 = arith.constant 6 : i32
      %add3A_727 = arith.addi %mul3A_725, %add3A_726 : i32
      %get3A_728 = arith.index_cast %add3A_727 : i32 to index
      %get3A_729 = arith.constant 0 : index
      %get3A_730 = tpu.vector_load %arg7[%get3A_728, %get3A_729] {strides = array<i32>} : memref<512x32xf32, #tpu.memory_space<vmem>>, vector<1x16xf32>,
      %get3A_731 = vector.shape_cast %get3A_730 : vector<1x16xf32> to vector<16xf32>
      %mul3A_732 = arith.constant 5.65685415 : f32
      %mul3A_733 = vector.broadcast %mul3A_732 : f32 to vector<16xf32>
      %mul3A_734 = arith.mulf %get3A_731, %mul3A_733 : vector<16xf32>
      %swap3A_735 = arith.index_cast %add3A_727 : i32 to index
      %swap3A_736 = arith.constant 0 : index
      %swap3A_737 = tpu.vector_load %arg7[%swap3A_735, %swap3A_736] {strides = array<i32>} : memref<512x32xf32, #tpu.memory_space<vmem>>, vector<1x16xf32>,
      %swap3A_738 = vector.shape_cast %swap3A_737 : vector<1x16xf32> to vector<16xf32>
      %swap3A_739 = vector.shape_cast %mul3A_734 : vector<16xf32> to vector<1x16xf32>
      tpu.vector_store %arg7[%swap3A_735, %swap3A_736], %swap3A_739 {strides = array<i32>} : memref<512x32xf32, #tpu.memory_space<vmem>>, vector<1x16xf32>,
      %get3A_740 = arith.index_cast %add3A_727 : i32 to index
      %get3A_741 = arith.constant 16 : index
      %get3A_742 = tpu.vector_load %arg7[%get3A_740, %get3A_741] {strides = array<i32>} : memref<512x32xf32, #tpu.memory_space<vmem>>, vector<1x16xf32>,
      %get3A_743 = vector.shape_cast %get3A_742 : vector<1x16xf32> to vector<16xf32>
      %mul3A_744 = arith.constant 5.65685415 : f32
      %mul3A_745 = vector.broadcast %mul3A_744 : f32 to vector<16xf32>
      %mul3A_746 = arith.mulf %get3A_743, %mul3A_745 : vector<16xf32>
      %swap3A_747 = arith.index_cast %add3A_727 : i32 to index
      %swap3A_748 = arith.constant 16 : index
      %swap3A_749 = tpu.vector_load %arg7[%swap3A_747, %swap3A_748] {strides = array<i32>} : memref<512x32xf32, #tpu.memory_space<vmem>>, vector<1x16xf32>,
      %swap3A_750 = vector.shape_cast %swap3A_749 : vector<1x16xf32> to vector<16xf32>
      %swap3A_751 = vector.shape_cast %mul3A_746 : vector<16xf32> to vector<1x16xf32>
      tpu.vector_store %arg7[%swap3A_747, %swap3A_748], %swap3A_751 {strides = array<i32>} : memref<512x32xf32, #tpu.memory_space<vmem>>, vector<1x16xf32>,
      %mul3A_752 = arith.constant 8 : i32
      %mul3A_753 = arith.muli %scan3A_557, %mul3A_752 : i32
      %add3A_754 = arith.constant 7 : i32
      %add3A_755 = arith.addi %mul3A_753, %add3A_754 : i32
      %get3A_756 = arith.index_cast %add3A_755 : i32 to index
      %get3A_757 = arith.constant 0 : index
      %get3A_758 = tpu.vector_load %arg7[%get3A_756, %get3A_757] {strides = array<i32>} : memref<512x32xf32, #tpu.memory_space<vmem>>, vector<1x16xf32>,
      %get3A_759 = vector.shape_cast %get3A_758 : vector<1x16xf32> to vector<16xf32>
      %mul3A_760 = arith.constant 5.65685415 : f32
      %mul3A_761 = vector.broadcast %mul3A_760 : f32 to vector<16xf32>
      %mul3A_762 = arith.mulf %get3A_759, %mul3A_761 : vector<16xf32>
      %swap3A_763 = arith.index_cast %add3A_755 : i32 to index
      %swap3A_764 = arith.constant 0 : index
      %swap3A_765 = tpu.vector_load %arg7[%swap3A_763, %swap3A_764] {strides = array<i32>} : memref<512x32xf32, #tpu.memory_space<vmem>>, vector<1x16xf32>,
      %swap3A_766 = vector.shape_cast %swap3A_765 : vector<1x16xf32> to vector<16xf32>
      %swap3A_767 = vector.shape_cast %mul3A_762 : vector<16xf32> to vector<1x16xf32>
      tpu.vector_store %arg7[%swap3A_763, %swap3A_764], %swap3A_767 {strides = array<i32>} : memref<512x32xf32, #tpu.memory_space<vmem>>, vector<1x16xf32>,
      %get3A_768 = arith.index_cast %add3A_755 : i32 to index
      %get3A_769 = arith.constant 16 : index
      %get3A_770 = tpu.vector_load %arg7[%get3A_768, %get3A_769] {strides = array<i32>} : memref<512x32xf32, #tpu.memory_space<vmem>>, vector<1x16xf32>,
      %get3A_771 = vector.shape_cast %get3A_770 : vector<1x16xf32> to vector<16xf32>
      %mul3A_772 = arith.constant 5.65685415 : f32
      %mul3A_773 = vector.broadcast %mul3A_772 : f32 to vector<16xf32>
      %mul3A_774 = arith.mulf %get3A_771, %mul3A_773 : vector<16xf32>
      %swap3A_775 = arith.index_cast %add3A_755 : i32 to index
      %swap3A_776 = arith.constant 16 : index
      %swap3A_777 = tpu.vector_load %arg7[%swap3A_775, %swap3A_776] {strides = array<i32>} : memref<512x32xf32, #tpu.memory_space<vmem>>, vector<1x16xf32>,
      %swap3A_778 = vector.shape_cast %swap3A_777 : vector<1x16xf32> to vector<16xf32>
      %swap3A_779 = vector.shape_cast %mul3A_774 : vector<16xf32> to vector<1x16xf32>
      tpu.vector_store %arg7[%swap3A_775, %swap3A_776], %swap3A_779 {strides = array<i32>} : memref<512x32xf32, #tpu.memory_space<vmem>>, vector<1x16xf32>,
    }
    %scan3A_249 = arith.constant 64 : i32
    %dma_start3A_250 = arith.constant 1 : i32
    %dma_start3A_251 = arith.constant 0 : i32
    %dma_start3A_252 = tpu.memref_slice %arg4[%mul3A_2, %dma_start3A_250, %dma_start3A_251] : memref<16384x50x32xf32, #tpu.memory_space<hbm>> -> memref<512x1x32xf32, #tpu.memory_space<hbm>>
    %dma_start3A_253 = tpu.memref_squeeze %dma_start3A_252 : memref<512x1x32xf32, #tpu.memory_space<hbm>> -> memref<512x32xf32, #tpu.memory_space<hbm>>
    %dma_start3A_254 = arith.constant 0 : i32
    %dma_start3A_255 = tpu.memref_slice %arg4[%mul3A_2, %dma_start3A_250, %dma_start3A_254] : memref<16384x50x32xf32, #tpu.memory_space<hbm>> -> memref<512x1x32xf32, #tpu.memory_space<hbm>>
    %dma_start3A_256 = tpu.memref_squeeze %dma_start3A_255 : memref<512x1x32xf32, #tpu.memory_space<hbm>> -> memref<512x32xf32, #tpu.memory_space<hbm>>
    tpu.enqueue_dma source(%arg7 : memref<512x32xf32, #tpu.memory_space<vmem>>) target(%dma_start3A_256 : memref<512x32xf32, #tpu.memory_space<hbm>>) target_semaphore(%arg13 : memref<!tpu.dma_semaphore, #tpu.memory_space<semaphore_mem>>)
    %dma_wait3A_257 = arith.constant 0 : i32
    %dma_wait3A_258 = arith.constant 0 : i32
    %dma_wait3A_259 = tpu.memref_slice %arg4[%mul3A_2, %dma_wait3A_257, %dma_wait3A_258] : memref<16384x50x32xf32, #tpu.memory_space<hbm>> -> memref<512x1x32xf32, #tpu.memory_space<hbm>>
    %dma_wait3A_260 = tpu.memref_squeeze %dma_wait3A_259 : memref<512x1x32xf32, #tpu.memory_space<hbm>> -> memref<512x32xf32, #tpu.memory_space<hbm>>
    %dma_wait3A_261 = arith.constant 0 : i32
    %dma_wait3A_262 = tpu.memref_slice %arg4[%mul3A_2, %dma_wait3A_257, %dma_wait3A_261] : memref<16384x50x32xf32, #tpu.memory_space<hbm>> -> memref<512x1x32xf32, #tpu.memory_space<hbm>>
    %dma_wait3A_263 = tpu.memref_squeeze %dma_wait3A_262 : memref<512x1x32xf32, #tpu.memory_space<hbm>> -> memref<512x32xf32, #tpu.memory_space<hbm>>
    tpu.wait_dma2 semaphore(%arg12 : memref<!tpu.dma_semaphore, #tpu.memory_space<semaphore_mem>>) src(%arg6 : memref<512x32xf32, #tpu.memory_space<vmem>>) dst(%dma_wait3A_263 : memref<512x32xf32, #tpu.memory_space<hbm>>)
    %dma_start3A_264 = arith.constant 3 : i32
    %dma_start3A_265 = arith.constant 0 : i32
    %dma_start3A_266 = arith.constant 0 : i32
    %dma_start3A_267 = arith.constant 0 : i32
    %dma_start3A_268 = tpu.memref_slice %arg6[%dma_start3A_266, %dma_start3A_267] : memref<512x32xf32, #tpu.memory_space<vmem>> -> memref<128x32xf32, #tpu.memory_space<vmem>>
    %dma_start3A_269 = arith.constant 0 : i32
    %dma_start3A_270 = tpu.memref_slice %arg5[%dma_start3A_264, %dma_start3A_265, %dma_start3A_269] : memref<50x4x128xi32, #tpu.memory_space<vmem>> -> memref<1x1x128xi32, #tpu.memory_space<vmem>>
    %dma_start3A_271 = tpu.memref_squeeze %dma_start3A_270 : memref<1x1x128xi32, #tpu.memory_space<vmem>> -> memref<128xi32, #tpu.memory_space<vmem>>
    %dma_start3A_272 = arith.constant 0 : i32
    %dma_start3A_273 = arith.constant 0 : i32
    %dma_start3A_274 = tpu.memref_slice %arg3[%dma_start3A_272, %dma_start3A_273] : memref<1000000x32xf32, #tpu.memory_space<hbm>> -> memref<1000000x32xf32, #tpu.memory_space<hbm>>
    tpu.enqueue_indirect_dma source(%dma_start3A_274 : memref<1000000x32xf32, #tpu.memory_space<hbm>>) target(%dma_start3A_268 : memref<128x32xf32, #tpu.memory_space<vmem>>) offsets(%dma_start3A_271 : memref<128xi32, #tpu.memory_space<vmem>>) semaphore(%arg9 : memref<!tpu.dma_semaphore, #tpu.memory_space<semaphore_mem>>)
    %dma_start3A_275 = arith.constant 3 : i32
    %dma_start3A_276 = arith.constant 1 : i32
    %dma_start3A_277 = arith.constant 128 : i32
    %dma_start3A_278 = arith.constant 0 : i32
    %dma_start3A_279 = tpu.memref_slice %arg6[%dma_start3A_277, %dma_start3A_278] : memref<512x32xf32, #tpu.memory_space<vmem>> -> memref<128x32xf32, #tpu.memory_space<vmem>>
    %dma_start3A_280 = arith.constant 0 : i32
    %dma_start3A_281 = tpu.memref_slice %arg5[%dma_start3A_275, %dma_start3A_276, %dma_start3A_280] : memref<50x4x128xi32, #tpu.memory_space<vmem>> -> memref<1x1x128xi32, #tpu.memory_space<vmem>>
    %dma_start3A_282 = tpu.memref_squeeze %dma_start3A_281 : memref<1x1x128xi32, #tpu.memory_space<vmem>> -> memref<128xi32, #tpu.memory_space<vmem>>
    %dma_start3A_283 = arith.constant 0 : i32
    %dma_start3A_284 = arith.constant 0 : i32
    %dma_start3A_285 = tpu.memref_slice %arg3[%dma_start3A_283, %dma_start3A_284] : memref<1000000x32xf32, #tpu.memory_space<hbm>> -> memref<1000000x32xf32, #tpu.memory_space<hbm>>
    tpu.enqueue_indirect_dma source(%dma_start3A_285 : memref<1000000x32xf32, #tpu.memory_space<hbm>>) target(%dma_start3A_279 : memref<128x32xf32, #tpu.memory_space<vmem>>) offsets(%dma_start3A_282 : memref<128xi32, #tpu.memory_space<vmem>>) semaphore(%arg9 : memref<!tpu.dma_semaphore, #tpu.memory_space<semaphore_mem>>)
    %dma_start3A_286 = arith.constant 3 : i32
    %dma_start3A_287 = arith.constant 2 : i32
    %dma_start3A_288 = arith.constant 256 : i32
    %dma_start3A_289 = arith.constant 0 : i32
    %dma_start3A_290 = tpu.memref_slice %arg6[%dma_start3A_288, %dma_start3A_289] : memref<512x32xf32, #tpu.memory_space<vmem>> -> memref<128x32xf32, #tpu.memory_space<vmem>>
    %dma_start3A_291 = arith.constant 0 : i32
    %dma_start3A_292 = tpu.memref_slice %arg5[%dma_start3A_286, %dma_start3A_287, %dma_start3A_291] : memref<50x4x128xi32, #tpu.memory_space<vmem>> -> memref<1x1x128xi32, #tpu.memory_space<vmem>>
    %dma_start3A_293 = tpu.memref_squeeze %dma_start3A_292 : memref<1x1x128xi32, #tpu.memory_space<vmem>> -> memref<128xi32, #tpu.memory_space<vmem>>
    %dma_start3A_294 = arith.constant 0 : i32
    %dma_start3A_295 = arith.constant 0 : i32
    %dma_start3A_296 = tpu.memref_slice %arg3[%dma_start3A_294, %dma_start3A_295] : memref<1000000x32xf32, #tpu.memory_space<hbm>> -> memref<1000000x32xf32, #tpu.memory_space<hbm>>
    tpu.enqueue_indirect_dma source(%dma_start3A_296 : memref<1000000x32xf32, #tpu.memory_space<hbm>>) target(%dma_start3A_290 : memref<128x32xf32, #tpu.memory_space<vmem>>) offsets(%dma_start3A_293 : memref<128xi32, #tpu.memory_space<vmem>>) semaphore(%arg9 : memref<!tpu.dma_semaphore, #tpu.memory_space<semaphore_mem>>)
    %dma_start3A_297 = arith.constant 3 : i32
    %dma_start3A_298 = arith.constant 3 : i32
    %dma_start3A_299 = arith.constant 384 : i32
    %dma_start3A_300 = arith.constant 0 : i32
    %dma_start3A_301 = tpu.memref_slice %arg6[%dma_start3A_299, %dma_start3A_300] : memref<512x32xf32, #tpu.memory_space<vmem>> -> memref<128x32xf32, #tpu.memory_space<vmem>>
    %dma_start3A_302 = arith.constant 0 : i32
    %dma_start3A_303 = tpu.memref_slice %arg5[%dma_start3A_297, %dma_start3A_298, %dma_start3A_302] : memref<50x4x128xi32, #tpu.memory_space<vmem>> -> memref<1x1x128xi32, #tpu.memory_space<vmem>>
    %dma_start3A_304 = tpu.memref_squeeze %dma_start3A_303 : memref<1x1x128xi32, #tpu.memory_space<vmem>> -> memref<128xi32, #tpu.memory_space<vmem>>
    %dma_start3A_305 = arith.constant 0 : i32
    %dma_start3A_306 = arith.constant 0 : i32
    %dma_start3A_307 = tpu.memref_slice %arg3[%dma_start3A_305, %dma_start3A_306] : memref<1000000x32xf32, #tpu.memory_space<hbm>> -> memref<1000000x32xf32, #tpu.memory_space<hbm>>
    tpu.enqueue_indirect_dma source(%dma_start3A_307 : memref<1000000x32xf32, #tpu.memory_space<hbm>>) target(%dma_start3A_301 : memref<128x32xf32, #tpu.memory_space<vmem>>) offsets(%dma_start3A_304 : memref<128xi32, #tpu.memory_space<vmem>>) semaphore(%arg9 : memref<!tpu.dma_semaphore, #tpu.memory_space<semaphore_mem>>)
    %dma_wait3A_308 = arith.constant 0 : i32
    %dma_wait3A_309 = arith.constant 0 : i32
    %dma_wait3A_310 = arith.constant 0 : i32
    %dma_wait3A_311 = arith.constant 0 : i32
    %dma_wait3A_312 = tpu.memref_slice %arg8[%dma_wait3A_310, %dma_wait3A_311] : memref<512x32xf32, #tpu.memory_space<vmem>> -> memref<128x32xf32, #tpu.memory_space<vmem>>
    %dma_wait3A_313 = arith.constant 0 : i32
    %dma_wait3A_314 = tpu.memref_slice %arg5[%dma_wait3A_308, %dma_wait3A_309, %dma_wait3A_313] : memref<50x4x128xi32, #tpu.memory_space<vmem>> -> memref<1x1x128xi32, #tpu.memory_space<vmem>>
    %dma_wait3A_315 = tpu.memref_squeeze %dma_wait3A_314 : memref<1x1x128xi32, #tpu.memory_space<vmem>> -> memref<128xi32, #tpu.memory_space<vmem>>
    %dma_wait3A_316 = arith.constant 0 : i32
    %dma_wait3A_317 = arith.constant 0 : i32
    %dma_wait3A_318 = tpu.memref_slice %arg3[%dma_wait3A_316, %dma_wait3A_317] : memref<1000000x32xf32, #tpu.memory_space<hbm>> -> memref<1000000x32xf32, #tpu.memory_space<hbm>>
    tpu.wait_indirect_dma semaphore(%arg11 : memref<!tpu.dma_semaphore, #tpu.memory_space<semaphore_mem>>) src(%dma_wait3A_318 : memref<1000000x32xf32, #tpu.memory_space<hbm>>) dst(%dma_wait3A_312 : memref<128x32xf32, #tpu.memory_space<vmem>>)
    %dma_wait3A_319 = arith.constant 0 : i32
    %dma_wait3A_320 = arith.constant 1 : i32
    %dma_wait3A_321 = arith.constant 128 : i32
    %dma_wait3A_322 = arith.constant 0 : i32
    %dma_wait3A_323 = tpu.memref_slice %arg8[%dma_wait3A_321, %dma_wait3A_322] : memref<512x32xf32, #tpu.memory_space<vmem>> -> memref<128x32xf32, #tpu.memory_space<vmem>>
    %dma_wait3A_324 = arith.constant 0 : i32
    %dma_wait3A_325 = tpu.memref_slice %arg5[%dma_wait3A_319, %dma_wait3A_320, %dma_wait3A_324] : memref<50x4x128xi32, #tpu.memory_space<vmem>> -> memref<1x1x128xi32, #tpu.memory_space<vmem>>
    %dma_wait3A_326 = tpu.memref_squeeze %dma_wait3A_325 : memref<1x1x128xi32, #tpu.memory_space<vmem>> -> memref<128xi32, #tpu.memory_space<vmem>>
    %dma_wait3A_327 = arith.constant 0 : i32
    %dma_wait3A_328 = arith.constant 0 : i32
    %dma_wait3A_329 = tpu.memref_slice %arg3[%dma_wait3A_327, %dma_wait3A_328] : memref<1000000x32xf32, #tpu.memory_space<hbm>> -> memref<1000000x32xf32, #tpu.memory_space<hbm>>
    tpu.wait_indirect_dma semaphore(%arg11 : memref<!tpu.dma_semaphore, #tpu.memory_space<semaphore_mem>>) src(%dma_wait3A_329 : memref<1000000x32xf32, #tpu.memory_space<hbm>>) dst(%dma_wait3A_323 : memref<128x32xf32, #tpu.memory_space<vmem>>)
    %dma_wait3A_330 = arith.constant 0 : i32
    %dma_wait3A_331 = arith.constant 2 : i32
    %dma_wait3A_332 = arith.constant 256 : i32
    %dma_wait3A_333 = arith.constant 0 : i32
    %dma_wait3A_334 = tpu.memref_slice %arg8[%dma_wait3A_332, %dma_wait3A_333] : memref<512x32xf32, #tpu.memory_space<vmem>> -> memref<128x32xf32, #tpu.memory_space<vmem>>
    %dma_wait3A_335 = arith.constant 0 : i32
    %dma_wait3A_336 = tpu.memref_slice %arg5[%dma_wait3A_330, %dma_wait3A_331, %dma_wait3A_335] : memref<50x4x128xi32, #tpu.memory_space<vmem>> -> memref<1x1x128xi32, #tpu.memory_space<vmem>>
    %dma_wait3A_337 = tpu.memref_squeeze %dma_wait3A_336 : memref<1x1x128xi32, #tpu.memory_space<vmem>> -> memref<128xi32, #tpu.memory_space<vmem>>
    %dma_wait3A_338 = arith.constant 0 : i32
    %dma_wait3A_339 = arith.constant 0 : i32
    %dma_wait3A_340 = tpu.memref_slice %arg3[%dma_wait3A_338, %dma_wait3A_339] : memref<1000000x32xf32, #tpu.memory_space<hbm>> -> memref<1000000x32xf32, #tpu.memory_space<hbm>>
    tpu.wait_indirect_dma semaphore(%arg11 : memref<!tpu.dma_semaphore, #tpu.memory_space<semaphore_mem>>) src(%dma_wait3A_340 : memref<1000000x32xf32, #tpu.memory_space<hbm>>) dst(%dma_wait3A_334 : memref<128x32xf32, #tpu.memory_space<vmem>>)
    %dma_wait3A_341 = arith.constant 0 : i32
    %dma_wait3A_342 = arith.constant 3 : i32
    %dma_wait3A_343 = arith.constant 384 : i32
    %dma_wait3A_344 = arith.constant 0 : i32
    %dma_wait3A_345 = tpu.memref_slice %arg8[%dma_wait3A_343, %dma_wait3A_344] : memref<512x32xf32, #tpu.memory_space<vmem>> -> memref<128x32xf32, #tpu.memory_space<vmem>>
    %dma_wait3A_346 = arith.constant 0 : i32
    %dma_wait3A_347 = tpu.memref_slice %arg5[%dma_wait3A_341, %dma_wait3A_342, %dma_wait3A_346] : memref<50x4x128xi32, #tpu.memory_space<vmem>> -> memref<1x1x128xi32, #tpu.memory_space<vmem>>
    %dma_wait3A_348 = tpu.memref_squeeze %dma_wait3A_347 : memref<1x1x128xi32, #tpu.memory_space<vmem>> -> memref<128xi32, #tpu.memory_space<vmem>>
    %dma_wait3A_349 = arith.constant 0 : i32
    %dma_wait3A_350 = arith.constant 0 : i32
    %dma_wait3A_351 = tpu.memref_slice %arg3[%dma_wait3A_349, %dma_wait3A_350] : memref<1000000x32xf32, #tpu.memory_space<hbm>> -> memref<1000000x32xf32, #tpu.memory_space<hbm>>
    tpu.wait_indirect_dma semaphore(%arg11 : memref<!tpu.dma_semaphore, #tpu.memory_space<semaphore_mem>>) src(%dma_wait3A_351 : memref<1000000x32xf32, #tpu.memory_space<hbm>>) dst(%dma_wait3A_345 : memref<128x32xf32, #tpu.memory_space<vmem>>)
    %scan3A_352 = arith.constant 0 : i32
    %scan3A_353 = arith.constant 0 : i32
    %scan3A_354 = arith.constant 64 : i32
    %scan3A_355 = arith.addi %scan3A_353, %scan3A_354 : i32
    %scan3A_356 = arith.constant 1 : i32
    scf.for %scan3A_557 = %scan3A_353 to %scan3A_355 step %scan3A_356  : i32 {
      %mul3A_558 = arith.constant 8 : i32
      %mul3A_559 = arith.muli %scan3A_557, %mul3A_558 : i32
      %add3A_560 = arith.constant 0 : i32
      %add3A_561 = arith.addi %mul3A_559, %add3A_560 : i32
      %get3A = arith.index_cast %add3A_561 : i32 to index
      %get3A_562 = arith.constant 0 : index
      %get3A_563 = tpu.vector_load %arg8[%get3A, %get3A_562] {strides = array<i32>} : memref<512x32xf32, #tpu.memory_space<vmem>>, vector<1x16xf32>,
      %get3A_564 = vector.shape_cast %get3A_563 : vector<1x16xf32> to vector<16xf32>
      %mul3A_565 = arith.constant 5.65685415 : f32
      %mul3A_566 = vector.broadcast %mul3A_565 : f32 to vector<16xf32>
      %mul3A_567 = arith.mulf %get3A_564, %mul3A_566 : vector<16xf32>
      %swap3A = arith.index_cast %add3A_561 : i32 to index
      %swap3A_568 = arith.constant 0 : index
      %swap3A_569 = tpu.vector_load %arg8[%swap3A, %swap3A_568] {strides = array<i32>} : memref<512x32xf32, #tpu.memory_space<vmem>>, vector<1x16xf32>,
      %swap3A_570 = vector.shape_cast %swap3A_569 : vector<1x16xf32> to vector<16xf32>
      %swap3A_571 = vector.shape_cast %mul3A_567 : vector<16xf32> to vector<1x16xf32>
      tpu.vector_store %arg8[%swap3A, %swap3A_568], %swap3A_571 {strides = array<i32>} : memref<512x32xf32, #tpu.memory_space<vmem>>, vector<1x16xf32>,
      %get3A_572 = arith.index_cast %add3A_561 : i32 to index
      %get3A_573 = arith.constant 16 : index
      %get3A_574 = tpu.vector_load %arg8[%get3A_572, %get3A_573] {strides = array<i32>} : memref<512x32xf32, #tpu.memory_space<vmem>>, vector<1x16xf32>,
      %get3A_575 = vector.shape_cast %get3A_574 : vector<1x16xf32> to vector<16xf32>
      %mul3A_576 = arith.constant 5.65685415 : f32
      %mul3A_577 = vector.broadcast %mul3A_576 : f32 to vector<16xf32>
      %mul3A_578 = arith.mulf %get3A_575, %mul3A_577 : vector<16xf32>
      %swap3A_579 = arith.index_cast %add3A_561 : i32 to index
      %swap3A_580 = arith.constant 16 : index
      %swap3A_581 = tpu.vector_load %arg8[%swap3A_579, %swap3A_580] {strides = array<i32>} : memref<512x32xf32, #tpu.memory_space<vmem>>, vector<1x16xf32>,
      %swap3A_582 = vector.shape_cast %swap3A_581 : vector<1x16xf32> to vector<16xf32>
      %swap3A_583 = vector.shape_cast %mul3A_578 : vector<16xf32> to vector<1x16xf32>
      tpu.vector_store %arg8[%swap3A_579, %swap3A_580], %swap3A_583 {strides = array<i32>} : memref<512x32xf32, #tpu.memory_space<vmem>>, vector<1x16xf32>,
      %mul3A_584 = arith.constant 8 : i32
      %mul3A_585 = arith.muli %scan3A_557, %mul3A_584 : i32
      %add3A_586 = arith.constant 1 : i32
      %add3A_587 = arith.addi %mul3A_585, %add3A_586 : i32
      %get3A_588 = arith.index_cast %add3A_587 : i32 to index
      %get3A_589 = arith.constant 0 : index
      %get3A_590 = tpu.vector_load %arg8[%get3A_588, %get3A_589] {strides = array<i32>} : memref<512x32xf32, #tpu.memory_space<vmem>>, vector<1x16xf32>,
      %get3A_591 = vector.shape_cast %get3A_590 : vector<1x16xf32> to vector<16xf32>
      %mul3A_592 = arith.constant 5.65685415 : f32
      %mul3A_593 = vector.broadcast %mul3A_592 : f32 to vector<16xf32>
      %mul3A_594 = arith.mulf %get3A_591, %mul3A_593 : vector<16xf32>
      %swap3A_595 = arith.index_cast %add3A_587 : i32 to index
      %swap3A_596 = arith.constant 0 : index
      %swap3A_597 = tpu.vector_load %arg8[%swap3A_595, %swap3A_596] {strides = array<i32>} : memref<512x32xf32, #tpu.memory_space<vmem>>, vector<1x16xf32>,
      %swap3A_598 = vector.shape_cast %swap3A_597 : vector<1x16xf32> to vector<16xf32>
      %swap3A_599 = vector.shape_cast %mul3A_594 : vector<16xf32> to vector<1x16xf32>
      tpu.vector_store %arg8[%swap3A_595, %swap3A_596], %swap3A_599 {strides = array<i32>} : memref<512x32xf32, #tpu.memory_space<vmem>>, vector<1x16xf32>,
      %get3A_600 = arith.index_cast %add3A_587 : i32 to index
      %get3A_601 = arith.constant 16 : index
      %get3A_602 = tpu.vector_load %arg8[%get3A_600, %get3A_601] {strides = array<i32>} : memref<512x32xf32, #tpu.memory_space<vmem>>, vector<1x16xf32>,
      %get3A_603 = vector.shape_cast %get3A_602 : vector<1x16xf32> to vector<16xf32>
      %mul3A_604 = arith.constant 5.65685415 : f32
      %mul3A_605 = vector.broadcast %mul3A_604 : f32 to vector<16xf32>
      %mul3A_606 = arith.mulf %get3A_603, %mul3A_605 : vector<16xf32>
      %swap3A_607 = arith.index_cast %add3A_587 : i32 to index
      %swap3A_608 = arith.constant 16 : index
      %swap3A_609 = tpu.vector_load %arg8[%swap3A_607, %swap3A_608] {strides = array<i32>} : memref<512x32xf32, #tpu.memory_space<vmem>>, vector<1x16xf32>,
      %swap3A_610 = vector.shape_cast %swap3A_609 : vector<1x16xf32> to vector<16xf32>
      %swap3A_611 = vector.shape_cast %mul3A_606 : vector<16xf32> to vector<1x16xf32>
      tpu.vector_store %arg8[%swap3A_607, %swap3A_608], %swap3A_611 {strides = array<i32>} : memref<512x32xf32, #tpu.memory_space<vmem>>, vector<1x16xf32>,
      %mul3A_612 = arith.constant 8 : i32
      %mul3A_613 = arith.muli %scan3A_557, %mul3A_612 : i32
      %add3A_614 = arith.constant 2 : i32
      %add3A_615 = arith.addi %mul3A_613, %add3A_614 : i32
      %get3A_616 = arith.index_cast %add3A_615 : i32 to index
      %get3A_617 = arith.constant 0 : index
      %get3A_618 = tpu.vector_load %arg8[%get3A_616, %get3A_617] {strides = array<i32>} : memref<512x32xf32, #tpu.memory_space<vmem>>, vector<1x16xf32>,
      %get3A_619 = vector.shape_cast %get3A_618 : vector<1x16xf32> to vector<16xf32>
      %mul3A_620 = arith.constant 5.65685415 : f32
      %mul3A_621 = vector.broadcast %mul3A_620 : f32 to vector<16xf32>
      %mul3A_622 = arith.mulf %get3A_619, %mul3A_621 : vector<16xf32>
      %swap3A_623 = arith.index_cast %add3A_615 : i32 to index
      %swap3A_624 = arith.constant 0 : index
      %swap3A_625 = tpu.vector_load %arg8[%swap3A_623, %swap3A_624] {strides = array<i32>} : memref<512x32xf32, #tpu.memory_space<vmem>>, vector<1x16xf32>,
      %swap3A_626 = vector.shape_cast %swap3A_625 : vector<1x16xf32> to vector<16xf32>
      %swap3A_627 = vector.shape_cast %mul3A_622 : vector<16xf32> to vector<1x16xf32>
      tpu.vector_store %arg8[%swap3A_623, %swap3A_624], %swap3A_627 {strides = array<i32>} : memref<512x32xf32, #tpu.memory_space<vmem>>, vector<1x16xf32>,
      %get3A_628 = arith.index_cast %add3A_615 : i32 to index
      %get3A_629 = arith.constant 16 : index
      %get3A_630 = tpu.vector_load %arg8[%get3A_628, %get3A_629] {strides = array<i32>} : memref<512x32xf32, #tpu.memory_space<vmem>>, vector<1x16xf32>,
      %get3A_631 = vector.shape_cast %get3A_630 : vector<1x16xf32> to vector<16xf32>
      %mul3A_632 = arith.constant 5.65685415 : f32
      %mul3A_633 = vector.broadcast %mul3A_632 : f32 to vector<16xf32>
      %mul3A_634 = arith.mulf %get3A_631, %mul3A_633 : vector<16xf32>
      %swap3A_635 = arith.index_cast %add3A_615 : i32 to index
      %swap3A_636 = arith.constant 16 : index
      %swap3A_637 = tpu.vector_load %arg8[%swap3A_635, %swap3A_636] {strides = array<i32>} : memref<512x32xf32, #tpu.memory_space<vmem>>, vector<1x16xf32>,
      %swap3A_638 = vector.shape_cast %swap3A_637 : vector<1x16xf32> to vector<16xf32>
      %swap3A_639 = vector.shape_cast %mul3A_634 : vector<16xf32> to vector<1x16xf32>
      tpu.vector_store %arg8[%swap3A_635, %swap3A_636], %swap3A_639 {strides = array<i32>} : memref<512x32xf32, #tpu.memory_space<vmem>>, vector<1x16xf32>,
      %mul3A_640 = arith.constant 8 : i32
      %mul3A_641 = arith.muli %scan3A_557, %mul3A_640 : i32
      %add3A_642 = arith.constant 3 : i32
      %add3A_643 = arith.addi %mul3A_641, %add3A_642 : i32
      %get3A_644 = arith.index_cast %add3A_643 : i32 to index
      %get3A_645 = arith.constant 0 : index
      %get3A_646 = tpu.vector_load %arg8[%get3A_644, %get3A_645] {strides = array<i32>} : memref<512x32xf32, #tpu.memory_space<vmem>>, vector<1x16xf32>,
      %get3A_647 = vector.shape_cast %get3A_646 : vector<1x16xf32> to vector<16xf32>
      %mul3A_648 = arith.constant 5.65685415 : f32
      %mul3A_649 = vector.broadcast %mul3A_648 : f32 to vector<16xf32>
      %mul3A_650 = arith.mulf %get3A_647, %mul3A_649 : vector<16xf32>
      %swap3A_651 = arith.index_cast %add3A_643 : i32 to index
      %swap3A_652 = arith.constant 0 : index
      %swap3A_653 = tpu.vector_load %arg8[%swap3A_651, %swap3A_652] {strides = array<i32>} : memref<512x32xf32, #tpu.memory_space<vmem>>, vector<1x16xf32>,
      %swap3A_654 = vector.shape_cast %swap3A_653 : vector<1x16xf32> to vector<16xf32>
      %swap3A_655 = vector.shape_cast %mul3A_650 : vector<16xf32> to vector<1x16xf32>
      tpu.vector_store %arg8[%swap3A_651, %swap3A_652], %swap3A_655 {strides = array<i32>} : memref<512x32xf32, #tpu.memory_space<vmem>>, vector<1x16xf32>,
      %get3A_656 = arith.index_cast %add3A_643 : i32 to index
      %get3A_657 = arith.constant 16 : index
      %get3A_658 = tpu.vector_load %arg8[%get3A_656, %get3A_657] {strides = array<i32>} : memref<512x32xf32, #tpu.memory_space<vmem>>, vector<1x16xf32>,
      %get3A_659 = vector.shape_cast %get3A_658 : vector<1x16xf32> to vector<16xf32>
      %mul3A_660 = arith.constant 5.65685415 : f32
      %mul3A_661 = vector.broadcast %mul3A_660 : f32 to vector<16xf32>
      %mul3A_662 = arith.mulf %get3A_659, %mul3A_661 : vector<16xf32>
      %swap3A_663 = arith.index_cast %add3A_643 : i32 to index
      %swap3A_664 = arith.constant 16 : index
      %swap3A_665 = tpu.vector_load %arg8[%swap3A_663, %swap3A_664] {strides = array<i32>} : memref<512x32xf32, #tpu.memory_space<vmem>>, vector<1x16xf32>,
      %swap3A_666 = vector.shape_cast %swap3A_665 : vector<1x16xf32> to vector<16xf32>
      %swap3A_667 = vector.shape_cast %mul3A_662 : vector<16xf32> to vector<1x16xf32>
      tpu.vector_store %arg8[%swap3A_663, %swap3A_664], %swap3A_667 {strides = array<i32>} : memref<512x32xf32, #tpu.memory_space<vmem>>, vector<1x16xf32>,
      %mul3A_668 = arith.constant 8 : i32
      %mul3A_669 = arith.muli %scan3A_557, %mul3A_668 : i32
      %add3A_670 = arith.constant 4 : i32
      %add3A_671 = arith.addi %mul3A_669, %add3A_670 : i32
      %get3A_672 = arith.index_cast %add3A_671 : i32 to index
      %get3A_673 = arith.constant 0 : index
      %get3A_674 = tpu.vector_load %arg8[%get3A_672, %get3A_673] {strides = array<i32>} : memref<512x32xf32, #tpu.memory_space<vmem>>, vector<1x16xf32>,
      %get3A_675 = vector.shape_cast %get3A_674 : vector<1x16xf32> to vector<16xf32>
      %mul3A_676 = arith.constant 5.65685415 : f32
      %mul3A_677 = vector.broadcast %mul3A_676 : f32 to vector<16xf32>
      %mul3A_678 = arith.mulf %get3A_675, %mul3A_677 : vector<16xf32>
      %swap3A_679 = arith.index_cast %add3A_671 : i32 to index
      %swap3A_680 = arith.constant 0 : index
      %swap3A_681 = tpu.vector_load %arg8[%swap3A_679, %swap3A_680] {strides = array<i32>} : memref<512x32xf32, #tpu.memory_space<vmem>>, vector<1x16xf32>,
      %swap3A_682 = vector.shape_cast %swap3A_681 : vector<1x16xf32> to vector<16xf32>
      %swap3A_683 = vector.shape_cast %mul3A_678 : vector<16xf32> to vector<1x16xf32>
      tpu.vector_store %arg8[%swap3A_679, %swap3A_680], %swap3A_683 {strides = array<i32>} : memref<512x32xf32, #tpu.memory_space<vmem>>, vector<1x16xf32>,
      %get3A_684 = arith.index_cast %add3A_671 : i32 to index
      %get3A_685 = arith.constant 16 : index
      %get3A_686 = tpu.vector_load %arg8[%get3A_684, %get3A_685] {strides = array<i32>} : memref<512x32xf32, #tpu.memory_space<vmem>>, vector<1x16xf32>,
      %get3A_687 = vector.shape_cast %get3A_686 : vector<1x16xf32> to vector<16xf32>
      %mul3A_688 = arith.constant 5.65685415 : f32
      %mul3A_689 = vector.broadcast %mul3A_688 : f32 to vector<16xf32>
      %mul3A_690 = arith.mulf %get3A_687, %mul3A_689 : vector<16xf32>
      %swap3A_691 = arith.index_cast %add3A_671 : i32 to index
      %swap3A_692 = arith.constant 16 : index
      %swap3A_693 = tpu.vector_load %arg8[%swap3A_691, %swap3A_692] {strides = array<i32>} : memref<512x32xf32, #tpu.memory_space<vmem>>, vector<1x16xf32>,
      %swap3A_694 = vector.shape_cast %swap3A_693 : vector<1x16xf32> to vector<16xf32>
      %swap3A_695 = vector.shape_cast %mul3A_690 : vector<16xf32> to vector<1x16xf32>
      tpu.vector_store %arg8[%swap3A_691, %swap3A_692], %swap3A_695 {strides = array<i32>} : memref<512x32xf32, #tpu.memory_space<vmem>>, vector<1x16xf32>,
      %mul3A_696 = arith.constant 8 : i32
      %mul3A_697 = arith.muli %scan3A_557, %mul3A_696 : i32
      %add3A_698 = arith.constant 5 : i32
      %add3A_699 = arith.addi %mul3A_697, %add3A_698 : i32
      %get3A_700 = arith.index_cast %add3A_699 : i32 to index
      %get3A_701 = arith.constant 0 : index
      %get3A_702 = tpu.vector_load %arg8[%get3A_700, %get3A_701] {strides = array<i32>} : memref<512x32xf32, #tpu.memory_space<vmem>>, vector<1x16xf32>,
      %get3A_703 = vector.shape_cast %get3A_702 : vector<1x16xf32> to vector<16xf32>
      %mul3A_704 = arith.constant 5.65685415 : f32
      %mul3A_705 = vector.broadcast %mul3A_704 : f32 to vector<16xf32>
      %mul3A_706 = arith.mulf %get3A_703, %mul3A_705 : vector<16xf32>
      %swap3A_707 = arith.index_cast %add3A_699 : i32 to index
      %swap3A_708 = arith.constant 0 : index
      %swap3A_709 = tpu.vector_load %arg8[%swap3A_707, %swap3A_708] {strides = array<i32>} : memref<512x32xf32, #tpu.memory_space<vmem>>, vector<1x16xf32>,
      %swap3A_710 = vector.shape_cast %swap3A_709 : vector<1x16xf32> to vector<16xf32>
      %swap3A_711 = vector.shape_cast %mul3A_706 : vector<16xf32> to vector<1x16xf32>
      tpu.vector_store %arg8[%swap3A_707, %swap3A_708], %swap3A_711 {strides = array<i32>} : memref<512x32xf32, #tpu.memory_space<vmem>>, vector<1x16xf32>,
      %get3A_712 = arith.index_cast %add3A_699 : i32 to index
      %get3A_713 = arith.constant 16 : index
      %get3A_714 = tpu.vector_load %arg8[%get3A_712, %get3A_713] {strides = array<i32>} : memref<512x32xf32, #tpu.memory_space<vmem>>, vector<1x16xf32>,
      %get3A_715 = vector.shape_cast %get3A_714 : vector<1x16xf32> to vector<16xf32>
      %mul3A_716 = arith.constant 5.65685415 : f32
      %mul3A_717 = vector.broadcast %mul3A_716 : f32 to vector<16xf32>
      %mul3A_718 = arith.mulf %get3A_715, %mul3A_717 : vector<16xf32>
      %swap3A_719 = arith.index_cast %add3A_699 : i32 to index
      %swap3A_720 = arith.constant 16 : index
      %swap3A_721 = tpu.vector_load %arg8[%swap3A_719, %swap3A_720] {strides = array<i32>} : memref<512x32xf32, #tpu.memory_space<vmem>>, vector<1x16xf32>,
      %swap3A_722 = vector.shape_cast %swap3A_721 : vector<1x16xf32> to vector<16xf32>
      %swap3A_723 = vector.shape_cast %mul3A_718 : vector<16xf32> to vector<1x16xf32>
      tpu.vector_store %arg8[%swap3A_719, %swap3A_720], %swap3A_723 {strides = array<i32>} : memref<512x32xf32, #tpu.memory_space<vmem>>, vector<1x16xf32>,
      %mul3A_724 = arith.constant 8 : i32
      %mul3A_725 = arith.muli %scan3A_557, %mul3A_724 : i32
      %add3A_726 = arith.constant 6 : i32
      %add3A_727 = arith.addi %mul3A_725, %add3A_726 : i32
      %get3A_728 = arith.index_cast %add3A_727 : i32 to index
      %get3A_729 = arith.constant 0 : index
      %get3A_730 = tpu.vector_load %arg8[%get3A_728, %get3A_729] {strides = array<i32>} : memref<512x32xf32, #tpu.memory_space<vmem>>, vector<1x16xf32>,
      %get3A_731 = vector.shape_cast %get3A_730 : vector<1x16xf32> to vector<16xf32>
      %mul3A_732 = arith.constant 5.65685415 : f32
      %mul3A_733 = vector.broadcast %mul3A_732 : f32 to vector<16xf32>
      %mul3A_734 = arith.mulf %get3A_731, %mul3A_733 : vector<16xf32>
      %swap3A_735 = arith.index_cast %add3A_727 : i32 to index
      %swap3A_736 = arith.constant 0 : index
      %swap3A_737 = tpu.vector_load %arg8[%swap3A_735, %swap3A_736] {strides = array<i32>} : memref<512x32xf32, #tpu.memory_space<vmem>>, vector<1x16xf32>,
      %swap3A_738 = vector.shape_cast %swap3A_737 : vector<1x16xf32> to vector<16xf32>
      %swap3A_739 = vector.shape_cast %mul3A_734 : vector<16xf32> to vector<1x16xf32>
      tpu.vector_store %arg8[%swap3A_735, %swap3A_736], %swap3A_739 {strides = array<i32>} : memref<512x32xf32, #tpu.memory_space<vmem>>, vector<1x16xf32>,
      %get3A_740 = arith.index_cast %add3A_727 : i32 to index
      %get3A_741 = arith.constant 16 : index
      %get3A_742 = tpu.vector_load %arg8[%get3A_740, %get3A_741] {strides = array<i32>} : memref<512x32xf32, #tpu.memory_space<vmem>>, vector<1x16xf32>,
      %get3A_743 = vector.shape_cast %get3A_742 : vector<1x16xf32> to vector<16xf32>
      %mul3A_744 = arith.constant 5.65685415 : f32
      %mul3A_745 = vector.broadcast %mul3A_744 : f32 to vector<16xf32>
      %mul3A_746 = arith.mulf %get3A_743, %mul3A_745 : vector<16xf32>
      %swap3A_747 = arith.index_cast %add3A_727 : i32 to index
      %swap3A_748 = arith.constant 16 : index
      %swap3A_749 = tpu.vector_load %arg8[%swap3A_747, %swap3A_748] {strides = array<i32>} : memref<512x32xf32, #tpu.memory_space<vmem>>, vector<1x16xf32>,
      %swap3A_750 = vector.shape_cast %swap3A_749 : vector<1x16xf32> to vector<16xf32>
      %swap3A_751 = vector.shape_cast %mul3A_746 : vector<16xf32> to vector<1x16xf32>
      tpu.vector_store %arg8[%swap3A_747, %swap3A_748], %swap3A_751 {strides = array<i32>} : memref<512x32xf32, #tpu.memory_space<vmem>>, vector<1x16xf32>,
      %mul3A_752 = arith.constant 8 : i32
      %mul3A_753 = arith.muli %scan3A_557, %mul3A_752 : i32
      %add3A_754 = arith.constant 7 : i32
      %add3A_755 = arith.addi %mul3A_753, %add3A_754 : i32
      %get3A_756 = arith.index_cast %add3A_755 : i32 to index
      %get3A_757 = arith.constant 0 : index
      %get3A_758 = tpu.vector_load %arg8[%get3A_756, %get3A_757] {strides = array<i32>} : memref<512x32xf32, #tpu.memory_space<vmem>>, vector<1x16xf32>,
      %get3A_759 = vector.shape_cast %get3A_758 : vector<1x16xf32> to vector<16xf32>
      %mul3A_760 = arith.constant 5.65685415 : f32
      %mul3A_761 = vector.broadcast %mul3A_760 : f32 to vector<16xf32>
      %mul3A_762 = arith.mulf %get3A_759, %mul3A_761 : vector<16xf32>
      %swap3A_763 = arith.index_cast %add3A_755 : i32 to index
      %swap3A_764 = arith.constant 0 : index
      %swap3A_765 = tpu.vector_load %arg8[%swap3A_763, %swap3A_764] {strides = array<i32>} : memref<512x32xf32, #tpu.memory_space<vmem>>, vector<1x16xf32>,
      %swap3A_766 = vector.shape_cast %swap3A_765 : vector<1x16xf32> to vector<16xf32>
      %swap3A_767 = vector.shape_cast %mul3A_762 : vector<16xf32> to vector<1x16xf32>
      tpu.vector_store %arg8[%swap3A_763, %swap3A_764], %swap3A_767 {strides = array<i32>} : memref<512x32xf32, #tpu.memory_space<vmem>>, vector<1x16xf32>,
      %get3A_768 = arith.index_cast %add3A_755 : i32 to index
      %get3A_769 = arith.constant 16 : index
      %get3A_770 = tpu.vector_load %arg8[%get3A_768, %get3A_769] {strides = array<i32>} : memref<512x32xf32, #tpu.memory_space<vmem>>, vector<1x16xf32>,
      %get3A_771 = vector.shape_cast %get3A_770 : vector<1x16xf32> to vector<16xf32>
      %mul3A_772 = arith.constant 5.65685415 : f32
      %mul3A_773 = vector.broadcast %mul3A_772 : f32 to vector<16xf32>
      %mul3A_774 = arith.mulf %get3A_771, %mul3A_773 : vector<16xf32>
      %swap3A_775 = arith.index_cast %add3A_755 : i32 to index
      %swap3A_776 = arith.constant 16 : index
      %swap3A_777 = tpu.vector_load %arg8[%swap3A_775, %swap3A_776] {strides = array<i32>} : memref<512x32xf32, #tpu.memory_space<vmem>>, vector<1x16xf32>,
      %swap3A_778 = vector.shape_cast %swap3A_777 : vector<1x16xf32> to vector<16xf32>
      %swap3A_779 = vector.shape_cast %mul3A_774 : vector<16xf32> to vector<1x16xf32>
      tpu.vector_store %arg8[%swap3A_775, %swap3A_776], %swap3A_779 {strides = array<i32>} : memref<512x32xf32, #tpu.memory_space<vmem>>, vector<1x16xf32>,
    }
    %scan3A_357 = arith.constant 64 : i32
    %dma_start3A_358 = arith.constant 2 : i32
    %dma_start3A_359 = arith.constant 0 : i32
    %dma_start3A_360 = tpu.memref_slice %arg4[%mul3A_2, %dma_start3A_358, %dma_start3A_359] : memref<16384x50x32xf32, #tpu.memory_space<hbm>> -> memref<512x1x32xf32, #tpu.memory_space<hbm>>
    %dma_start3A_361 = tpu.memref_squeeze %dma_start3A_360 : memref<512x1x32xf32, #tpu.memory_space<hbm>> -> memref<512x32xf32, #tpu.memory_space<hbm>>
    %dma_start3A_362 = arith.constant 0 : i32
    %dma_start3A_363 = tpu.memref_slice %arg4[%mul3A_2, %dma_start3A_358, %dma_start3A_362] : memref<16384x50x32xf32, #tpu.memory_space<hbm>> -> memref<512x1x32xf32, #tpu.memory_space<hbm>>
    %dma_start3A_364 = tpu.memref_squeeze %dma_start3A_363 : memref<512x1x32xf32, #tpu.memory_space<hbm>> -> memref<512x32xf32, #tpu.memory_space<hbm>>
    tpu.enqueue_dma source(%arg8 : memref<512x32xf32, #tpu.memory_space<vmem>>) target(%dma_start3A_364 : memref<512x32xf32, #tpu.memory_space<hbm>>) target_semaphore(%arg14 : memref<!tpu.dma_semaphore, #tpu.memory_space<semaphore_mem>>)
    %dma_wait3A_365 = arith.constant 0 : i32
    %dma_wait3A_366 = arith.constant 0 : i32
    %dma_wait3A_367 = tpu.memref_slice %arg4[%mul3A_2, %dma_wait3A_365, %dma_wait3A_366] : memref<16384x50x32xf32, #tpu.memory_space<hbm>> -> memref<512x1x32xf32, #tpu.memory_space<hbm>>
    %dma_wait3A_368 = tpu.memref_squeeze %dma_wait3A_367 : memref<512x1x32xf32, #tpu.memory_space<hbm>> -> memref<512x32xf32, #tpu.memory_space<hbm>>
    %dma_wait3A_369 = arith.constant 0 : i32
    %dma_wait3A_370 = tpu.memref_slice %arg4[%mul3A_2, %dma_wait3A_365, %dma_wait3A_369] : memref<16384x50x32xf32, #tpu.memory_space<hbm>> -> memref<512x1x32xf32, #tpu.memory_space<hbm>>
    %dma_wait3A_371 = tpu.memref_squeeze %dma_wait3A_370 : memref<512x1x32xf32, #tpu.memory_space<hbm>> -> memref<512x32xf32, #tpu.memory_space<hbm>>
    tpu.wait_dma2 semaphore(%arg13 : memref<!tpu.dma_semaphore, #tpu.memory_space<semaphore_mem>>) src(%arg7 : memref<512x32xf32, #tpu.memory_space<vmem>>) dst(%dma_wait3A_371 : memref<512x32xf32, #tpu.memory_space<hbm>>)
    %dma_start3A_372 = arith.constant 4 : i32
    %dma_start3A_373 = arith.constant 0 : i32
    %dma_start3A_374 = arith.constant 0 : i32
    %dma_start3A_375 = arith.constant 0 : i32
    %dma_start3A_376 = tpu.memref_slice %arg7[%dma_start3A_374, %dma_start3A_375] : memref<512x32xf32, #tpu.memory_space<vmem>> -> memref<128x32xf32, #tpu.memory_space<vmem>>
    %dma_start3A_377 = arith.constant 0 : i32
    %dma_start3A_378 = tpu.memref_slice %arg5[%dma_start3A_372, %dma_start3A_373, %dma_start3A_377] : memref<50x4x128xi32, #tpu.memory_space<vmem>> -> memref<1x1x128xi32, #tpu.memory_space<vmem>>
    %dma_start3A_379 = tpu.memref_squeeze %dma_start3A_378 : memref<1x1x128xi32, #tpu.memory_space<vmem>> -> memref<128xi32, #tpu.memory_space<vmem>>
    %dma_start3A_380 = arith.constant 0 : i32
    %dma_start3A_381 = arith.constant 0 : i32
    %dma_start3A_382 = tpu.memref_slice %arg3[%dma_start3A_380, %dma_start3A_381] : memref<1000000x32xf32, #tpu.memory_space<hbm>> -> memref<1000000x32xf32, #tpu.memory_space<hbm>>
    tpu.enqueue_indirect_dma source(%dma_start3A_382 : memref<1000000x32xf32, #tpu.memory_space<hbm>>) target(%dma_start3A_376 : memref<128x32xf32, #tpu.memory_space<vmem>>) offsets(%dma_start3A_379 : memref<128xi32, #tpu.memory_space<vmem>>) semaphore(%arg10 : memref<!tpu.dma_semaphore, #tpu.memory_space<semaphore_mem>>)
    %dma_start3A_383 = arith.constant 4 : i32
    %dma_start3A_384 = arith.constant 1 : i32
    %dma_start3A_385 = arith.constant 128 : i32
    %dma_start3A_386 = arith.constant 0 : i32
    %dma_start3A_387 = tpu.memref_slice %arg7[%dma_start3A_385, %dma_start3A_386] : memref<512x32xf32, #tpu.memory_space<vmem>> -> memref<128x32xf32, #tpu.memory_space<vmem>>
    %dma_start3A_388 = arith.constant 0 : i32
    %dma_start3A_389 = tpu.memref_slice %arg5[%dma_start3A_383, %dma_start3A_384, %dma_start3A_388] : memref<50x4x128xi32, #tpu.memory_space<vmem>> -> memref<1x1x128xi32, #tpu.memory_space<vmem>>
    %dma_start3A_390 = tpu.memref_squeeze %dma_start3A_389 : memref<1x1x128xi32, #tpu.memory_space<vmem>> -> memref<128xi32, #tpu.memory_space<vmem>>
    %dma_start3A_391 = arith.constant 0 : i32
    %dma_start3A_392 = arith.constant 0 : i32
    %dma_start3A_393 = tpu.memref_slice %arg3[%dma_start3A_391, %dma_start3A_392] : memref<1000000x32xf32, #tpu.memory_space<hbm>> -> memref<1000000x32xf32, #tpu.memory_space<hbm>>
    tpu.enqueue_indirect_dma source(%dma_start3A_393 : memref<1000000x32xf32, #tpu.memory_space<hbm>>) target(%dma_start3A_387 : memref<128x32xf32, #tpu.memory_space<vmem>>) offsets(%dma_start3A_390 : memref<128xi32, #tpu.memory_space<vmem>>) semaphore(%arg10 : memref<!tpu.dma_semaphore, #tpu.memory_space<semaphore_mem>>)
    %dma_start3A_394 = arith.constant 4 : i32
    %dma_start3A_395 = arith.constant 2 : i32
    %dma_start3A_396 = arith.constant 256 : i32
    %dma_start3A_397 = arith.constant 0 : i32
    %dma_start3A_398 = tpu.memref_slice %arg7[%dma_start3A_396, %dma_start3A_397] : memref<512x32xf32, #tpu.memory_space<vmem>> -> memref<128x32xf32, #tpu.memory_space<vmem>>
    %dma_start3A_399 = arith.constant 0 : i32
    %dma_start3A_400 = tpu.memref_slice %arg5[%dma_start3A_394, %dma_start3A_395, %dma_start3A_399] : memref<50x4x128xi32, #tpu.memory_space<vmem>> -> memref<1x1x128xi32, #tpu.memory_space<vmem>>
    %dma_start3A_401 = tpu.memref_squeeze %dma_start3A_400 : memref<1x1x128xi32, #tpu.memory_space<vmem>> -> memref<128xi32, #tpu.memory_space<vmem>>
    %dma_start3A_402 = arith.constant 0 : i32
    %dma_start3A_403 = arith.constant 0 : i32
    %dma_start3A_404 = tpu.memref_slice %arg3[%dma_start3A_402, %dma_start3A_403] : memref<1000000x32xf32, #tpu.memory_space<hbm>> -> memref<1000000x32xf32, #tpu.memory_space<hbm>>
    tpu.enqueue_indirect_dma source(%dma_start3A_404 : memref<1000000x32xf32, #tpu.memory_space<hbm>>) target(%dma_start3A_398 : memref<128x32xf32, #tpu.memory_space<vmem>>) offsets(%dma_start3A_401 : memref<128xi32, #tpu.memory_space<vmem>>) semaphore(%arg10 : memref<!tpu.dma_semaphore, #tpu.memory_space<semaphore_mem>>)
    %dma_start3A_405 = arith.constant 4 : i32
    %dma_start3A_406 = arith.constant 3 : i32
    %dma_start3A_407 = arith.constant 384 : i32
    %dma_start3A_408 = arith.constant 0 : i32
    %dma_start3A_409 = tpu.memref_slice %arg7[%dma_start3A_407, %dma_start3A_408] : memref<512x32xf32, #tpu.memory_space<vmem>> -> memref<128x32xf32, #tpu.memory_space<vmem>>
    %dma_start3A_410 = arith.constant 0 : i32
    %dma_start3A_411 = tpu.memref_slice %arg5[%dma_start3A_405, %dma_start3A_406, %dma_start3A_410] : memref<50x4x128xi32, #tpu.memory_space<vmem>> -> memref<1x1x128xi32, #tpu.memory_space<vmem>>
    %dma_start3A_412 = tpu.memref_squeeze %dma_start3A_411 : memref<1x1x128xi32, #tpu.memory_space<vmem>> -> memref<128xi32, #tpu.memory_space<vmem>>
    %dma_start3A_413 = arith.constant 0 : i32
    %dma_start3A_414 = arith.constant 0 : i32
    %dma_start3A_415 = tpu.memref_slice %arg3[%dma_start3A_413, %dma_start3A_414] : memref<1000000x32xf32, #tpu.memory_space<hbm>> -> memref<1000000x32xf32, #tpu.memory_space<hbm>>
    tpu.enqueue_indirect_dma source(%dma_start3A_415 : memref<1000000x32xf32, #tpu.memory_space<hbm>>) target(%dma_start3A_409 : memref<128x32xf32, #tpu.memory_space<vmem>>) offsets(%dma_start3A_412 : memref<128xi32, #tpu.memory_space<vmem>>) semaphore(%arg10 : memref<!tpu.dma_semaphore, #tpu.memory_space<semaphore_mem>>)
    %scan3A_416 = arith.constant 0 : i32
    %scan3A_417 = arith.constant 1 : i32
    %scan3A_418 = arith.constant 15 : i32
    %scan3A_419 = arith.addi %scan3A_417, %scan3A_418 : i32
    %scan3A_420 = arith.constant 1 : i32
    scf.for %scan3A_557 = %scan3A_417 to %scan3A_419 step %scan3A_420  : i32 {
      %mul3A_558 = arith.constant 3 : i32
      %mul3A_559 = arith.muli %scan3A_557, %mul3A_558 : i32
      %add3A_560 = arith.constant 0 : i32
      %add3A_561 = arith.addi %mul3A_559, %add3A_560 : i32
      %dma_wait3A_562 = arith.constant 0 : i32
      %dma_wait3A_563 = arith.constant 0 : i32
      %dma_wait3A_564 = arith.constant 0 : i32
      %dma_wait3A_565 = arith.constant 0 : i32
      %dma_wait3A_566 = tpu.memref_slice %arg6[%dma_wait3A_564, %dma_wait3A_565] : memref<512x32xf32, #tpu.memory_space<vmem>> -> memref<128x32xf32, #tpu.memory_space<vmem>>
      %dma_wait3A_567 = arith.constant 0 : i32
      %dma_wait3A_568 = tpu.memref_slice %arg5[%dma_wait3A_562, %dma_wait3A_563, %dma_wait3A_567] : memref<50x4x128xi32, #tpu.memory_space<vmem>> -> memref<1x1x128xi32, #tpu.memory_space<vmem>>
      %dma_wait3A_569 = tpu.memref_squeeze %dma_wait3A_568 : memref<1x1x128xi32, #tpu.memory_space<vmem>> -> memref<128xi32, #tpu.memory_space<vmem>>
      %dma_wait3A_570 = arith.constant 0 : i32
      %dma_wait3A_571 = arith.constant 0 : i32
      %dma_wait3A_572 = tpu.memref_slice %arg3[%dma_wait3A_570, %dma_wait3A_571] : memref<1000000x32xf32, #tpu.memory_space<hbm>> -> memref<1000000x32xf32, #tpu.memory_space<hbm>>
      tpu.wait_indirect_dma semaphore(%arg9 : memref<!tpu.dma_semaphore, #tpu.memory_space<semaphore_mem>>) src(%dma_wait3A_572 : memref<1000000x32xf32, #tpu.memory_space<hbm>>) dst(%dma_wait3A_566 : memref<128x32xf32, #tpu.memory_space<vmem>>)
      %dma_wait3A_573 = arith.constant 0 : i32
      %dma_wait3A_574 = arith.constant 1 : i32
      %dma_wait3A_575 = arith.constant 128 : i32
      %dma_wait3A_576 = arith.constant 0 : i32
      %dma_wait3A_577 = tpu.memref_slice %arg6[%dma_wait3A_575, %dma_wait3A_576] : memref<512x32xf32, #tpu.memory_space<vmem>> -> memref<128x32xf32, #tpu.memory_space<vmem>>
      %dma_wait3A_578 = arith.constant 0 : i32
      %dma_wait3A_579 = tpu.memref_slice %arg5[%dma_wait3A_573, %dma_wait3A_574, %dma_wait3A_578] : memref<50x4x128xi32, #tpu.memory_space<vmem>> -> memref<1x1x128xi32, #tpu.memory_space<vmem>>
      %dma_wait3A_580 = tpu.memref_squeeze %dma_wait3A_579 : memref<1x1x128xi32, #tpu.memory_space<vmem>> -> memref<128xi32, #tpu.memory_space<vmem>>
      %dma_wait3A_581 = arith.constant 0 : i32
      %dma_wait3A_582 = arith.constant 0 : i32
      %dma_wait3A_583 = tpu.memref_slice %arg3[%dma_wait3A_581, %dma_wait3A_582] : memref<1000000x32xf32, #tpu.memory_space<hbm>> -> memref<1000000x32xf32, #tpu.memory_space<hbm>>
      tpu.wait_indirect_dma semaphore(%arg9 : memref<!tpu.dma_semaphore, #tpu.memory_space<semaphore_mem>>) src(%dma_wait3A_583 : memref<1000000x32xf32, #tpu.memory_space<hbm>>) dst(%dma_wait3A_577 : memref<128x32xf32, #tpu.memory_space<vmem>>)
      %dma_wait3A_584 = arith.constant 0 : i32
      %dma_wait3A_585 = arith.constant 2 : i32
      %dma_wait3A_586 = arith.constant 256 : i32
      %dma_wait3A_587 = arith.constant 0 : i32
      %dma_wait3A_588 = tpu.memref_slice %arg6[%dma_wait3A_586, %dma_wait3A_587] : memref<512x32xf32, #tpu.memory_space<vmem>> -> memref<128x32xf32, #tpu.memory_space<vmem>>
      %dma_wait3A_589 = arith.constant 0 : i32
      %dma_wait3A_590 = tpu.memref_slice %arg5[%dma_wait3A_584, %dma_wait3A_585, %dma_wait3A_589] : memref<50x4x128xi32, #tpu.memory_space<vmem>> -> memref<1x1x128xi32, #tpu.memory_space<vmem>>
      %dma_wait3A_591 = tpu.memref_squeeze %dma_wait3A_590 : memref<1x1x128xi32, #tpu.memory_space<vmem>> -> memref<128xi32, #tpu.memory_space<vmem>>
      %dma_wait3A_592 = arith.constant 0 : i32
      %dma_wait3A_593 = arith.constant 0 : i32
      %dma_wait3A_594 = tpu.memref_slice %arg3[%dma_wait3A_592, %dma_wait3A_593] : memref<1000000x32xf32, #tpu.memory_space<hbm>> -> memref<1000000x32xf32, #tpu.memory_space<hbm>>
      tpu.wait_indirect_dma semaphore(%arg9 : memref<!tpu.dma_semaphore, #tpu.memory_space<semaphore_mem>>) src(%dma_wait3A_594 : memref<1000000x32xf32, #tpu.memory_space<hbm>>) dst(%dma_wait3A_588 : memref<128x32xf32, #tpu.memory_space<vmem>>)
      %dma_wait3A_595 = arith.constant 0 : i32
      %dma_wait3A_596 = arith.constant 3 : i32
      %dma_wait3A_597 = arith.constant 384 : i32
      %dma_wait3A_598 = arith.constant 0 : i32
      %dma_wait3A_599 = tpu.memref_slice %arg6[%dma_wait3A_597, %dma_wait3A_598] : memref<512x32xf32, #tpu.memory_space<vmem>> -> memref<128x32xf32, #tpu.memory_space<vmem>>
      %dma_wait3A_600 = arith.constant 0 : i32
      %dma_wait3A_601 = tpu.memref_slice %arg5[%dma_wait3A_595, %dma_wait3A_596, %dma_wait3A_600] : memref<50x4x128xi32, #tpu.memory_space<vmem>> -> memref<1x1x128xi32, #tpu.memory_space<vmem>>
      %dma_wait3A_602 = tpu.memref_squeeze %dma_wait3A_601 : memref<1x1x128xi32, #tpu.memory_space<vmem>> -> memref<128xi32, #tpu.memory_space<vmem>>
      %dma_wait3A_603 = arith.constant 0 : i32
      %dma_wait3A_604 = arith.constant 0 : i32
      %dma_wait3A_605 = tpu.memref_slice %arg3[%dma_wait3A_603, %dma_wait3A_604] : memref<1000000x32xf32, #tpu.memory_space<hbm>> -> memref<1000000x32xf32, #tpu.memory_space<hbm>>
      tpu.wait_indirect_dma semaphore(%arg9 : memref<!tpu.dma_semaphore, #tpu.memory_space<semaphore_mem>>) src(%dma_wait3A_605 : memref<1000000x32xf32, #tpu.memory_space<hbm>>) dst(%dma_wait3A_599 : memref<128x32xf32, #tpu.memory_space<vmem>>)
      %scan3A_606 = arith.constant 0 : i32
      %scan3A_607 = arith.constant 0 : i32
      %scan3A_608 = arith.constant 64 : i32
      %scan3A_609 = arith.addi %scan3A_607, %scan3A_608 : i32
      %scan3A_610 = arith.constant 1 : i32
      scf.for %scan3A_885 = %scan3A_607 to %scan3A_609 step %scan3A_610  : i32 {
        %mul3A_886 = arith.constant 8 : i32
        %mul3A_887 = arith.muli %scan3A_885, %mul3A_886 : i32
        %add3A_888 = arith.constant 0 : i32
        %add3A_889 = arith.addi %mul3A_887, %add3A_888 : i32
        %get3A = arith.index_cast %add3A_889 : i32 to index
        %get3A_890 = arith.constant 0 : index
        %get3A_891 = tpu.vector_load %arg6[%get3A, %get3A_890] {strides = array<i32>} : memref<512x32xf32, #tpu.memory_space<vmem>>, vector<1x16xf32>,
        %get3A_892 = vector.shape_cast %get3A_891 : vector<1x16xf32> to vector<16xf32>
        %mul3A_893 = arith.constant 5.65685415 : f32
        %mul3A_894 = vector.broadcast %mul3A_893 : f32 to vector<16xf32>
        %mul3A_895 = arith.mulf %get3A_892, %mul3A_894 : vector<16xf32>
        %swap3A = arith.index_cast %add3A_889 : i32 to index
        %swap3A_896 = arith.constant 0 : index
        %swap3A_897 = tpu.vector_load %arg6[%swap3A, %swap3A_896] {strides = array<i32>} : memref<512x32xf32, #tpu.memory_space<vmem>>, vector<1x16xf32>,
        %swap3A_898 = vector.shape_cast %swap3A_897 : vector<1x16xf32> to vector<16xf32>
        %swap3A_899 = vector.shape_cast %mul3A_895 : vector<16xf32> to vector<1x16xf32>
        tpu.vector_store %arg6[%swap3A, %swap3A_896], %swap3A_899 {strides = array<i32>} : memref<512x32xf32, #tpu.memory_space<vmem>>, vector<1x16xf32>,
        %get3A_900 = arith.index_cast %add3A_889 : i32 to index
        %get3A_901 = arith.constant 16 : index
        %get3A_902 = tpu.vector_load %arg6[%get3A_900, %get3A_901] {strides = array<i32>} : memref<512x32xf32, #tpu.memory_space<vmem>>, vector<1x16xf32>,
        %get3A_903 = vector.shape_cast %get3A_902 : vector<1x16xf32> to vector<16xf32>
        %mul3A_904 = arith.constant 5.65685415 : f32
        %mul3A_905 = vector.broadcast %mul3A_904 : f32 to vector<16xf32>
        %mul3A_906 = arith.mulf %get3A_903, %mul3A_905 : vector<16xf32>
        %swap3A_907 = arith.index_cast %add3A_889 : i32 to index
        %swap3A_908 = arith.constant 16 : index
        %swap3A_909 = tpu.vector_load %arg6[%swap3A_907, %swap3A_908] {strides = array<i32>} : memref<512x32xf32, #tpu.memory_space<vmem>>, vector<1x16xf32>,
        %swap3A_910 = vector.shape_cast %swap3A_909 : vector<1x16xf32> to vector<16xf32>
        %swap3A_911 = vector.shape_cast %mul3A_906 : vector<16xf32> to vector<1x16xf32>
        tpu.vector_store %arg6[%swap3A_907, %swap3A_908], %swap3A_911 {strides = array<i32>} : memref<512x32xf32, #tpu.memory_space<vmem>>, vector<1x16xf32>,
        %mul3A_912 = arith.constant 8 : i32
        %mul3A_913 = arith.muli %scan3A_885, %mul3A_912 : i32
        %add3A_914 = arith.constant 1 : i32
        %add3A_915 = arith.addi %mul3A_913, %add3A_914 : i32
        %get3A_916 = arith.index_cast %add3A_915 : i32 to index
        %get3A_917 = arith.constant 0 : index
        %get3A_918 = tpu.vector_load %arg6[%get3A_916, %get3A_917] {strides = array<i32>} : memref<512x32xf32, #tpu.memory_space<vmem>>, vector<1x16xf32>,
        %get3A_919 = vector.shape_cast %get3A_918 : vector<1x16xf32> to vector<16xf32>
        %mul3A_920 = arith.constant 5.65685415 : f32
        %mul3A_921 = vector.broadcast %mul3A_920 : f32 to vector<16xf32>
        %mul3A_922 = arith.mulf %get3A_919, %mul3A_921 : vector<16xf32>
        %swap3A_923 = arith.index_cast %add3A_915 : i32 to index
        %swap3A_924 = arith.constant 0 : index
        %swap3A_925 = tpu.vector_load %arg6[%swap3A_923, %swap3A_924] {strides = array<i32>} : memref<512x32xf32, #tpu.memory_space<vmem>>, vector<1x16xf32>,
        %swap3A_926 = vector.shape_cast %swap3A_925 : vector<1x16xf32> to vector<16xf32>
        %swap3A_927 = vector.shape_cast %mul3A_922 : vector<16xf32> to vector<1x16xf32>
        tpu.vector_store %arg6[%swap3A_923, %swap3A_924], %swap3A_927 {strides = array<i32>} : memref<512x32xf32, #tpu.memory_space<vmem>>, vector<1x16xf32>,
        %get3A_928 = arith.index_cast %add3A_915 : i32 to index
        %get3A_929 = arith.constant 16 : index
        %get3A_930 = tpu.vector_load %arg6[%get3A_928, %get3A_929] {strides = array<i32>} : memref<512x32xf32, #tpu.memory_space<vmem>>, vector<1x16xf32>,
        %get3A_931 = vector.shape_cast %get3A_930 : vector<1x16xf32> to vector<16xf32>
        %mul3A_932 = arith.constant 5.65685415 : f32
        %mul3A_933 = vector.broadcast %mul3A_932 : f32 to vector<16xf32>
        %mul3A_934 = arith.mulf %get3A_931, %mul3A_933 : vector<16xf32>
        %swap3A_935 = arith.index_cast %add3A_915 : i32 to index
        %swap3A_936 = arith.constant 16 : index
        %swap3A_937 = tpu.vector_load %arg6[%swap3A_935, %swap3A_936] {strides = array<i32>} : memref<512x32xf32, #tpu.memory_space<vmem>>, vector<1x16xf32>,
        %swap3A_938 = vector.shape_cast %swap3A_937 : vector<1x16xf32> to vector<16xf32>
        %swap3A_939 = vector.shape_cast %mul3A_934 : vector<16xf32> to vector<1x16xf32>
        tpu.vector_store %arg6[%swap3A_935, %swap3A_936], %swap3A_939 {strides = array<i32>} : memref<512x32xf32, #tpu.memory_space<vmem>>, vector<1x16xf32>,
        %mul3A_940 = arith.constant 8 : i32
        %mul3A_941 = arith.muli %scan3A_885, %mul3A_940 : i32
        %add3A_942 = arith.constant 2 : i32
        %add3A_943 = arith.addi %mul3A_941, %add3A_942 : i32
        %get3A_944 = arith.index_cast %add3A_943 : i32 to index
        %get3A_945 = arith.constant 0 : index
        %get3A_946 = tpu.vector_load %arg6[%get3A_944, %get3A_945] {strides = array<i32>} : memref<512x32xf32, #tpu.memory_space<vmem>>, vector<1x16xf32>,
        %get3A_947 = vector.shape_cast %get3A_946 : vector<1x16xf32> to vector<16xf32>
        %mul3A_948 = arith.constant 5.65685415 : f32
        %mul3A_949 = vector.broadcast %mul3A_948 : f32 to vector<16xf32>
        %mul3A_950 = arith.mulf %get3A_947, %mul3A_949 : vector<16xf32>
        %swap3A_951 = arith.index_cast %add3A_943 : i32 to index
        %swap3A_952 = arith.constant 0 : index
        %swap3A_953 = tpu.vector_load %arg6[%swap3A_951, %swap3A_952] {strides = array<i32>} : memref<512x32xf32, #tpu.memory_space<vmem>>, vector<1x16xf32>,
        %swap3A_954 = vector.shape_cast %swap3A_953 : vector<1x16xf32> to vector<16xf32>
        %swap3A_955 = vector.shape_cast %mul3A_950 : vector<16xf32> to vector<1x16xf32>
        tpu.vector_store %arg6[%swap3A_951, %swap3A_952], %swap3A_955 {strides = array<i32>} : memref<512x32xf32, #tpu.memory_space<vmem>>, vector<1x16xf32>,
        %get3A_956 = arith.index_cast %add3A_943 : i32 to index
        %get3A_957 = arith.constant 16 : index
        %get3A_958 = tpu.vector_load %arg6[%get3A_956, %get3A_957] {strides = array<i32>} : memref<512x32xf32, #tpu.memory_space<vmem>>, vector<1x16xf32>,
        %get3A_959 = vector.shape_cast %get3A_958 : vector<1x16xf32> to vector<16xf32>
        %mul3A_960 = arith.constant 5.65685415 : f32
        %mul3A_961 = vector.broadcast %mul3A_960 : f32 to vector<16xf32>
        %mul3A_962 = arith.mulf %get3A_959, %mul3A_961 : vector<16xf32>
        %swap3A_963 = arith.index_cast %add3A_943 : i32 to index
        %swap3A_964 = arith.constant 16 : index
        %swap3A_965 = tpu.vector_load %arg6[%swap3A_963, %swap3A_964] {strides = array<i32>} : memref<512x32xf32, #tpu.memory_space<vmem>>, vector<1x16xf32>,
        %swap3A_966 = vector.shape_cast %swap3A_965 : vector<1x16xf32> to vector<16xf32>
        %swap3A_967 = vector.shape_cast %mul3A_962 : vector<16xf32> to vector<1x16xf32>
        tpu.vector_store %arg6[%swap3A_963, %swap3A_964], %swap3A_967 {strides = array<i32>} : memref<512x32xf32, #tpu.memory_space<vmem>>, vector<1x16xf32>,
        %mul3A_968 = arith.constant 8 : i32
        %mul3A_969 = arith.muli %scan3A_885, %mul3A_968 : i32
        %add3A_970 = arith.constant 3 : i32
        %add3A_971 = arith.addi %mul3A_969, %add3A_970 : i32
        %get3A_972 = arith.index_cast %add3A_971 : i32 to index
        %get3A_973 = arith.constant 0 : index
        %get3A_974 = tpu.vector_load %arg6[%get3A_972, %get3A_973] {strides = array<i32>} : memref<512x32xf32, #tpu.memory_space<vmem>>, vector<1x16xf32>,
        %get3A_975 = vector.shape_cast %get3A_974 : vector<1x16xf32> to vector<16xf32>
        %mul3A_976 = arith.constant 5.65685415 : f32
        %mul3A_977 = vector.broadcast %mul3A_976 : f32 to vector<16xf32>
        %mul3A_978 = arith.mulf %get3A_975, %mul3A_977 : vector<16xf32>
        %swap3A_979 = arith.index_cast %add3A_971 : i32 to index
        %swap3A_980 = arith.constant 0 : index
        %swap3A_981 = tpu.vector_load %arg6[%swap3A_979, %swap3A_980] {strides = array<i32>} : memref<512x32xf32, #tpu.memory_space<vmem>>, vector<1x16xf32>,
        %swap3A_982 = vector.shape_cast %swap3A_981 : vector<1x16xf32> to vector<16xf32>
        %swap3A_983 = vector.shape_cast %mul3A_978 : vector<16xf32> to vector<1x16xf32>
        tpu.vector_store %arg6[%swap3A_979, %swap3A_980], %swap3A_983 {strides = array<i32>} : memref<512x32xf32, #tpu.memory_space<vmem>>, vector<1x16xf32>,
        %get3A_984 = arith.index_cast %add3A_971 : i32 to index
        %get3A_985 = arith.constant 16 : index
        %get3A_986 = tpu.vector_load %arg6[%get3A_984, %get3A_985] {strides = array<i32>} : memref<512x32xf32, #tpu.memory_space<vmem>>, vector<1x16xf32>,
        %get3A_987 = vector.shape_cast %get3A_986 : vector<1x16xf32> to vector<16xf32>
        %mul3A_988 = arith.constant 5.65685415 : f32
        %mul3A_989 = vector.broadcast %mul3A_988 : f32 to vector<16xf32>
        %mul3A_990 = arith.mulf %get3A_987, %mul3A_989 : vector<16xf32>
        %swap3A_991 = arith.index_cast %add3A_971 : i32 to index
        %swap3A_992 = arith.constant 16 : index
        %swap3A_993 = tpu.vector_load %arg6[%swap3A_991, %swap3A_992] {strides = array<i32>} : memref<512x32xf32, #tpu.memory_space<vmem>>, vector<1x16xf32>,
        %swap3A_994 = vector.shape_cast %swap3A_993 : vector<1x16xf32> to vector<16xf32>
        %swap3A_995 = vector.shape_cast %mul3A_990 : vector<16xf32> to vector<1x16xf32>
        tpu.vector_store %arg6[%swap3A_991, %swap3A_992], %swap3A_995 {strides = array<i32>} : memref<512x32xf32, #tpu.memory_space<vmem>>, vector<1x16xf32>,
        %mul3A_996 = arith.constant 8 : i32
        %mul3A_997 = arith.muli %scan3A_885, %mul3A_996 : i32
        %add3A_998 = arith.constant 4 : i32
        %add3A_999 = arith.addi %mul3A_997, %add3A_998 : i32
        %get3A_1000 = arith.index_cast %add3A_999 : i32 to index
        %get3A_1001 = arith.constant 0 : index
        %get3A_1002 = tpu.vector_load %arg6[%get3A_1000, %get3A_1001] {strides = array<i32>} : memref<512x32xf32, #tpu.memory_space<vmem>>, vector<1x16xf32>,
        %get3A_1003 = vector.shape_cast %get3A_1002 : vector<1x16xf32> to vector<16xf32>
        %mul3A_1004 = arith.constant 5.65685415 : f32
        %mul3A_1005 = vector.broadcast %mul3A_1004 : f32 to vector<16xf32>
        %mul3A_1006 = arith.mulf %get3A_1003, %mul3A_1005 : vector<16xf32>
        %swap3A_1007 = arith.index_cast %add3A_999 : i32 to index
        %swap3A_1008 = arith.constant 0 : index
        %swap3A_1009 = tpu.vector_load %arg6[%swap3A_1007, %swap3A_1008] {strides = array<i32>} : memref<512x32xf32, #tpu.memory_space<vmem>>, vector<1x16xf32>,
        %swap3A_1010 = vector.shape_cast %swap3A_1009 : vector<1x16xf32> to vector<16xf32>
        %swap3A_1011 = vector.shape_cast %mul3A_1006 : vector<16xf32> to vector<1x16xf32>
        tpu.vector_store %arg6[%swap3A_1007, %swap3A_1008], %swap3A_1011 {strides = array<i32>} : memref<512x32xf32, #tpu.memory_space<vmem>>, vector<1x16xf32>,
        %get3A_1012 = arith.index_cast %add3A_999 : i32 to index
        %get3A_1013 = arith.constant 16 : index
        %get3A_1014 = tpu.vector_load %arg6[%get3A_1012, %get3A_1013] {strides = array<i32>} : memref<512x32xf32, #tpu.memory_space<vmem>>, vector<1x16xf32>,
        %get3A_1015 = vector.shape_cast %get3A_1014 : vector<1x16xf32> to vector<16xf32>
        %mul3A_1016 = arith.constant 5.65685415 : f32
        %mul3A_1017 = vector.broadcast %mul3A_1016 : f32 to vector<16xf32>
        %mul3A_1018 = arith.mulf %get3A_1015, %mul3A_1017 : vector<16xf32>
        %swap3A_1019 = arith.index_cast %add3A_999 : i32 to index
        %swap3A_1020 = arith.constant 16 : index
        %swap3A_1021 = tpu.vector_load %arg6[%swap3A_1019, %swap3A_1020] {strides = array<i32>} : memref<512x32xf32, #tpu.memory_space<vmem>>, vector<1x16xf32>,
        %swap3A_1022 = vector.shape_cast %swap3A_1021 : vector<1x16xf32> to vector<16xf32>
        %swap3A_1023 = vector.shape_cast %mul3A_1018 : vector<16xf32> to vector<1x16xf32>
        tpu.vector_store %arg6[%swap3A_1019, %swap3A_1020], %swap3A_1023 {strides = array<i32>} : memref<512x32xf32, #tpu.memory_space<vmem>>, vector<1x16xf32>,
        %mul3A_1024 = arith.constant 8 : i32
        %mul3A_1025 = arith.muli %scan3A_885, %mul3A_1024 : i32
        %add3A_1026 = arith.constant 5 : i32
        %add3A_1027 = arith.addi %mul3A_1025, %add3A_1026 : i32
        %get3A_1028 = arith.index_cast %add3A_1027 : i32 to index
        %get3A_1029 = arith.constant 0 : index
        %get3A_1030 = tpu.vector_load %arg6[%get3A_1028, %get3A_1029] {strides = array<i32>} : memref<512x32xf32, #tpu.memory_space<vmem>>, vector<1x16xf32>,
        %get3A_1031 = vector.shape_cast %get3A_1030 : vector<1x16xf32> to vector<16xf32>
        %mul3A_1032 = arith.constant 5.65685415 : f32
        %mul3A_1033 = vector.broadcast %mul3A_1032 : f32 to vector<16xf32>
        %mul3A_1034 = arith.mulf %get3A_1031, %mul3A_1033 : vector<16xf32>
        %swap3A_1035 = arith.index_cast %add3A_1027 : i32 to index
        %swap3A_1036 = arith.constant 0 : index
        %swap3A_1037 = tpu.vector_load %arg6[%swap3A_1035, %swap3A_1036] {strides = array<i32>} : memref<512x32xf32, #tpu.memory_space<vmem>>, vector<1x16xf32>,
        %swap3A_1038 = vector.shape_cast %swap3A_1037 : vector<1x16xf32> to vector<16xf32>
        %swap3A_1039 = vector.shape_cast %mul3A_1034 : vector<16xf32> to vector<1x16xf32>
        tpu.vector_store %arg6[%swap3A_1035, %swap3A_1036], %swap3A_1039 {strides = array<i32>} : memref<512x32xf32, #tpu.memory_space<vmem>>, vector<1x16xf32>,
        %get3A_1040 = arith.index_cast %add3A_1027 : i32 to index
        %get3A_1041 = arith.constant 16 : index
        %get3A_1042 = tpu.vector_load %arg6[%get3A_1040, %get3A_1041] {strides = array<i32>} : memref<512x32xf32, #tpu.memory_space<vmem>>, vector<1x16xf32>,
        %get3A_1043 = vector.shape_cast %get3A_1042 : vector<1x16xf32> to vector<16xf32>
        %mul3A_1044 = arith.constant 5.65685415 : f32
        %mul3A_1045 = vector.broadcast %mul3A_1044 : f32 to vector<16xf32>
        %mul3A_1046 = arith.mulf %get3A_1043, %mul3A_1045 : vector<16xf32>
        %swap3A_1047 = arith.index_cast %add3A_1027 : i32 to index
        %swap3A_1048 = arith.constant 16 : index
        %swap3A_1049 = tpu.vector_load %arg6[%swap3A_1047, %swap3A_1048] {strides = array<i32>} : memref<512x32xf32, #tpu.memory_space<vmem>>, vector<1x16xf32>,
        %swap3A_1050 = vector.shape_cast %swap3A_1049 : vector<1x16xf32> to vector<16xf32>
        %swap3A_1051 = vector.shape_cast %mul3A_1046 : vector<16xf32> to vector<1x16xf32>
        tpu.vector_store %arg6[%swap3A_1047, %swap3A_1048], %swap3A_1051 {strides = array<i32>} : memref<512x32xf32, #tpu.memory_space<vmem>>, vector<1x16xf32>,
        %mul3A_1052 = arith.constant 8 : i32
        %mul3A_1053 = arith.muli %scan3A_885, %mul3A_1052 : i32
        %add3A_1054 = arith.constant 6 : i32
        %add3A_1055 = arith.addi %mul3A_1053, %add3A_1054 : i32
        %get3A_1056 = arith.index_cast %add3A_1055 : i32 to index
        %get3A_1057 = arith.constant 0 : index
        %get3A_1058 = tpu.vector_load %arg6[%get3A_1056, %get3A_1057] {strides = array<i32>} : memref<512x32xf32, #tpu.memory_space<vmem>>, vector<1x16xf32>,
        %get3A_1059 = vector.shape_cast %get3A_1058 : vector<1x16xf32> to vector<16xf32>
        %mul3A_1060 = arith.constant 5.65685415 : f32
        %mul3A_1061 = vector.broadcast %mul3A_1060 : f32 to vector<16xf32>
        %mul3A_1062 = arith.mulf %get3A_1059, %mul3A_1061 : vector<16xf32>
        %swap3A_1063 = arith.index_cast %add3A_1055 : i32 to index
        %swap3A_1064 = arith.constant 0 : index
        %swap3A_1065 = tpu.vector_load %arg6[%swap3A_1063, %swap3A_1064] {strides = array<i32>} : memref<512x32xf32, #tpu.memory_space<vmem>>, vector<1x16xf32>,
        %swap3A_1066 = vector.shape_cast %swap3A_1065 : vector<1x16xf32> to vector<16xf32>
        %swap3A_1067 = vector.shape_cast %mul3A_1062 : vector<16xf32> to vector<1x16xf32>
        tpu.vector_store %arg6[%swap3A_1063, %swap3A_1064], %swap3A_1067 {strides = array<i32>} : memref<512x32xf32, #tpu.memory_space<vmem>>, vector<1x16xf32>,
        %get3A_1068 = arith.index_cast %add3A_1055 : i32 to index
        %get3A_1069 = arith.constant 16 : index
        %get3A_1070 = tpu.vector_load %arg6[%get3A_1068, %get3A_1069] {strides = array<i32>} : memref<512x32xf32, #tpu.memory_space<vmem>>, vector<1x16xf32>,
        %get3A_1071 = vector.shape_cast %get3A_1070 : vector<1x16xf32> to vector<16xf32>
        %mul3A_1072 = arith.constant 5.65685415 : f32
        %mul3A_1073 = vector.broadcast %mul3A_1072 : f32 to vector<16xf32>
        %mul3A_1074 = arith.mulf %get3A_1071, %mul3A_1073 : vector<16xf32>
        %swap3A_1075 = arith.index_cast %add3A_1055 : i32 to index
        %swap3A_1076 = arith.constant 16 : index
        %swap3A_1077 = tpu.vector_load %arg6[%swap3A_1075, %swap3A_1076] {strides = array<i32>} : memref<512x32xf32, #tpu.memory_space<vmem>>, vector<1x16xf32>,
        %swap3A_1078 = vector.shape_cast %swap3A_1077 : vector<1x16xf32> to vector<16xf32>
        %swap3A_1079 = vector.shape_cast %mul3A_1074 : vector<16xf32> to vector<1x16xf32>
        tpu.vector_store %arg6[%swap3A_1075, %swap3A_1076], %swap3A_1079 {strides = array<i32>} : memref<512x32xf32, #tpu.memory_space<vmem>>, vector<1x16xf32>,
        %mul3A_1080 = arith.constant 8 : i32
        %mul3A_1081 = arith.muli %scan3A_885, %mul3A_1080 : i32
        %add3A_1082 = arith.constant 7 : i32
        %add3A_1083 = arith.addi %mul3A_1081, %add3A_1082 : i32
        %get3A_1084 = arith.index_cast %add3A_1083 : i32 to index
        %get3A_1085 = arith.constant 0 : index
        %get3A_1086 = tpu.vector_load %arg6[%get3A_1084, %get3A_1085] {strides = array<i32>} : memref<512x32xf32, #tpu.memory_space<vmem>>, vector<1x16xf32>,
        %get3A_1087 = vector.shape_cast %get3A_1086 : vector<1x16xf32> to vector<16xf32>
        %mul3A_1088 = arith.constant 5.65685415 : f32
        %mul3A_1089 = vector.broadcast %mul3A_1088 : f32 to vector<16xf32>
        %mul3A_1090 = arith.mulf %get3A_1087, %mul3A_1089 : vector<16xf32>
        %swap3A_1091 = arith.index_cast %add3A_1083 : i32 to index
        %swap3A_1092 = arith.constant 0 : index
        %swap3A_1093 = tpu.vector_load %arg6[%swap3A_1091, %swap3A_1092] {strides = array<i32>} : memref<512x32xf32, #tpu.memory_space<vmem>>, vector<1x16xf32>,
        %swap3A_1094 = vector.shape_cast %swap3A_1093 : vector<1x16xf32> to vector<16xf32>
        %swap3A_1095 = vector.shape_cast %mul3A_1090 : vector<16xf32> to vector<1x16xf32>
        tpu.vector_store %arg6[%swap3A_1091, %swap3A_1092], %swap3A_1095 {strides = array<i32>} : memref<512x32xf32, #tpu.memory_space<vmem>>, vector<1x16xf32>,
        %get3A_1096 = arith.index_cast %add3A_1083 : i32 to index
        %get3A_1097 = arith.constant 16 : index
        %get3A_1098 = tpu.vector_load %arg6[%get3A_1096, %get3A_1097] {strides = array<i32>} : memref<512x32xf32, #tpu.memory_space<vmem>>, vector<1x16xf32>,
        %get3A_1099 = vector.shape_cast %get3A_1098 : vector<1x16xf32> to vector<16xf32>
        %mul3A_1100 = arith.constant 5.65685415 : f32
        %mul3A_1101 = vector.broadcast %mul3A_1100 : f32 to vector<16xf32>
        %mul3A_1102 = arith.mulf %get3A_1099, %mul3A_1101 : vector<16xf32>
        %swap3A_1103 = arith.index_cast %add3A_1083 : i32 to index
        %swap3A_1104 = arith.constant 16 : index
        %swap3A_1105 = tpu.vector_load %arg6[%swap3A_1103, %swap3A_1104] {strides = array<i32>} : memref<512x32xf32, #tpu.memory_space<vmem>>, vector<1x16xf32>,
        %swap3A_1106 = vector.shape_cast %swap3A_1105 : vector<1x16xf32> to vector<16xf32>
        %swap3A_1107 = vector.shape_cast %mul3A_1102 : vector<16xf32> to vector<1x16xf32>
        tpu.vector_store %arg6[%swap3A_1103, %swap3A_1104], %swap3A_1107 {strides = array<i32>} : memref<512x32xf32, #tpu.memory_space<vmem>>, vector<1x16xf32>,
      }
      %scan3A_611 = arith.constant 64 : i32
      %dma_start3A_612 = arith.constant 0 : i32
      %dma_start3A_613 = tpu.memref_slice %arg4[%mul3A_2, %add3A_561, %dma_start3A_612] : memref<16384x50x32xf32, #tpu.memory_space<hbm>> -> memref<512x1x32xf32, #tpu.memory_space<hbm>>
      %dma_start3A_614 = tpu.memref_squeeze %dma_start3A_613 : memref<512x1x32xf32, #tpu.memory_space<hbm>> -> memref<512x32xf32, #tpu.memory_space<hbm>>
      %dma_start3A_615 = arith.constant 0 : i32
      %dma_start3A_616 = tpu.memref_slice %arg4[%mul3A_2, %add3A_561, %dma_start3A_615] : memref<16384x50x32xf32, #tpu.memory_space<hbm>> -> memref<512x1x32xf32, #tpu.memory_space<hbm>>
      %dma_start3A_617 = tpu.memref_squeeze %dma_start3A_616 : memref<512x1x32xf32, #tpu.memory_space<hbm>> -> memref<512x32xf32, #tpu.memory_space<hbm>>
      tpu.enqueue_dma source(%arg6 : memref<512x32xf32, #tpu.memory_space<vmem>>) target(%dma_start3A_617 : memref<512x32xf32, #tpu.memory_space<hbm>>) target_semaphore(%arg12 : memref<!tpu.dma_semaphore, #tpu.memory_space<semaphore_mem>>)
      %dma_wait3A_618 = arith.constant 0 : i32
      %dma_wait3A_619 = arith.constant 0 : i32
      %dma_wait3A_620 = tpu.memref_slice %arg4[%mul3A_2, %dma_wait3A_618, %dma_wait3A_619] : memref<16384x50x32xf32, #tpu.memory_space<hbm>> -> memref<512x1x32xf32, #tpu.memory_space<hbm>>
      %dma_wait3A_621 = tpu.memref_squeeze %dma_wait3A_620 : memref<512x1x32xf32, #tpu.memory_space<hbm>> -> memref<512x32xf32, #tpu.memory_space<hbm>>
      %dma_wait3A_622 = arith.constant 0 : i32
      %dma_wait3A_623 = tpu.memref_slice %arg4[%mul3A_2, %dma_wait3A_618, %dma_wait3A_622] : memref<16384x50x32xf32, #tpu.memory_space<hbm>> -> memref<512x1x32xf32, #tpu.memory_space<hbm>>
      %dma_wait3A_624 = tpu.memref_squeeze %dma_wait3A_623 : memref<512x1x32xf32, #tpu.memory_space<hbm>> -> memref<512x32xf32, #tpu.memory_space<hbm>>
      tpu.wait_dma2 semaphore(%arg14 : memref<!tpu.dma_semaphore, #tpu.memory_space<semaphore_mem>>) src(%arg8 : memref<512x32xf32, #tpu.memory_space<vmem>>) dst(%dma_wait3A_624 : memref<512x32xf32, #tpu.memory_space<hbm>>)
      %add3A_625 = arith.constant 2 : i32
      %add3A_626 = arith.addi %add3A_561, %add3A_625 : i32
      %dma_start3A_627 = arith.constant 0 : i32
      %dma_start3A_628 = arith.constant 0 : i32
      %dma_start3A_629 = arith.constant 0 : i32
      %dma_start3A_630 = tpu.memref_slice %arg8[%dma_start3A_628, %dma_start3A_629] : memref<512x32xf32, #tpu.memory_space<vmem>> -> memref<128x32xf32, #tpu.memory_space<vmem>>
      %dma_start3A_631 = arith.constant 0 : i32
      %dma_start3A_632 = tpu.memref_slice %arg5[%add3A_626, %dma_start3A_627, %dma_start3A_631] : memref<50x4x128xi32, #tpu.memory_space<vmem>> -> memref<1x1x128xi32, #tpu.memory_space<vmem>>
      %dma_start3A_633 = tpu.memref_squeeze %dma_start3A_632 : memref<1x1x128xi32, #tpu.memory_space<vmem>> -> memref<128xi32, #tpu.memory_space<vmem>>
      %dma_start3A_634 = arith.constant 0 : i32
      %dma_start3A_635 = arith.constant 0 : i32
      %dma_start3A_636 = tpu.memref_slice %arg3[%dma_start3A_634, %dma_start3A_635] : memref<1000000x32xf32, #tpu.memory_space<hbm>> -> memref<1000000x32xf32, #tpu.memory_space<hbm>>
      tpu.enqueue_indirect_dma source(%dma_start3A_636 : memref<1000000x32xf32, #tpu.memory_space<hbm>>) target(%dma_start3A_630 : memref<128x32xf32, #tpu.memory_space<vmem>>) offsets(%dma_start3A_633 : memref<128xi32, #tpu.memory_space<vmem>>) semaphore(%arg11 : memref<!tpu.dma_semaphore, #tpu.memory_space<semaphore_mem>>)
      %dma_start3A_637 = arith.constant 1 : i32
      %dma_start3A_638 = arith.constant 128 : i32
      %dma_start3A_639 = arith.constant 0 : i32
      %dma_start3A_640 = tpu.memref_slice %arg8[%dma_start3A_638, %dma_start3A_639] : memref<512x32xf32, #tpu.memory_space<vmem>> -> memref<128x32xf32, #tpu.memory_space<vmem>>
      %dma_start3A_641 = arith.constant 0 : i32
      %dma_start3A_642 = tpu.memref_slice %arg5[%add3A_626, %dma_start3A_637, %dma_start3A_641] : memref<50x4x128xi32, #tpu.memory_space<vmem>> -> memref<1x1x128xi32, #tpu.memory_space<vmem>>
      %dma_start3A_643 = tpu.memref_squeeze %dma_start3A_642 : memref<1x1x128xi32, #tpu.memory_space<vmem>> -> memref<128xi32, #tpu.memory_space<vmem>>
      %dma_start3A_644 = arith.constant 0 : i32
      %dma_start3A_645 = arith.constant 0 : i32
      %dma_start3A_646 = tpu.memref_slice %arg3[%dma_start3A_644, %dma_start3A_645] : memref<1000000x32xf32, #tpu.memory_space<hbm>> -> memref<1000000x32xf32, #tpu.memory_space<hbm>>
      tpu.enqueue_indirect_dma source(%dma_start3A_646 : memref<1000000x32xf32, #tpu.memory_space<hbm>>) target(%dma_start3A_640 : memref<128x32xf32, #tpu.memory_space<vmem>>) offsets(%dma_start3A_643 : memref<128xi32, #tpu.memory_space<vmem>>) semaphore(%arg11 : memref<!tpu.dma_semaphore, #tpu.memory_space<semaphore_mem>>)
      %dma_start3A_647 = arith.constant 2 : i32
      %dma_start3A_648 = arith.constant 256 : i32
      %dma_start3A_649 = arith.constant 0 : i32
      %dma_start3A_650 = tpu.memref_slice %arg8[%dma_start3A_648, %dma_start3A_649] : memref<512x32xf32, #tpu.memory_space<vmem>> -> memref<128x32xf32, #tpu.memory_space<vmem>>
      %dma_start3A_651 = arith.constant 0 : i32
      %dma_start3A_652 = tpu.memref_slice %arg5[%add3A_626, %dma_start3A_647, %dma_start3A_651] : memref<50x4x128xi32, #tpu.memory_space<vmem>> -> memref<1x1x128xi32, #tpu.memory_space<vmem>>
      %dma_start3A_653 = tpu.memref_squeeze %dma_start3A_652 : memref<1x1x128xi32, #tpu.memory_space<vmem>> -> memref<128xi32, #tpu.memory_space<vmem>>
      %dma_start3A_654 = arith.constant 0 : i32
      %dma_start3A_655 = arith.constant 0 : i32
      %dma_start3A_656 = tpu.memref_slice %arg3[%dma_start3A_654, %dma_start3A_655] : memref<1000000x32xf32, #tpu.memory_space<hbm>> -> memref<1000000x32xf32, #tpu.memory_space<hbm>>
      tpu.enqueue_indirect_dma source(%dma_start3A_656 : memref<1000000x32xf32, #tpu.memory_space<hbm>>) target(%dma_start3A_650 : memref<128x32xf32, #tpu.memory_space<vmem>>) offsets(%dma_start3A_653 : memref<128xi32, #tpu.memory_space<vmem>>) semaphore(%arg11 : memref<!tpu.dma_semaphore, #tpu.memory_space<semaphore_mem>>)
      %dma_start3A_657 = arith.constant 3 : i32
      %dma_start3A_658 = arith.constant 384 : i32
      %dma_start3A_659 = arith.constant 0 : i32
      %dma_start3A_660 = tpu.memref_slice %arg8[%dma_start3A_658, %dma_start3A_659] : memref<512x32xf32, #tpu.memory_space<vmem>> -> memref<128x32xf32, #tpu.memory_space<vmem>>
      %dma_start3A_661 = arith.constant 0 : i32
      %dma_start3A_662 = tpu.memref_slice %arg5[%add3A_626, %dma_start3A_657, %dma_start3A_661] : memref<50x4x128xi32, #tpu.memory_space<vmem>> -> memref<1x1x128xi32, #tpu.memory_space<vmem>>
      %dma_start3A_663 = tpu.memref_squeeze %dma_start3A_662 : memref<1x1x128xi32, #tpu.memory_space<vmem>> -> memref<128xi32, #tpu.memory_space<vmem>>
      %dma_start3A_664 = arith.constant 0 : i32
      %dma_start3A_665 = arith.constant 0 : i32
      %dma_start3A_666 = tpu.memref_slice %arg3[%dma_start3A_664, %dma_start3A_665] : memref<1000000x32xf32, #tpu.memory_space<hbm>> -> memref<1000000x32xf32, #tpu.memory_space<hbm>>
      tpu.enqueue_indirect_dma source(%dma_start3A_666 : memref<1000000x32xf32, #tpu.memory_space<hbm>>) target(%dma_start3A_660 : memref<128x32xf32, #tpu.memory_space<vmem>>) offsets(%dma_start3A_663 : memref<128xi32, #tpu.memory_space<vmem>>) semaphore(%arg11 : memref<!tpu.dma_semaphore, #tpu.memory_space<semaphore_mem>>)
      %mul3A_667 = arith.constant 3 : i32
      %mul3A_668 = arith.muli %scan3A_557, %mul3A_667 : i32
      %add3A_669 = arith.constant 1 : i32
      %add3A_670 = arith.addi %mul3A_668, %add3A_669 : i32
      %dma_wait3A_671 = arith.constant 0 : i32
      %dma_wait3A_672 = arith.constant 0 : i32
      %dma_wait3A_673 = arith.constant 0 : i32
      %dma_wait3A_674 = arith.constant 0 : i32
      %dma_wait3A_675 = tpu.memref_slice %arg7[%dma_wait3A_673, %dma_wait3A_674] : memref<512x32xf32, #tpu.memory_space<vmem>> -> memref<128x32xf32, #tpu.memory_space<vmem>>
      %dma_wait3A_676 = arith.constant 0 : i32
      %dma_wait3A_677 = tpu.memref_slice %arg5[%dma_wait3A_671, %dma_wait3A_672, %dma_wait3A_676] : memref<50x4x128xi32, #tpu.memory_space<vmem>> -> memref<1x1x128xi32, #tpu.memory_space<vmem>>
      %dma_wait3A_678 = tpu.memref_squeeze %dma_wait3A_677 : memref<1x1x128xi32, #tpu.memory_space<vmem>> -> memref<128xi32, #tpu.memory_space<vmem>>
      %dma_wait3A_679 = arith.constant 0 : i32
      %dma_wait3A_680 = arith.constant 0 : i32
      %dma_wait3A_681 = tpu.memref_slice %arg3[%dma_wait3A_679, %dma_wait3A_680] : memref<1000000x32xf32, #tpu.memory_space<hbm>> -> memref<1000000x32xf32, #tpu.memory_space<hbm>>
      tpu.wait_indirect_dma semaphore(%arg10 : memref<!tpu.dma_semaphore, #tpu.memory_space<semaphore_mem>>) src(%dma_wait3A_681 : memref<1000000x32xf32, #tpu.memory_space<hbm>>) dst(%dma_wait3A_675 : memref<128x32xf32, #tpu.memory_space<vmem>>)
      %dma_wait3A_682 = arith.constant 0 : i32
      %dma_wait3A_683 = arith.constant 1 : i32
      %dma_wait3A_684 = arith.constant 128 : i32
      %dma_wait3A_685 = arith.constant 0 : i32
      %dma_wait3A_686 = tpu.memref_slice %arg7[%dma_wait3A_684, %dma_wait3A_685] : memref<512x32xf32, #tpu.memory_space<vmem>> -> memref<128x32xf32, #tpu.memory_space<vmem>>
      %dma_wait3A_687 = arith.constant 0 : i32
      %dma_wait3A_688 = tpu.memref_slice %arg5[%dma_wait3A_682, %dma_wait3A_683, %dma_wait3A_687] : memref<50x4x128xi32, #tpu.memory_space<vmem>> -> memref<1x1x128xi32, #tpu.memory_space<vmem>>
      %dma_wait3A_689 = tpu.memref_squeeze %dma_wait3A_688 : memref<1x1x128xi32, #tpu.memory_space<vmem>> -> memref<128xi32, #tpu.memory_space<vmem>>
      %dma_wait3A_690 = arith.constant 0 : i32
      %dma_wait3A_691 = arith.constant 0 : i32
      %dma_wait3A_692 = tpu.memref_slice %arg3[%dma_wait3A_690, %dma_wait3A_691] : memref<1000000x32xf32, #tpu.memory_space<hbm>> -> memref<1000000x32xf32, #tpu.memory_space<hbm>>
      tpu.wait_indirect_dma semaphore(%arg10 : memref<!tpu.dma_semaphore, #tpu.memory_space<semaphore_mem>>) src(%dma_wait3A_692 : memref<1000000x32xf32, #tpu.memory_space<hbm>>) dst(%dma_wait3A_686 : memref<128x32xf32, #tpu.memory_space<vmem>>)
      %dma_wait3A_693 = arith.constant 0 : i32
      %dma_wait3A_694 = arith.constant 2 : i32
      %dma_wait3A_695 = arith.constant 256 : i32
      %dma_wait3A_696 = arith.constant 0 : i32
      %dma_wait3A_697 = tpu.memref_slice %arg7[%dma_wait3A_695, %dma_wait3A_696] : memref<512x32xf32, #tpu.memory_space<vmem>> -> memref<128x32xf32, #tpu.memory_space<vmem>>
      %dma_wait3A_698 = arith.constant 0 : i32
      %dma_wait3A_699 = tpu.memref_slice %arg5[%dma_wait3A_693, %dma_wait3A_694, %dma_wait3A_698] : memref<50x4x128xi32, #tpu.memory_space<vmem>> -> memref<1x1x128xi32, #tpu.memory_space<vmem>>
      %dma_wait3A_700 = tpu.memref_squeeze %dma_wait3A_699 : memref<1x1x128xi32, #tpu.memory_space<vmem>> -> memref<128xi32, #tpu.memory_space<vmem>>
      %dma_wait3A_701 = arith.constant 0 : i32
      %dma_wait3A_702 = arith.constant 0 : i32
      %dma_wait3A_703 = tpu.memref_slice %arg3[%dma_wait3A_701, %dma_wait3A_702] : memref<1000000x32xf32, #tpu.memory_space<hbm>> -> memref<1000000x32xf32, #tpu.memory_space<hbm>>
      tpu.wait_indirect_dma semaphore(%arg10 : memref<!tpu.dma_semaphore, #tpu.memory_space<semaphore_mem>>) src(%dma_wait3A_703 : memref<1000000x32xf32, #tpu.memory_space<hbm>>) dst(%dma_wait3A_697 : memref<128x32xf32, #tpu.memory_space<vmem>>)
      %dma_wait3A_704 = arith.constant 0 : i32
      %dma_wait3A_705 = arith.constant 3 : i32
      %dma_wait3A_706 = arith.constant 384 : i32
      %dma_wait3A_707 = arith.constant 0 : i32
      %dma_wait3A_708 = tpu.memref_slice %arg7[%dma_wait3A_706, %dma_wait3A_707] : memref<512x32xf32, #tpu.memory_space<vmem>> -> memref<128x32xf32, #tpu.memory_space<vmem>>
      %dma_wait3A_709 = arith.constant 0 : i32
      %dma_wait3A_710 = tpu.memref_slice %arg5[%dma_wait3A_704, %dma_wait3A_705, %dma_wait3A_709] : memref<50x4x128xi32, #tpu.memory_space<vmem>> -> memref<1x1x128xi32, #tpu.memory_space<vmem>>
      %dma_wait3A_711 = tpu.memref_squeeze %dma_wait3A_710 : memref<1x1x128xi32, #tpu.memory_space<vmem>> -> memref<128xi32, #tpu.memory_space<vmem>>
      %dma_wait3A_712 = arith.constant 0 : i32
      %dma_wait3A_713 = arith.constant 0 : i32
      %dma_wait3A_714 = tpu.memref_slice %arg3[%dma_wait3A_712, %dma_wait3A_713] : memref<1000000x32xf32, #tpu.memory_space<hbm>> -> memref<1000000x32xf32, #tpu.memory_space<hbm>>
      tpu.wait_indirect_dma semaphore(%arg10 : memref<!tpu.dma_semaphore, #tpu.memory_space<semaphore_mem>>) src(%dma_wait3A_714 : memref<1000000x32xf32, #tpu.memory_space<hbm>>) dst(%dma_wait3A_708 : memref<128x32xf32, #tpu.memory_space<vmem>>)
      %scan3A_715 = arith.constant 0 : i32
      %scan3A_716 = arith.constant 0 : i32
      %scan3A_717 = arith.constant 64 : i32
      %scan3A_718 = arith.addi %scan3A_716, %scan3A_717 : i32
      %scan3A_719 = arith.constant 1 : i32
      scf.for %scan3A_885 = %scan3A_716 to %scan3A_718 step %scan3A_719  : i32 {
        %mul3A_886 = arith.constant 8 : i32
        %mul3A_887 = arith.muli %scan3A_885, %mul3A_886 : i32
        %add3A_888 = arith.constant 0 : i32
        %add3A_889 = arith.addi %mul3A_887, %add3A_888 : i32
        %get3A = arith.index_cast %add3A_889 : i32 to index
        %get3A_890 = arith.constant 0 : index
        %get3A_891 = tpu.vector_load %arg7[%get3A, %get3A_890] {strides = array<i32>} : memref<512x32xf32, #tpu.memory_space<vmem>>, vector<1x16xf32>,
        %get3A_892 = vector.shape_cast %get3A_891 : vector<1x16xf32> to vector<16xf32>
        %mul3A_893 = arith.constant 5.65685415 : f32
        %mul3A_894 = vector.broadcast %mul3A_893 : f32 to vector<16xf32>
        %mul3A_895 = arith.mulf %get3A_892, %mul3A_894 : vector<16xf32>
        %swap3A = arith.index_cast %add3A_889 : i32 to index
        %swap3A_896 = arith.constant 0 : index
        %swap3A_897 = tpu.vector_load %arg7[%swap3A, %swap3A_896] {strides = array<i32>} : memref<512x32xf32, #tpu.memory_space<vmem>>, vector<1x16xf32>,
        %swap3A_898 = vector.shape_cast %swap3A_897 : vector<1x16xf32> to vector<16xf32>
        %swap3A_899 = vector.shape_cast %mul3A_895 : vector<16xf32> to vector<1x16xf32>
        tpu.vector_store %arg7[%swap3A, %swap3A_896], %swap3A_899 {strides = array<i32>} : memref<512x32xf32, #tpu.memory_space<vmem>>, vector<1x16xf32>,
        %get3A_900 = arith.index_cast %add3A_889 : i32 to index
        %get3A_901 = arith.constant 16 : index
        %get3A_902 = tpu.vector_load %arg7[%get3A_900, %get3A_901] {strides = array<i32>} : memref<512x32xf32, #tpu.memory_space<vmem>>, vector<1x16xf32>,
        %get3A_903 = vector.shape_cast %get3A_902 : vector<1x16xf32> to vector<16xf32>
        %mul3A_904 = arith.constant 5.65685415 : f32
        %mul3A_905 = vector.broadcast %mul3A_904 : f32 to vector<16xf32>
        %mul3A_906 = arith.mulf %get3A_903, %mul3A_905 : vector<16xf32>
        %swap3A_907 = arith.index_cast %add3A_889 : i32 to index
        %swap3A_908 = arith.constant 16 : index
        %swap3A_909 = tpu.vector_load %arg7[%swap3A_907, %swap3A_908] {strides = array<i32>} : memref<512x32xf32, #tpu.memory_space<vmem>>, vector<1x16xf32>,
        %swap3A_910 = vector.shape_cast %swap3A_909 : vector<1x16xf32> to vector<16xf32>
        %swap3A_911 = vector.shape_cast %mul3A_906 : vector<16xf32> to vector<1x16xf32>
        tpu.vector_store %arg7[%swap3A_907, %swap3A_908], %swap3A_911 {strides = array<i32>} : memref<512x32xf32, #tpu.memory_space<vmem>>, vector<1x16xf32>,
        %mul3A_912 = arith.constant 8 : i32
        %mul3A_913 = arith.muli %scan3A_885, %mul3A_912 : i32
        %add3A_914 = arith.constant 1 : i32
        %add3A_915 = arith.addi %mul3A_913, %add3A_914 : i32
        %get3A_916 = arith.index_cast %add3A_915 : i32 to index
        %get3A_917 = arith.constant 0 : index
        %get3A_918 = tpu.vector_load %arg7[%get3A_916, %get3A_917] {strides = array<i32>} : memref<512x32xf32, #tpu.memory_space<vmem>>, vector<1x16xf32>,
        %get3A_919 = vector.shape_cast %get3A_918 : vector<1x16xf32> to vector<16xf32>
        %mul3A_920 = arith.constant 5.65685415 : f32
        %mul3A_921 = vector.broadcast %mul3A_920 : f32 to vector<16xf32>
        %mul3A_922 = arith.mulf %get3A_919, %mul3A_921 : vector<16xf32>
        %swap3A_923 = arith.index_cast %add3A_915 : i32 to index
        %swap3A_924 = arith.constant 0 : index
        %swap3A_925 = tpu.vector_load %arg7[%swap3A_923, %swap3A_924] {strides = array<i32>} : memref<512x32xf32, #tpu.memory_space<vmem>>, vector<1x16xf32>,
        %swap3A_926 = vector.shape_cast %swap3A_925 : vector<1x16xf32> to vector<16xf32>
        %swap3A_927 = vector.shape_cast %mul3A_922 : vector<16xf32> to vector<1x16xf32>
        tpu.vector_store %arg7[%swap3A_923, %swap3A_924], %swap3A_927 {strides = array<i32>} : memref<512x32xf32, #tpu.memory_space<vmem>>, vector<1x16xf32>,
        %get3A_928 = arith.index_cast %add3A_915 : i32 to index
        %get3A_929 = arith.constant 16 : index
        %get3A_930 = tpu.vector_load %arg7[%get3A_928, %get3A_929] {strides = array<i32>} : memref<512x32xf32, #tpu.memory_space<vmem>>, vector<1x16xf32>,
        %get3A_931 = vector.shape_cast %get3A_930 : vector<1x16xf32> to vector<16xf32>
        %mul3A_932 = arith.constant 5.65685415 : f32
        %mul3A_933 = vector.broadcast %mul3A_932 : f32 to vector<16xf32>
        %mul3A_934 = arith.mulf %get3A_931, %mul3A_933 : vector<16xf32>
        %swap3A_935 = arith.index_cast %add3A_915 : i32 to index
        %swap3A_936 = arith.constant 16 : index
        %swap3A_937 = tpu.vector_load %arg7[%swap3A_935, %swap3A_936] {strides = array<i32>} : memref<512x32xf32, #tpu.memory_space<vmem>>, vector<1x16xf32>,
        %swap3A_938 = vector.shape_cast %swap3A_937 : vector<1x16xf32> to vector<16xf32>
        %swap3A_939 = vector.shape_cast %mul3A_934 : vector<16xf32> to vector<1x16xf32>
        tpu.vector_store %arg7[%swap3A_935, %swap3A_936], %swap3A_939 {strides = array<i32>} : memref<512x32xf32, #tpu.memory_space<vmem>>, vector<1x16xf32>,
        %mul3A_940 = arith.constant 8 : i32
        %mul3A_941 = arith.muli %scan3A_885, %mul3A_940 : i32
        %add3A_942 = arith.constant 2 : i32
        %add3A_943 = arith.addi %mul3A_941, %add3A_942 : i32
        %get3A_944 = arith.index_cast %add3A_943 : i32 to index
        %get3A_945 = arith.constant 0 : index
        %get3A_946 = tpu.vector_load %arg7[%get3A_944, %get3A_945] {strides = array<i32>} : memref<512x32xf32, #tpu.memory_space<vmem>>, vector<1x16xf32>,
        %get3A_947 = vector.shape_cast %get3A_946 : vector<1x16xf32> to vector<16xf32>
        %mul3A_948 = arith.constant 5.65685415 : f32
        %mul3A_949 = vector.broadcast %mul3A_948 : f32 to vector<16xf32>
        %mul3A_950 = arith.mulf %get3A_947, %mul3A_949 : vector<16xf32>
        %swap3A_951 = arith.index_cast %add3A_943 : i32 to index
        %swap3A_952 = arith.constant 0 : index
        %swap3A_953 = tpu.vector_load %arg7[%swap3A_951, %swap3A_952] {strides = array<i32>} : memref<512x32xf32, #tpu.memory_space<vmem>>, vector<1x16xf32>,
        %swap3A_954 = vector.shape_cast %swap3A_953 : vector<1x16xf32> to vector<16xf32>
        %swap3A_955 = vector.shape_cast %mul3A_950 : vector<16xf32> to vector<1x16xf32>
        tpu.vector_store %arg7[%swap3A_951, %swap3A_952], %swap3A_955 {strides = array<i32>} : memref<512x32xf32, #tpu.memory_space<vmem>>, vector<1x16xf32>,
        %get3A_956 = arith.index_cast %add3A_943 : i32 to index
        %get3A_957 = arith.constant 16 : index
        %get3A_958 = tpu.vector_load %arg7[%get3A_956, %get3A_957] {strides = array<i32>} : memref<512x32xf32, #tpu.memory_space<vmem>>, vector<1x16xf32>,
        %get3A_959 = vector.shape_cast %get3A_958 : vector<1x16xf32> to vector<16xf32>
        %mul3A_960 = arith.constant 5.65685415 : f32
        %mul3A_961 = vector.broadcast %mul3A_960 : f32 to vector<16xf32>
        %mul3A_962 = arith.mulf %get3A_959, %mul3A_961 : vector<16xf32>
        %swap3A_963 = arith.index_cast %add3A_943 : i32 to index
        %swap3A_964 = arith.constant 16 : index
        %swap3A_965 = tpu.vector_load %arg7[%swap3A_963, %swap3A_964] {strides = array<i32>} : memref<512x32xf32, #tpu.memory_space<vmem>>, vector<1x16xf32>,
        %swap3A_966 = vector.shape_cast %swap3A_965 : vector<1x16xf32> to vector<16xf32>
        %swap3A_967 = vector.shape_cast %mul3A_962 : vector<16xf32> to vector<1x16xf32>
        tpu.vector_store %arg7[%swap3A_963, %swap3A_964], %swap3A_967 {strides = array<i32>} : memref<512x32xf32, #tpu.memory_space<vmem>>, vector<1x16xf32>,
        %mul3A_968 = arith.constant 8 : i32
        %mul3A_969 = arith.muli %scan3A_885, %mul3A_968 : i32
        %add3A_970 = arith.constant 3 : i32
        %add3A_971 = arith.addi %mul3A_969, %add3A_970 : i32
        %get3A_972 = arith.index_cast %add3A_971 : i32 to index
        %get3A_973 = arith.constant 0 : index
        %get3A_974 = tpu.vector_load %arg7[%get3A_972, %get3A_973] {strides = array<i32>} : memref<512x32xf32, #tpu.memory_space<vmem>>, vector<1x16xf32>,
        %get3A_975 = vector.shape_cast %get3A_974 : vector<1x16xf32> to vector<16xf32>
        %mul3A_976 = arith.constant 5.65685415 : f32
        %mul3A_977 = vector.broadcast %mul3A_976 : f32 to vector<16xf32>
        %mul3A_978 = arith.mulf %get3A_975, %mul3A_977 : vector<16xf32>
        %swap3A_979 = arith.index_cast %add3A_971 : i32 to index
        %swap3A_980 = arith.constant 0 : index
        %swap3A_981 = tpu.vector_load %arg7[%swap3A_979, %swap3A_980] {strides = array<i32>} : memref<512x32xf32, #tpu.memory_space<vmem>>, vector<1x16xf32>,
        %swap3A_982 = vector.shape_cast %swap3A_981 : vector<1x16xf32> to vector<16xf32>
        %swap3A_983 = vector.shape_cast %mul3A_978 : vector<16xf32> to vector<1x16xf32>
        tpu.vector_store %arg7[%swap3A_979, %swap3A_980], %swap3A_983 {strides = array<i32>} : memref<512x32xf32, #tpu.memory_space<vmem>>, vector<1x16xf32>,
        %get3A_984 = arith.index_cast %add3A_971 : i32 to index
        %get3A_985 = arith.constant 16 : index
        %get3A_986 = tpu.vector_load %arg7[%get3A_984, %get3A_985] {strides = array<i32>} : memref<512x32xf32, #tpu.memory_space<vmem>>, vector<1x16xf32>,
        %get3A_987 = vector.shape_cast %get3A_986 : vector<1x16xf32> to vector<16xf32>
        %mul3A_988 = arith.constant 5.65685415 : f32
        %mul3A_989 = vector.broadcast %mul3A_988 : f32 to vector<16xf32>
        %mul3A_990 = arith.mulf %get3A_987, %mul3A_989 : vector<16xf32>
        %swap3A_991 = arith.index_cast %add3A_971 : i32 to index
        %swap3A_992 = arith.constant 16 : index
        %swap3A_993 = tpu.vector_load %arg7[%swap3A_991, %swap3A_992] {strides = array<i32>} : memref<512x32xf32, #tpu.memory_space<vmem>>, vector<1x16xf32>,
        %swap3A_994 = vector.shape_cast %swap3A_993 : vector<1x16xf32> to vector<16xf32>
        %swap3A_995 = vector.shape_cast %mul3A_990 : vector<16xf32> to vector<1x16xf32>
        tpu.vector_store %arg7[%swap3A_991, %swap3A_992], %swap3A_995 {strides = array<i32>} : memref<512x32xf32, #tpu.memory_space<vmem>>, vector<1x16xf32>,
        %mul3A_996 = arith.constant 8 : i32
        %mul3A_997 = arith.muli %scan3A_885, %mul3A_996 : i32
        %add3A_998 = arith.constant 4 : i32
        %add3A_999 = arith.addi %mul3A_997, %add3A_998 : i32
        %get3A_1000 = arith.index_cast %add3A_999 : i32 to index
        %get3A_1001 = arith.constant 0 : index
        %get3A_1002 = tpu.vector_load %arg7[%get3A_1000, %get3A_1001] {strides = array<i32>} : memref<512x32xf32, #tpu.memory_space<vmem>>, vector<1x16xf32>,
        %get3A_1003 = vector.shape_cast %get3A_1002 : vector<1x16xf32> to vector<16xf32>
        %mul3A_1004 = arith.constant 5.65685415 : f32
        %mul3A_1005 = vector.broadcast %mul3A_1004 : f32 to vector<16xf32>
        %mul3A_1006 = arith.mulf %get3A_1003, %mul3A_1005 : vector<16xf32>
        %swap3A_1007 = arith.index_cast %add3A_999 : i32 to index
        %swap3A_1008 = arith.constant 0 : index
        %swap3A_1009 = tpu.vector_load %arg7[%swap3A_1007, %swap3A_1008] {strides = array<i32>} : memref<512x32xf32, #tpu.memory_space<vmem>>, vector<1x16xf32>,
        %swap3A_1010 = vector.shape_cast %swap3A_1009 : vector<1x16xf32> to vector<16xf32>
        %swap3A_1011 = vector.shape_cast %mul3A_1006 : vector<16xf32> to vector<1x16xf32>
        tpu.vector_store %arg7[%swap3A_1007, %swap3A_1008], %swap3A_1011 {strides = array<i32>} : memref<512x32xf32, #tpu.memory_space<vmem>>, vector<1x16xf32>,
        %get3A_1012 = arith.index_cast %add3A_999 : i32 to index
        %get3A_1013 = arith.constant 16 : index
        %get3A_1014 = tpu.vector_load %arg7[%get3A_1012, %get3A_1013] {strides = array<i32>} : memref<512x32xf32, #tpu.memory_space<vmem>>, vector<1x16xf32>,
        %get3A_1015 = vector.shape_cast %get3A_1014 : vector<1x16xf32> to vector<16xf32>
        %mul3A_1016 = arith.constant 5.65685415 : f32
        %mul3A_1017 = vector.broadcast %mul3A_1016 : f32 to vector<16xf32>
        %mul3A_1018 = arith.mulf %get3A_1015, %mul3A_1017 : vector<16xf32>
        %swap3A_1019 = arith.index_cast %add3A_999 : i32 to index
        %swap3A_1020 = arith.constant 16 : index
        %swap3A_1021 = tpu.vector_load %arg7[%swap3A_1019, %swap3A_1020] {strides = array<i32>} : memref<512x32xf32, #tpu.memory_space<vmem>>, vector<1x16xf32>,
        %swap3A_1022 = vector.shape_cast %swap3A_1021 : vector<1x16xf32> to vector<16xf32>
        %swap3A_1023 = vector.shape_cast %mul3A_1018 : vector<16xf32> to vector<1x16xf32>
        tpu.vector_store %arg7[%swap3A_1019, %swap3A_1020], %swap3A_1023 {strides = array<i32>} : memref<512x32xf32, #tpu.memory_space<vmem>>, vector<1x16xf32>,
        %mul3A_1024 = arith.constant 8 : i32
        %mul3A_1025 = arith.muli %scan3A_885, %mul3A_1024 : i32
        %add3A_1026 = arith.constant 5 : i32
        %add3A_1027 = arith.addi %mul3A_1025, %add3A_1026 : i32
        %get3A_1028 = arith.index_cast %add3A_1027 : i32 to index
        %get3A_1029 = arith.constant 0 : index
        %get3A_1030 = tpu.vector_load %arg7[%get3A_1028, %get3A_1029] {strides = array<i32>} : memref<512x32xf32, #tpu.memory_space<vmem>>, vector<1x16xf32>,
        %get3A_1031 = vector.shape_cast %get3A_1030 : vector<1x16xf32> to vector<16xf32>
        %mul3A_1032 = arith.constant 5.65685415 : f32
        %mul3A_1033 = vector.broadcast %mul3A_1032 : f32 to vector<16xf32>
        %mul3A_1034 = arith.mulf %get3A_1031, %mul3A_1033 : vector<16xf32>
        %swap3A_1035 = arith.index_cast %add3A_1027 : i32 to index
        %swap3A_1036 = arith.constant 0 : index
        %swap3A_1037 = tpu.vector_load %arg7[%swap3A_1035, %swap3A_1036] {strides = array<i32>} : memref<512x32xf32, #tpu.memory_space<vmem>>, vector<1x16xf32>,
        %swap3A_1038 = vector.shape_cast %swap3A_1037 : vector<1x16xf32> to vector<16xf32>
        %swap3A_1039 = vector.shape_cast %mul3A_1034 : vector<16xf32> to vector<1x16xf32>
        tpu.vector_store %arg7[%swap3A_1035, %swap3A_1036], %swap3A_1039 {strides = array<i32>} : memref<512x32xf32, #tpu.memory_space<vmem>>, vector<1x16xf32>,
        %get3A_1040 = arith.index_cast %add3A_1027 : i32 to index
        %get3A_1041 = arith.constant 16 : index
        %get3A_1042 = tpu.vector_load %arg7[%get3A_1040, %get3A_1041] {strides = array<i32>} : memref<512x32xf32, #tpu.memory_space<vmem>>, vector<1x16xf32>,
        %get3A_1043 = vector.shape_cast %get3A_1042 : vector<1x16xf32> to vector<16xf32>
        %mul3A_1044 = arith.constant 5.65685415 : f32
        %mul3A_1045 = vector.broadcast %mul3A_1044 : f32 to vector<16xf32>
        %mul3A_1046 = arith.mulf %get3A_1043, %mul3A_1045 : vector<16xf32>
        %swap3A_1047 = arith.index_cast %add3A_1027 : i32 to index
        %swap3A_1048 = arith.constant 16 : index
        %swap3A_1049 = tpu.vector_load %arg7[%swap3A_1047, %swap3A_1048] {strides = array<i32>} : memref<512x32xf32, #tpu.memory_space<vmem>>, vector<1x16xf32>,
        %swap3A_1050 = vector.shape_cast %swap3A_1049 : vector<1x16xf32> to vector<16xf32>
        %swap3A_1051 = vector.shape_cast %mul3A_1046 : vector<16xf32> to vector<1x16xf32>
        tpu.vector_store %arg7[%swap3A_1047, %swap3A_1048], %swap3A_1051 {strides = array<i32>} : memref<512x32xf32, #tpu.memory_space<vmem>>, vector<1x16xf32>,
        %mul3A_1052 = arith.constant 8 : i32
        %mul3A_1053 = arith.muli %scan3A_885, %mul3A_1052 : i32
        %add3A_1054 = arith.constant 6 : i32
        %add3A_1055 = arith.addi %mul3A_1053, %add3A_1054 : i32
        %get3A_1056 = arith.index_cast %add3A_1055 : i32 to index
        %get3A_1057 = arith.constant 0 : index
        %get3A_1058 = tpu.vector_load %arg7[%get3A_1056, %get3A_1057] {strides = array<i32>} : memref<512x32xf32, #tpu.memory_space<vmem>>, vector<1x16xf32>,
        %get3A_1059 = vector.shape_cast %get3A_1058 : vector<1x16xf32> to vector<16xf32>
        %mul3A_1060 = arith.constant 5.65685415 : f32
        %mul3A_1061 = vector.broadcast %mul3A_1060 : f32 to vector<16xf32>
        %mul3A_1062 = arith.mulf %get3A_1059, %mul3A_1061 : vector<16xf32>
        %swap3A_1063 = arith.index_cast %add3A_1055 : i32 to index
        %swap3A_1064 = arith.constant 0 : index
        %swap3A_1065 = tpu.vector_load %arg7[%swap3A_1063, %swap3A_1064] {strides = array<i32>} : memref<512x32xf32, #tpu.memory_space<vmem>>, vector<1x16xf32>,
        %swap3A_1066 = vector.shape_cast %swap3A_1065 : vector<1x16xf32> to vector<16xf32>
        %swap3A_1067 = vector.shape_cast %mul3A_1062 : vector<16xf32> to vector<1x16xf32>
        tpu.vector_store %arg7[%swap3A_1063, %swap3A_1064], %swap3A_1067 {strides = array<i32>} : memref<512x32xf32, #tpu.memory_space<vmem>>, vector<1x16xf32>,
        %get3A_1068 = arith.index_cast %add3A_1055 : i32 to index
        %get3A_1069 = arith.constant 16 : index
        %get3A_1070 = tpu.vector_load %arg7[%get3A_1068, %get3A_1069] {strides = array<i32>} : memref<512x32xf32, #tpu.memory_space<vmem>>, vector<1x16xf32>,
        %get3A_1071 = vector.shape_cast %get3A_1070 : vector<1x16xf32> to vector<16xf32>
        %mul3A_1072 = arith.constant 5.65685415 : f32
        %mul3A_1073 = vector.broadcast %mul3A_1072 : f32 to vector<16xf32>
        %mul3A_1074 = arith.mulf %get3A_1071, %mul3A_1073 : vector<16xf32>
        %swap3A_1075 = arith.index_cast %add3A_1055 : i32 to index
        %swap3A_1076 = arith.constant 16 : index
        %swap3A_1077 = tpu.vector_load %arg7[%swap3A_1075, %swap3A_1076] {strides = array<i32>} : memref<512x32xf32, #tpu.memory_space<vmem>>, vector<1x16xf32>,
        %swap3A_1078 = vector.shape_cast %swap3A_1077 : vector<1x16xf32> to vector<16xf32>
        %swap3A_1079 = vector.shape_cast %mul3A_1074 : vector<16xf32> to vector<1x16xf32>
        tpu.vector_store %arg7[%swap3A_1075, %swap3A_1076], %swap3A_1079 {strides = array<i32>} : memref<512x32xf32, #tpu.memory_space<vmem>>, vector<1x16xf32>,
        %mul3A_1080 = arith.constant 8 : i32
        %mul3A_1081 = arith.muli %scan3A_885, %mul3A_1080 : i32
        %add3A_1082 = arith.constant 7 : i32
        %add3A_1083 = arith.addi %mul3A_1081, %add3A_1082 : i32
        %get3A_1084 = arith.index_cast %add3A_1083 : i32 to index
        %get3A_1085 = arith.constant 0 : index
        %get3A_1086 = tpu.vector_load %arg7[%get3A_1084, %get3A_1085] {strides = array<i32>} : memref<512x32xf32, #tpu.memory_space<vmem>>, vector<1x16xf32>,
        %get3A_1087 = vector.shape_cast %get3A_1086 : vector<1x16xf32> to vector<16xf32>
        %mul3A_1088 = arith.constant 5.65685415 : f32
        %mul3A_1089 = vector.broadcast %mul3A_1088 : f32 to vector<16xf32>
        %mul3A_1090 = arith.mulf %get3A_1087, %mul3A_1089 : vector<16xf32>
        %swap3A_1091 = arith.index_cast %add3A_1083 : i32 to index
        %swap3A_1092 = arith.constant 0 : index
        %swap3A_1093 = tpu.vector_load %arg7[%swap3A_1091, %swap3A_1092] {strides = array<i32>} : memref<512x32xf32, #tpu.memory_space<vmem>>, vector<1x16xf32>,
        %swap3A_1094 = vector.shape_cast %swap3A_1093 : vector<1x16xf32> to vector<16xf32>
        %swap3A_1095 = vector.shape_cast %mul3A_1090 : vector<16xf32> to vector<1x16xf32>
        tpu.vector_store %arg7[%swap3A_1091, %swap3A_1092], %swap3A_1095 {strides = array<i32>} : memref<512x32xf32, #tpu.memory_space<vmem>>, vector<1x16xf32>,
        %get3A_1096 = arith.index_cast %add3A_1083 : i32 to index
        %get3A_1097 = arith.constant 16 : index
        %get3A_1098 = tpu.vector_load %arg7[%get3A_1096, %get3A_1097] {strides = array<i32>} : memref<512x32xf32, #tpu.memory_space<vmem>>, vector<1x16xf32>,
        %get3A_1099 = vector.shape_cast %get3A_1098 : vector<1x16xf32> to vector<16xf32>
        %mul3A_1100 = arith.constant 5.65685415 : f32
        %mul3A_1101 = vector.broadcast %mul3A_1100 : f32 to vector<16xf32>
        %mul3A_1102 = arith.mulf %get3A_1099, %mul3A_1101 : vector<16xf32>
        %swap3A_1103 = arith.index_cast %add3A_1083 : i32 to index
        %swap3A_1104 = arith.constant 16 : index
        %swap3A_1105 = tpu.vector_load %arg7[%swap3A_1103, %swap3A_1104] {strides = array<i32>} : memref<512x32xf32, #tpu.memory_space<vmem>>, vector<1x16xf32>,
        %swap3A_1106 = vector.shape_cast %swap3A_1105 : vector<1x16xf32> to vector<16xf32>
        %swap3A_1107 = vector.shape_cast %mul3A_1102 : vector<16xf32> to vector<1x16xf32>
        tpu.vector_store %arg7[%swap3A_1103, %swap3A_1104], %swap3A_1107 {strides = array<i32>} : memref<512x32xf32, #tpu.memory_space<vmem>>, vector<1x16xf32>,
      }
      %scan3A_720 = arith.constant 64 : i32
      %dma_start3A_721 = arith.constant 0 : i32
      %dma_start3A_722 = tpu.memref_slice %arg4[%mul3A_2, %add3A_670, %dma_start3A_721] : memref<16384x50x32xf32, #tpu.memory_space<hbm>> -> memref<512x1x32xf32, #tpu.memory_space<hbm>>
      %dma_start3A_723 = tpu.memref_squeeze %dma_start3A_722 : memref<512x1x32xf32, #tpu.memory_space<hbm>> -> memref<512x32xf32, #tpu.memory_space<hbm>>
      %dma_start3A_724 = arith.constant 0 : i32
      %dma_start3A_725 = tpu.memref_slice %arg4[%mul3A_2, %add3A_670, %dma_start3A_724] : memref<16384x50x32xf32, #tpu.memory_space<hbm>> -> memref<512x1x32xf32, #tpu.memory_space<hbm>>
      %dma_start3A_726 = tpu.memref_squeeze %dma_start3A_725 : memref<512x1x32xf32, #tpu.memory_space<hbm>> -> memref<512x32xf32, #tpu.memory_space<hbm>>
      tpu.enqueue_dma source(%arg7 : memref<512x32xf32, #tpu.memory_space<vmem>>) target(%dma_start3A_726 : memref<512x32xf32, #tpu.memory_space<hbm>>) target_semaphore(%arg13 : memref<!tpu.dma_semaphore, #tpu.memory_space<semaphore_mem>>)
      %dma_wait3A_727 = arith.constant 0 : i32
      %dma_wait3A_728 = arith.constant 0 : i32
      %dma_wait3A_729 = tpu.memref_slice %arg4[%mul3A_2, %dma_wait3A_727, %dma_wait3A_728] : memref<16384x50x32xf32, #tpu.memory_space<hbm>> -> memref<512x1x32xf32, #tpu.memory_space<hbm>>
      %dma_wait3A_730 = tpu.memref_squeeze %dma_wait3A_729 : memref<512x1x32xf32, #tpu.memory_space<hbm>> -> memref<512x32xf32, #tpu.memory_space<hbm>>
      %dma_wait3A_731 = arith.constant 0 : i32
      %dma_wait3A_732 = tpu.memref_slice %arg4[%mul3A_2, %dma_wait3A_727, %dma_wait3A_731] : memref<16384x50x32xf32, #tpu.memory_space<hbm>> -> memref<512x1x32xf32, #tpu.memory_space<hbm>>
      %dma_wait3A_733 = tpu.memref_squeeze %dma_wait3A_732 : memref<512x1x32xf32, #tpu.memory_space<hbm>> -> memref<512x32xf32, #tpu.memory_space<hbm>>
      tpu.wait_dma2 semaphore(%arg12 : memref<!tpu.dma_semaphore, #tpu.memory_space<semaphore_mem>>) src(%arg6 : memref<512x32xf32, #tpu.memory_space<vmem>>) dst(%dma_wait3A_733 : memref<512x32xf32, #tpu.memory_space<hbm>>)
      %add3A_734 = arith.constant 2 : i32
      %add3A_735 = arith.addi %add3A_670, %add3A_734 : i32
      %dma_start3A_736 = arith.constant 0 : i32
      %dma_start3A_737 = arith.constant 0 : i32
      %dma_start3A_738 = arith.constant 0 : i32
      %dma_start3A_739 = tpu.memref_slice %arg6[%dma_start3A_737, %dma_start3A_738] : memref<512x32xf32, #tpu.memory_space<vmem>> -> memref<128x32xf32, #tpu.memory_space<vmem>>
      %dma_start3A_740 = arith.constant 0 : i32
      %dma_start3A_741 = tpu.memref_slice %arg5[%add3A_735, %dma_start3A_736, %dma_start3A_740] : memref<50x4x128xi32, #tpu.memory_space<vmem>> -> memref<1x1x128xi32, #tpu.memory_space<vmem>>
      %dma_start3A_742 = tpu.memref_squeeze %dma_start3A_741 : memref<1x1x128xi32, #tpu.memory_space<vmem>> -> memref<128xi32, #tpu.memory_space<vmem>>
      %dma_start3A_743 = arith.constant 0 : i32
      %dma_start3A_744 = arith.constant 0 : i32
      %dma_start3A_745 = tpu.memref_slice %arg3[%dma_start3A_743, %dma_start3A_744] : memref<1000000x32xf32, #tpu.memory_space<hbm>> -> memref<1000000x32xf32, #tpu.memory_space<hbm>>
      tpu.enqueue_indirect_dma source(%dma_start3A_745 : memref<1000000x32xf32, #tpu.memory_space<hbm>>) target(%dma_start3A_739 : memref<128x32xf32, #tpu.memory_space<vmem>>) offsets(%dma_start3A_742 : memref<128xi32, #tpu.memory_space<vmem>>) semaphore(%arg9 : memref<!tpu.dma_semaphore, #tpu.memory_space<semaphore_mem>>)
      %dma_start3A_746 = arith.constant 1 : i32
      %dma_start3A_747 = arith.constant 128 : i32
      %dma_start3A_748 = arith.constant 0 : i32
      %dma_start3A_749 = tpu.memref_slice %arg6[%dma_start3A_747, %dma_start3A_748] : memref<512x32xf32, #tpu.memory_space<vmem>> -> memref<128x32xf32, #tpu.memory_space<vmem>>
      %dma_start3A_750 = arith.constant 0 : i32
      %dma_start3A_751 = tpu.memref_slice %arg5[%add3A_735, %dma_start3A_746, %dma_start3A_750] : memref<50x4x128xi32, #tpu.memory_space<vmem>> -> memref<1x1x128xi32, #tpu.memory_space<vmem>>
      %dma_start3A_752 = tpu.memref_squeeze %dma_start3A_751 : memref<1x1x128xi32, #tpu.memory_space<vmem>> -> memref<128xi32, #tpu.memory_space<vmem>>
      %dma_start3A_753 = arith.constant 0 : i32
      %dma_start3A_754 = arith.constant 0 : i32
      %dma_start3A_755 = tpu.memref_slice %arg3[%dma_start3A_753, %dma_start3A_754] : memref<1000000x32xf32, #tpu.memory_space<hbm>> -> memref<1000000x32xf32, #tpu.memory_space<hbm>>
      tpu.enqueue_indirect_dma source(%dma_start3A_755 : memref<1000000x32xf32, #tpu.memory_space<hbm>>) target(%dma_start3A_749 : memref<128x32xf32, #tpu.memory_space<vmem>>) offsets(%dma_start3A_752 : memref<128xi32, #tpu.memory_space<vmem>>) semaphore(%arg9 : memref<!tpu.dma_semaphore, #tpu.memory_space<semaphore_mem>>)
      %dma_start3A_756 = arith.constant 2 : i32
      %dma_start3A_757 = arith.constant 256 : i32
      %dma_start3A_758 = arith.constant 0 : i32
      %dma_start3A_759 = tpu.memref_slice %arg6[%dma_start3A_757, %dma_start3A_758] : memref<512x32xf32, #tpu.memory_space<vmem>> -> memref<128x32xf32, #tpu.memory_space<vmem>>
      %dma_start3A_760 = arith.constant 0 : i32
      %dma_start3A_761 = tpu.memref_slice %arg5[%add3A_735, %dma_start3A_756, %dma_start3A_760] : memref<50x4x128xi32, #tpu.memory_space<vmem>> -> memref<1x1x128xi32, #tpu.memory_space<vmem>>
      %dma_start3A_762 = tpu.memref_squeeze %dma_start3A_761 : memref<1x1x128xi32, #tpu.memory_space<vmem>> -> memref<128xi32, #tpu.memory_space<vmem>>
      %dma_start3A_763 = arith.constant 0 : i32
      %dma_start3A_764 = arith.constant 0 : i32
      %dma_start3A_765 = tpu.memref_slice %arg3[%dma_start3A_763, %dma_start3A_764] : memref<1000000x32xf32, #tpu.memory_space<hbm>> -> memref<1000000x32xf32, #tpu.memory_space<hbm>>
      tpu.enqueue_indirect_dma source(%dma_start3A_765 : memref<1000000x32xf32, #tpu.memory_space<hbm>>) target(%dma_start3A_759 : memref<128x32xf32, #tpu.memory_space<vmem>>) offsets(%dma_start3A_762 : memref<128xi32, #tpu.memory_space<vmem>>) semaphore(%arg9 : memref<!tpu.dma_semaphore, #tpu.memory_space<semaphore_mem>>)
      %dma_start3A_766 = arith.constant 3 : i32
      %dma_start3A_767 = arith.constant 384 : i32
      %dma_start3A_768 = arith.constant 0 : i32
      %dma_start3A_769 = tpu.memref_slice %arg6[%dma_start3A_767, %dma_start3A_768] : memref<512x32xf32, #tpu.memory_space<vmem>> -> memref<128x32xf32, #tpu.memory_space<vmem>>
      %dma_start3A_770 = arith.constant 0 : i32
      %dma_start3A_771 = tpu.memref_slice %arg5[%add3A_735, %dma_start3A_766, %dma_start3A_770] : memref<50x4x128xi32, #tpu.memory_space<vmem>> -> memref<1x1x128xi32, #tpu.memory_space<vmem>>
      %dma_start3A_772 = tpu.memref_squeeze %dma_start3A_771 : memref<1x1x128xi32, #tpu.memory_space<vmem>> -> memref<128xi32, #tpu.memory_space<vmem>>
      %dma_start3A_773 = arith.constant 0 : i32
      %dma_start3A_774 = arith.constant 0 : i32
      %dma_start3A_775 = tpu.memref_slice %arg3[%dma_start3A_773, %dma_start3A_774] : memref<1000000x32xf32, #tpu.memory_space<hbm>> -> memref<1000000x32xf32, #tpu.memory_space<hbm>>
      tpu.enqueue_indirect_dma source(%dma_start3A_775 : memref<1000000x32xf32, #tpu.memory_space<hbm>>) target(%dma_start3A_769 : memref<128x32xf32, #tpu.memory_space<vmem>>) offsets(%dma_start3A_772 : memref<128xi32, #tpu.memory_space<vmem>>) semaphore(%arg9 : memref<!tpu.dma_semaphore, #tpu.memory_space<semaphore_mem>>)
      %mul3A_776 = arith.constant 3 : i32
      %mul3A_777 = arith.muli %scan3A_557, %mul3A_776 : i32
      %add3A_778 = arith.constant 2 : i32
      %add3A_779 = arith.addi %mul3A_777, %add3A_778 : i32
      %dma_wait3A_780 = arith.constant 0 : i32
      %dma_wait3A_781 = arith.constant 0 : i32
      %dma_wait3A_782 = arith.constant 0 : i32
      %dma_wait3A_783 = arith.constant 0 : i32
      %dma_wait3A_784 = tpu.memref_slice %arg8[%dma_wait3A_782, %dma_wait3A_783] : memref<512x32xf32, #tpu.memory_space<vmem>> -> memref<128x32xf32, #tpu.memory_space<vmem>>
      %dma_wait3A_785 = arith.constant 0 : i32
      %dma_wait3A_786 = tpu.memref_slice %arg5[%dma_wait3A_780, %dma_wait3A_781, %dma_wait3A_785] : memref<50x4x128xi32, #tpu.memory_space<vmem>> -> memref<1x1x128xi32, #tpu.memory_space<vmem>>
      %dma_wait3A_787 = tpu.memref_squeeze %dma_wait3A_786 : memref<1x1x128xi32, #tpu.memory_space<vmem>> -> memref<128xi32, #tpu.memory_space<vmem>>
      %dma_wait3A_788 = arith.constant 0 : i32
      %dma_wait3A_789 = arith.constant 0 : i32
      %dma_wait3A_790 = tpu.memref_slice %arg3[%dma_wait3A_788, %dma_wait3A_789] : memref<1000000x32xf32, #tpu.memory_space<hbm>> -> memref<1000000x32xf32, #tpu.memory_space<hbm>>
      tpu.wait_indirect_dma semaphore(%arg11 : memref<!tpu.dma_semaphore, #tpu.memory_space<semaphore_mem>>) src(%dma_wait3A_790 : memref<1000000x32xf32, #tpu.memory_space<hbm>>) dst(%dma_wait3A_784 : memref<128x32xf32, #tpu.memory_space<vmem>>)
      %dma_wait3A_791 = arith.constant 0 : i32
      %dma_wait3A_792 = arith.constant 1 : i32
      %dma_wait3A_793 = arith.constant 128 : i32
      %dma_wait3A_794 = arith.constant 0 : i32
      %dma_wait3A_795 = tpu.memref_slice %arg8[%dma_wait3A_793, %dma_wait3A_794] : memref<512x32xf32, #tpu.memory_space<vmem>> -> memref<128x32xf32, #tpu.memory_space<vmem>>
      %dma_wait3A_796 = arith.constant 0 : i32
      %dma_wait3A_797 = tpu.memref_slice %arg5[%dma_wait3A_791, %dma_wait3A_792, %dma_wait3A_796] : memref<50x4x128xi32, #tpu.memory_space<vmem>> -> memref<1x1x128xi32, #tpu.memory_space<vmem>>
      %dma_wait3A_798 = tpu.memref_squeeze %dma_wait3A_797 : memref<1x1x128xi32, #tpu.memory_space<vmem>> -> memref<128xi32, #tpu.memory_space<vmem>>
      %dma_wait3A_799 = arith.constant 0 : i32
      %dma_wait3A_800 = arith.constant 0 : i32
      %dma_wait3A_801 = tpu.memref_slice %arg3[%dma_wait3A_799, %dma_wait3A_800] : memref<1000000x32xf32, #tpu.memory_space<hbm>> -> memref<1000000x32xf32, #tpu.memory_space<hbm>>
      tpu.wait_indirect_dma semaphore(%arg11 : memref<!tpu.dma_semaphore, #tpu.memory_space<semaphore_mem>>) src(%dma_wait3A_801 : memref<1000000x32xf32, #tpu.memory_space<hbm>>) dst(%dma_wait3A_795 : memref<128x32xf32, #tpu.memory_space<vmem>>)
      %dma_wait3A_802 = arith.constant 0 : i32
      %dma_wait3A_803 = arith.constant 2 : i32
      %dma_wait3A_804 = arith.constant 256 : i32
      %dma_wait3A_805 = arith.constant 0 : i32
      %dma_wait3A_806 = tpu.memref_slice %arg8[%dma_wait3A_804, %dma_wait3A_805] : memref<512x32xf32, #tpu.memory_space<vmem>> -> memref<128x32xf32, #tpu.memory_space<vmem>>
      %dma_wait3A_807 = arith.constant 0 : i32
      %dma_wait3A_808 = tpu.memref_slice %arg5[%dma_wait3A_802, %dma_wait3A_803, %dma_wait3A_807] : memref<50x4x128xi32, #tpu.memory_space<vmem>> -> memref<1x1x128xi32, #tpu.memory_space<vmem>>
      %dma_wait3A_809 = tpu.memref_squeeze %dma_wait3A_808 : memref<1x1x128xi32, #tpu.memory_space<vmem>> -> memref<128xi32, #tpu.memory_space<vmem>>
      %dma_wait3A_810 = arith.constant 0 : i32
      %dma_wait3A_811 = arith.constant 0 : i32
      %dma_wait3A_812 = tpu.memref_slice %arg3[%dma_wait3A_810, %dma_wait3A_811] : memref<1000000x32xf32, #tpu.memory_space<hbm>> -> memref<1000000x32xf32, #tpu.memory_space<hbm>>
      tpu.wait_indirect_dma semaphore(%arg11 : memref<!tpu.dma_semaphore, #tpu.memory_space<semaphore_mem>>) src(%dma_wait3A_812 : memref<1000000x32xf32, #tpu.memory_space<hbm>>) dst(%dma_wait3A_806 : memref<128x32xf32, #tpu.memory_space<vmem>>)
      %dma_wait3A_813 = arith.constant 0 : i32
      %dma_wait3A_814 = arith.constant 3 : i32
      %dma_wait3A_815 = arith.constant 384 : i32
      %dma_wait3A_816 = arith.constant 0 : i32
      %dma_wait3A_817 = tpu.memref_slice %arg8[%dma_wait3A_815, %dma_wait3A_816] : memref<512x32xf32, #tpu.memory_space<vmem>> -> memref<128x32xf32, #tpu.memory_space<vmem>>
      %dma_wait3A_818 = arith.constant 0 : i32
      %dma_wait3A_819 = tpu.memref_slice %arg5[%dma_wait3A_813, %dma_wait3A_814, %dma_wait3A_818] : memref<50x4x128xi32, #tpu.memory_space<vmem>> -> memref<1x1x128xi32, #tpu.memory_space<vmem>>
      %dma_wait3A_820 = tpu.memref_squeeze %dma_wait3A_819 : memref<1x1x128xi32, #tpu.memory_space<vmem>> -> memref<128xi32, #tpu.memory_space<vmem>>
      %dma_wait3A_821 = arith.constant 0 : i32
      %dma_wait3A_822 = arith.constant 0 : i32
      %dma_wait3A_823 = tpu.memref_slice %arg3[%dma_wait3A_821, %dma_wait3A_822] : memref<1000000x32xf32, #tpu.memory_space<hbm>> -> memref<1000000x32xf32, #tpu.memory_space<hbm>>
      tpu.wait_indirect_dma semaphore(%arg11 : memref<!tpu.dma_semaphore, #tpu.memory_space<semaphore_mem>>) src(%dma_wait3A_823 : memref<1000000x32xf32, #tpu.memory_space<hbm>>) dst(%dma_wait3A_817 : memref<128x32xf32, #tpu.memory_space<vmem>>)
      %scan3A_824 = arith.constant 0 : i32
      %scan3A_825 = arith.constant 0 : i32
      %scan3A_826 = arith.constant 64 : i32
      %scan3A_827 = arith.addi %scan3A_825, %scan3A_826 : i32
      %scan3A_828 = arith.constant 1 : i32
      scf.for %scan3A_885 = %scan3A_825 to %scan3A_827 step %scan3A_828  : i32 {
        %mul3A_886 = arith.constant 8 : i32
        %mul3A_887 = arith.muli %scan3A_885, %mul3A_886 : i32
        %add3A_888 = arith.constant 0 : i32
        %add3A_889 = arith.addi %mul3A_887, %add3A_888 : i32
        %get3A = arith.index_cast %add3A_889 : i32 to index
        %get3A_890 = arith.constant 0 : index
        %get3A_891 = tpu.vector_load %arg8[%get3A, %get3A_890] {strides = array<i32>} : memref<512x32xf32, #tpu.memory_space<vmem>>, vector<1x16xf32>,
        %get3A_892 = vector.shape_cast %get3A_891 : vector<1x16xf32> to vector<16xf32>
        %mul3A_893 = arith.constant 5.65685415 : f32
        %mul3A_894 = vector.broadcast %mul3A_893 : f32 to vector<16xf32>
        %mul3A_895 = arith.mulf %get3A_892, %mul3A_894 : vector<16xf32>
        %swap3A = arith.index_cast %add3A_889 : i32 to index
        %swap3A_896 = arith.constant 0 : index
        %swap3A_897 = tpu.vector_load %arg8[%swap3A, %swap3A_896] {strides = array<i32>} : memref<512x32xf32, #tpu.memory_space<vmem>>, vector<1x16xf32>,
        %swap3A_898 = vector.shape_cast %swap3A_897 : vector<1x16xf32> to vector<16xf32>
        %swap3A_899 = vector.shape_cast %mul3A_895 : vector<16xf32> to vector<1x16xf32>
        tpu.vector_store %arg8[%swap3A, %swap3A_896], %swap3A_899 {strides = array<i32>} : memref<512x32xf32, #tpu.memory_space<vmem>>, vector<1x16xf32>,
        %get3A_900 = arith.index_cast %add3A_889 : i32 to index
        %get3A_901 = arith.constant 16 : index
        %get3A_902 = tpu.vector_load %arg8[%get3A_900, %get3A_901] {strides = array<i32>} : memref<512x32xf32, #tpu.memory_space<vmem>>, vector<1x16xf32>,
        %get3A_903 = vector.shape_cast %get3A_902 : vector<1x16xf32> to vector<16xf32>
        %mul3A_904 = arith.constant 5.65685415 : f32
        %mul3A_905 = vector.broadcast %mul3A_904 : f32 to vector<16xf32>
        %mul3A_906 = arith.mulf %get3A_903, %mul3A_905 : vector<16xf32>
        %swap3A_907 = arith.index_cast %add3A_889 : i32 to index
        %swap3A_908 = arith.constant 16 : index
        %swap3A_909 = tpu.vector_load %arg8[%swap3A_907, %swap3A_908] {strides = array<i32>} : memref<512x32xf32, #tpu.memory_space<vmem>>, vector<1x16xf32>,
        %swap3A_910 = vector.shape_cast %swap3A_909 : vector<1x16xf32> to vector<16xf32>
        %swap3A_911 = vector.shape_cast %mul3A_906 : vector<16xf32> to vector<1x16xf32>
        tpu.vector_store %arg8[%swap3A_907, %swap3A_908], %swap3A_911 {strides = array<i32>} : memref<512x32xf32, #tpu.memory_space<vmem>>, vector<1x16xf32>,
        %mul3A_912 = arith.constant 8 : i32
        %mul3A_913 = arith.muli %scan3A_885, %mul3A_912 : i32
        %add3A_914 = arith.constant 1 : i32
        %add3A_915 = arith.addi %mul3A_913, %add3A_914 : i32
        %get3A_916 = arith.index_cast %add3A_915 : i32 to index
        %get3A_917 = arith.constant 0 : index
        %get3A_918 = tpu.vector_load %arg8[%get3A_916, %get3A_917] {strides = array<i32>} : memref<512x32xf32, #tpu.memory_space<vmem>>, vector<1x16xf32>,
        %get3A_919 = vector.shape_cast %get3A_918 : vector<1x16xf32> to vector<16xf32>
        %mul3A_920 = arith.constant 5.65685415 : f32
        %mul3A_921 = vector.broadcast %mul3A_920 : f32 to vector<16xf32>
        %mul3A_922 = arith.mulf %get3A_919, %mul3A_921 : vector<16xf32>
        %swap3A_923 = arith.index_cast %add3A_915 : i32 to index
        %swap3A_924 = arith.constant 0 : index
        %swap3A_925 = tpu.vector_load %arg8[%swap3A_923, %swap3A_924] {strides = array<i32>} : memref<512x32xf32, #tpu.memory_space<vmem>>, vector<1x16xf32>,
        %swap3A_926 = vector.shape_cast %swap3A_925 : vector<1x16xf32> to vector<16xf32>
        %swap3A_927 = vector.shape_cast %mul3A_922 : vector<16xf32> to vector<1x16xf32>
        tpu.vector_store %arg8[%swap3A_923, %swap3A_924], %swap3A_927 {strides = array<i32>} : memref<512x32xf32, #tpu.memory_space<vmem>>, vector<1x16xf32>,
        %get3A_928 = arith.index_cast %add3A_915 : i32 to index
        %get3A_929 = arith.constant 16 : index
        %get3A_930 = tpu.vector_load %arg8[%get3A_928, %get3A_929] {strides = array<i32>} : memref<512x32xf32, #tpu.memory_space<vmem>>, vector<1x16xf32>,
        %get3A_931 = vector.shape_cast %get3A_930 : vector<1x16xf32> to vector<16xf32>
        %mul3A_932 = arith.constant 5.65685415 : f32
        %mul3A_933 = vector.broadcast %mul3A_932 : f32 to vector<16xf32>
        %mul3A_934 = arith.mulf %get3A_931, %mul3A_933 : vector<16xf32>
        %swap3A_935 = arith.index_cast %add3A_915 : i32 to index
        %swap3A_936 = arith.constant 16 : index
        %swap3A_937 = tpu.vector_load %arg8[%swap3A_935, %swap3A_936] {strides = array<i32>} : memref<512x32xf32, #tpu.memory_space<vmem>>, vector<1x16xf32>,
        %swap3A_938 = vector.shape_cast %swap3A_937 : vector<1x16xf32> to vector<16xf32>
        %swap3A_939 = vector.shape_cast %mul3A_934 : vector<16xf32> to vector<1x16xf32>
        tpu.vector_store %arg8[%swap3A_935, %swap3A_936], %swap3A_939 {strides = array<i32>} : memref<512x32xf32, #tpu.memory_space<vmem>>, vector<1x16xf32>,
        %mul3A_940 = arith.constant 8 : i32
        %mul3A_941 = arith.muli %scan3A_885, %mul3A_940 : i32
        %add3A_942 = arith.constant 2 : i32
        %add3A_943 = arith.addi %mul3A_941, %add3A_942 : i32
        %get3A_944 = arith.index_cast %add3A_943 : i32 to index
        %get3A_945 = arith.constant 0 : index
        %get3A_946 = tpu.vector_load %arg8[%get3A_944, %get3A_945] {strides = array<i32>} : memref<512x32xf32, #tpu.memory_space<vmem>>, vector<1x16xf32>,
        %get3A_947 = vector.shape_cast %get3A_946 : vector<1x16xf32> to vector<16xf32>
        %mul3A_948 = arith.constant 5.65685415 : f32
        %mul3A_949 = vector.broadcast %mul3A_948 : f32 to vector<16xf32>
        %mul3A_950 = arith.mulf %get3A_947, %mul3A_949 : vector<16xf32>
        %swap3A_951 = arith.index_cast %add3A_943 : i32 to index
        %swap3A_952 = arith.constant 0 : index
        %swap3A_953 = tpu.vector_load %arg8[%swap3A_951, %swap3A_952] {strides = array<i32>} : memref<512x32xf32, #tpu.memory_space<vmem>>, vector<1x16xf32>,
        %swap3A_954 = vector.shape_cast %swap3A_953 : vector<1x16xf32> to vector<16xf32>
        %swap3A_955 = vector.shape_cast %mul3A_950 : vector<16xf32> to vector<1x16xf32>
        tpu.vector_store %arg8[%swap3A_951, %swap3A_952], %swap3A_955 {strides = array<i32>} : memref<512x32xf32, #tpu.memory_space<vmem>>, vector<1x16xf32>,
        %get3A_956 = arith.index_cast %add3A_943 : i32 to index
        %get3A_957 = arith.constant 16 : index
        %get3A_958 = tpu.vector_load %arg8[%get3A_956, %get3A_957] {strides = array<i32>} : memref<512x32xf32, #tpu.memory_space<vmem>>, vector<1x16xf32>,
        %get3A_959 = vector.shape_cast %get3A_958 : vector<1x16xf32> to vector<16xf32>
        %mul3A_960 = arith.constant 5.65685415 : f32
        %mul3A_961 = vector.broadcast %mul3A_960 : f32 to vector<16xf32>
        %mul3A_962 = arith.mulf %get3A_959, %mul3A_961 : vector<16xf32>
        %swap3A_963 = arith.index_cast %add3A_943 : i32 to index
        %swap3A_964 = arith.constant 16 : index
        %swap3A_965 = tpu.vector_load %arg8[%swap3A_963, %swap3A_964] {strides = array<i32>} : memref<512x32xf32, #tpu.memory_space<vmem>>, vector<1x16xf32>,
        %swap3A_966 = vector.shape_cast %swap3A_965 : vector<1x16xf32> to vector<16xf32>
        %swap3A_967 = vector.shape_cast %mul3A_962 : vector<16xf32> to vector<1x16xf32>
        tpu.vector_store %arg8[%swap3A_963, %swap3A_964], %swap3A_967 {strides = array<i32>} : memref<512x32xf32, #tpu.memory_space<vmem>>, vector<1x16xf32>,
        %mul3A_968 = arith.constant 8 : i32
        %mul3A_969 = arith.muli %scan3A_885, %mul3A_968 : i32
        %add3A_970 = arith.constant 3 : i32
        %add3A_971 = arith.addi %mul3A_969, %add3A_970 : i32
        %get3A_972 = arith.index_cast %add3A_971 : i32 to index
        %get3A_973 = arith.constant 0 : index
        %get3A_974 = tpu.vector_load %arg8[%get3A_972, %get3A_973] {strides = array<i32>} : memref<512x32xf32, #tpu.memory_space<vmem>>, vector<1x16xf32>,
        %get3A_975 = vector.shape_cast %get3A_974 : vector<1x16xf32> to vector<16xf32>
        %mul3A_976 = arith.constant 5.65685415 : f32
        %mul3A_977 = vector.broadcast %mul3A_976 : f32 to vector<16xf32>
        %mul3A_978 = arith.mulf %get3A_975, %mul3A_977 : vector<16xf32>
        %swap3A_979 = arith.index_cast %add3A_971 : i32 to index
        %swap3A_980 = arith.constant 0 : index
        %swap3A_981 = tpu.vector_load %arg8[%swap3A_979, %swap3A_980] {strides = array<i32>} : memref<512x32xf32, #tpu.memory_space<vmem>>, vector<1x16xf32>,
        %swap3A_982 = vector.shape_cast %swap3A_981 : vector<1x16xf32> to vector<16xf32>
        %swap3A_983 = vector.shape_cast %mul3A_978 : vector<16xf32> to vector<1x16xf32>
        tpu.vector_store %arg8[%swap3A_979, %swap3A_980], %swap3A_983 {strides = array<i32>} : memref<512x32xf32, #tpu.memory_space<vmem>>, vector<1x16xf32>,
        %get3A_984 = arith.index_cast %add3A_971 : i32 to index
        %get3A_985 = arith.constant 16 : index
        %get3A_986 = tpu.vector_load %arg8[%get3A_984, %get3A_985] {strides = array<i32>} : memref<512x32xf32, #tpu.memory_space<vmem>>, vector<1x16xf32>,
        %get3A_987 = vector.shape_cast %get3A_986 : vector<1x16xf32> to vector<16xf32>
        %mul3A_988 = arith.constant 5.65685415 : f32
        %mul3A_989 = vector.broadcast %mul3A_988 : f32 to vector<16xf32>
        %mul3A_990 = arith.mulf %get3A_987, %mul3A_989 : vector<16xf32>
        %swap3A_991 = arith.index_cast %add3A_971 : i32 to index
        %swap3A_992 = arith.constant 16 : index
        %swap3A_993 = tpu.vector_load %arg8[%swap3A_991, %swap3A_992] {strides = array<i32>} : memref<512x32xf32, #tpu.memory_space<vmem>>, vector<1x16xf32>,
        %swap3A_994 = vector.shape_cast %swap3A_993 : vector<1x16xf32> to vector<16xf32>
        %swap3A_995 = vector.shape_cast %mul3A_990 : vector<16xf32> to vector<1x16xf32>
        tpu.vector_store %arg8[%swap3A_991, %swap3A_992], %swap3A_995 {strides = array<i32>} : memref<512x32xf32, #tpu.memory_space<vmem>>, vector<1x16xf32>,
        %mul3A_996 = arith.constant 8 : i32
        %mul3A_997 = arith.muli %scan3A_885, %mul3A_996 : i32
        %add3A_998 = arith.constant 4 : i32
        %add3A_999 = arith.addi %mul3A_997, %add3A_998 : i32
        %get3A_1000 = arith.index_cast %add3A_999 : i32 to index
        %get3A_1001 = arith.constant 0 : index
        %get3A_1002 = tpu.vector_load %arg8[%get3A_1000, %get3A_1001] {strides = array<i32>} : memref<512x32xf32, #tpu.memory_space<vmem>>, vector<1x16xf32>,
        %get3A_1003 = vector.shape_cast %get3A_1002 : vector<1x16xf32> to vector<16xf32>
        %mul3A_1004 = arith.constant 5.65685415 : f32
        %mul3A_1005 = vector.broadcast %mul3A_1004 : f32 to vector<16xf32>
        %mul3A_1006 = arith.mulf %get3A_1003, %mul3A_1005 : vector<16xf32>
        %swap3A_1007 = arith.index_cast %add3A_999 : i32 to index
        %swap3A_1008 = arith.constant 0 : index
        %swap3A_1009 = tpu.vector_load %arg8[%swap3A_1007, %swap3A_1008] {strides = array<i32>} : memref<512x32xf32, #tpu.memory_space<vmem>>, vector<1x16xf32>,
        %swap3A_1010 = vector.shape_cast %swap3A_1009 : vector<1x16xf32> to vector<16xf32>
        %swap3A_1011 = vector.shape_cast %mul3A_1006 : vector<16xf32> to vector<1x16xf32>
        tpu.vector_store %arg8[%swap3A_1007, %swap3A_1008], %swap3A_1011 {strides = array<i32>} : memref<512x32xf32, #tpu.memory_space<vmem>>, vector<1x16xf32>,
        %get3A_1012 = arith.index_cast %add3A_999 : i32 to index
        %get3A_1013 = arith.constant 16 : index
        %get3A_1014 = tpu.vector_load %arg8[%get3A_1012, %get3A_1013] {strides = array<i32>} : memref<512x32xf32, #tpu.memory_space<vmem>>, vector<1x16xf32>,
        %get3A_1015 = vector.shape_cast %get3A_1014 : vector<1x16xf32> to vector<16xf32>
        %mul3A_1016 = arith.constant 5.65685415 : f32
        %mul3A_1017 = vector.broadcast %mul3A_1016 : f32 to vector<16xf32>
        %mul3A_1018 = arith.mulf %get3A_1015, %mul3A_1017 : vector<16xf32>
        %swap3A_1019 = arith.index_cast %add3A_999 : i32 to index
        %swap3A_1020 = arith.constant 16 : index
        %swap3A_1021 = tpu.vector_load %arg8[%swap3A_1019, %swap3A_1020] {strides = array<i32>} : memref<512x32xf32, #tpu.memory_space<vmem>>, vector<1x16xf32>,
        %swap3A_1022 = vector.shape_cast %swap3A_1021 : vector<1x16xf32> to vector<16xf32>
        %swap3A_1023 = vector.shape_cast %mul3A_1018 : vector<16xf32> to vector<1x16xf32>
        tpu.vector_store %arg8[%swap3A_1019, %swap3A_1020], %swap3A_1023 {strides = array<i32>} : memref<512x32xf32, #tpu.memory_space<vmem>>, vector<1x16xf32>,
        %mul3A_1024 = arith.constant 8 : i32
        %mul3A_1025 = arith.muli %scan3A_885, %mul3A_1024 : i32
        %add3A_1026 = arith.constant 5 : i32
        %add3A_1027 = arith.addi %mul3A_1025, %add3A_1026 : i32
        %get3A_1028 = arith.index_cast %add3A_1027 : i32 to index
        %get3A_1029 = arith.constant 0 : index
        %get3A_1030 = tpu.vector_load %arg8[%get3A_1028, %get3A_1029] {strides = array<i32>} : memref<512x32xf32, #tpu.memory_space<vmem>>, vector<1x16xf32>,
        %get3A_1031 = vector.shape_cast %get3A_1030 : vector<1x16xf32> to vector<16xf32>
        %mul3A_1032 = arith.constant 5.65685415 : f32
        %mul3A_1033 = vector.broadcast %mul3A_1032 : f32 to vector<16xf32>
        %mul3A_1034 = arith.mulf %get3A_1031, %mul3A_1033 : vector<16xf32>
        %swap3A_1035 = arith.index_cast %add3A_1027 : i32 to index
        %swap3A_1036 = arith.constant 0 : index
        %swap3A_1037 = tpu.vector_load %arg8[%swap3A_1035, %swap3A_1036] {strides = array<i32>} : memref<512x32xf32, #tpu.memory_space<vmem>>, vector<1x16xf32>,
        %swap3A_1038 = vector.shape_cast %swap3A_1037 : vector<1x16xf32> to vector<16xf32>
        %swap3A_1039 = vector.shape_cast %mul3A_1034 : vector<16xf32> to vector<1x16xf32>
        tpu.vector_store %arg8[%swap3A_1035, %swap3A_1036], %swap3A_1039 {strides = array<i32>} : memref<512x32xf32, #tpu.memory_space<vmem>>, vector<1x16xf32>,
        %get3A_1040 = arith.index_cast %add3A_1027 : i32 to index
        %get3A_1041 = arith.constant 16 : index
        %get3A_1042 = tpu.vector_load %arg8[%get3A_1040, %get3A_1041] {strides = array<i32>} : memref<512x32xf32, #tpu.memory_space<vmem>>, vector<1x16xf32>,
        %get3A_1043 = vector.shape_cast %get3A_1042 : vector<1x16xf32> to vector<16xf32>
        %mul3A_1044 = arith.constant 5.65685415 : f32
        %mul3A_1045 = vector.broadcast %mul3A_1044 : f32 to vector<16xf32>
        %mul3A_1046 = arith.mulf %get3A_1043, %mul3A_1045 : vector<16xf32>
        %swap3A_1047 = arith.index_cast %add3A_1027 : i32 to index
        %swap3A_1048 = arith.constant 16 : index
        %swap3A_1049 = tpu.vector_load %arg8[%swap3A_1047, %swap3A_1048] {strides = array<i32>} : memref<512x32xf32, #tpu.memory_space<vmem>>, vector<1x16xf32>,
        %swap3A_1050 = vector.shape_cast %swap3A_1049 : vector<1x16xf32> to vector<16xf32>
        %swap3A_1051 = vector.shape_cast %mul3A_1046 : vector<16xf32> to vector<1x16xf32>
        tpu.vector_store %arg8[%swap3A_1047, %swap3A_1048], %swap3A_1051 {strides = array<i32>} : memref<512x32xf32, #tpu.memory_space<vmem>>, vector<1x16xf32>,
        %mul3A_1052 = arith.constant 8 : i32
        %mul3A_1053 = arith.muli %scan3A_885, %mul3A_1052 : i32
        %add3A_1054 = arith.constant 6 : i32
        %add3A_1055 = arith.addi %mul3A_1053, %add3A_1054 : i32
        %get3A_1056 = arith.index_cast %add3A_1055 : i32 to index
        %get3A_1057 = arith.constant 0 : index
        %get3A_1058 = tpu.vector_load %arg8[%get3A_1056, %get3A_1057] {strides = array<i32>} : memref<512x32xf32, #tpu.memory_space<vmem>>, vector<1x16xf32>,
        %get3A_1059 = vector.shape_cast %get3A_1058 : vector<1x16xf32> to vector<16xf32>
        %mul3A_1060 = arith.constant 5.65685415 : f32
        %mul3A_1061 = vector.broadcast %mul3A_1060 : f32 to vector<16xf32>
        %mul3A_1062 = arith.mulf %get3A_1059, %mul3A_1061 : vector<16xf32>
        %swap3A_1063 = arith.index_cast %add3A_1055 : i32 to index
        %swap3A_1064 = arith.constant 0 : index
        %swap3A_1065 = tpu.vector_load %arg8[%swap3A_1063, %swap3A_1064] {strides = array<i32>} : memref<512x32xf32, #tpu.memory_space<vmem>>, vector<1x16xf32>,
        %swap3A_1066 = vector.shape_cast %swap3A_1065 : vector<1x16xf32> to vector<16xf32>
        %swap3A_1067 = vector.shape_cast %mul3A_1062 : vector<16xf32> to vector<1x16xf32>
        tpu.vector_store %arg8[%swap3A_1063, %swap3A_1064], %swap3A_1067 {strides = array<i32>} : memref<512x32xf32, #tpu.memory_space<vmem>>, vector<1x16xf32>,
        %get3A_1068 = arith.index_cast %add3A_1055 : i32 to index
        %get3A_1069 = arith.constant 16 : index
        %get3A_1070 = tpu.vector_load %arg8[%get3A_1068, %get3A_1069] {strides = array<i32>} : memref<512x32xf32, #tpu.memory_space<vmem>>, vector<1x16xf32>,
        %get3A_1071 = vector.shape_cast %get3A_1070 : vector<1x16xf32> to vector<16xf32>
        %mul3A_1072 = arith.constant 5.65685415 : f32
        %mul3A_1073 = vector.broadcast %mul3A_1072 : f32 to vector<16xf32>
        %mul3A_1074 = arith.mulf %get3A_1071, %mul3A_1073 : vector<16xf32>
        %swap3A_1075 = arith.index_cast %add3A_1055 : i32 to index
        %swap3A_1076 = arith.constant 16 : index
        %swap3A_1077 = tpu.vector_load %arg8[%swap3A_1075, %swap3A_1076] {strides = array<i32>} : memref<512x32xf32, #tpu.memory_space<vmem>>, vector<1x16xf32>,
        %swap3A_1078 = vector.shape_cast %swap3A_1077 : vector<1x16xf32> to vector<16xf32>
        %swap3A_1079 = vector.shape_cast %mul3A_1074 : vector<16xf32> to vector<1x16xf32>
        tpu.vector_store %arg8[%swap3A_1075, %swap3A_1076], %swap3A_1079 {strides = array<i32>} : memref<512x32xf32, #tpu.memory_space<vmem>>, vector<1x16xf32>,
        %mul3A_1080 = arith.constant 8 : i32
        %mul3A_1081 = arith.muli %scan3A_885, %mul3A_1080 : i32
        %add3A_1082 = arith.constant 7 : i32
        %add3A_1083 = arith.addi %mul3A_1081, %add3A_1082 : i32
        %get3A_1084 = arith.index_cast %add3A_1083 : i32 to index
        %get3A_1085 = arith.constant 0 : index
        %get3A_1086 = tpu.vector_load %arg8[%get3A_1084, %get3A_1085] {strides = array<i32>} : memref<512x32xf32, #tpu.memory_space<vmem>>, vector<1x16xf32>,
        %get3A_1087 = vector.shape_cast %get3A_1086 : vector<1x16xf32> to vector<16xf32>
        %mul3A_1088 = arith.constant 5.65685415 : f32
        %mul3A_1089 = vector.broadcast %mul3A_1088 : f32 to vector<16xf32>
        %mul3A_1090 = arith.mulf %get3A_1087, %mul3A_1089 : vector<16xf32>
        %swap3A_1091 = arith.index_cast %add3A_1083 : i32 to index
        %swap3A_1092 = arith.constant 0 : index
        %swap3A_1093 = tpu.vector_load %arg8[%swap3A_1091, %swap3A_1092] {strides = array<i32>} : memref<512x32xf32, #tpu.memory_space<vmem>>, vector<1x16xf32>,
        %swap3A_1094 = vector.shape_cast %swap3A_1093 : vector<1x16xf32> to vector<16xf32>
        %swap3A_1095 = vector.shape_cast %mul3A_1090 : vector<16xf32> to vector<1x16xf32>
        tpu.vector_store %arg8[%swap3A_1091, %swap3A_1092], %swap3A_1095 {strides = array<i32>} : memref<512x32xf32, #tpu.memory_space<vmem>>, vector<1x16xf32>,
        %get3A_1096 = arith.index_cast %add3A_1083 : i32 to index
        %get3A_1097 = arith.constant 16 : index
        %get3A_1098 = tpu.vector_load %arg8[%get3A_1096, %get3A_1097] {strides = array<i32>} : memref<512x32xf32, #tpu.memory_space<vmem>>, vector<1x16xf32>,
        %get3A_1099 = vector.shape_cast %get3A_1098 : vector<1x16xf32> to vector<16xf32>
        %mul3A_1100 = arith.constant 5.65685415 : f32
        %mul3A_1101 = vector.broadcast %mul3A_1100 : f32 to vector<16xf32>
        %mul3A_1102 = arith.mulf %get3A_1099, %mul3A_1101 : vector<16xf32>
        %swap3A_1103 = arith.index_cast %add3A_1083 : i32 to index
        %swap3A_1104 = arith.constant 16 : index
        %swap3A_1105 = tpu.vector_load %arg8[%swap3A_1103, %swap3A_1104] {strides = array<i32>} : memref<512x32xf32, #tpu.memory_space<vmem>>, vector<1x16xf32>,
        %swap3A_1106 = vector.shape_cast %swap3A_1105 : vector<1x16xf32> to vector<16xf32>
        %swap3A_1107 = vector.shape_cast %mul3A_1102 : vector<16xf32> to vector<1x16xf32>
        tpu.vector_store %arg8[%swap3A_1103, %swap3A_1104], %swap3A_1107 {strides = array<i32>} : memref<512x32xf32, #tpu.memory_space<vmem>>, vector<1x16xf32>,
      }
      %scan3A_829 = arith.constant 64 : i32
      %dma_start3A_830 = arith.constant 0 : i32
      %dma_start3A_831 = tpu.memref_slice %arg4[%mul3A_2, %add3A_779, %dma_start3A_830] : memref<16384x50x32xf32, #tpu.memory_space<hbm>> -> memref<512x1x32xf32, #tpu.memory_space<hbm>>
      %dma_start3A_832 = tpu.memref_squeeze %dma_start3A_831 : memref<512x1x32xf32, #tpu.memory_space<hbm>> -> memref<512x32xf32, #tpu.memory_space<hbm>>
      %dma_start3A_833 = arith.constant 0 : i32
      %dma_start3A_834 = tpu.memref_slice %arg4[%mul3A_2, %add3A_779, %dma_start3A_833] : memref<16384x50x32xf32, #tpu.memory_space<hbm>> -> memref<512x1x32xf32, #tpu.memory_space<hbm>>
      %dma_start3A_835 = tpu.memref_squeeze %dma_start3A_834 : memref<512x1x32xf32, #tpu.memory_space<hbm>> -> memref<512x32xf32, #tpu.memory_space<hbm>>
      tpu.enqueue_dma source(%arg8 : memref<512x32xf32, #tpu.memory_space<vmem>>) target(%dma_start3A_835 : memref<512x32xf32, #tpu.memory_space<hbm>>) target_semaphore(%arg14 : memref<!tpu.dma_semaphore, #tpu.memory_space<semaphore_mem>>)
      %dma_wait3A_836 = arith.constant 0 : i32
      %dma_wait3A_837 = arith.constant 0 : i32
      %dma_wait3A_838 = tpu.memref_slice %arg4[%mul3A_2, %dma_wait3A_836, %dma_wait3A_837] : memref<16384x50x32xf32, #tpu.memory_space<hbm>> -> memref<512x1x32xf32, #tpu.memory_space<hbm>>
      %dma_wait3A_839 = tpu.memref_squeeze %dma_wait3A_838 : memref<512x1x32xf32, #tpu.memory_space<hbm>> -> memref<512x32xf32, #tpu.memory_space<hbm>>
      %dma_wait3A_840 = arith.constant 0 : i32
      %dma_wait3A_841 = tpu.memref_slice %arg4[%mul3A_2, %dma_wait3A_836, %dma_wait3A_840] : memref<16384x50x32xf32, #tpu.memory_space<hbm>> -> memref<512x1x32xf32, #tpu.memory_space<hbm>>
      %dma_wait3A_842 = tpu.memref_squeeze %dma_wait3A_841 : memref<512x1x32xf32, #tpu.memory_space<hbm>> -> memref<512x32xf32, #tpu.memory_space<hbm>>
      tpu.wait_dma2 semaphore(%arg13 : memref<!tpu.dma_semaphore, #tpu.memory_space<semaphore_mem>>) src(%arg7 : memref<512x32xf32, #tpu.memory_space<vmem>>) dst(%dma_wait3A_842 : memref<512x32xf32, #tpu.memory_space<hbm>>)
      %add3A_843 = arith.constant 2 : i32
      %add3A_844 = arith.addi %add3A_779, %add3A_843 : i32
      %dma_start3A_845 = arith.constant 0 : i32
      %dma_start3A_846 = arith.constant 0 : i32
      %dma_start3A_847 = arith.constant 0 : i32
      %dma_start3A_848 = tpu.memref_slice %arg7[%dma_start3A_846, %dma_start3A_847] : memref<512x32xf32, #tpu.memory_space<vmem>> -> memref<128x32xf32, #tpu.memory_space<vmem>>
      %dma_start3A_849 = arith.constant 0 : i32
      %dma_start3A_850 = tpu.memref_slice %arg5[%add3A_844, %dma_start3A_845, %dma_start3A_849] : memref<50x4x128xi32, #tpu.memory_space<vmem>> -> memref<1x1x128xi32, #tpu.memory_space<vmem>>
      %dma_start3A_851 = tpu.memref_squeeze %dma_start3A_850 : memref<1x1x128xi32, #tpu.memory_space<vmem>> -> memref<128xi32, #tpu.memory_space<vmem>>
      %dma_start3A_852 = arith.constant 0 : i32
      %dma_start3A_853 = arith.constant 0 : i32
      %dma_start3A_854 = tpu.memref_slice %arg3[%dma_start3A_852, %dma_start3A_853] : memref<1000000x32xf32, #tpu.memory_space<hbm>> -> memref<1000000x32xf32, #tpu.memory_space<hbm>>
      tpu.enqueue_indirect_dma source(%dma_start3A_854 : memref<1000000x32xf32, #tpu.memory_space<hbm>>) target(%dma_start3A_848 : memref<128x32xf32, #tpu.memory_space<vmem>>) offsets(%dma_start3A_851 : memref<128xi32, #tpu.memory_space<vmem>>) semaphore(%arg10 : memref<!tpu.dma_semaphore, #tpu.memory_space<semaphore_mem>>)
      %dma_start3A_855 = arith.constant 1 : i32
      %dma_start3A_856 = arith.constant 128 : i32
      %dma_start3A_857 = arith.constant 0 : i32
      %dma_start3A_858 = tpu.memref_slice %arg7[%dma_start3A_856, %dma_start3A_857] : memref<512x32xf32, #tpu.memory_space<vmem>> -> memref<128x32xf32, #tpu.memory_space<vmem>>
      %dma_start3A_859 = arith.constant 0 : i32
      %dma_start3A_860 = tpu.memref_slice %arg5[%add3A_844, %dma_start3A_855, %dma_start3A_859] : memref<50x4x128xi32, #tpu.memory_space<vmem>> -> memref<1x1x128xi32, #tpu.memory_space<vmem>>
      %dma_start3A_861 = tpu.memref_squeeze %dma_start3A_860 : memref<1x1x128xi32, #tpu.memory_space<vmem>> -> memref<128xi32, #tpu.memory_space<vmem>>
      %dma_start3A_862 = arith.constant 0 : i32
      %dma_start3A_863 = arith.constant 0 : i32
      %dma_start3A_864 = tpu.memref_slice %arg3[%dma_start3A_862, %dma_start3A_863] : memref<1000000x32xf32, #tpu.memory_space<hbm>> -> memref<1000000x32xf32, #tpu.memory_space<hbm>>
      tpu.enqueue_indirect_dma source(%dma_start3A_864 : memref<1000000x32xf32, #tpu.memory_space<hbm>>) target(%dma_start3A_858 : memref<128x32xf32, #tpu.memory_space<vmem>>) offsets(%dma_start3A_861 : memref<128xi32, #tpu.memory_space<vmem>>) semaphore(%arg10 : memref<!tpu.dma_semaphore, #tpu.memory_space<semaphore_mem>>)
      %dma_start3A_865 = arith.constant 2 : i32
      %dma_start3A_866 = arith.constant 256 : i32
      %dma_start3A_867 = arith.constant 0 : i32
      %dma_start3A_868 = tpu.memref_slice %arg7[%dma_start3A_866, %dma_start3A_867] : memref<512x32xf32, #tpu.memory_space<vmem>> -> memref<128x32xf32, #tpu.memory_space<vmem>>
      %dma_start3A_869 = arith.constant 0 : i32
      %dma_start3A_870 = tpu.memref_slice %arg5[%add3A_844, %dma_start3A_865, %dma_start3A_869] : memref<50x4x128xi32, #tpu.memory_space<vmem>> -> memref<1x1x128xi32, #tpu.memory_space<vmem>>
      %dma_start3A_871 = tpu.memref_squeeze %dma_start3A_870 : memref<1x1x128xi32, #tpu.memory_space<vmem>> -> memref<128xi32, #tpu.memory_space<vmem>>
      %dma_start3A_872 = arith.constant 0 : i32
      %dma_start3A_873 = arith.constant 0 : i32
      %dma_start3A_874 = tpu.memref_slice %arg3[%dma_start3A_872, %dma_start3A_873] : memref<1000000x32xf32, #tpu.memory_space<hbm>> -> memref<1000000x32xf32, #tpu.memory_space<hbm>>
      tpu.enqueue_indirect_dma source(%dma_start3A_874 : memref<1000000x32xf32, #tpu.memory_space<hbm>>) target(%dma_start3A_868 : memref<128x32xf32, #tpu.memory_space<vmem>>) offsets(%dma_start3A_871 : memref<128xi32, #tpu.memory_space<vmem>>) semaphore(%arg10 : memref<!tpu.dma_semaphore, #tpu.memory_space<semaphore_mem>>)
      %dma_start3A_875 = arith.constant 3 : i32
      %dma_start3A_876 = arith.constant 384 : i32
      %dma_start3A_877 = arith.constant 0 : i32
      %dma_start3A_878 = tpu.memref_slice %arg7[%dma_start3A_876, %dma_start3A_877] : memref<512x32xf32, #tpu.memory_space<vmem>> -> memref<128x32xf32, #tpu.memory_space<vmem>>
      %dma_start3A_879 = arith.constant 0 : i32
      %dma_start3A_880 = tpu.memref_slice %arg5[%add3A_844, %dma_start3A_875, %dma_start3A_879] : memref<50x4x128xi32, #tpu.memory_space<vmem>> -> memref<1x1x128xi32, #tpu.memory_space<vmem>>
      %dma_start3A_881 = tpu.memref_squeeze %dma_start3A_880 : memref<1x1x128xi32, #tpu.memory_space<vmem>> -> memref<128xi32, #tpu.memory_space<vmem>>
      %dma_start3A_882 = arith.constant 0 : i32
      %dma_start3A_883 = arith.constant 0 : i32
      %dma_start3A_884 = tpu.memref_slice %arg3[%dma_start3A_882, %dma_start3A_883] : memref<1000000x32xf32, #tpu.memory_space<hbm>> -> memref<1000000x32xf32, #tpu.memory_space<hbm>>
      tpu.enqueue_indirect_dma source(%dma_start3A_884 : memref<1000000x32xf32, #tpu.memory_space<hbm>>) target(%dma_start3A_878 : memref<128x32xf32, #tpu.memory_space<vmem>>) offsets(%dma_start3A_881 : memref<128xi32, #tpu.memory_space<vmem>>) semaphore(%arg10 : memref<!tpu.dma_semaphore, #tpu.memory_space<semaphore_mem>>)
    }
    %scan3A_421 = arith.constant 15 : i32
    %dma_wait3A_422 = arith.constant 0 : i32
    %dma_wait3A_423 = arith.constant 0 : i32
    %dma_wait3A_424 = arith.constant 0 : i32
    %dma_wait3A_425 = arith.constant 0 : i32
    %dma_wait3A_426 = tpu.memref_slice %arg6[%dma_wait3A_424, %dma_wait3A_425] : memref<512x32xf32, #tpu.memory_space<vmem>> -> memref<128x32xf32, #tpu.memory_space<vmem>>
    %dma_wait3A_427 = arith.constant 0 : i32
    %dma_wait3A_428 = tpu.memref_slice %arg5[%dma_wait3A_422, %dma_wait3A_423, %dma_wait3A_427] : memref<50x4x128xi32, #tpu.memory_space<vmem>> -> memref<1x1x128xi32, #tpu.memory_space<vmem>>
    %dma_wait3A_429 = tpu.memref_squeeze %dma_wait3A_428 : memref<1x1x128xi32, #tpu.memory_space<vmem>> -> memref<128xi32, #tpu.memory_space<vmem>>
    %dma_wait3A_430 = arith.constant 0 : i32
    %dma_wait3A_431 = arith.constant 0 : i32
    %dma_wait3A_432 = tpu.memref_slice %arg3[%dma_wait3A_430, %dma_wait3A_431] : memref<1000000x32xf32, #tpu.memory_space<hbm>> -> memref<1000000x32xf32, #tpu.memory_space<hbm>>
    tpu.wait_indirect_dma semaphore(%arg9 : memref<!tpu.dma_semaphore, #tpu.memory_space<semaphore_mem>>) src(%dma_wait3A_432 : memref<1000000x32xf32, #tpu.memory_space<hbm>>) dst(%dma_wait3A_426 : memref<128x32xf32, #tpu.memory_space<vmem>>)
    %dma_wait3A_433 = arith.constant 0 : i32
    %dma_wait3A_434 = arith.constant 1 : i32
    %dma_wait3A_435 = arith.constant 128 : i32
    %dma_wait3A_436 = arith.constant 0 : i32
    %dma_wait3A_437 = tpu.memref_slice %arg6[%dma_wait3A_435, %dma_wait3A_436] : memref<512x32xf32, #tpu.memory_space<vmem>> -> memref<128x32xf32, #tpu.memory_space<vmem>>
    %dma_wait3A_438 = arith.constant 0 : i32
    %dma_wait3A_439 = tpu.memref_slice %arg5[%dma_wait3A_433, %dma_wait3A_434, %dma_wait3A_438] : memref<50x4x128xi32, #tpu.memory_space<vmem>> -> memref<1x1x128xi32, #tpu.memory_space<vmem>>
    %dma_wait3A_440 = tpu.memref_squeeze %dma_wait3A_439 : memref<1x1x128xi32, #tpu.memory_space<vmem>> -> memref<128xi32, #tpu.memory_space<vmem>>
    %dma_wait3A_441 = arith.constant 0 : i32
    %dma_wait3A_442 = arith.constant 0 : i32
    %dma_wait3A_443 = tpu.memref_slice %arg3[%dma_wait3A_441, %dma_wait3A_442] : memref<1000000x32xf32, #tpu.memory_space<hbm>> -> memref<1000000x32xf32, #tpu.memory_space<hbm>>
    tpu.wait_indirect_dma semaphore(%arg9 : memref<!tpu.dma_semaphore, #tpu.memory_space<semaphore_mem>>) src(%dma_wait3A_443 : memref<1000000x32xf32, #tpu.memory_space<hbm>>) dst(%dma_wait3A_437 : memref<128x32xf32, #tpu.memory_space<vmem>>)
    %dma_wait3A_444 = arith.constant 0 : i32
    %dma_wait3A_445 = arith.constant 2 : i32
    %dma_wait3A_446 = arith.constant 256 : i32
    %dma_wait3A_447 = arith.constant 0 : i32
    %dma_wait3A_448 = tpu.memref_slice %arg6[%dma_wait3A_446, %dma_wait3A_447] : memref<512x32xf32, #tpu.memory_space<vmem>> -> memref<128x32xf32, #tpu.memory_space<vmem>>
    %dma_wait3A_449 = arith.constant 0 : i32
    %dma_wait3A_450 = tpu.memref_slice %arg5[%dma_wait3A_444, %dma_wait3A_445, %dma_wait3A_449] : memref<50x4x128xi32, #tpu.memory_space<vmem>> -> memref<1x1x128xi32, #tpu.memory_space<vmem>>
    %dma_wait3A_451 = tpu.memref_squeeze %dma_wait3A_450 : memref<1x1x128xi32, #tpu.memory_space<vmem>> -> memref<128xi32, #tpu.memory_space<vmem>>
    %dma_wait3A_452 = arith.constant 0 : i32
    %dma_wait3A_453 = arith.constant 0 : i32
    %dma_wait3A_454 = tpu.memref_slice %arg3[%dma_wait3A_452, %dma_wait3A_453] : memref<1000000x32xf32, #tpu.memory_space<hbm>> -> memref<1000000x32xf32, #tpu.memory_space<hbm>>
    tpu.wait_indirect_dma semaphore(%arg9 : memref<!tpu.dma_semaphore, #tpu.memory_space<semaphore_mem>>) src(%dma_wait3A_454 : memref<1000000x32xf32, #tpu.memory_space<hbm>>) dst(%dma_wait3A_448 : memref<128x32xf32, #tpu.memory_space<vmem>>)
    %dma_wait3A_455 = arith.constant 0 : i32
    %dma_wait3A_456 = arith.constant 3 : i32
    %dma_wait3A_457 = arith.constant 384 : i32
    %dma_wait3A_458 = arith.constant 0 : i32
    %dma_wait3A_459 = tpu.memref_slice %arg6[%dma_wait3A_457, %dma_wait3A_458] : memref<512x32xf32, #tpu.memory_space<vmem>> -> memref<128x32xf32, #tpu.memory_space<vmem>>
    %dma_wait3A_460 = arith.constant 0 : i32
    %dma_wait3A_461 = tpu.memref_slice %arg5[%dma_wait3A_455, %dma_wait3A_456, %dma_wait3A_460] : memref<50x4x128xi32, #tpu.memory_space<vmem>> -> memref<1x1x128xi32, #tpu.memory_space<vmem>>
    %dma_wait3A_462 = tpu.memref_squeeze %dma_wait3A_461 : memref<1x1x128xi32, #tpu.memory_space<vmem>> -> memref<128xi32, #tpu.memory_space<vmem>>
    %dma_wait3A_463 = arith.constant 0 : i32
    %dma_wait3A_464 = arith.constant 0 : i32
    %dma_wait3A_465 = tpu.memref_slice %arg3[%dma_wait3A_463, %dma_wait3A_464] : memref<1000000x32xf32, #tpu.memory_space<hbm>> -> memref<1000000x32xf32, #tpu.memory_space<hbm>>
    tpu.wait_indirect_dma semaphore(%arg9 : memref<!tpu.dma_semaphore, #tpu.memory_space<semaphore_mem>>) src(%dma_wait3A_465 : memref<1000000x32xf32, #tpu.memory_space<hbm>>) dst(%dma_wait3A_459 : memref<128x32xf32, #tpu.memory_space<vmem>>)
    %scan3A_466 = arith.constant 0 : i32
    %scan3A_467 = arith.constant 0 : i32
    %scan3A_468 = arith.constant 64 : i32
    %scan3A_469 = arith.addi %scan3A_467, %scan3A_468 : i32
    %scan3A_470 = arith.constant 1 : i32
    scf.for %scan3A_557 = %scan3A_467 to %scan3A_469 step %scan3A_470  : i32 {
      %mul3A_558 = arith.constant 8 : i32
      %mul3A_559 = arith.muli %scan3A_557, %mul3A_558 : i32
      %add3A_560 = arith.constant 0 : i32
      %add3A_561 = arith.addi %mul3A_559, %add3A_560 : i32
      %get3A = arith.index_cast %add3A_561 : i32 to index
      %get3A_562 = arith.constant 0 : index
      %get3A_563 = tpu.vector_load %arg6[%get3A, %get3A_562] {strides = array<i32>} : memref<512x32xf32, #tpu.memory_space<vmem>>, vector<1x16xf32>,
      %get3A_564 = vector.shape_cast %get3A_563 : vector<1x16xf32> to vector<16xf32>
      %mul3A_565 = arith.constant 5.65685415 : f32
      %mul3A_566 = vector.broadcast %mul3A_565 : f32 to vector<16xf32>
      %mul3A_567 = arith.mulf %get3A_564, %mul3A_566 : vector<16xf32>
      %swap3A = arith.index_cast %add3A_561 : i32 to index
      %swap3A_568 = arith.constant 0 : index
      %swap3A_569 = tpu.vector_load %arg6[%swap3A, %swap3A_568] {strides = array<i32>} : memref<512x32xf32, #tpu.memory_space<vmem>>, vector<1x16xf32>,
      %swap3A_570 = vector.shape_cast %swap3A_569 : vector<1x16xf32> to vector<16xf32>
      %swap3A_571 = vector.shape_cast %mul3A_567 : vector<16xf32> to vector<1x16xf32>
      tpu.vector_store %arg6[%swap3A, %swap3A_568], %swap3A_571 {strides = array<i32>} : memref<512x32xf32, #tpu.memory_space<vmem>>, vector<1x16xf32>,
      %get3A_572 = arith.index_cast %add3A_561 : i32 to index
      %get3A_573 = arith.constant 16 : index
      %get3A_574 = tpu.vector_load %arg6[%get3A_572, %get3A_573] {strides = array<i32>} : memref<512x32xf32, #tpu.memory_space<vmem>>, vector<1x16xf32>,
      %get3A_575 = vector.shape_cast %get3A_574 : vector<1x16xf32> to vector<16xf32>
      %mul3A_576 = arith.constant 5.65685415 : f32
      %mul3A_577 = vector.broadcast %mul3A_576 : f32 to vector<16xf32>
      %mul3A_578 = arith.mulf %get3A_575, %mul3A_577 : vector<16xf32>
      %swap3A_579 = arith.index_cast %add3A_561 : i32 to index
      %swap3A_580 = arith.constant 16 : index
      %swap3A_581 = tpu.vector_load %arg6[%swap3A_579, %swap3A_580] {strides = array<i32>} : memref<512x32xf32, #tpu.memory_space<vmem>>, vector<1x16xf32>,
      %swap3A_582 = vector.shape_cast %swap3A_581 : vector<1x16xf32> to vector<16xf32>
      %swap3A_583 = vector.shape_cast %mul3A_578 : vector<16xf32> to vector<1x16xf32>
      tpu.vector_store %arg6[%swap3A_579, %swap3A_580], %swap3A_583 {strides = array<i32>} : memref<512x32xf32, #tpu.memory_space<vmem>>, vector<1x16xf32>,
      %mul3A_584 = arith.constant 8 : i32
      %mul3A_585 = arith.muli %scan3A_557, %mul3A_584 : i32
      %add3A_586 = arith.constant 1 : i32
      %add3A_587 = arith.addi %mul3A_585, %add3A_586 : i32
      %get3A_588 = arith.index_cast %add3A_587 : i32 to index
      %get3A_589 = arith.constant 0 : index
      %get3A_590 = tpu.vector_load %arg6[%get3A_588, %get3A_589] {strides = array<i32>} : memref<512x32xf32, #tpu.memory_space<vmem>>, vector<1x16xf32>,
      %get3A_591 = vector.shape_cast %get3A_590 : vector<1x16xf32> to vector<16xf32>
      %mul3A_592 = arith.constant 5.65685415 : f32
      %mul3A_593 = vector.broadcast %mul3A_592 : f32 to vector<16xf32>
      %mul3A_594 = arith.mulf %get3A_591, %mul3A_593 : vector<16xf32>
      %swap3A_595 = arith.index_cast %add3A_587 : i32 to index
      %swap3A_596 = arith.constant 0 : index
      %swap3A_597 = tpu.vector_load %arg6[%swap3A_595, %swap3A_596] {strides = array<i32>} : memref<512x32xf32, #tpu.memory_space<vmem>>, vector<1x16xf32>,
      %swap3A_598 = vector.shape_cast %swap3A_597 : vector<1x16xf32> to vector<16xf32>
      %swap3A_599 = vector.shape_cast %mul3A_594 : vector<16xf32> to vector<1x16xf32>
      tpu.vector_store %arg6[%swap3A_595, %swap3A_596], %swap3A_599 {strides = array<i32>} : memref<512x32xf32, #tpu.memory_space<vmem>>, vector<1x16xf32>,
      %get3A_600 = arith.index_cast %add3A_587 : i32 to index
      %get3A_601 = arith.constant 16 : index
      %get3A_602 = tpu.vector_load %arg6[%get3A_600, %get3A_601] {strides = array<i32>} : memref<512x32xf32, #tpu.memory_space<vmem>>, vector<1x16xf32>,
      %get3A_603 = vector.shape_cast %get3A_602 : vector<1x16xf32> to vector<16xf32>
      %mul3A_604 = arith.constant 5.65685415 : f32
      %mul3A_605 = vector.broadcast %mul3A_604 : f32 to vector<16xf32>
      %mul3A_606 = arith.mulf %get3A_603, %mul3A_605 : vector<16xf32>
      %swap3A_607 = arith.index_cast %add3A_587 : i32 to index
      %swap3A_608 = arith.constant 16 : index
      %swap3A_609 = tpu.vector_load %arg6[%swap3A_607, %swap3A_608] {strides = array<i32>} : memref<512x32xf32, #tpu.memory_space<vmem>>, vector<1x16xf32>,
      %swap3A_610 = vector.shape_cast %swap3A_609 : vector<1x16xf32> to vector<16xf32>
      %swap3A_611 = vector.shape_cast %mul3A_606 : vector<16xf32> to vector<1x16xf32>
      tpu.vector_store %arg6[%swap3A_607, %swap3A_608], %swap3A_611 {strides = array<i32>} : memref<512x32xf32, #tpu.memory_space<vmem>>, vector<1x16xf32>,
      %mul3A_612 = arith.constant 8 : i32
      %mul3A_613 = arith.muli %scan3A_557, %mul3A_612 : i32
      %add3A_614 = arith.constant 2 : i32
      %add3A_615 = arith.addi %mul3A_613, %add3A_614 : i32
      %get3A_616 = arith.index_cast %add3A_615 : i32 to index
      %get3A_617 = arith.constant 0 : index
      %get3A_618 = tpu.vector_load %arg6[%get3A_616, %get3A_617] {strides = array<i32>} : memref<512x32xf32, #tpu.memory_space<vmem>>, vector<1x16xf32>,
      %get3A_619 = vector.shape_cast %get3A_618 : vector<1x16xf32> to vector<16xf32>
      %mul3A_620 = arith.constant 5.65685415 : f32
      %mul3A_621 = vector.broadcast %mul3A_620 : f32 to vector<16xf32>
      %mul3A_622 = arith.mulf %get3A_619, %mul3A_621 : vector<16xf32>
      %swap3A_623 = arith.index_cast %add3A_615 : i32 to index
      %swap3A_624 = arith.constant 0 : index
      %swap3A_625 = tpu.vector_load %arg6[%swap3A_623, %swap3A_624] {strides = array<i32>} : memref<512x32xf32, #tpu.memory_space<vmem>>, vector<1x16xf32>,
      %swap3A_626 = vector.shape_cast %swap3A_625 : vector<1x16xf32> to vector<16xf32>
      %swap3A_627 = vector.shape_cast %mul3A_622 : vector<16xf32> to vector<1x16xf32>
      tpu.vector_store %arg6[%swap3A_623, %swap3A_624], %swap3A_627 {strides = array<i32>} : memref<512x32xf32, #tpu.memory_space<vmem>>, vector<1x16xf32>,
      %get3A_628 = arith.index_cast %add3A_615 : i32 to index
      %get3A_629 = arith.constant 16 : index
      %get3A_630 = tpu.vector_load %arg6[%get3A_628, %get3A_629] {strides = array<i32>} : memref<512x32xf32, #tpu.memory_space<vmem>>, vector<1x16xf32>,
      %get3A_631 = vector.shape_cast %get3A_630 : vector<1x16xf32> to vector<16xf32>
      %mul3A_632 = arith.constant 5.65685415 : f32
      %mul3A_633 = vector.broadcast %mul3A_632 : f32 to vector<16xf32>
      %mul3A_634 = arith.mulf %get3A_631, %mul3A_633 : vector<16xf32>
      %swap3A_635 = arith.index_cast %add3A_615 : i32 to index
      %swap3A_636 = arith.constant 16 : index
      %swap3A_637 = tpu.vector_load %arg6[%swap3A_635, %swap3A_636] {strides = array<i32>} : memref<512x32xf32, #tpu.memory_space<vmem>>, vector<1x16xf32>,
      %swap3A_638 = vector.shape_cast %swap3A_637 : vector<1x16xf32> to vector<16xf32>
      %swap3A_639 = vector.shape_cast %mul3A_634 : vector<16xf32> to vector<1x16xf32>
      tpu.vector_store %arg6[%swap3A_635, %swap3A_636], %swap3A_639 {strides = array<i32>} : memref<512x32xf32, #tpu.memory_space<vmem>>, vector<1x16xf32>,
      %mul3A_640 = arith.constant 8 : i32
      %mul3A_641 = arith.muli %scan3A_557, %mul3A_640 : i32
      %add3A_642 = arith.constant 3 : i32
      %add3A_643 = arith.addi %mul3A_641, %add3A_642 : i32
      %get3A_644 = arith.index_cast %add3A_643 : i32 to index
      %get3A_645 = arith.constant 0 : index
      %get3A_646 = tpu.vector_load %arg6[%get3A_644, %get3A_645] {strides = array<i32>} : memref<512x32xf32, #tpu.memory_space<vmem>>, vector<1x16xf32>,
      %get3A_647 = vector.shape_cast %get3A_646 : vector<1x16xf32> to vector<16xf32>
      %mul3A_648 = arith.constant 5.65685415 : f32
      %mul3A_649 = vector.broadcast %mul3A_648 : f32 to vector<16xf32>
      %mul3A_650 = arith.mulf %get3A_647, %mul3A_649 : vector<16xf32>
      %swap3A_651 = arith.index_cast %add3A_643 : i32 to index
      %swap3A_652 = arith.constant 0 : index
      %swap3A_653 = tpu.vector_load %arg6[%swap3A_651, %swap3A_652] {strides = array<i32>} : memref<512x32xf32, #tpu.memory_space<vmem>>, vector<1x16xf32>,
      %swap3A_654 = vector.shape_cast %swap3A_653 : vector<1x16xf32> to vector<16xf32>
      %swap3A_655 = vector.shape_cast %mul3A_650 : vector<16xf32> to vector<1x16xf32>
      tpu.vector_store %arg6[%swap3A_651, %swap3A_652], %swap3A_655 {strides = array<i32>} : memref<512x32xf32, #tpu.memory_space<vmem>>, vector<1x16xf32>,
      %get3A_656 = arith.index_cast %add3A_643 : i32 to index
      %get3A_657 = arith.constant 16 : index
      %get3A_658 = tpu.vector_load %arg6[%get3A_656, %get3A_657] {strides = array<i32>} : memref<512x32xf32, #tpu.memory_space<vmem>>, vector<1x16xf32>,
      %get3A_659 = vector.shape_cast %get3A_658 : vector<1x16xf32> to vector<16xf32>
      %mul3A_660 = arith.constant 5.65685415 : f32
      %mul3A_661 = vector.broadcast %mul3A_660 : f32 to vector<16xf32>
      %mul3A_662 = arith.mulf %get3A_659, %mul3A_661 : vector<16xf32>
      %swap3A_663 = arith.index_cast %add3A_643 : i32 to index
      %swap3A_664 = arith.constant 16 : index
      %swap3A_665 = tpu.vector_load %arg6[%swap3A_663, %swap3A_664] {strides = array<i32>} : memref<512x32xf32, #tpu.memory_space<vmem>>, vector<1x16xf32>,
      %swap3A_666 = vector.shape_cast %swap3A_665 : vector<1x16xf32> to vector<16xf32>
      %swap3A_667 = vector.shape_cast %mul3A_662 : vector<16xf32> to vector<1x16xf32>
      tpu.vector_store %arg6[%swap3A_663, %swap3A_664], %swap3A_667 {strides = array<i32>} : memref<512x32xf32, #tpu.memory_space<vmem>>, vector<1x16xf32>,
      %mul3A_668 = arith.constant 8 : i32
      %mul3A_669 = arith.muli %scan3A_557, %mul3A_668 : i32
      %add3A_670 = arith.constant 4 : i32
      %add3A_671 = arith.addi %mul3A_669, %add3A_670 : i32
      %get3A_672 = arith.index_cast %add3A_671 : i32 to index
      %get3A_673 = arith.constant 0 : index
      %get3A_674 = tpu.vector_load %arg6[%get3A_672, %get3A_673] {strides = array<i32>} : memref<512x32xf32, #tpu.memory_space<vmem>>, vector<1x16xf32>,
      %get3A_675 = vector.shape_cast %get3A_674 : vector<1x16xf32> to vector<16xf32>
      %mul3A_676 = arith.constant 5.65685415 : f32
      %mul3A_677 = vector.broadcast %mul3A_676 : f32 to vector<16xf32>
      %mul3A_678 = arith.mulf %get3A_675, %mul3A_677 : vector<16xf32>
      %swap3A_679 = arith.index_cast %add3A_671 : i32 to index
      %swap3A_680 = arith.constant 0 : index
      %swap3A_681 = tpu.vector_load %arg6[%swap3A_679, %swap3A_680] {strides = array<i32>} : memref<512x32xf32, #tpu.memory_space<vmem>>, vector<1x16xf32>,
      %swap3A_682 = vector.shape_cast %swap3A_681 : vector<1x16xf32> to vector<16xf32>
      %swap3A_683 = vector.shape_cast %mul3A_678 : vector<16xf32> to vector<1x16xf32>
      tpu.vector_store %arg6[%swap3A_679, %swap3A_680], %swap3A_683 {strides = array<i32>} : memref<512x32xf32, #tpu.memory_space<vmem>>, vector<1x16xf32>,
      %get3A_684 = arith.index_cast %add3A_671 : i32 to index
      %get3A_685 = arith.constant 16 : index
      %get3A_686 = tpu.vector_load %arg6[%get3A_684, %get3A_685] {strides = array<i32>} : memref<512x32xf32, #tpu.memory_space<vmem>>, vector<1x16xf32>,
      %get3A_687 = vector.shape_cast %get3A_686 : vector<1x16xf32> to vector<16xf32>
      %mul3A_688 = arith.constant 5.65685415 : f32
      %mul3A_689 = vector.broadcast %mul3A_688 : f32 to vector<16xf32>
      %mul3A_690 = arith.mulf %get3A_687, %mul3A_689 : vector<16xf32>
      %swap3A_691 = arith.index_cast %add3A_671 : i32 to index
      %swap3A_692 = arith.constant 16 : index
      %swap3A_693 = tpu.vector_load %arg6[%swap3A_691, %swap3A_692] {strides = array<i32>} : memref<512x32xf32, #tpu.memory_space<vmem>>, vector<1x16xf32>,
      %swap3A_694 = vector.shape_cast %swap3A_693 : vector<1x16xf32> to vector<16xf32>
      %swap3A_695 = vector.shape_cast %mul3A_690 : vector<16xf32> to vector<1x16xf32>
      tpu.vector_store %arg6[%swap3A_691, %swap3A_692], %swap3A_695 {strides = array<i32>} : memref<512x32xf32, #tpu.memory_space<vmem>>, vector<1x16xf32>,
      %mul3A_696 = arith.constant 8 : i32
      %mul3A_697 = arith.muli %scan3A_557, %mul3A_696 : i32
      %add3A_698 = arith.constant 5 : i32
      %add3A_699 = arith.addi %mul3A_697, %add3A_698 : i32
      %get3A_700 = arith.index_cast %add3A_699 : i32 to index
      %get3A_701 = arith.constant 0 : index
      %get3A_702 = tpu.vector_load %arg6[%get3A_700, %get3A_701] {strides = array<i32>} : memref<512x32xf32, #tpu.memory_space<vmem>>, vector<1x16xf32>,
      %get3A_703 = vector.shape_cast %get3A_702 : vector<1x16xf32> to vector<16xf32>
      %mul3A_704 = arith.constant 5.65685415 : f32
      %mul3A_705 = vector.broadcast %mul3A_704 : f32 to vector<16xf32>
      %mul3A_706 = arith.mulf %get3A_703, %mul3A_705 : vector<16xf32>
      %swap3A_707 = arith.index_cast %add3A_699 : i32 to index
      %swap3A_708 = arith.constant 0 : index
      %swap3A_709 = tpu.vector_load %arg6[%swap3A_707, %swap3A_708] {strides = array<i32>} : memref<512x32xf32, #tpu.memory_space<vmem>>, vector<1x16xf32>,
      %swap3A_710 = vector.shape_cast %swap3A_709 : vector<1x16xf32> to vector<16xf32>
      %swap3A_711 = vector.shape_cast %mul3A_706 : vector<16xf32> to vector<1x16xf32>
      tpu.vector_store %arg6[%swap3A_707, %swap3A_708], %swap3A_711 {strides = array<i32>} : memref<512x32xf32, #tpu.memory_space<vmem>>, vector<1x16xf32>,
      %get3A_712 = arith.index_cast %add3A_699 : i32 to index
      %get3A_713 = arith.constant 16 : index
      %get3A_714 = tpu.vector_load %arg6[%get3A_712, %get3A_713] {strides = array<i32>} : memref<512x32xf32, #tpu.memory_space<vmem>>, vector<1x16xf32>,
      %get3A_715 = vector.shape_cast %get3A_714 : vector<1x16xf32> to vector<16xf32>
      %mul3A_716 = arith.constant 5.65685415 : f32
      %mul3A_717 = vector.broadcast %mul3A_716 : f32 to vector<16xf32>
      %mul3A_718 = arith.mulf %get3A_715, %mul3A_717 : vector<16xf32>
      %swap3A_719 = arith.index_cast %add3A_699 : i32 to index
      %swap3A_720 = arith.constant 16 : index
      %swap3A_721 = tpu.vector_load %arg6[%swap3A_719, %swap3A_720] {strides = array<i32>} : memref<512x32xf32, #tpu.memory_space<vmem>>, vector<1x16xf32>,
      %swap3A_722 = vector.shape_cast %swap3A_721 : vector<1x16xf32> to vector<16xf32>
      %swap3A_723 = vector.shape_cast %mul3A_718 : vector<16xf32> to vector<1x16xf32>
      tpu.vector_store %arg6[%swap3A_719, %swap3A_720], %swap3A_723 {strides = array<i32>} : memref<512x32xf32, #tpu.memory_space<vmem>>, vector<1x16xf32>,
      %mul3A_724 = arith.constant 8 : i32
      %mul3A_725 = arith.muli %scan3A_557, %mul3A_724 : i32
      %add3A_726 = arith.constant 6 : i32
      %add3A_727 = arith.addi %mul3A_725, %add3A_726 : i32
      %get3A_728 = arith.index_cast %add3A_727 : i32 to index
      %get3A_729 = arith.constant 0 : index
      %get3A_730 = tpu.vector_load %arg6[%get3A_728, %get3A_729] {strides = array<i32>} : memref<512x32xf32, #tpu.memory_space<vmem>>, vector<1x16xf32>,
      %get3A_731 = vector.shape_cast %get3A_730 : vector<1x16xf32> to vector<16xf32>
      %mul3A_732 = arith.constant 5.65685415 : f32
      %mul3A_733 = vector.broadcast %mul3A_732 : f32 to vector<16xf32>
      %mul3A_734 = arith.mulf %get3A_731, %mul3A_733 : vector<16xf32>
      %swap3A_735 = arith.index_cast %add3A_727 : i32 to index
      %swap3A_736 = arith.constant 0 : index
      %swap3A_737 = tpu.vector_load %arg6[%swap3A_735, %swap3A_736] {strides = array<i32>} : memref<512x32xf32, #tpu.memory_space<vmem>>, vector<1x16xf32>,
      %swap3A_738 = vector.shape_cast %swap3A_737 : vector<1x16xf32> to vector<16xf32>
      %swap3A_739 = vector.shape_cast %mul3A_734 : vector<16xf32> to vector<1x16xf32>
      tpu.vector_store %arg6[%swap3A_735, %swap3A_736], %swap3A_739 {strides = array<i32>} : memref<512x32xf32, #tpu.memory_space<vmem>>, vector<1x16xf32>,
      %get3A_740 = arith.index_cast %add3A_727 : i32 to index
      %get3A_741 = arith.constant 16 : index
      %get3A_742 = tpu.vector_load %arg6[%get3A_740, %get3A_741] {strides = array<i32>} : memref<512x32xf32, #tpu.memory_space<vmem>>, vector<1x16xf32>,
      %get3A_743 = vector.shape_cast %get3A_742 : vector<1x16xf32> to vector<16xf32>
      %mul3A_744 = arith.constant 5.65685415 : f32
      %mul3A_745 = vector.broadcast %mul3A_744 : f32 to vector<16xf32>
      %mul3A_746 = arith.mulf %get3A_743, %mul3A_745 : vector<16xf32>
      %swap3A_747 = arith.index_cast %add3A_727 : i32 to index
      %swap3A_748 = arith.constant 16 : index
      %swap3A_749 = tpu.vector_load %arg6[%swap3A_747, %swap3A_748] {strides = array<i32>} : memref<512x32xf32, #tpu.memory_space<vmem>>, vector<1x16xf32>,
      %swap3A_750 = vector.shape_cast %swap3A_749 : vector<1x16xf32> to vector<16xf32>
      %swap3A_751 = vector.shape_cast %mul3A_746 : vector<16xf32> to vector<1x16xf32>
      tpu.vector_store %arg6[%swap3A_747, %swap3A_748], %swap3A_751 {strides = array<i32>} : memref<512x32xf32, #tpu.memory_space<vmem>>, vector<1x16xf32>,
      %mul3A_752 = arith.constant 8 : i32
      %mul3A_753 = arith.muli %scan3A_557, %mul3A_752 : i32
      %add3A_754 = arith.constant 7 : i32
      %add3A_755 = arith.addi %mul3A_753, %add3A_754 : i32
      %get3A_756 = arith.index_cast %add3A_755 : i32 to index
      %get3A_757 = arith.constant 0 : index
      %get3A_758 = tpu.vector_load %arg6[%get3A_756, %get3A_757] {strides = array<i32>} : memref<512x32xf32, #tpu.memory_space<vmem>>, vector<1x16xf32>,
      %get3A_759 = vector.shape_cast %get3A_758 : vector<1x16xf32> to vector<16xf32>
      %mul3A_760 = arith.constant 5.65685415 : f32
      %mul3A_761 = vector.broadcast %mul3A_760 : f32 to vector<16xf32>
      %mul3A_762 = arith.mulf %get3A_759, %mul3A_761 : vector<16xf32>
      %swap3A_763 = arith.index_cast %add3A_755 : i32 to index
      %swap3A_764 = arith.constant 0 : index
      %swap3A_765 = tpu.vector_load %arg6[%swap3A_763, %swap3A_764] {strides = array<i32>} : memref<512x32xf32, #tpu.memory_space<vmem>>, vector<1x16xf32>,
      %swap3A_766 = vector.shape_cast %swap3A_765 : vector<1x16xf32> to vector<16xf32>
      %swap3A_767 = vector.shape_cast %mul3A_762 : vector<16xf32> to vector<1x16xf32>
      tpu.vector_store %arg6[%swap3A_763, %swap3A_764], %swap3A_767 {strides = array<i32>} : memref<512x32xf32, #tpu.memory_space<vmem>>, vector<1x16xf32>,
      %get3A_768 = arith.index_cast %add3A_755 : i32 to index
      %get3A_769 = arith.constant 16 : index
      %get3A_770 = tpu.vector_load %arg6[%get3A_768, %get3A_769] {strides = array<i32>} : memref<512x32xf32, #tpu.memory_space<vmem>>, vector<1x16xf32>,
      %get3A_771 = vector.shape_cast %get3A_770 : vector<1x16xf32> to vector<16xf32>
      %mul3A_772 = arith.constant 5.65685415 : f32
      %mul3A_773 = vector.broadcast %mul3A_772 : f32 to vector<16xf32>
      %mul3A_774 = arith.mulf %get3A_771, %mul3A_773 : vector<16xf32>
      %swap3A_775 = arith.index_cast %add3A_755 : i32 to index
      %swap3A_776 = arith.constant 16 : index
      %swap3A_777 = tpu.vector_load %arg6[%swap3A_775, %swap3A_776] {strides = array<i32>} : memref<512x32xf32, #tpu.memory_space<vmem>>, vector<1x16xf32>,
      %swap3A_778 = vector.shape_cast %swap3A_777 : vector<1x16xf32> to vector<16xf32>
      %swap3A_779 = vector.shape_cast %mul3A_774 : vector<16xf32> to vector<1x16xf32>
      tpu.vector_store %arg6[%swap3A_775, %swap3A_776], %swap3A_779 {strides = array<i32>} : memref<512x32xf32, #tpu.memory_space<vmem>>, vector<1x16xf32>,
    }
    %scan3A_471 = arith.constant 64 : i32
    %dma_start3A_472 = arith.constant 48 : i32
    %dma_start3A_473 = arith.constant 0 : i32
    %dma_start3A_474 = tpu.memref_slice %arg4[%mul3A_2, %dma_start3A_472, %dma_start3A_473] : memref<16384x50x32xf32, #tpu.memory_space<hbm>> -> memref<512x1x32xf32, #tpu.memory_space<hbm>>
    %dma_start3A_475 = tpu.memref_squeeze %dma_start3A_474 : memref<512x1x32xf32, #tpu.memory_space<hbm>> -> memref<512x32xf32, #tpu.memory_space<hbm>>
    %dma_start3A_476 = arith.constant 0 : i32
    %dma_start3A_477 = tpu.memref_slice %arg4[%mul3A_2, %dma_start3A_472, %dma_start3A_476] : memref<16384x50x32xf32, #tpu.memory_space<hbm>> -> memref<512x1x32xf32, #tpu.memory_space<hbm>>
    %dma_start3A_478 = tpu.memref_squeeze %dma_start3A_477 : memref<512x1x32xf32, #tpu.memory_space<hbm>> -> memref<512x32xf32, #tpu.memory_space<hbm>>
    tpu.enqueue_dma source(%arg6 : memref<512x32xf32, #tpu.memory_space<vmem>>) target(%dma_start3A_478 : memref<512x32xf32, #tpu.memory_space<hbm>>) target_semaphore(%arg12 : memref<!tpu.dma_semaphore, #tpu.memory_space<semaphore_mem>>)
    %dma_wait3A_479 = arith.constant 0 : i32
    %dma_wait3A_480 = arith.constant 0 : i32
    %dma_wait3A_481 = arith.constant 0 : i32
    %dma_wait3A_482 = arith.constant 0 : i32
    %dma_wait3A_483 = tpu.memref_slice %arg7[%dma_wait3A_481, %dma_wait3A_482] : memref<512x32xf32, #tpu.memory_space<vmem>> -> memref<128x32xf32, #tpu.memory_space<vmem>>
    %dma_wait3A_484 = arith.constant 0 : i32
    %dma_wait3A_485 = tpu.memref_slice %arg5[%dma_wait3A_479, %dma_wait3A_480, %dma_wait3A_484] : memref<50x4x128xi32, #tpu.memory_space<vmem>> -> memref<1x1x128xi32, #tpu.memory_space<vmem>>
    %dma_wait3A_486 = tpu.memref_squeeze %dma_wait3A_485 : memref<1x1x128xi32, #tpu.memory_space<vmem>> -> memref<128xi32, #tpu.memory_space<vmem>>
    %dma_wait3A_487 = arith.constant 0 : i32
    %dma_wait3A_488 = arith.constant 0 : i32
    %dma_wait3A_489 = tpu.memref_slice %arg3[%dma_wait3A_487, %dma_wait3A_488] : memref<1000000x32xf32, #tpu.memory_space<hbm>> -> memref<1000000x32xf32, #tpu.memory_space<hbm>>
    tpu.wait_indirect_dma semaphore(%arg10 : memref<!tpu.dma_semaphore, #tpu.memory_space<semaphore_mem>>) src(%dma_wait3A_489 : memref<1000000x32xf32, #tpu.memory_space<hbm>>) dst(%dma_wait3A_483 : memref<128x32xf32, #tpu.memory_space<vmem>>)
    %dma_wait3A_490 = arith.constant 0 : i32
    %dma_wait3A_491 = arith.constant 1 : i32
    %dma_wait3A_492 = arith.constant 128 : i32
    %dma_wait3A_493 = arith.constant 0 : i32
    %dma_wait3A_494 = tpu.memref_slice %arg7[%dma_wait3A_492, %dma_wait3A_493] : memref<512x32xf32, #tpu.memory_space<vmem>> -> memref<128x32xf32, #tpu.memory_space<vmem>>
    %dma_wait3A_495 = arith.constant 0 : i32
    %dma_wait3A_496 = tpu.memref_slice %arg5[%dma_wait3A_490, %dma_wait3A_491, %dma_wait3A_495] : memref<50x4x128xi32, #tpu.memory_space<vmem>> -> memref<1x1x128xi32, #tpu.memory_space<vmem>>
    %dma_wait3A_497 = tpu.memref_squeeze %dma_wait3A_496 : memref<1x1x128xi32, #tpu.memory_space<vmem>> -> memref<128xi32, #tpu.memory_space<vmem>>
    %dma_wait3A_498 = arith.constant 0 : i32
    %dma_wait3A_499 = arith.constant 0 : i32
    %dma_wait3A_500 = tpu.memref_slice %arg3[%dma_wait3A_498, %dma_wait3A_499] : memref<1000000x32xf32, #tpu.memory_space<hbm>> -> memref<1000000x32xf32, #tpu.memory_space<hbm>>
    tpu.wait_indirect_dma semaphore(%arg10 : memref<!tpu.dma_semaphore, #tpu.memory_space<semaphore_mem>>) src(%dma_wait3A_500 : memref<1000000x32xf32, #tpu.memory_space<hbm>>) dst(%dma_wait3A_494 : memref<128x32xf32, #tpu.memory_space<vmem>>)
    %dma_wait3A_501 = arith.constant 0 : i32
    %dma_wait3A_502 = arith.constant 2 : i32
    %dma_wait3A_503 = arith.constant 256 : i32
    %dma_wait3A_504 = arith.constant 0 : i32
    %dma_wait3A_505 = tpu.memref_slice %arg7[%dma_wait3A_503, %dma_wait3A_504] : memref<512x32xf32, #tpu.memory_space<vmem>> -> memref<128x32xf32, #tpu.memory_space<vmem>>
    %dma_wait3A_506 = arith.constant 0 : i32
    %dma_wait3A_507 = tpu.memref_slice %arg5[%dma_wait3A_501, %dma_wait3A_502, %dma_wait3A_506] : memref<50x4x128xi32, #tpu.memory_space<vmem>> -> memref<1x1x128xi32, #tpu.memory_space<vmem>>
    %dma_wait3A_508 = tpu.memref_squeeze %dma_wait3A_507 : memref<1x1x128xi32, #tpu.memory_space<vmem>> -> memref<128xi32, #tpu.memory_space<vmem>>
    %dma_wait3A_509 = arith.constant 0 : i32
    %dma_wait3A_510 = arith.constant 0 : i32
    %dma_wait3A_511 = tpu.memref_slice %arg3[%dma_wait3A_509, %dma_wait3A_510] : memref<1000000x32xf32, #tpu.memory_space<hbm>> -> memref<1000000x32xf32, #tpu.memory_space<hbm>>
    tpu.wait_indirect_dma semaphore(%arg10 : memref<!tpu.dma_semaphore, #tpu.memory_space<semaphore_mem>>) src(%dma_wait3A_511 : memref<1000000x32xf32, #tpu.memory_space<hbm>>) dst(%dma_wait3A_505 : memref<128x32xf32, #tpu.memory_space<vmem>>)
    %dma_wait3A_512 = arith.constant 0 : i32
    %dma_wait3A_513 = arith.constant 3 : i32
    %dma_wait3A_514 = arith.constant 384 : i32
    %dma_wait3A_515 = arith.constant 0 : i32
    %dma_wait3A_516 = tpu.memref_slice %arg7[%dma_wait3A_514, %dma_wait3A_515] : memref<512x32xf32, #tpu.memory_space<vmem>> -> memref<128x32xf32, #tpu.memory_space<vmem>>
    %dma_wait3A_517 = arith.constant 0 : i32
    %dma_wait3A_518 = tpu.memref_slice %arg5[%dma_wait3A_512, %dma_wait3A_513, %dma_wait3A_517] : memref<50x4x128xi32, #tpu.memory_space<vmem>> -> memref<1x1x128xi32, #tpu.memory_space<vmem>>
    %dma_wait3A_519 = tpu.memref_squeeze %dma_wait3A_518 : memref<1x1x128xi32, #tpu.memory_space<vmem>> -> memref<128xi32, #tpu.memory_space<vmem>>
    %dma_wait3A_520 = arith.constant 0 : i32
    %dma_wait3A_521 = arith.constant 0 : i32
    %dma_wait3A_522 = tpu.memref_slice %arg3[%dma_wait3A_520, %dma_wait3A_521] : memref<1000000x32xf32, #tpu.memory_space<hbm>> -> memref<1000000x32xf32, #tpu.memory_space<hbm>>
    tpu.wait_indirect_dma semaphore(%arg10 : memref<!tpu.dma_semaphore, #tpu.memory_space<semaphore_mem>>) src(%dma_wait3A_522 : memref<1000000x32xf32, #tpu.memory_space<hbm>>) dst(%dma_wait3A_516 : memref<128x32xf32, #tpu.memory_space<vmem>>)
    %scan3A_523 = arith.constant 0 : i32
    %scan3A_524 = arith.constant 0 : i32
    %scan3A_525 = arith.constant 64 : i32
    %scan3A_526 = arith.addi %scan3A_524, %scan3A_525 : i32
    %scan3A_527 = arith.constant 1 : i32
    scf.for %scan3A_557 = %scan3A_524 to %scan3A_526 step %scan3A_527  : i32 {
      %mul3A_558 = arith.constant 8 : i32
      %mul3A_559 = arith.muli %scan3A_557, %mul3A_558 : i32
      %add3A_560 = arith.constant 0 : i32
      %add3A_561 = arith.addi %mul3A_559, %add3A_560 : i32
      %get3A = arith.index_cast %add3A_561 : i32 to index
      %get3A_562 = arith.constant 0 : index
      %get3A_563 = tpu.vector_load %arg7[%get3A, %get3A_562] {strides = array<i32>} : memref<512x32xf32, #tpu.memory_space<vmem>>, vector<1x16xf32>,
      %get3A_564 = vector.shape_cast %get3A_563 : vector<1x16xf32> to vector<16xf32>
      %mul3A_565 = arith.constant 5.65685415 : f32
      %mul3A_566 = vector.broadcast %mul3A_565 : f32 to vector<16xf32>
      %mul3A_567 = arith.mulf %get3A_564, %mul3A_566 : vector<16xf32>
      %swap3A = arith.index_cast %add3A_561 : i32 to index
      %swap3A_568 = arith.constant 0 : index
      %swap3A_569 = tpu.vector_load %arg7[%swap3A, %swap3A_568] {strides = array<i32>} : memref<512x32xf32, #tpu.memory_space<vmem>>, vector<1x16xf32>,
      %swap3A_570 = vector.shape_cast %swap3A_569 : vector<1x16xf32> to vector<16xf32>
      %swap3A_571 = vector.shape_cast %mul3A_567 : vector<16xf32> to vector<1x16xf32>
      tpu.vector_store %arg7[%swap3A, %swap3A_568], %swap3A_571 {strides = array<i32>} : memref<512x32xf32, #tpu.memory_space<vmem>>, vector<1x16xf32>,
      %get3A_572 = arith.index_cast %add3A_561 : i32 to index
      %get3A_573 = arith.constant 16 : index
      %get3A_574 = tpu.vector_load %arg7[%get3A_572, %get3A_573] {strides = array<i32>} : memref<512x32xf32, #tpu.memory_space<vmem>>, vector<1x16xf32>,
      %get3A_575 = vector.shape_cast %get3A_574 : vector<1x16xf32> to vector<16xf32>
      %mul3A_576 = arith.constant 5.65685415 : f32
      %mul3A_577 = vector.broadcast %mul3A_576 : f32 to vector<16xf32>
      %mul3A_578 = arith.mulf %get3A_575, %mul3A_577 : vector<16xf32>
      %swap3A_579 = arith.index_cast %add3A_561 : i32 to index
      %swap3A_580 = arith.constant 16 : index
      %swap3A_581 = tpu.vector_load %arg7[%swap3A_579, %swap3A_580] {strides = array<i32>} : memref<512x32xf32, #tpu.memory_space<vmem>>, vector<1x16xf32>,
      %swap3A_582 = vector.shape_cast %swap3A_581 : vector<1x16xf32> to vector<16xf32>
      %swap3A_583 = vector.shape_cast %mul3A_578 : vector<16xf32> to vector<1x16xf32>
      tpu.vector_store %arg7[%swap3A_579, %swap3A_580], %swap3A_583 {strides = array<i32>} : memref<512x32xf32, #tpu.memory_space<vmem>>, vector<1x16xf32>,
      %mul3A_584 = arith.constant 8 : i32
      %mul3A_585 = arith.muli %scan3A_557, %mul3A_584 : i32
      %add3A_586 = arith.constant 1 : i32
      %add3A_587 = arith.addi %mul3A_585, %add3A_586 : i32
      %get3A_588 = arith.index_cast %add3A_587 : i32 to index
      %get3A_589 = arith.constant 0 : index
      %get3A_590 = tpu.vector_load %arg7[%get3A_588, %get3A_589] {strides = array<i32>} : memref<512x32xf32, #tpu.memory_space<vmem>>, vector<1x16xf32>,
      %get3A_591 = vector.shape_cast %get3A_590 : vector<1x16xf32> to vector<16xf32>
      %mul3A_592 = arith.constant 5.65685415 : f32
      %mul3A_593 = vector.broadcast %mul3A_592 : f32 to vector<16xf32>
      %mul3A_594 = arith.mulf %get3A_591, %mul3A_593 : vector<16xf32>
      %swap3A_595 = arith.index_cast %add3A_587 : i32 to index
      %swap3A_596 = arith.constant 0 : index
      %swap3A_597 = tpu.vector_load %arg7[%swap3A_595, %swap3A_596] {strides = array<i32>} : memref<512x32xf32, #tpu.memory_space<vmem>>, vector<1x16xf32>,
      %swap3A_598 = vector.shape_cast %swap3A_597 : vector<1x16xf32> to vector<16xf32>
      %swap3A_599 = vector.shape_cast %mul3A_594 : vector<16xf32> to vector<1x16xf32>
      tpu.vector_store %arg7[%swap3A_595, %swap3A_596], %swap3A_599 {strides = array<i32>} : memref<512x32xf32, #tpu.memory_space<vmem>>, vector<1x16xf32>,
      %get3A_600 = arith.index_cast %add3A_587 : i32 to index
      %get3A_601 = arith.constant 16 : index
      %get3A_602 = tpu.vector_load %arg7[%get3A_600, %get3A_601] {strides = array<i32>} : memref<512x32xf32, #tpu.memory_space<vmem>>, vector<1x16xf32>,
      %get3A_603 = vector.shape_cast %get3A_602 : vector<1x16xf32> to vector<16xf32>
      %mul3A_604 = arith.constant 5.65685415 : f32
      %mul3A_605 = vector.broadcast %mul3A_604 : f32 to vector<16xf32>
      %mul3A_606 = arith.mulf %get3A_603, %mul3A_605 : vector<16xf32>
      %swap3A_607 = arith.index_cast %add3A_587 : i32 to index
      %swap3A_608 = arith.constant 16 : index
      %swap3A_609 = tpu.vector_load %arg7[%swap3A_607, %swap3A_608] {strides = array<i32>} : memref<512x32xf32, #tpu.memory_space<vmem>>, vector<1x16xf32>,
      %swap3A_610 = vector.shape_cast %swap3A_609 : vector<1x16xf32> to vector<16xf32>
      %swap3A_611 = vector.shape_cast %mul3A_606 : vector<16xf32> to vector<1x16xf32>
      tpu.vector_store %arg7[%swap3A_607, %swap3A_608], %swap3A_611 {strides = array<i32>} : memref<512x32xf32, #tpu.memory_space<vmem>>, vector<1x16xf32>,
      %mul3A_612 = arith.constant 8 : i32
      %mul3A_613 = arith.muli %scan3A_557, %mul3A_612 : i32
      %add3A_614 = arith.constant 2 : i32
      %add3A_615 = arith.addi %mul3A_613, %add3A_614 : i32
      %get3A_616 = arith.index_cast %add3A_615 : i32 to index
      %get3A_617 = arith.constant 0 : index
      %get3A_618 = tpu.vector_load %arg7[%get3A_616, %get3A_617] {strides = array<i32>} : memref<512x32xf32, #tpu.memory_space<vmem>>, vector<1x16xf32>,
      %get3A_619 = vector.shape_cast %get3A_618 : vector<1x16xf32> to vector<16xf32>
      %mul3A_620 = arith.constant 5.65685415 : f32
      %mul3A_621 = vector.broadcast %mul3A_620 : f32 to vector<16xf32>
      %mul3A_622 = arith.mulf %get3A_619, %mul3A_621 : vector<16xf32>
      %swap3A_623 = arith.index_cast %add3A_615 : i32 to index
      %swap3A_624 = arith.constant 0 : index
      %swap3A_625 = tpu.vector_load %arg7[%swap3A_623, %swap3A_624] {strides = array<i32>} : memref<512x32xf32, #tpu.memory_space<vmem>>, vector<1x16xf32>,
      %swap3A_626 = vector.shape_cast %swap3A_625 : vector<1x16xf32> to vector<16xf32>
      %swap3A_627 = vector.shape_cast %mul3A_622 : vector<16xf32> to vector<1x16xf32>
      tpu.vector_store %arg7[%swap3A_623, %swap3A_624], %swap3A_627 {strides = array<i32>} : memref<512x32xf32, #tpu.memory_space<vmem>>, vector<1x16xf32>,
      %get3A_628 = arith.index_cast %add3A_615 : i32 to index
      %get3A_629 = arith.constant 16 : index
      %get3A_630 = tpu.vector_load %arg7[%get3A_628, %get3A_629] {strides = array<i32>} : memref<512x32xf32, #tpu.memory_space<vmem>>, vector<1x16xf32>,
      %get3A_631 = vector.shape_cast %get3A_630 : vector<1x16xf32> to vector<16xf32>
      %mul3A_632 = arith.constant 5.65685415 : f32
      %mul3A_633 = vector.broadcast %mul3A_632 : f32 to vector<16xf32>
      %mul3A_634 = arith.mulf %get3A_631, %mul3A_633 : vector<16xf32>
      %swap3A_635 = arith.index_cast %add3A_615 : i32 to index
      %swap3A_636 = arith.constant 16 : index
      %swap3A_637 = tpu.vector_load %arg7[%swap3A_635, %swap3A_636] {strides = array<i32>} : memref<512x32xf32, #tpu.memory_space<vmem>>, vector<1x16xf32>,
      %swap3A_638 = vector.shape_cast %swap3A_637 : vector<1x16xf32> to vector<16xf32>
      %swap3A_639 = vector.shape_cast %mul3A_634 : vector<16xf32> to vector<1x16xf32>
      tpu.vector_store %arg7[%swap3A_635, %swap3A_636], %swap3A_639 {strides = array<i32>} : memref<512x32xf32, #tpu.memory_space<vmem>>, vector<1x16xf32>,
      %mul3A_640 = arith.constant 8 : i32
      %mul3A_641 = arith.muli %scan3A_557, %mul3A_640 : i32
      %add3A_642 = arith.constant 3 : i32
      %add3A_643 = arith.addi %mul3A_641, %add3A_642 : i32
      %get3A_644 = arith.index_cast %add3A_643 : i32 to index
      %get3A_645 = arith.constant 0 : index
      %get3A_646 = tpu.vector_load %arg7[%get3A_644, %get3A_645] {strides = array<i32>} : memref<512x32xf32, #tpu.memory_space<vmem>>, vector<1x16xf32>,
      %get3A_647 = vector.shape_cast %get3A_646 : vector<1x16xf32> to vector<16xf32>
      %mul3A_648 = arith.constant 5.65685415 : f32
      %mul3A_649 = vector.broadcast %mul3A_648 : f32 to vector<16xf32>
      %mul3A_650 = arith.mulf %get3A_647, %mul3A_649 : vector<16xf32>
      %swap3A_651 = arith.index_cast %add3A_643 : i32 to index
      %swap3A_652 = arith.constant 0 : index
      %swap3A_653 = tpu.vector_load %arg7[%swap3A_651, %swap3A_652] {strides = array<i32>} : memref<512x32xf32, #tpu.memory_space<vmem>>, vector<1x16xf32>,
      %swap3A_654 = vector.shape_cast %swap3A_653 : vector<1x16xf32> to vector<16xf32>
      %swap3A_655 = vector.shape_cast %mul3A_650 : vector<16xf32> to vector<1x16xf32>
      tpu.vector_store %arg7[%swap3A_651, %swap3A_652], %swap3A_655 {strides = array<i32>} : memref<512x32xf32, #tpu.memory_space<vmem>>, vector<1x16xf32>,
      %get3A_656 = arith.index_cast %add3A_643 : i32 to index
      %get3A_657 = arith.constant 16 : index
      %get3A_658 = tpu.vector_load %arg7[%get3A_656, %get3A_657] {strides = array<i32>} : memref<512x32xf32, #tpu.memory_space<vmem>>, vector<1x16xf32>,
      %get3A_659 = vector.shape_cast %get3A_658 : vector<1x16xf32> to vector<16xf32>
      %mul3A_660 = arith.constant 5.65685415 : f32
      %mul3A_661 = vector.broadcast %mul3A_660 : f32 to vector<16xf32>
      %mul3A_662 = arith.mulf %get3A_659, %mul3A_661 : vector<16xf32>
      %swap3A_663 = arith.index_cast %add3A_643 : i32 to index
      %swap3A_664 = arith.constant 16 : index
      %swap3A_665 = tpu.vector_load %arg7[%swap3A_663, %swap3A_664] {strides = array<i32>} : memref<512x32xf32, #tpu.memory_space<vmem>>, vector<1x16xf32>,
      %swap3A_666 = vector.shape_cast %swap3A_665 : vector<1x16xf32> to vector<16xf32>
      %swap3A_667 = vector.shape_cast %mul3A_662 : vector<16xf32> to vector<1x16xf32>
      tpu.vector_store %arg7[%swap3A_663, %swap3A_664], %swap3A_667 {strides = array<i32>} : memref<512x32xf32, #tpu.memory_space<vmem>>, vector<1x16xf32>,
      %mul3A_668 = arith.constant 8 : i32
      %mul3A_669 = arith.muli %scan3A_557, %mul3A_668 : i32
      %add3A_670 = arith.constant 4 : i32
      %add3A_671 = arith.addi %mul3A_669, %add3A_670 : i32
      %get3A_672 = arith.index_cast %add3A_671 : i32 to index
      %get3A_673 = arith.constant 0 : index
      %get3A_674 = tpu.vector_load %arg7[%get3A_672, %get3A_673] {strides = array<i32>} : memref<512x32xf32, #tpu.memory_space<vmem>>, vector<1x16xf32>,
      %get3A_675 = vector.shape_cast %get3A_674 : vector<1x16xf32> to vector<16xf32>
      %mul3A_676 = arith.constant 5.65685415 : f32
      %mul3A_677 = vector.broadcast %mul3A_676 : f32 to vector<16xf32>
      %mul3A_678 = arith.mulf %get3A_675, %mul3A_677 : vector<16xf32>
      %swap3A_679 = arith.index_cast %add3A_671 : i32 to index
      %swap3A_680 = arith.constant 0 : index
      %swap3A_681 = tpu.vector_load %arg7[%swap3A_679, %swap3A_680] {strides = array<i32>} : memref<512x32xf32, #tpu.memory_space<vmem>>, vector<1x16xf32>,
      %swap3A_682 = vector.shape_cast %swap3A_681 : vector<1x16xf32> to vector<16xf32>
      %swap3A_683 = vector.shape_cast %mul3A_678 : vector<16xf32> to vector<1x16xf32>
      tpu.vector_store %arg7[%swap3A_679, %swap3A_680], %swap3A_683 {strides = array<i32>} : memref<512x32xf32, #tpu.memory_space<vmem>>, vector<1x16xf32>,
      %get3A_684 = arith.index_cast %add3A_671 : i32 to index
      %get3A_685 = arith.constant 16 : index
      %get3A_686 = tpu.vector_load %arg7[%get3A_684, %get3A_685] {strides = array<i32>} : memref<512x32xf32, #tpu.memory_space<vmem>>, vector<1x16xf32>,
      %get3A_687 = vector.shape_cast %get3A_686 : vector<1x16xf32> to vector<16xf32>
      %mul3A_688 = arith.constant 5.65685415 : f32
      %mul3A_689 = vector.broadcast %mul3A_688 : f32 to vector<16xf32>
      %mul3A_690 = arith.mulf %get3A_687, %mul3A_689 : vector<16xf32>
      %swap3A_691 = arith.index_cast %add3A_671 : i32 to index
      %swap3A_692 = arith.constant 16 : index
      %swap3A_693 = tpu.vector_load %arg7[%swap3A_691, %swap3A_692] {strides = array<i32>} : memref<512x32xf32, #tpu.memory_space<vmem>>, vector<1x16xf32>,
      %swap3A_694 = vector.shape_cast %swap3A_693 : vector<1x16xf32> to vector<16xf32>
      %swap3A_695 = vector.shape_cast %mul3A_690 : vector<16xf32> to vector<1x16xf32>
      tpu.vector_store %arg7[%swap3A_691, %swap3A_692], %swap3A_695 {strides = array<i32>} : memref<512x32xf32, #tpu.memory_space<vmem>>, vector<1x16xf32>,
      %mul3A_696 = arith.constant 8 : i32
      %mul3A_697 = arith.muli %scan3A_557, %mul3A_696 : i32
      %add3A_698 = arith.constant 5 : i32
      %add3A_699 = arith.addi %mul3A_697, %add3A_698 : i32
      %get3A_700 = arith.index_cast %add3A_699 : i32 to index
      %get3A_701 = arith.constant 0 : index
      %get3A_702 = tpu.vector_load %arg7[%get3A_700, %get3A_701] {strides = array<i32>} : memref<512x32xf32, #tpu.memory_space<vmem>>, vector<1x16xf32>,
      %get3A_703 = vector.shape_cast %get3A_702 : vector<1x16xf32> to vector<16xf32>
      %mul3A_704 = arith.constant 5.65685415 : f32
      %mul3A_705 = vector.broadcast %mul3A_704 : f32 to vector<16xf32>
      %mul3A_706 = arith.mulf %get3A_703, %mul3A_705 : vector<16xf32>
      %swap3A_707 = arith.index_cast %add3A_699 : i32 to index
      %swap3A_708 = arith.constant 0 : index
      %swap3A_709 = tpu.vector_load %arg7[%swap3A_707, %swap3A_708] {strides = array<i32>} : memref<512x32xf32, #tpu.memory_space<vmem>>, vector<1x16xf32>,
      %swap3A_710 = vector.shape_cast %swap3A_709 : vector<1x16xf32> to vector<16xf32>
      %swap3A_711 = vector.shape_cast %mul3A_706 : vector<16xf32> to vector<1x16xf32>
      tpu.vector_store %arg7[%swap3A_707, %swap3A_708], %swap3A_711 {strides = array<i32>} : memref<512x32xf32, #tpu.memory_space<vmem>>, vector<1x16xf32>,
      %get3A_712 = arith.index_cast %add3A_699 : i32 to index
      %get3A_713 = arith.constant 16 : index
      %get3A_714 = tpu.vector_load %arg7[%get3A_712, %get3A_713] {strides = array<i32>} : memref<512x32xf32, #tpu.memory_space<vmem>>, vector<1x16xf32>,
      %get3A_715 = vector.shape_cast %get3A_714 : vector<1x16xf32> to vector<16xf32>
      %mul3A_716 = arith.constant 5.65685415 : f32
      %mul3A_717 = vector.broadcast %mul3A_716 : f32 to vector<16xf32>
      %mul3A_718 = arith.mulf %get3A_715, %mul3A_717 : vector<16xf32>
      %swap3A_719 = arith.index_cast %add3A_699 : i32 to index
      %swap3A_720 = arith.constant 16 : index
      %swap3A_721 = tpu.vector_load %arg7[%swap3A_719, %swap3A_720] {strides = array<i32>} : memref<512x32xf32, #tpu.memory_space<vmem>>, vector<1x16xf32>,
      %swap3A_722 = vector.shape_cast %swap3A_721 : vector<1x16xf32> to vector<16xf32>
      %swap3A_723 = vector.shape_cast %mul3A_718 : vector<16xf32> to vector<1x16xf32>
      tpu.vector_store %arg7[%swap3A_719, %swap3A_720], %swap3A_723 {strides = array<i32>} : memref<512x32xf32, #tpu.memory_space<vmem>>, vector<1x16xf32>,
      %mul3A_724 = arith.constant 8 : i32
      %mul3A_725 = arith.muli %scan3A_557, %mul3A_724 : i32
      %add3A_726 = arith.constant 6 : i32
      %add3A_727 = arith.addi %mul3A_725, %add3A_726 : i32
      %get3A_728 = arith.index_cast %add3A_727 : i32 to index
      %get3A_729 = arith.constant 0 : index
      %get3A_730 = tpu.vector_load %arg7[%get3A_728, %get3A_729] {strides = array<i32>} : memref<512x32xf32, #tpu.memory_space<vmem>>, vector<1x16xf32>,
      %get3A_731 = vector.shape_cast %get3A_730 : vector<1x16xf32> to vector<16xf32>
      %mul3A_732 = arith.constant 5.65685415 : f32
      %mul3A_733 = vector.broadcast %mul3A_732 : f32 to vector<16xf32>
      %mul3A_734 = arith.mulf %get3A_731, %mul3A_733 : vector<16xf32>
      %swap3A_735 = arith.index_cast %add3A_727 : i32 to index
      %swap3A_736 = arith.constant 0 : index
      %swap3A_737 = tpu.vector_load %arg7[%swap3A_735, %swap3A_736] {strides = array<i32>} : memref<512x32xf32, #tpu.memory_space<vmem>>, vector<1x16xf32>,
      %swap3A_738 = vector.shape_cast %swap3A_737 : vector<1x16xf32> to vector<16xf32>
      %swap3A_739 = vector.shape_cast %mul3A_734 : vector<16xf32> to vector<1x16xf32>
      tpu.vector_store %arg7[%swap3A_735, %swap3A_736], %swap3A_739 {strides = array<i32>} : memref<512x32xf32, #tpu.memory_space<vmem>>, vector<1x16xf32>,
      %get3A_740 = arith.index_cast %add3A_727 : i32 to index
      %get3A_741 = arith.constant 16 : index
      %get3A_742 = tpu.vector_load %arg7[%get3A_740, %get3A_741] {strides = array<i32>} : memref<512x32xf32, #tpu.memory_space<vmem>>, vector<1x16xf32>,
      %get3A_743 = vector.shape_cast %get3A_742 : vector<1x16xf32> to vector<16xf32>
      %mul3A_744 = arith.constant 5.65685415 : f32
      %mul3A_745 = vector.broadcast %mul3A_744 : f32 to vector<16xf32>
      %mul3A_746 = arith.mulf %get3A_743, %mul3A_745 : vector<16xf32>
      %swap3A_747 = arith.index_cast %add3A_727 : i32 to index
      %swap3A_748 = arith.constant 16 : index
      %swap3A_749 = tpu.vector_load %arg7[%swap3A_747, %swap3A_748] {strides = array<i32>} : memref<512x32xf32, #tpu.memory_space<vmem>>, vector<1x16xf32>,
      %swap3A_750 = vector.shape_cast %swap3A_749 : vector<1x16xf32> to vector<16xf32>
      %swap3A_751 = vector.shape_cast %mul3A_746 : vector<16xf32> to vector<1x16xf32>
      tpu.vector_store %arg7[%swap3A_747, %swap3A_748], %swap3A_751 {strides = array<i32>} : memref<512x32xf32, #tpu.memory_space<vmem>>, vector<1x16xf32>,
      %mul3A_752 = arith.constant 8 : i32
      %mul3A_753 = arith.muli %scan3A_557, %mul3A_752 : i32
      %add3A_754 = arith.constant 7 : i32
      %add3A_755 = arith.addi %mul3A_753, %add3A_754 : i32
      %get3A_756 = arith.index_cast %add3A_755 : i32 to index
      %get3A_757 = arith.constant 0 : index
      %get3A_758 = tpu.vector_load %arg7[%get3A_756, %get3A_757] {strides = array<i32>} : memref<512x32xf32, #tpu.memory_space<vmem>>, vector<1x16xf32>,
      %get3A_759 = vector.shape_cast %get3A_758 : vector<1x16xf32> to vector<16xf32>
      %mul3A_760 = arith.constant 5.65685415 : f32
      %mul3A_761 = vector.broadcast %mul3A_760 : f32 to vector<16xf32>
      %mul3A_762 = arith.mulf %get3A_759, %mul3A_761 : vector<16xf32>
      %swap3A_763 = arith.index_cast %add3A_755 : i32 to index
      %swap3A_764 = arith.constant 0 : index
      %swap3A_765 = tpu.vector_load %arg7[%swap3A_763, %swap3A_764] {strides = array<i32>} : memref<512x32xf32, #tpu.memory_space<vmem>>, vector<1x16xf32>,
      %swap3A_766 = vector.shape_cast %swap3A_765 : vector<1x16xf32> to vector<16xf32>
      %swap3A_767 = vector.shape_cast %mul3A_762 : vector<16xf32> to vector<1x16xf32>
      tpu.vector_store %arg7[%swap3A_763, %swap3A_764], %swap3A_767 {strides = array<i32>} : memref<512x32xf32, #tpu.memory_space<vmem>>, vector<1x16xf32>,
      %get3A_768 = arith.index_cast %add3A_755 : i32 to index
      %get3A_769 = arith.constant 16 : index
      %get3A_770 = tpu.vector_load %arg7[%get3A_768, %get3A_769] {strides = array<i32>} : memref<512x32xf32, #tpu.memory_space<vmem>>, vector<1x16xf32>,
      %get3A_771 = vector.shape_cast %get3A_770 : vector<1x16xf32> to vector<16xf32>
      %mul3A_772 = arith.constant 5.65685415 : f32
      %mul3A_773 = vector.broadcast %mul3A_772 : f32 to vector<16xf32>
      %mul3A_774 = arith.mulf %get3A_771, %mul3A_773 : vector<16xf32>
      %swap3A_775 = arith.index_cast %add3A_755 : i32 to index
      %swap3A_776 = arith.constant 16 : index
      %swap3A_777 = tpu.vector_load %arg7[%swap3A_775, %swap3A_776] {strides = array<i32>} : memref<512x32xf32, #tpu.memory_space<vmem>>, vector<1x16xf32>,
      %swap3A_778 = vector.shape_cast %swap3A_777 : vector<1x16xf32> to vector<16xf32>
      %swap3A_779 = vector.shape_cast %mul3A_774 : vector<16xf32> to vector<1x16xf32>
      tpu.vector_store %arg7[%swap3A_775, %swap3A_776], %swap3A_779 {strides = array<i32>} : memref<512x32xf32, #tpu.memory_space<vmem>>, vector<1x16xf32>,
    }
    %scan3A_528 = arith.constant 64 : i32
    %dma_start3A_529 = arith.constant 49 : i32
    %dma_start3A_530 = arith.constant 0 : i32
    %dma_start3A_531 = tpu.memref_slice %arg4[%mul3A_2, %dma_start3A_529, %dma_start3A_530] : memref<16384x50x32xf32, #tpu.memory_space<hbm>> -> memref<512x1x32xf32, #tpu.memory_space<hbm>>
    %dma_start3A_532 = tpu.memref_squeeze %dma_start3A_531 : memref<512x1x32xf32, #tpu.memory_space<hbm>> -> memref<512x32xf32, #tpu.memory_space<hbm>>
    %dma_start3A_533 = arith.constant 0 : i32
    %dma_start3A_534 = tpu.memref_slice %arg4[%mul3A_2, %dma_start3A_529, %dma_start3A_533] : memref<16384x50x32xf32, #tpu.memory_space<hbm>> -> memref<512x1x32xf32, #tpu.memory_space<hbm>>
    %dma_start3A_535 = tpu.memref_squeeze %dma_start3A_534 : memref<512x1x32xf32, #tpu.memory_space<hbm>> -> memref<512x32xf32, #tpu.memory_space<hbm>>
    tpu.enqueue_dma source(%arg7 : memref<512x32xf32, #tpu.memory_space<vmem>>) target(%dma_start3A_535 : memref<512x32xf32, #tpu.memory_space<hbm>>) target_semaphore(%arg13 : memref<!tpu.dma_semaphore, #tpu.memory_space<semaphore_mem>>)
    %dma_wait3A_536 = arith.constant 0 : i32
    %dma_wait3A_537 = arith.constant 0 : i32
    %dma_wait3A_538 = tpu.memref_slice %arg4[%mul3A_2, %dma_wait3A_536, %dma_wait3A_537] : memref<16384x50x32xf32, #tpu.memory_space<hbm>> -> memref<512x1x32xf32, #tpu.memory_space<hbm>>
    %dma_wait3A_539 = tpu.memref_squeeze %dma_wait3A_538 : memref<512x1x32xf32, #tpu.memory_space<hbm>> -> memref<512x32xf32, #tpu.memory_space<hbm>>
    %dma_wait3A_540 = arith.constant 0 : i32
    %dma_wait3A_541 = tpu.memref_slice %arg4[%mul3A_2, %dma_wait3A_536, %dma_wait3A_540] : memref<16384x50x32xf32, #tpu.memory_space<hbm>> -> memref<512x1x32xf32, #tpu.memory_space<hbm>>
    %dma_wait3A_542 = tpu.memref_squeeze %dma_wait3A_541 : memref<512x1x32xf32, #tpu.memory_space<hbm>> -> memref<512x32xf32, #tpu.memory_space<hbm>>
    tpu.wait_dma2 semaphore(%arg14 : memref<!tpu.dma_semaphore, #tpu.memory_space<semaphore_mem>>) src(%arg8 : memref<512x32xf32, #tpu.memory_space<vmem>>) dst(%dma_wait3A_542 : memref<512x32xf32, #tpu.memory_space<hbm>>)
    %dma_wait3A_543 = arith.constant 0 : i32
    %dma_wait3A_544 = arith.constant 0 : i32
    %dma_wait3A_545 = tpu.memref_slice %arg4[%mul3A_2, %dma_wait3A_543, %dma_wait3A_544] : memref<16384x50x32xf32, #tpu.memory_space<hbm>> -> memref<512x1x32xf32, #tpu.memory_space<hbm>>
    %dma_wait3A_546 = tpu.memref_squeeze %dma_wait3A_545 : memref<512x1x32xf32, #tpu.memory_space<hbm>> -> memref<512x32xf32, #tpu.memory_space<hbm>>
    %dma_wait3A_547 = arith.constant 0 : i32
    %dma_wait3A_548 = tpu.memref_slice %arg4[%mul3A_2, %dma_wait3A_543, %dma_wait3A_547] : memref<16384x50x32xf32, #tpu.memory_space<hbm>> -> memref<512x1x32xf32, #tpu.memory_space<hbm>>
    %dma_wait3A_549 = tpu.memref_squeeze %dma_wait3A_548 : memref<512x1x32xf32, #tpu.memory_space<hbm>> -> memref<512x32xf32, #tpu.memory_space<hbm>>
    tpu.wait_dma2 semaphore(%arg12 : memref<!tpu.dma_semaphore, #tpu.memory_space<semaphore_mem>>) src(%arg6 : memref<512x32xf32, #tpu.memory_space<vmem>>) dst(%dma_wait3A_549 : memref<512x32xf32, #tpu.memory_space<hbm>>)
    %dma_wait3A_550 = arith.constant 0 : i32
    %dma_wait3A_551 = arith.constant 0 : i32
    %dma_wait3A_552 = tpu.memref_slice %arg4[%mul3A_2, %dma_wait3A_550, %dma_wait3A_551] : memref<16384x50x32xf32, #tpu.memory_space<hbm>> -> memref<512x1x32xf32, #tpu.memory_space<hbm>>
    %dma_wait3A_553 = tpu.memref_squeeze %dma_wait3A_552 : memref<512x1x32xf32, #tpu.memory_space<hbm>> -> memref<512x32xf32, #tpu.memory_space<hbm>>
    %dma_wait3A_554 = arith.constant 0 : i32
    %dma_wait3A_555 = tpu.memref_slice %arg4[%mul3A_2, %dma_wait3A_550, %dma_wait3A_554] : memref<16384x50x32xf32, #tpu.memory_space<hbm>> -> memref<512x1x32xf32, #tpu.memory_space<hbm>>
    %dma_wait3A_556 = tpu.memref_squeeze %dma_wait3A_555 : memref<512x1x32xf32, #tpu.memory_space<hbm>> -> memref<512x32xf32, #tpu.memory_space<hbm>>
    tpu.wait_dma2 semaphore(%arg13 : memref<!tpu.dma_semaphore, #tpu.memory_space<semaphore_mem>>) src(%arg7 : memref<512x32xf32, #tpu.memory_space<vmem>>) dst(%dma_wait3A_556 : memref<512x32xf32, #tpu.memory_space<hbm>>)
    return
  }
}

</mosaic_0001>

<sc_bundles>
// kernel: kernel.3.cloned.1.call-start
scs
__scs_entry_jumppad:
0x0: {  	(pc) =	sbr.rel $0x88, $3  }
0x1: {  	(tag) =	ssettag $0x0;
	lr =	simm.s32 $0x1  }
0x2: {  	[smem:$0x3F9F] =	sst lr;
	_ =	strace $0xD0000000  }
0x3: {  	_ = 	snop  }
0x4: {  	_ = 	snop  }
0x5: {  	_ = 	snop  }
0x6: {  	_ = 	snop  }
0x7: {  	_ = 	snop  }
__scs_overlays_trampoline_lowered:
0x8: {  	[smem:$0x3FAE] =	sst s0  }
0x9: {  	[smem:$0x3FAF] =	sst s1  }
0xa: {  	[smem:$0x3FB0] =	sst s2  }
0xb: {  	[smem:$0x3FB1] =	sst s3  }
0xc: {  	[smem:$0x3FB2] =	sst s4  }
0xd: {  	[smem:$0x3FB3] =	sst s5  }
0xe: {  	[smem:$0x3FB4] =	sst s6  }
0xf: {  	[smem:$0x3FB5] =	sst s7  }
0x10: {  	[smem:$0x3FB6] =	sst s8  }
0x11: {  	[smem:$0x3FB7] =	sst s9;
	s0 =	simm.s32 @!p0 $0x0  }
0x12: {  	s1 =	sld [smem:$0x3F9D];
	s0 =	simm.s32 @p0 $0x1  }
0x13: {  	[smem:$0x3FB8] =	sst s0;
	s0 =	simm.s32 @!p1 $0x0  }
0x14: {  	s2 =	sld [smem:$0x3F9C];
	s0 =	simm.s32 @p1 $0x1  }
0x15: {  	[smem:$0x3FB9] =	sst s0;
	s0 =	simm.s32 @!p2 $0x0  }
0x16: {  	s3 =	sld [smem:$0x3FDB];
	s0 =	simm.s32 @p2 $0x1  }
0x17: {  	s4 =	simm.s32 $0x1BF5;
	[smem:$0x3FBB] =	sst s0  }
0x18: {  	s0 =	sld [smem:$0x3F9E];
	_ =	swait.ge [sflag:s4], $0x0  }
0x19: {  	s7 =	sld [smem:$0x3F9F]  }
0x1a: {  	s8 =	sadd.s32 $0xFFFFE003, lr  }
0x1b: {  	s9 =	sadd.s32 $0xFFFFFEF7, lr;
	s5 =	simm.s32 $0xFFFFFFFF;
	p2 =	slt.u32 s8, $0xFFFFF086  }
0x1c: {  	p1 =	slt.u32 s9, $0xF7A;
	s5 =	simm.s32 @!p2 $0x0  }
0x1d: {  	s5 =	simm.s32 @p1 $0x1;
	p0 =	seq.s32 s7, s2  }
0x1e: {  	s7 =	smul.u32 @!p0 $0xF7A, s2;
	p2 =	seq.s32 @!p0 s5, $0x0  }
0x1f: {  	s9 =	smul.u32 $0xF7A, s1;
	s8 =	simm.s32 @!p0 $0x1BF5;
	p2 =	por !p2, p0  }
0x20: {  	[sflag:s8] =	ssyncset.s32 @!p0 $0xFFFFF086;
	s6 =	sadd.s32 @!p0 s3, s7;
	s7 =	simm.s32 @!p0 $0x108  }
0x21: {  	s3 =	sadd.s32 s3, s9;
	s6 =	sadd.s32 @!p0 $0x88, s6;
	s7 =	simm.s32 @p2 $0x1082  }
0x22: {  	[simem:s7], [sflag:s8] =	dma.local @!p0 [hbm:s6], $0xF7A  }
0x23: {  	s9 =	sor.u32 $0xD0000000, s2;
	s6 =	simm.s32 $0x108;
	_ =	swait.ge @!p0 [sflag:s8], $0x0  }
0x24: {  	s3 =	sadd.s32 $0x88, s3;
	s6 =	simm.s32 @!p1 $0x1082;
	[sflag:s4] =	ssyncset.s32 $0xFFFFF086  }
0x25: {  	[simem:s6], [sflag:s4] =	dma.local [hbm:s3], $0xF7A  }
0x26: {  	[smem:$0x3F9F] =	sst s1;
	(tag) =	ssettag s2;
	_ =	strace s9  }
0x27: {  	s1 =	sld [smem:$0x3FAF]  }
0x28: {  	s2 =	sld [smem:$0x3FB0]  }
0x29: {  	s4 =	sld [smem:$0x3FB2]  }
0x2a: {  	p0 =	seq.s32 s5, $0x0;
	s5 =	sld [smem:$0x3FB3]  }
0x2b: {  	s6 =	sld [smem:$0x3FB4]  }
0x2c: {  	s7 =	sld [smem:$0x3FB5]  }
0x2d: {  	s3 =	simm.s32 $0x108;
	s8 =	sld [smem:$0x3FB6]  }
0x2e: {  	s3 =	simm.s32 @!p0 $0x1082;
	s9 =	sld [smem:$0x3FB7]  }
0x2f: {  	lr =	sadd.s32 s0, s3;
	s0 =	sld [smem:$0x3FAE]  }
0x30: {  	s3 =	sld [smem:$0x3FB1]  }
0x31: {  	[smem:$0x3FBA] =	sst s10  }
0x32: {  	s10 =	sld [smem:$0x3FB8];
	_ =	sdelay $0x3  }
0x33: {  	p0 =	seq.s32 s10, $0x1;
	s10 =	sld [smem:$0x3FBA];
	_ =	sdelay $0x3  }
0x34: {  	[smem:$0x3FBA] =	sst s10  }
0x35: {  	s10 =	sld [smem:$0x3FB9];
	_ =	sdelay $0x3  }
0x36: {  	p1 =	seq.s32 s10, $0x1;
	s10 =	sld [smem:$0x3FBA];
	_ =	sdelay $0x3  }
0x37: {  	[smem:$0x3FBA] =	sst s10  }
0x38: {  	s10 =	sld [smem:$0x3FBB]  }
0x39: {  	_ = 	snop;
	(pc) =	sbr.ind lr, $3  }
0x3a: {  	_ = 	snop  }
0x3b: {  	_ = 	snop  }
0x3c: {  	p2 =	seq.s32 s10, $0x1;
	s10 =	sld [smem:$0x3FBA]  }
0x3d: {  	_ =	shalt  }
0x3e: {  	_ =	shalt  }
0x3f: {  	_ =	shalt  }
0x40: {  	_ =	shalt  }
0x41: {  	_ =	shalt  }
0x42: {  	_ =	shalt  }
0x43: {  	_ =	shalt  }
0x44: {  	_ =	shalt  }
0x45: {  	_ =	shalt  }
0x46: {  	_ =	shalt  }
0x47: {  	_ =	shalt  }
0x48: {  	_ =	shalt  }
0x49: {  	_ =	shalt  }
0x4a: {  	_ =	shalt  }
0x4b: {  	_ =	shalt  }
0x4c: {  	_ =	shalt  }
0x4d: {  	_ =	shalt  }
0x4e: {  	_ =	shalt  }
0x4f: {  	_ =	shalt  }
0x50: {  	_ =	shalt  }
0x51: {  	_ =	shalt  }
0x52: {  	_ =	shalt  }
0x53: {  	_ =	shalt  }
0x54: {  	_ =	shalt  }
0x55: {  	_ =	shalt  }
0x56: {  	_ =	shalt  }
0x57: {  	_ =	shalt  }
0x58: {  	_ =	shalt  }
0x59: {  	_ =	shalt  }
0x5a: {  	_ =	shalt  }
0x5b: {  	_ =	shalt  }
0x5c: {  	_ =	shalt  }
0x5d: {  	_ =	shalt  }
0x5e: {  	_ =	shalt  }
0x5f: {  	_ =	shalt  }
0x60: {  	_ =	shalt  }
0x61: {  	_ =	shalt  }
0x62: {  	_ =	shalt  }
0x63: {  	_ =	shalt  }
0x64: {  	_ =	shalt  }
0x65: {  	_ =	shalt  }
0x66: {  	_ =	shalt  }
0x67: {  	_ =	shalt  }
0x68: {  	_ =	shalt  }
0x69: {  	_ =	shalt  }
0x6a: {  	_ =	shalt  }
0x6b: {  	_ =	shalt  }
0x6c: {  	_ =	shalt  }
0x6d: {  	_ =	shalt  }
0x6e: {  	_ =	shalt  }
0x6f: {  	_ =	shalt  }
0x70: {  	_ =	shalt  }
0x71: {  	_ =	shalt  }
0x72: {  	_ =	shalt  }
0x73: {  	_ =	shalt  }
0x74: {  	_ =	shalt  }
0x75: {  	_ =	shalt  }
0x76: {  	_ =	shalt  }
0x77: {  	_ =	shalt  }
0x78: {  	_ =	shalt  }
0x79: {  	_ =	shalt  }
0x7a: {  	_ =	shalt  }
0x7b: {  	_ =	shalt  }
0x7c: {  	_ =	shalt  }
0x7d: {  	_ =	shalt  }
0x7e: {  	_ =	shalt  }
0x7f: {  	_ =	shalt  }
0x80: {  	_ =	shalt  }
0x81: {  	_ =	shalt  }
0x82: {  	_ =	shalt  }
0x83: {  	_ =	shalt  }
0x84: {  	_ =	shalt  }
0x85: {  	_ =	shalt  }
0x86: {  	_ =	shalt  }
0x87: {  	_ =	shalt  }
.Lfunc_end0:
.L_simem_size_0:
called_computation.1_lowered:
.L_overlay_start_0:
0x88: {  	s2 =	sld [smem:$0x3FD9]  }
0x89: {  	s3 =	sld [smem:$0x3FFE];
	_ =	sdelay $0x1  }
0x8a: {  	s1 =	srdreg.scid  }
0x8b: {  	s0 =	sand.u32 $0x1, s1  }
0x8c: {  	s17 =	sshll.u32 s0, $0xA;
	s2 =	sadd.s32 s3, s2  }
0x8d: {  	s2 =	sadd.s32 s2, s17  }
0x8e: {  	[smem:$0x3FC6] =	sst s2  }
0x8f: {  	_ = 	snop  }
0x90: {  	s2 =	sld [smem:$0x3FD0];
	(tm) =	ssettm $0x1  }
0x91: {  	s18 =	sld [smem:$0x3FFB];
	_ =	sdelay $0x3  }
0x92: {  	_ =	strace s18  }
0x93: {  	s3 =	sld [smem:$0x3FFC];
	_ =	sdelay $0x3  }
0x94: {  	_ =	strace s3  }
0x95: {  	s3 =	sld [smem:$0x3FFD];
	_ =	sdelay $0x3  }
0x96: {  	_ =	strace s3  }
0x97: {  	_ =	strace $0x8FFFFFFF  }
0x98: {  	s19 =	sld [smem:$0x3FDB];
	_ =	sdelay $0x1  }
0x99: {  	s4 =	simm.s32 $_scs_section_size  }
0x9a: {  	s5 =	simm.s32 $_size__tile_overlayer_lowered;
	s6 =	simm.s32 $_tile_overlayer_lowered  }
0x9b: {  	s22 =	simm.s32 $0x1BFF;
	s21 =	sshll.u32 s6, $0x1;
	s3 =	sadd.s32 s4, s19  }
0x9c: {  	s7 =	simm.s32 $0x0;
	s20 =	sshll.u32 s5, $0x1;
	s5 =	sadd.s32 s21, s3  }
0x9d: {  	[timem:s7], [sflag:s22] =	dma.local [hbm:s5], s20  }
0x9e: {  	_ =	swait.ge [sflag:s22], s20  }
0x9f: {  	s4 =	ssub.s32 $0x0, s20;
	[sflag:s22] =	ssyncset.done $0x0  }
0xa0: {  	[sflag:s22] =	ssyncadd.s32 s4;
	_ =	sdelay $0x1  }
0xa1: {  	s23 =	simm.s32 $0x1B8B  }
0xa2: {  	_ =	swait.ge [sflag:s23], $0x1  }
0xa3: {  	[sflag:s23] =	ssyncset.done $0x0  }
0xa4: {  	s25 =	simm.s32 $0x1B8E;
	s24 =	sld [smem:$0x3FFE];
	[sflag:s23] =	ssyncadd.s32 $0xFFFFFFFF  }
0xa5: {  	s26 =	simm.s32 $execute0_lowered;
	[smem:$0x3FD2] =	sst s25  }
0xa6: {  	s5 =	sshll.u32 s26, $0x1;
	_ =	strace $0x80000046;
	[dreg:$0x1] =	wrdreg $0xFFFFFFFF  }
0xa7: {  	s28 =	simm.s32 $_size_execute0_lowered;
	s3 =	sadd.s32 s3, s5;
	[dreg:$0x0] =	wrdreg $0x0  }
0xa8: {  	s5 =	sshll.u32 s28, $0x1;
	[dreg:$0x2] =	wrdreg s3  }
0xa9: {  	[dreg:$0x3] =	wrdreg s5  }
0xaa: {  	[dreg:$0x4] =	wrdreg $0xC0  }
0xab: {  	_ =	task [dreg:s7], $0x5FFFF  }
0xac: {  	[dreg:$0x1] =	wrdreg $0xFFFFFFFF  }
0xad: {  	[dreg:$0x0] =	wrdreg $0x60  }
0xae: {  	[dreg:$0x2] =	wrdreg s24  }
0xaf: {  	[dreg:$0x3] =	wrdreg s2  }
0xb0: {  	[dreg:$0x4] =	wrdreg $0x9  }
0xb1: {  	_ =	task.clear_ibuf [dreg:s7], $0x5FFFF;
	_ =	strace $0x90000046  }
0xb2: {  	s29 =	simm.s32 $0x9;
	_ =	strace $0x80000048  }
0xb3: {  	_ =	swait.ge [sflag:s29], $0x1  }
0xb4: {  	[sflag:s29] =	ssyncadd.s32 $0xFFFFFFFF  }
0xb5: {  	_ =	strace $0x90000048  }
0xb6: {  	_ =	sfence  }
0xb7: {  	s30 =	sld [smem:$0x0];
	_ =	sdelay $0x2  }
0xb8: {  	s31 =	sshll.u32 s1, $0xD;
	s1 =	sshrl.u32 s1, $0x2  }
0xb9: {  	s3 =	sand.u32 $0x4000, s31;
	s1 =	sadd.s32 s1, s30  }
0xba: {  	s0 =	sor.u32 s3, s0;
	s1 =	sshll.u32 s1, $0x11  }
0xbb: {  	s0 =	sor.u32 s1, s0  }
0xbc: {  	s0 =	sadd.s32 $0x8F2B, s0  }
0xbd: {  	[sflag:s0] =	ssyncadd.remote.s32 $0x1  }
0xbe: {  	_ =	sfence.sel $0xFFFF  }
0xbf: {  	[dreg:$0x0] =	wrdreg $0xFFFFFFFF;
	(pc) =	sbr.abs _section_cstart, $3  }
0xc0: {  	[dreg:$0x1] =	wrdreg $0xFFFFFFFF  }
0xc1: {  	_ =	task.clear_ibuf [dreg:s7], $0x2FFFF;
	_ =	strace $0x9FFFFFFF  }
0xc2: {  	(tm) =	ssettm $0x7FFFFFFF  }
0xc3: {  	_ =	shalt  }
tec
execute0_lowered:
.L_overlay_start_1:
0x0: {  	(tag) =	ssettag $0x1  }
0x1: {  	s0 =	rddreg [dreg:$0x0]  }
0x2: {  	s2 =	rddreg [dreg:$0x1];
	s1 =	srdreg.scid  }
0x3: {  	s3 =	simm.s32 $0x0;
	s4 =	stileid.u32;
	s20 =	simm.s32 $0x7  }
0x4: {  	s18 =	simm.s32 $0x80;
	s19 =	simm.s32 $0x6400;
	s29 =	simm.s32 $0xB400  }
0x5: {  	s31 =	simm.s32 $0xC400;
	s21 =	simm.s32 $0x1;
	s30 =	simm.s32 $0xE400  }
0x6: {  	s12 =	simm.s32 $0x2;
	s14 =	simm.s32 $0x4;
	s15 =	simm.s32 $0x3  }
0x7: {  	s16 =	simm.s32 $0x5;
	s11 =	simm.s32 $0x0;
	s1 =	sand.u32 $0x1, s1  }
0x8: {  	[smem:$0x7FF] =	sst s3;
	s4 =	sshll.u32 s4, $0xA;
	s5 =	sshll.u32 s1, $0x9  }
0x9: {  	_ =	strace $0x80000047;
	s1 =	ssub.s32 $0x2, s1;
	s4 =	sor.u32 s5, s4  }
0xa: {  	s23 =	sshrl.u32 s1, $0x1;
	s5 =	sshrl.u32 s4, $0x3;
	s4 =	smul.u32 $0x640, s4  }
0xb: {  	s9 =	sadd.s32 s5, s0;
	s5 =	sadd.s32 $0xF42E00, s0;
	s0 =	ssub.s32 s1, s23  }
0xc: {  	s23 =	simm.s32 $0x20;
	s24 =	sshrl.u32 s4, $0x3;
	s0 =	smax.u32 s0, $0x1  }
0xd: {  	s6 =	sadd.s32 $0xA00, s9;
	s1 =	sadd.s32 s2, s24;
	[dreg:$0x8] =	wrdreg s0  }
0xe: {  	s7 =	sadd.s32 $0xA10, s9;
	s25 =	sadd.s32 $0x4, s1;
	[dreg:$0x3] =	wrdreg s1  }
0xf: {  	s8 =	sadd.s32 $0xA20, s9;
	s26 =	sadd.s32 $0x8, s1;
	[dreg:$0x4] =	wrdreg s25  }
0x10: {  	s10 =	sadd.s32 $0xA30, s9;
	s28 =	sadd.s32 $0xC0, s1;
	[dreg:$0x5] =	wrdreg s26  }
0x11: {  	s13 =	sor.u32 $0x20, s4;
	s1 =	sadd.s32 $0xC4, s1;
	[dreg:$0x6] =	wrdreg s28  }
0x12: {  	s9 =	simm.s32 $0x6;
	s24 =	simm.s32 $0x9400;
	[dreg:$0x7] =	wrdreg s1  }
0x13: {  	s26 =	simm.s32 $0xA400;
	s1 =	simm.s32 $0xD400;
	s25 =	simm.s32 $0x640  }
.LBB2_1:
0x14: {  	[dreg:$0x9] =	wrdreg s11  }
0x15: {  	s0 =	simm.s32 $0x800;
	s11 =	sadd.s32 $0x0, s6;
	s17 =	simm.s32 $0x0  }
.LBB2_2:
0x16: {  	[tilespmem:s17], [sflag:$0x7] =	stream.linear.gather [hbm4b:s11+s3], $0x80, $0x38;
	[tilespmem:$0x12400] =	vst v63  }
0x17: {  	s17 =	smov.u32 s0;
	p0 =	sne.s32 s0, $0x18800  }
.Ltmp0:
0x18: {  	s0 =	sadd.s32 $0x800, s0;
	(pc) =	sbr.rel @p0 .LBB2_2-.Ltmp0, $2  }
0x19: {  	_ =	sdelay $0x2  }
0x1a: {  	s11 =	sadd.s32 s17, s6;
	s17 =	sshra.s32 s17, $0x2  }
0x1b: {  	[tilespmem:s17], [sflag:$0x7] =	stream.linear.gather [hbm4b:s11+s3], $0x80, $0x38;
	[tilespmem:$0x12400] =	vst v63  }
0x1c: {  	_ =	swait.ge [sflag:s20], $0x1900  }
0x1d: {  	s0 =	simm.s32 $0x800;
	[sflag:s20] =	ssyncset.done $0x0  }
0x1e: {  	s11 =	sadd.s32 $0x0, s7;
	s17 =	simm.s32 $0x80;
	[sflag:s20] =	ssyncadd.s32 $0xFFFFE700  }
.LBB2_4:
0x1f: {  	[tilespmem:s17], [sflag:$0x7] =	stream.linear.gather [hbm4b:s11+s3], $0x80, $0x38;
	[tilespmem:$0x12400] =	vst v63  }
0x20: {  	s11 =	smov.u32 s0;
	p0 =	sne.s32 s0, $0x18800  }
.Ltmp1:
0x21: {  	s0 =	sadd.s32 $0x800, s0;
	(pc) =	sbr.rel @p0 .LBB2_4-.Ltmp1, $3  }
0x22: {  	_ =	sdelay $0x1  }
0x23: {  	s17 =	sshra.s32 s11, $0x2  }
0x24: {  	s11 =	sadd.s32 s11, s7;
	s17 =	sadd.s32 $0x80, s17  }
0x25: {  	[tilespmem:s17], [sflag:$0x7] =	stream.linear.gather [hbm4b:s11+s3], $0x80, $0x38;
	[tilespmem:$0x12400] =	vst v63  }
0x26: {  	_ =	swait.ge [sflag:s20], $0x1900  }
0x27: {  	s0 =	simm.s32 $0x800;
	[sflag:s20] =	ssyncset.done $0x0  }
0x28: {  	s11 =	sadd.s32 $0x0, s8;
	s17 =	simm.s32 $0x100;
	[sflag:s20] =	ssyncadd.s32 $0xFFFFE700  }
.LBB2_6:
0x29: {  	[tilespmem:s17], [sflag:$0x7] =	stream.linear.gather [hbm4b:s11+s3], $0x80, $0x38;
	[tilespmem:$0x12400] =	vst v63  }
0x2a: {  	s11 =	smov.u32 s0;
	p0 =	sne.s32 s0, $0x18800  }
.Ltmp2:
0x2b: {  	s0 =	sadd.s32 $0x800, s0;
	(pc) =	sbr.rel @p0 .LBB2_6-.Ltmp2, $3  }
0x2c: {  	_ =	sdelay $0x1  }
0x2d: {  	s17 =	sshra.s32 s11, $0x2  }
0x2e: {  	s11 =	sadd.s32 s11, s8;
	s17 =	sadd.s32 $0x100, s17  }
0x2f: {  	[tilespmem:s17], [sflag:$0x7] =	stream.linear.gather [hbm4b:s11+s3], $0x80, $0x38;
	[tilespmem:$0x12400] =	vst v63  }
0x30: {  	_ =	swait.ge [sflag:s20], $0x1900  }
0x31: {  	s0 =	simm.s32 $0x800;
	[sflag:s20] =	ssyncset.done $0x0  }
0x32: {  	s11 =	sadd.s32 $0x0, s10;
	s17 =	simm.s32 $0x180;
	[sflag:s20] =	ssyncadd.s32 $0xFFFFE700  }
.LBB2_8:
0x33: {  	[tilespmem:s17], [sflag:$0x7] =	stream.linear.gather [hbm4b:s11+s3], $0x80, $0x38;
	[tilespmem:$0x12400] =	vst v63  }
0x34: {  	s11 =	smov.u32 s0;
	p0 =	sne.s32 s0, $0x18800  }
.Ltmp3:
0x35: {  	s0 =	sadd.s32 $0x800, s0;
	(pc) =	sbr.rel @p0 .LBB2_8-.Ltmp3, $3  }
0x36: {  	_ =	sdelay $0x1  }
0x37: {  	s17 =	sshra.s32 s11, $0x2  }
0x38: {  	s11 =	sadd.s32 s11, s10;
	s17 =	sadd.s32 $0x180, s17  }
0x39: {  	[tilespmem:s17], [sflag:$0x7] =	stream.linear.gather [hbm4b:s11+s3], $0x80, $0x38;
	[tilespmem:$0x12400] =	vst v63  }
0x3a: {  	_ =	swait.ge [sflag:s20], $0x1900  }
0x3b: {  	[sflag:s20] =	ssyncset.done $0x0  }
0x3c: {  	s0 =	simm.s32 $0x0;
	[sflag:s20] =	ssyncadd.s32 $0xFFFFE700  }
0x3d: {  	[tilespmem:s19], [sflag:$0x1] =	stream.indirect.gather [hbm4b:s5+s18], $0x20, s0, s18, $0xb8;
	[tilespmem:$0x12400] =	vst v63  }
0x3e: {  	s20 =	simm.s32 $0x7400  }
0x3f: {  	[tilespmem:s20], [sflag:$0x1] =	stream.indirect.gather [hbm4b:s5+s18], $0x20, s18, s18, $0xb8;
	[tilespmem:$0x12400] =	vst v63  }
0x40: {  	s22 =	simm.s32 $0x100;
	s28 =	simm.s32 $0x8400  }
0x41: {  	[tilespmem:s28], [sflag:$0x1] =	stream.indirect.gather [hbm4b:s5+s18], $0x20, s22, s18, $0xb8;
	[tilespmem:$0x12400] =	vst v63  }
0x42: {  	s11 =	simm.s32 $0x180  }
0x43: {  	[tilespmem:s24], [sflag:$0x1] =	stream.indirect.gather [hbm4b:s5+s18], $0x20, s11, s18, $0xb8;
	[tilespmem:$0x12400] =	vst v63  }
0x44: {  	s17 =	simm.s32 $0x200  }
0x45: {  	[tilespmem:s26], [sflag:$0x2] =	stream.indirect.gather [hbm4b:s5+s18], $0x20, s17, s18, $0xb8;
	[tilespmem:$0x12400] =	vst v63  }
0x46: {  	s20 =	simm.s32 $0x280  }
0x47: {  	[tilespmem:s29], [sflag:$0x2] =	stream.indirect.gather [hbm4b:s5+s18], $0x20, s20, s18, $0xb8;
	[tilespmem:$0x12400] =	vst v63  }
0x48: {  	s22 =	simm.s32 $0x300  }
0x49: {  	[tilespmem:s31], [sflag:$0x2] =	stream.indirect.gather [hbm4b:s5+s18], $0x20, s22, s18, $0xb8;
	[tilespmem:$0x12400] =	vst v63  }
0x4a: {  	s28 =	simm.s32 $0x380  }
0x4b: {  	[tilespmem:s1], [sflag:$0x2] =	stream.indirect.gather [hbm4b:s5+s18], $0x20, s28, s18, $0xb8;
	[tilespmem:$0x12400] =	vst v63  }
0x4c: {  	_ =	swait.ge [sflag:s21], $0x1000  }
0x4d: {  	[sflag:s21] =	ssyncset.done $0x0  }
0x4e: {  	[sflag:s21] =	ssyncadd.s32 $0xFFFFF000  }
0x4f: {  	_ =	swait.ge [sflag:s21], $0x1000  }
0x50: {  	[sflag:s21] =	ssyncset.done $0x0  }
0x51: {  	[sflag:s21] =	ssyncadd.s32 $0xFFFFF000  }
0x52: {  	_ =	swait.ge [sflag:s21], $0x1000  }
0x53: {  	[sflag:s21] =	ssyncset.done $0x0  }
0x54: {  	[sflag:s21] =	ssyncadd.s32 $0xFFFFF000  }
0x55: {  	_ =	swait.ge [sflag:s21], $0x1000  }
0x56: {  	[sflag:s21] =	ssyncset.done $0x0  }
0x57: {  	s0 =	simm.s32 $0x0;
	[sflag:s21] =	ssyncadd.s32 $0xFFFFF000  }
0x58: {  	v0 =	vld [tilespmem:s0+$0x6400]  }
0x59: {  	v1 =	vld [tilespmem:s0+$0x6410]  }
0x5a: {  	v2 =	vld [tilespmem:s0+$0x6420]  }
0x5b: {  	v3 =	vld [tilespmem:s0+$0x6430]  }
0x5c: {  	v4 =	vld [tilespmem:s0+$0x6440]  }
0x5d: {  	v5 =	vld [tilespmem:s0+$0x6450];
	v0 =	vmul.f32 $5.656854150e+00, v0  }
0x5e: {  	v6 =	vld [tilespmem:s0+$0x6460];
	v1 =	vmul.f32 $5.656854150e+00, v1  }
0x5f: {  	v7 =	vld [tilespmem:s0+$0x6470];
	[tilespmem:s0+$0x6400] =	vst v0;
	v0 =	vmul.f32 $5.656854150e+00, v2  }
0x60: {  	v8 =	vld [tilespmem:s0+$0x6480];
	[tilespmem:s0+$0x6410] =	vst v1;
	v1 =	vmul.f32 $5.656854150e+00, v3  }
0x61: {  	v9 =	vld [tilespmem:s0+$0x6490];
	[tilespmem:s0+$0x6420] =	vst v0;
	v0 =	vmul.f32 $5.656854150e+00, v4  }
0x62: {  	v2 =	vmul.f32 $5.656854150e+00, v5;
	[tilespmem:s0+$0x6430] =	vst v1;
	v1 =	vld [tilespmem:s0+$0x64A0]  }
0x63: {  	v3 =	vmul.f32 $5.656854150e+00, v6;
	[tilespmem:s0+$0x6440] =	vst v0;
	v0 =	vld [tilespmem:s0+$0x64B0]  }
0x64: {  	[tilespmem:s0+$0x6450] =	vst v2;
	v2 =	vld [tilespmem:s0+$0x64C0];
	v4 =	vmul.f32 $5.656854150e+00, v7  }
0x65: {  	v6 =	vmul.f32 $5.656854150e+00, v8;
	[tilespmem:s0+$0x6460] =	vst v3;
	v3 =	vld [tilespmem:s0+$0x64D0]  }
0x66: {  	s11 =	simm.s32 $0x400;
	v5 =	vmul.f32 $5.656854150e+00, v9;
	[tilespmem:s0+$0x6470] =	vst v4;
	v4 =	vld [tilespmem:s0+$0x64E0]  }
.LBB2_10:
0x67: {  	s17 =	sshra.s32 s11, $0x2;
	p0 =	sne.s32 s11, $0xFC00;
	[tilespmem:s0+$0x6480] =	vst v6;
	v1 =	vmul.f32 $5.656854150e+00, v1;
	v6 =	vld [tilespmem:s0+$0x64F0]  }
0x68: {  	v7 =	vld [tilespmem:s17+$0x6400];
	[tilespmem:s0+$0x6490] =	vst v5;
	v0 =	vmul.f32 $5.656854150e+00, v0  }
0x69: {  	v5 =	vld [tilespmem:s17+$0x6410];
	[tilespmem:s0+$0x64A0] =	vst v1;
	v1 =	vmul.f32 $5.656854150e+00, v2  }
0x6a: {  	v2 =	vld [tilespmem:s17+$0x6420];
	[tilespmem:s0+$0x64B0] =	vst v0;
	v0 =	vmul.f32 $5.656854150e+00, v3  }
0x6b: {  	v3 =	vld [tilespmem:s17+$0x6430];
	[tilespmem:s0+$0x64C0] =	vst v1;
	v1 =	vmul.f32 $5.656854150e+00, v4  }
0x6c: {  	v4 =	vld [tilespmem:s17+$0x6440];
	[tilespmem:s0+$0x64D0] =	vst v0;
	v0 =	vmul.f32 $5.656854150e+00, v6  }
0x6d: {  	v6 =	vmul.f32 $5.656854150e+00, v7;
	v7 =	vld [tilespmem:s17+$0x6450];
	[tilespmem:s0+$0x64E0] =	vst v1  }
0x6e: {  	v1 =	vmul.f32 $5.656854150e+00, v5;
	v5 =	vld [tilespmem:s17+$0x6460];
	[tilespmem:s0+$0x64F0] =	vst v0;
	s0 =	smov.u32 s17  }
0x6f: {  	[tilespmem:s0+$0x6400] =	vst v6;
	v0 =	vmul.f32 $5.656854150e+00, v2;
	v2 =	vld [tilespmem:s0+$0x6470]  }
0x70: {  	[tilespmem:s0+$0x6410] =	vst v1;
	v1 =	vmul.f32 $5.656854150e+00, v3;
	v3 =	vld [tilespmem:s0+$0x6480]  }
0x71: {  	[tilespmem:s0+$0x6420] =	vst v0;
	v0 =	vmul.f32 $5.656854150e+00, v4;
	v4 =	vld [tilespmem:s0+$0x6490]  }
.Ltmp4:
0x72: {  	[tilespmem:s0+$0x6430] =	vst v1;
	v6 =	vmul.f32 $5.656854150e+00, v7;
	v1 =	vld [tilespmem:s0+$0x64A0];
	(pc) =	sbr.rel @p0 .LBB2_10-.Ltmp4, $4  }
0x73: {  	[tilespmem:s0+$0x6440] =	vst v0;
	v5 =	vmul.f32 $5.656854150e+00, v5;
	v0 =	vld [tilespmem:s0+$0x64B0]  }
0x74: {  	[tilespmem:s0+$0x6450] =	vst v6;
	v7 =	vmul.f32 $5.656854150e+00, v2;
	v2 =	vld [tilespmem:s0+$0x64C0]  }
0x75: {  	[tilespmem:s0+$0x6460] =	vst v5;
	v6 =	vmul.f32 $5.656854150e+00, v3;
	v3 =	vld [tilespmem:s0+$0x64D0]  }
0x76: {  	s11 =	sadd.s32 $0x400, s11;
	[tilespmem:s0+$0x6470] =	vst v7;
	v5 =	vmul.f32 $5.656854150e+00, v4;
	v4 =	vld [tilespmem:s0+$0x64E0]  }
0x77: {  	[tilespmem:s0+$0x6480] =	vst v6;
	v1 =	vmul.f32 $5.656854150e+00, v1;
	v6 =	vld [tilespmem:s0+$0x64F0]  }
0x78: {  	[tilespmem:s0+$0x6490] =	vst v5;
	v0 =	vmul.f32 $5.656854150e+00, v0  }
0x79: {  	[tilespmem:s0+$0x64A0] =	vst v1;
	v1 =	vmul.f32 $5.656854150e+00, v2  }
0x7a: {  	[tilespmem:s0+$0x64B0] =	vst v0;
	v0 =	vmul.f32 $5.656854150e+00, v3  }
0x7b: {  	[tilespmem:s0+$0x64C0] =	vst v1;
	v1 =	vmul.f32 $5.656854150e+00, v4  }
0x7c: {  	[tilespmem:s0+$0x64D0] =	vst v0;
	v0 =	vmul.f32 $5.656854150e+00, v6  }
0x7d: {  	[tilespmem:s0+$0x64E0] =	vst v1  }
0x7e: {  	s20 =	rddreg [dreg:$0x3];
	[tilespmem:s0+$0x64F0] =	vst v0  }
0x7f: {  	[hbm4b:s20+s23] =	stream.strided.scatter [tilespmem:s19], [sflag:$0x4], $0x4000, s25, s23, $0x38;
	[tilespmem:$0x12400] =	vst v63  }
0x80: {  	s22 =	simm.s32 $0x400  }
0x81: {  	[tilespmem:s30], [sflag:$0x3] =	stream.indirect.gather [hbm4b:s5+s18], $0x20, s22, s18, $0xb8;
	[tilespmem:$0x12400] =	vst v63  }
0x82: {  	s28 =	simm.s32 $0x480;
	s11 =	simm.s32 $0xF400  }
0x83: {  	[tilespmem:s11], [sflag:$0x3] =	stream.indirect.gather [hbm4b:s5+s18], $0x20, s28, s18, $0xb8;
	[tilespmem:$0x12400] =	vst v63  }
0x84: {  	s17 =	simm.s32 $0x500;
	s20 =	simm.s32 $0x10400  }
0x85: {  	[tilespmem:s20], [sflag:$0x3] =	stream.indirect.gather [hbm4b:s5+s18], $0x20, s17, s18, $0xb8;
	[tilespmem:$0x12400] =	vst v63  }
0x86: {  	s22 =	simm.s32 $0x580;
	s28 =	simm.s32 $0x11400  }
0x87: {  	[tilespmem:s28], [sflag:$0x3] =	stream.indirect.gather [hbm4b:s5+s18], $0x20, s22, s18, $0xb8;
	[tilespmem:$0x12400] =	vst v63  }
0x88: {  	_ =	swait.ge [sflag:s12], $0x1000  }
0x89: {  	[sflag:s12] =	ssyncset.done $0x0  }
0x8a: {  	[sflag:s12] =	ssyncadd.s32 $0xFFFFF000  }
0x8b: {  	_ =	swait.ge [sflag:s12], $0x1000  }
0x8c: {  	[sflag:s12] =	ssyncset.done $0x0  }
0x8d: {  	[sflag:s12] =	ssyncadd.s32 $0xFFFFF000  }
0x8e: {  	_ =	swait.ge [sflag:s12], $0x1000  }
0x8f: {  	[sflag:s12] =	ssyncset.done $0x0  }
0x90: {  	[sflag:s12] =	ssyncadd.s32 $0xFFFFF000  }
0x91: {  	_ =	swait.ge [sflag:s12], $0x1000  }
0x92: {  	[sflag:s12] =	ssyncset.done $0x0  }
0x93: {  	s0 =	simm.s32 $0x0;
	[sflag:s12] =	ssyncadd.s32 $0xFFFFF000  }
0x94: {  	v0 =	vld [tilespmem:s0+$0xA400]  }
0x95: {  	v1 =	vld [tilespmem:s0+$0xA410]  }
0x96: {  	v2 =	vld [tilespmem:s0+$0xA420]  }
0x97: {  	v3 =	vld [tilespmem:s0+$0xA430]  }
0x98: {  	v4 =	vld [tilespmem:s0+$0xA440]  }
0x99: {  	v5 =	vld [tilespmem:s0+$0xA450];
	v0 =	vmul.f32 $5.656854150e+00, v0  }
0x9a: {  	v6 =	vld [tilespmem:s0+$0xA460];
	v1 =	vmul.f32 $5.656854150e+00, v1  }
0x9b: {  	v7 =	vld [tilespmem:s0+$0xA470];
	[tilespmem:s0+$0xA400] =	vst v0;
	v0 =	vmul.f32 $5.656854150e+00, v2  }
0x9c: {  	v8 =	vld [tilespmem:s0+$0xA480];
	[tilespmem:s0+$0xA410] =	vst v1;
	v1 =	vmul.f32 $5.656854150e+00, v3  }
0x9d: {  	v9 =	vld [tilespmem:s0+$0xA490];
	[tilespmem:s0+$0xA420] =	vst v0;
	v0 =	vmul.f32 $5.656854150e+00, v4  }
0x9e: {  	v2 =	vmul.f32 $5.656854150e+00, v5;
	[tilespmem:s0+$0xA430] =	vst v1;
	v1 =	vld [tilespmem:s0+$0xA4A0]  }
0x9f: {  	v3 =	vmul.f32 $5.656854150e+00, v6;
	[tilespmem:s0+$0xA440] =	vst v0;
	v0 =	vld [tilespmem:s0+$0xA4B0]  }
0xa0: {  	[tilespmem:s0+$0xA450] =	vst v2;
	v2 =	vld [tilespmem:s0+$0xA4C0];
	v4 =	vmul.f32 $5.656854150e+00, v7  }
0xa1: {  	v6 =	vmul.f32 $5.656854150e+00, v8;
	[tilespmem:s0+$0xA460] =	vst v3;
	v3 =	vld [tilespmem:s0+$0xA4D0]  }
0xa2: {  	s11 =	simm.s32 $0x400;
	v5 =	vmul.f32 $5.656854150e+00, v9;
	[tilespmem:s0+$0xA470] =	vst v4;
	v4 =	vld [tilespmem:s0+$0xA4E0]  }
.LBB2_12:
0xa3: {  	s17 =	sshra.s32 s11, $0x2;
	p0 =	sne.s32 s11, $0xFC00;
	[tilespmem:s0+$0xA480] =	vst v6;
	v1 =	vmul.f32 $5.656854150e+00, v1;
	v6 =	vld [tilespmem:s0+$0xA4F0]  }
0xa4: {  	v7 =	vld [tilespmem:s17+$0xA400];
	[tilespmem:s0+$0xA490] =	vst v5;
	v0 =	vmul.f32 $5.656854150e+00, v0  }
0xa5: {  	v5 =	vld [tilespmem:s17+$0xA410];
	[tilespmem:s0+$0xA4A0] =	vst v1;
	v1 =	vmul.f32 $5.656854150e+00, v2  }
0xa6: {  	v2 =	vld [tilespmem:s17+$0xA420];
	[tilespmem:s0+$0xA4B0] =	vst v0;
	v0 =	vmul.f32 $5.656854150e+00, v3  }
0xa7: {  	v3 =	vld [tilespmem:s17+$0xA430];
	[tilespmem:s0+$0xA4C0] =	vst v1;
	v1 =	vmul.f32 $5.656854150e+00, v4  }
0xa8: {  	v4 =	vld [tilespmem:s17+$0xA440];
	[tilespmem:s0+$0xA4D0] =	vst v0;
	v0 =	vmul.f32 $5.656854150e+00, v6  }
0xa9: {  	v6 =	vmul.f32 $5.656854150e+00, v7;
	v7 =	vld [tilespmem:s17+$0xA450];
	[tilespmem:s0+$0xA4E0] =	vst v1  }
0xaa: {  	v1 =	vmul.f32 $5.656854150e+00, v5;
	v5 =	vld [tilespmem:s17+$0xA460];
	[tilespmem:s0+$0xA4F0] =	vst v0;
	s0 =	smov.u32 s17  }
0xab: {  	[tilespmem:s0+$0xA400] =	vst v6;
	v0 =	vmul.f32 $5.656854150e+00, v2;
	v2 =	vld [tilespmem:s0+$0xA470]  }
0xac: {  	[tilespmem:s0+$0xA410] =	vst v1;
	v1 =	vmul.f32 $5.656854150e+00, v3;
	v3 =	vld [tilespmem:s0+$0xA480]  }
0xad: {  	[tilespmem:s0+$0xA420] =	vst v0;
	v0 =	vmul.f32 $5.656854150e+00, v4;
	v4 =	vld [tilespmem:s0+$0xA490]  }
.Ltmp5:
0xae: {  	[tilespmem:s0+$0xA430] =	vst v1;
	v6 =	vmul.f32 $5.656854150e+00, v7;
	v1 =	vld [tilespmem:s0+$0xA4A0];
	(pc) =	sbr.rel @p0 .LBB2_12-.Ltmp5, $4  }
0xaf: {  	[tilespmem:s0+$0xA440] =	vst v0;
	v5 =	vmul.f32 $5.656854150e+00, v5;
	v0 =	vld [tilespmem:s0+$0xA4B0]  }
0xb0: {  	[tilespmem:s0+$0xA450] =	vst v6;
	v7 =	vmul.f32 $5.656854150e+00, v2;
	v2 =	vld [tilespmem:s0+$0xA4C0]  }
0xb1: {  	[tilespmem:s0+$0xA460] =	vst v5;
	v6 =	vmul.f32 $5.656854150e+00, v3;
	v3 =	vld [tilespmem:s0+$0xA4D0]  }
0xb2: {  	s11 =	sadd.s32 $0x400, s11;
	[tilespmem:s0+$0xA470] =	vst v7;
	v5 =	vmul.f32 $5.656854150e+00, v4;
	v4 =	vld [tilespmem:s0+$0xA4E0]  }
0xb3: {  	[tilespmem:s0+$0xA480] =	vst v6;
	v1 =	vmul.f32 $5.656854150e+00, v1;
	v6 =	vld [tilespmem:s0+$0xA4F0]  }
0xb4: {  	[tilespmem:s0+$0xA490] =	vst v5;
	v0 =	vmul.f32 $5.656854150e+00, v0  }
0xb5: {  	[tilespmem:s0+$0xA4A0] =	vst v1;
	v1 =	vmul.f32 $5.656854150e+00, v2  }
0xb6: {  	[tilespmem:s0+$0xA4B0] =	vst v0;
	v0 =	vmul.f32 $5.656854150e+00, v3  }
0xb7: {  	[tilespmem:s0+$0xA4C0] =	vst v1;
	v1 =	vmul.f32 $5.656854150e+00, v4  }
0xb8: {  	[tilespmem:s0+$0xA4D0] =	vst v0;
	v0 =	vmul.f32 $5.656854150e+00, v6  }
0xb9: {  	[tilespmem:s0+$0xA4E0] =	vst v1  }
0xba: {  	s28 =	rddreg [dreg:$0x4];
	[tilespmem:s0+$0xA4F0] =	vst v0  }
0xbb: {  	[hbm4b:s28+s23] =	stream.strided.scatter [tilespmem:s26], [sflag:$0x5], $0x4000, s25, s23, $0x38;
	[tilespmem:$0x12400] =	vst v63  }
0xbc: {  	_ =	swait.ge [sflag:s14], $0x4000  }
0xbd: {  	[sflag:s14] =	ssyncset.done $0x0  }
0xbe: {  	s11 =	simm.s32 $0x600;
	[sflag:s14] =	ssyncadd.s32 $0xFFFFC000  }
0xbf: {  	[tilespmem:s19], [sflag:$0x1] =	stream.indirect.gather [hbm4b:s5+s18], $0x20, s11, s18, $0xb8;
	[tilespmem:$0x12400] =	vst v63  }
0xc0: {  	s17 =	simm.s32 $0x7400;
	s11 =	simm.s32 $0x680  }
0xc1: {  	[tilespmem:s17], [sflag:$0x1] =	stream.indirect.gather [hbm4b:s5+s18], $0x20, s11, s18, $0xb8;
	[tilespmem:$0x12400] =	vst v63  }
0xc2: {  	s20 =	simm.s32 $0x8400;
	s22 =	simm.s32 $0x700  }
0xc3: {  	[tilespmem:s20], [sflag:$0x1] =	stream.indirect.gather [hbm4b:s5+s18], $0x20, s22, s18, $0xb8;
	[tilespmem:$0x12400] =	vst v63  }
0xc4: {  	s28 =	simm.s32 $0x780  }
0xc5: {  	[tilespmem:s24], [sflag:$0x1] =	stream.indirect.gather [hbm4b:s5+s18], $0x20, s28, s18, $0xb8;
	[tilespmem:$0x12400] =	vst v63  }
0xc6: {  	_ =	swait.ge [sflag:s15], $0x1000  }
0xc7: {  	[sflag:s15] =	ssyncset.done $0x0  }
0xc8: {  	[sflag:s15] =	ssyncadd.s32 $0xFFFFF000  }
0xc9: {  	_ =	swait.ge [sflag:s15], $0x1000  }
0xca: {  	[sflag:s15] =	ssyncset.done $0x0  }
0xcb: {  	[sflag:s15] =	ssyncadd.s32 $0xFFFFF000  }
0xcc: {  	_ =	swait.ge [sflag:s15], $0x1000  }
0xcd: {  	[sflag:s15] =	ssyncset.done $0x0  }
0xce: {  	[sflag:s15] =	ssyncadd.s32 $0xFFFFF000  }
0xcf: {  	_ =	swait.ge [sflag:s15], $0x1000  }
0xd0: {  	[sflag:s15] =	ssyncset.done $0x0  }
0xd1: {  	s0 =	simm.s32 $0x0;
	[sflag:s15] =	ssyncadd.s32 $0xFFFFF000  }
0xd2: {  	v0 =	vld [tilespmem:s0+$0xE400]  }
0xd3: {  	v1 =	vld [tilespmem:s0+$0xE410]  }
0xd4: {  	v2 =	vld [tilespmem:s0+$0xE420]  }
0xd5: {  	v3 =	vld [tilespmem:s0+$0xE430]  }
0xd6: {  	v4 =	vld [tilespmem:s0+$0xE440]  }
0xd7: {  	v5 =	vld [tilespmem:s0+$0xE450];
	v0 =	vmul.f32 $5.656854150e+00, v0  }
0xd8: {  	v6 =	vld [tilespmem:s0+$0xE460];
	v1 =	vmul.f32 $5.656854150e+00, v1  }
0xd9: {  	v7 =	vld [tilespmem:s0+$0xE470];
	[tilespmem:s0+$0xE400] =	vst v0;
	v0 =	vmul.f32 $5.656854150e+00, v2  }
0xda: {  	v8 =	vld [tilespmem:s0+$0xE480];
	[tilespmem:s0+$0xE410] =	vst v1;
	v1 =	vmul.f32 $5.656854150e+00, v3  }
0xdb: {  	v9 =	vld [tilespmem:s0+$0xE490];
	[tilespmem:s0+$0xE420] =	vst v0;
	v0 =	vmul.f32 $5.656854150e+00, v4  }
0xdc: {  	v2 =	vmul.f32 $5.656854150e+00, v5;
	[tilespmem:s0+$0xE430] =	vst v1;
	v1 =	vld [tilespmem:s0+$0xE4A0]  }
0xdd: {  	v3 =	vmul.f32 $5.656854150e+00, v6;
	[tilespmem:s0+$0xE440] =	vst v0;
	v0 =	vld [tilespmem:s0+$0xE4B0]  }
0xde: {  	[tilespmem:s0+$0xE450] =	vst v2;
	v2 =	vld [tilespmem:s0+$0xE4C0];
	v4 =	vmul.f32 $5.656854150e+00, v7  }
0xdf: {  	v6 =	vmul.f32 $5.656854150e+00, v8;
	[tilespmem:s0+$0xE460] =	vst v3;
	v3 =	vld [tilespmem:s0+$0xE4D0]  }
0xe0: {  	s11 =	simm.s32 $0x400;
	v5 =	vmul.f32 $5.656854150e+00, v9;
	[tilespmem:s0+$0xE470] =	vst v4;
	v4 =	vld [tilespmem:s0+$0xE4E0]  }
.LBB2_14:
0xe1: {  	s17 =	sshra.s32 s11, $0x2;
	p0 =	sne.s32 s11, $0xFC00;
	[tilespmem:s0+$0xE480] =	vst v6;
	v1 =	vmul.f32 $5.656854150e+00, v1;
	v6 =	vld [tilespmem:s0+$0xE4F0]  }
0xe2: {  	v7 =	vld [tilespmem:s17+$0xE400];
	[tilespmem:s0+$0xE490] =	vst v5;
	v0 =	vmul.f32 $5.656854150e+00, v0  }
0xe3: {  	v5 =	vld [tilespmem:s17+$0xE410];
	[tilespmem:s0+$0xE4A0] =	vst v1;
	v1 =	vmul.f32 $5.656854150e+00, v2  }
0xe4: {  	v2 =	vld [tilespmem:s17+$0xE420];
	[tilespmem:s0+$0xE4B0] =	vst v0;
	v0 =	vmul.f32 $5.656854150e+00, v3  }
0xe5: {  	v3 =	vld [tilespmem:s17+$0xE430];
	[tilespmem:s0+$0xE4C0] =	vst v1;
	v1 =	vmul.f32 $5.656854150e+00, v4  }
0xe6: {  	v4 =	vld [tilespmem:s17+$0xE440];
	[tilespmem:s0+$0xE4D0] =	vst v0;
	v0 =	vmul.f32 $5.656854150e+00, v6  }
0xe7: {  	v6 =	vmul.f32 $5.656854150e+00, v7;
	v7 =	vld [tilespmem:s17+$0xE450];
	[tilespmem:s0+$0xE4E0] =	vst v1  }
0xe8: {  	v1 =	vmul.f32 $5.656854150e+00, v5;
	v5 =	vld [tilespmem:s17+$0xE460];
	[tilespmem:s0+$0xE4F0] =	vst v0;
	s0 =	smov.u32 s17  }
0xe9: {  	[tilespmem:s0+$0xE400] =	vst v6;
	v0 =	vmul.f32 $5.656854150e+00, v2;
	v2 =	vld [tilespmem:s0+$0xE470]  }
0xea: {  	[tilespmem:s0+$0xE410] =	vst v1;
	v1 =	vmul.f32 $5.656854150e+00, v3;
	v3 =	vld [tilespmem:s0+$0xE480]  }
0xeb: {  	[tilespmem:s0+$0xE420] =	vst v0;
	v0 =	vmul.f32 $5.656854150e+00, v4;
	v4 =	vld [tilespmem:s0+$0xE490]  }
.Ltmp6:
0xec: {  	[tilespmem:s0+$0xE430] =	vst v1;
	v6 =	vmul.f32 $5.656854150e+00, v7;
	v1 =	vld [tilespmem:s0+$0xE4A0];
	(pc) =	sbr.rel @p0 .LBB2_14-.Ltmp6, $4  }
0xed: {  	[tilespmem:s0+$0xE440] =	vst v0;
	v5 =	vmul.f32 $5.656854150e+00, v5;
	v0 =	vld [tilespmem:s0+$0xE4B0]  }
0xee: {  	[tilespmem:s0+$0xE450] =	vst v6;
	v7 =	vmul.f32 $5.656854150e+00, v2;
	v2 =	vld [tilespmem:s0+$0xE4C0]  }
0xef: {  	[tilespmem:s0+$0xE460] =	vst v5;
	v6 =	vmul.f32 $5.656854150e+00, v3;
	v3 =	vld [tilespmem:s0+$0xE4D0]  }
0xf0: {  	s11 =	sadd.s32 $0x400, s11;
	[tilespmem:s0+$0xE470] =	vst v7;
	v5 =	vmul.f32 $5.656854150e+00, v4;
	v4 =	vld [tilespmem:s0+$0xE4E0]  }
0xf1: {  	[tilespmem:s0+$0xE480] =	vst v6;
	v1 =	vmul.f32 $5.656854150e+00, v1;
	v59 =	vld [tilespmem:s0+$0xE4F0]  }
0xf2: {  	[tilespmem:s0+$0xE490] =	vst v5;
	v0 =	vmul.f32 $5.656854150e+00, v0  }
0xf3: {  	[tilespmem:s0+$0xE4A0] =	vst v1;
	v60 =	vmul.f32 $5.656854150e+00, v2  }
0xf4: {  	[tilespmem:s0+$0xE4B0] =	vst v0;
	v61 =	vmul.f32 $5.656854150e+00, v3  }
0xf5: {  	[tilespmem:s0+$0xE4C0] =	vst v60;
	v62 =	vmul.f32 $5.656854150e+00, v4  }
0xf6: {  	[tilespmem:s0+$0xE4D0] =	vst v61;
	v63 =	vmul.f32 $5.656854150e+00, v59  }
0xf7: {  	[tilespmem:s0+$0xE4E0] =	vst v62  }
0xf8: {  	s11 =	rddreg [dreg:$0x5];
	[tilespmem:s0+$0xE4F0] =	vst v63  }
0xf9: {  	[hbm4b:s11+s23] =	stream.strided.scatter [tilespmem:s30], [sflag:$0x6], $0x4000, s25, s23, $0x38;
	[tilespmem:$0x12400] =	vst v63  }
0xfa: {  	_ =	swait.ge [sflag:s16], $0x4000  }
0xfb: {  	[sflag:s16] =	ssyncset.done $0x0  }
0xfc: {  	s17 =	simm.s32 $0x800;
	[sflag:s16] =	ssyncadd.s32 $0xFFFFC000  }
0xfd: {  	[tilespmem:s26], [sflag:$0x2] =	stream.indirect.gather [hbm4b:s5+s18], $0x20, s17, s18, $0xb8;
	[tilespmem:$0x12400] =	vst v63  }
0xfe: {  	s20 =	simm.s32 $0x880  }
0xff: {  	[tilespmem:s29], [sflag:$0x2] =	stream.indirect.gather [hbm4b:s5+s18], $0x20, s20, s18, $0xb8;
	[tilespmem:$0x12400] =	vst v63  }
0x100: {  	s22 =	simm.s32 $0x900  }
0x101: {  	[tilespmem:s31], [sflag:$0x2] =	stream.indirect.gather [hbm4b:s5+s18], $0x20, s22, s18, $0xb8;
	[tilespmem:$0x12400] =	vst v63  }
0x102: {  	s28 =	simm.s32 $0x980;
	s17 =	simm.s32 $0x1  }
0x103: {  	[tilespmem:s1], [sflag:$0x2] =	stream.indirect.gather [hbm4b:s5+s18], $0x20, s28, s18, $0xb8;
	[tilespmem:$0x12400] =	vst v63  }
.LBB2_16:
0x104: {  	_ =	swait.ge [sflag:s21], $0x1000  }
0x105: {  	[sflag:s21] =	ssyncset.done $0x0  }
0x106: {  	[sflag:s21] =	ssyncadd.s32 $0xFFFFF000  }
0x107: {  	_ =	swait.ge [sflag:s21], $0x1000  }
0x108: {  	[sflag:s21] =	ssyncset.done $0x0  }
0x109: {  	[sflag:s21] =	ssyncadd.s32 $0xFFFFF000  }
0x10a: {  	_ =	swait.ge [sflag:s21], $0x1000  }
0x10b: {  	[sflag:s21] =	ssyncset.done $0x0  }
0x10c: {  	[sflag:s21] =	ssyncadd.s32 $0xFFFFF000  }
0x10d: {  	_ =	swait.ge [sflag:s21], $0x1000  }
0x10e: {  	[sflag:s21] =	ssyncset.done $0x0  }
0x10f: {  	s28 =	simm.s32 $0x0;
	[sflag:s21] =	ssyncadd.s32 $0xFFFFF000  }
0x110: {  	v0 =	vld [tilespmem:s28+$0x6400]  }
0x111: {  	v1 =	vld [tilespmem:s28+$0x6410]  }
0x112: {  	v2 =	vld [tilespmem:s28+$0x6420]  }
0x113: {  	v3 =	vld [tilespmem:s28+$0x6430]  }
0x114: {  	v4 =	vld [tilespmem:s28+$0x6440]  }
0x115: {  	v5 =	vld [tilespmem:s28+$0x6450];
	v0 =	vmul.f32 $5.656854150e+00, v0  }
0x116: {  	v6 =	vld [tilespmem:s28+$0x6460];
	v1 =	vmul.f32 $5.656854150e+00, v1  }
0x117: {  	v7 =	vld [tilespmem:s28+$0x6470];
	[tilespmem:s28+$0x6400] =	vst v0;
	v0 =	vmul.f32 $5.656854150e+00, v2  }
0x118: {  	v8 =	vld [tilespmem:s28+$0x6480];
	[tilespmem:s28+$0x6410] =	vst v1;
	v1 =	vmul.f32 $5.656854150e+00, v3  }
0x119: {  	v9 =	vld [tilespmem:s28+$0x6490];
	[tilespmem:s28+$0x6420] =	vst v0;
	v0 =	vmul.f32 $5.656854150e+00, v4  }
0x11a: {  	v2 =	vmul.f32 $5.656854150e+00, v5;
	[tilespmem:s28+$0x6430] =	vst v1;
	v1 =	vld [tilespmem:s28+$0x64A0]  }
0x11b: {  	v3 =	vmul.f32 $5.656854150e+00, v6;
	[tilespmem:s28+$0x6440] =	vst v0;
	v0 =	vld [tilespmem:s28+$0x64B0]  }
0x11c: {  	[tilespmem:s28+$0x6450] =	vst v2;
	v2 =	vld [tilespmem:s28+$0x64C0];
	v4 =	vmul.f32 $5.656854150e+00, v7  }
0x11d: {  	v6 =	vmul.f32 $5.656854150e+00, v8;
	[tilespmem:s28+$0x6460] =	vst v3;
	v3 =	vld [tilespmem:s28+$0x64D0]  }
0x11e: {  	s0 =	simm.s32 $0x400;
	v5 =	vmul.f32 $5.656854150e+00, v9;
	[tilespmem:s28+$0x6470] =	vst v4;
	v4 =	vld [tilespmem:s28+$0x64E0]  }
.LBB2_17:
0x11f: {  	s11 =	sshra.s32 s0, $0x2;
	p0 =	sne.s32 s0, $0xFC00;
	[tilespmem:s28+$0x6480] =	vst v6;
	v1 =	vmul.f32 $5.656854150e+00, v1;
	v6 =	vld [tilespmem:s28+$0x64F0]  }
0x120: {  	v7 =	vld [tilespmem:s11+$0x6400];
	[tilespmem:s28+$0x6490] =	vst v5;
	v0 =	vmul.f32 $5.656854150e+00, v0  }
0x121: {  	v5 =	vld [tilespmem:s11+$0x6410];
	[tilespmem:s28+$0x64A0] =	vst v1;
	v1 =	vmul.f32 $5.656854150e+00, v2  }
0x122: {  	v2 =	vld [tilespmem:s11+$0x6420];
	[tilespmem:s28+$0x64B0] =	vst v0;
	v0 =	vmul.f32 $5.656854150e+00, v3  }
0x123: {  	v3 =	vld [tilespmem:s11+$0x6430];
	[tilespmem:s28+$0x64C0] =	vst v1;
	v1 =	vmul.f32 $5.656854150e+00, v4  }
0x124: {  	v4 =	vld [tilespmem:s11+$0x6440];
	[tilespmem:s28+$0x64D0] =	vst v0;
	v0 =	vmul.f32 $5.656854150e+00, v6  }
0x125: {  	v6 =	vmul.f32 $5.656854150e+00, v7;
	v7 =	vld [tilespmem:s11+$0x6450];
	[tilespmem:s28+$0x64E0] =	vst v1  }
0x126: {  	v1 =	vmul.f32 $5.656854150e+00, v5;
	v5 =	vld [tilespmem:s11+$0x6460];
	[tilespmem:s28+$0x64F0] =	vst v0;
	s28 =	smov.u32 s11  }
0x127: {  	[tilespmem:s28+$0x6400] =	vst v6;
	v0 =	vmul.f32 $5.656854150e+00, v2;
	v2 =	vld [tilespmem:s28+$0x6470]  }
0x128: {  	[tilespmem:s28+$0x6410] =	vst v1;
	v1 =	vmul.f32 $5.656854150e+00, v3;
	v3 =	vld [tilespmem:s28+$0x6480]  }
0x129: {  	[tilespmem:s28+$0x6420] =	vst v0;
	v0 =	vmul.f32 $5.656854150e+00, v4;
	v4 =	vld [tilespmem:s28+$0x6490]  }
.Ltmp7:
0x12a: {  	[tilespmem:s28+$0x6430] =	vst v1;
	v6 =	vmul.f32 $5.656854150e+00, v7;
	v1 =	vld [tilespmem:s28+$0x64A0];
	(pc) =	sbr.rel @p0 .LBB2_17-.Ltmp7, $4  }
0x12b: {  	[tilespmem:s28+$0x6440] =	vst v0;
	v5 =	vmul.f32 $5.656854150e+00, v5;
	v0 =	vld [tilespmem:s28+$0x64B0]  }
0x12c: {  	[tilespmem:s28+$0x6450] =	vst v6;
	v7 =	vmul.f32 $5.656854150e+00, v2;
	v2 =	vld [tilespmem:s28+$0x64C0]  }
0x12d: {  	[tilespmem:s28+$0x6460] =	vst v5;
	v6 =	vmul.f32 $5.656854150e+00, v3;
	v3 =	vld [tilespmem:s28+$0x64D0]  }
0x12e: {  	s0 =	sadd.s32 $0x400, s0;
	[tilespmem:s28+$0x6470] =	vst v7;
	v5 =	vmul.f32 $5.656854150e+00, v4;
	v4 =	vld [tilespmem:s28+$0x64E0]  }
0x12f: {  	[tilespmem:s28+$0x6480] =	vst v6;
	v1 =	vmul.f32 $5.656854150e+00, v1;
	v6 =	vld [tilespmem:s28+$0x64F0]  }
0x130: {  	[tilespmem:s28+$0x6490] =	vst v5;
	v0 =	vmul.f32 $5.656854150e+00, v0  }
0x131: {  	[tilespmem:s28+$0x64A0] =	vst v1;
	v1 =	vmul.f32 $5.656854150e+00, v2  }
0x132: {  	s0 =	smul.u32 $0x60, s17;
	[tilespmem:s28+$0x64B0] =	vst v0;
	v0 =	vmul.f32 $5.656854150e+00, v3  }
0x133: {  	[tilespmem:s28+$0x64C0] =	vst v1;
	v1 =	vmul.f32 $5.656854150e+00, v4  }
0x134: {  	s11 =	sor.u32 s4, s0;
	[tilespmem:s28+$0x64D0] =	vst v0;
	v0 =	vmul.f32 $5.656854150e+00, v6  }
0x135: {  	s11 =	sshrl.u32 s11, $0x3;
	[tilespmem:s28+$0x64E0] =	vst v1  }
0x136: {  	s20 =	smul.u32 $0x3, s17;
	s11 =	sadd.s32 s2, s11;
	[tilespmem:s28+$0x64F0] =	vst v0  }
0x137: {  	[hbm4b:s11+s23] =	stream.strided.scatter [tilespmem:s19], [sflag:$0x4], $0x4000, s25, s23, $0x38;
	[tilespmem:$0x12400] =	vst v63  }
0x138: {  	s28 =	sadd.s32 $0x2, s20;
	_ =	swait.ge [sflag:s9], $0x4000  }
0x139: {  	s20 =	sshll.u32 s28, $0x9;
	[sflag:s9] =	ssyncset.done $0x0  }
0x13a: {  	s11 =	sand.u32 $0x3FFFFE00, s20;
	[sflag:s9] =	ssyncadd.s32 $0xFFFFC000  }
0x13b: {  	[tilespmem:s30], [sflag:$0x3] =	stream.indirect.gather [hbm4b:s5+s18], $0x20, s11, s18, $0xb8;
	[tilespmem:$0x12400] =	vst v63  }
0x13c: {  	s22 =	simm.s32 $0xF400;
	s20 =	sor.u32 $0x80, s11  }
0x13d: {  	[tilespmem:s22], [sflag:$0x3] =	stream.indirect.gather [hbm4b:s5+s18], $0x20, s20, s18, $0xb8;
	[tilespmem:$0x12400] =	vst v63  }
0x13e: {  	s20 =	sor.u32 $0x100, s11;
	s22 =	simm.s32 $0x10400  }
0x13f: {  	[tilespmem:s22], [sflag:$0x3] =	stream.indirect.gather [hbm4b:s5+s18], $0x20, s20, s18, $0xb8;
	[tilespmem:$0x12400] =	vst v63  }
0x140: {  	s11 =	sor.u32 $0x180, s11;
	s22 =	simm.s32 $0x11400  }
0x141: {  	[tilespmem:s22], [sflag:$0x3] =	stream.indirect.gather [hbm4b:s5+s18], $0x20, s11, s18, $0xb8;
	[tilespmem:$0x12400] =	vst v63  }
0x142: {  	_ =	swait.ge [sflag:s12], $0x1000  }
0x143: {  	[sflag:s12] =	ssyncset.done $0x0  }
0x144: {  	[sflag:s12] =	ssyncadd.s32 $0xFFFFF000  }
0x145: {  	_ =	swait.ge [sflag:s12], $0x1000  }
0x146: {  	[sflag:s12] =	ssyncset.done $0x0  }
0x147: {  	[sflag:s12] =	ssyncadd.s32 $0xFFFFF000  }
0x148: {  	_ =	swait.ge [sflag:s12], $0x1000  }
0x149: {  	[sflag:s12] =	ssyncset.done $0x0  }
0x14a: {  	[sflag:s12] =	ssyncadd.s32 $0xFFFFF000  }
0x14b: {  	_ =	swait.ge [sflag:s12], $0x1000  }
0x14c: {  	[sflag:s12] =	ssyncset.done $0x0  }
0x14d: {  	s11 =	simm.s32 $0x0;
	[sflag:s12] =	ssyncadd.s32 $0xFFFFF000  }
0x14e: {  	v0 =	vld [tilespmem:s11+$0xA400]  }
0x14f: {  	v1 =	vld [tilespmem:s11+$0xA410]  }
0x150: {  	v2 =	vld [tilespmem:s11+$0xA420]  }
0x151: {  	v3 =	vld [tilespmem:s11+$0xA430]  }
0x152: {  	v4 =	vld [tilespmem:s11+$0xA440]  }
0x153: {  	v5 =	vld [tilespmem:s11+$0xA450];
	v0 =	vmul.f32 $5.656854150e+00, v0  }
0x154: {  	v6 =	vld [tilespmem:s11+$0xA460];
	v1 =	vmul.f32 $5.656854150e+00, v1  }
0x155: {  	v7 =	vld [tilespmem:s11+$0xA470];
	[tilespmem:s11+$0xA400] =	vst v0;
	v0 =	vmul.f32 $5.656854150e+00, v2  }
0x156: {  	v8 =	vld [tilespmem:s11+$0xA480];
	[tilespmem:s11+$0xA410] =	vst v1;
	v1 =	vmul.f32 $5.656854150e+00, v3  }
0x157: {  	v9 =	vld [tilespmem:s11+$0xA490];
	[tilespmem:s11+$0xA420] =	vst v0;
	v0 =	vmul.f32 $5.656854150e+00, v4  }
0x158: {  	v2 =	vmul.f32 $5.656854150e+00, v5;
	[tilespmem:s11+$0xA430] =	vst v1;
	v1 =	vld [tilespmem:s11+$0xA4A0]  }
0x159: {  	v3 =	vmul.f32 $5.656854150e+00, v6;
	[tilespmem:s11+$0xA440] =	vst v0;
	v0 =	vld [tilespmem:s11+$0xA4B0]  }
0x15a: {  	[tilespmem:s11+$0xA450] =	vst v2;
	v2 =	vld [tilespmem:s11+$0xA4C0];
	v4 =	vmul.f32 $5.656854150e+00, v7  }
0x15b: {  	v6 =	vmul.f32 $5.656854150e+00, v8;
	[tilespmem:s11+$0xA460] =	vst v3;
	v3 =	vld [tilespmem:s11+$0xA4D0]  }
0x15c: {  	s20 =	simm.s32 $0x400;
	v5 =	vmul.f32 $5.656854150e+00, v9;
	[tilespmem:s11+$0xA470] =	vst v4;
	v4 =	vld [tilespmem:s11+$0xA4E0]  }
.LBB2_19:
0x15d: {  	s22 =	sshra.s32 s20, $0x2;
	p0 =	sne.s32 s20, $0xFC00;
	[tilespmem:s11+$0xA480] =	vst v6;
	v1 =	vmul.f32 $5.656854150e+00, v1;
	v6 =	vld [tilespmem:s11+$0xA4F0]  }
0x15e: {  	v7 =	vld [tilespmem:s22+$0xA400];
	[tilespmem:s11+$0xA490] =	vst v5;
	v0 =	vmul.f32 $5.656854150e+00, v0  }
0x15f: {  	v5 =	vld [tilespmem:s22+$0xA410];
	[tilespmem:s11+$0xA4A0] =	vst v1;
	v1 =	vmul.f32 $5.656854150e+00, v2  }
0x160: {  	v2 =	vld [tilespmem:s22+$0xA420];
	[tilespmem:s11+$0xA4B0] =	vst v0;
	v0 =	vmul.f32 $5.656854150e+00, v3  }
0x161: {  	v3 =	vld [tilespmem:s22+$0xA430];
	[tilespmem:s11+$0xA4C0] =	vst v1;
	v1 =	vmul.f32 $5.656854150e+00, v4  }
0x162: {  	v4 =	vld [tilespmem:s22+$0xA440];
	[tilespmem:s11+$0xA4D0] =	vst v0;
	v0 =	vmul.f32 $5.656854150e+00, v6  }
0x163: {  	v6 =	vmul.f32 $5.656854150e+00, v7;
	v7 =	vld [tilespmem:s22+$0xA450];
	[tilespmem:s11+$0xA4E0] =	vst v1  }
0x164: {  	v1 =	vmul.f32 $5.656854150e+00, v5;
	v5 =	vld [tilespmem:s22+$0xA460];
	[tilespmem:s11+$0xA4F0] =	vst v0;
	s11 =	smov.u32 s22  }
0x165: {  	[tilespmem:s11+$0xA400] =	vst v6;
	v0 =	vmul.f32 $5.656854150e+00, v2;
	v2 =	vld [tilespmem:s11+$0xA470]  }
0x166: {  	[tilespmem:s11+$0xA410] =	vst v1;
	v1 =	vmul.f32 $5.656854150e+00, v3;
	v3 =	vld [tilespmem:s11+$0xA480]  }
0x167: {  	[tilespmem:s11+$0xA420] =	vst v0;
	v0 =	vmul.f32 $5.656854150e+00, v4;
	v4 =	vld [tilespmem:s11+$0xA490]  }
.Ltmp8:
0x168: {  	[tilespmem:s11+$0xA430] =	vst v1;
	v6 =	vmul.f32 $5.656854150e+00, v7;
	v1 =	vld [tilespmem:s11+$0xA4A0];
	(pc) =	sbr.rel @p0 .LBB2_19-.Ltmp8, $4  }
0x169: {  	[tilespmem:s11+$0xA440] =	vst v0;
	v5 =	vmul.f32 $5.656854150e+00, v5;
	v0 =	vld [tilespmem:s11+$0xA4B0]  }
0x16a: {  	[tilespmem:s11+$0xA450] =	vst v6;
	v7 =	vmul.f32 $5.656854150e+00, v2;
	v2 =	vld [tilespmem:s11+$0xA4C0]  }
0x16b: {  	[tilespmem:s11+$0xA460] =	vst v5;
	v6 =	vmul.f32 $5.656854150e+00, v3;
	v3 =	vld [tilespmem:s11+$0xA4D0]  }
0x16c: {  	s20 =	sadd.s32 $0x400, s20;
	[tilespmem:s11+$0xA470] =	vst v7;
	v5 =	vmul.f32 $5.656854150e+00, v4;
	v4 =	vld [tilespmem:s11+$0xA4E0]  }
0x16d: {  	[tilespmem:s11+$0xA480] =	vst v6;
	v1 =	vmul.f32 $5.656854150e+00, v1;
	v6 =	vld [tilespmem:s11+$0xA4F0]  }
0x16e: {  	[tilespmem:s11+$0xA490] =	vst v5;
	v0 =	vmul.f32 $5.656854150e+00, v0  }
0x16f: {  	[tilespmem:s11+$0xA4A0] =	vst v1;
	v1 =	vmul.f32 $5.656854150e+00, v2  }
0x170: {  	[tilespmem:s11+$0xA4B0] =	vst v0;
	v0 =	vmul.f32 $5.656854150e+00, v3  }
0x171: {  	[tilespmem:s11+$0xA4C0] =	vst v1;
	v1 =	vmul.f32 $5.656854150e+00, v4  }
0x172: {  	s0 =	sadd.s32 s13, s0;
	[tilespmem:s11+$0xA4D0] =	vst v0;
	v0 =	vmul.f32 $5.656854150e+00, v6  }
0x173: {  	s0 =	sshrl.u32 s0, $0x3;
	[tilespmem:s11+$0xA4E0] =	vst v1  }
0x174: {  	s0 =	sadd.s32 s2, s0;
	[tilespmem:s11+$0xA4F0] =	vst v0;
	s11 =	smul.u32 $0x1800, s17  }
0x175: {  	[hbm4b:s0+s23] =	stream.strided.scatter [tilespmem:s26], [sflag:$0x5], $0x4000, s25, s23, $0x38;
	[tilespmem:$0x12400] =	vst v63  }
0x176: {  	_ =	swait.ge [sflag:s14], $0x4000  }
0x177: {  	s0 =	sshra.s32 s11, $0x2;
	[sflag:s14] =	ssyncset.done $0x0  }
0x178: {  	s20 =	sadd.s32 $0x600, s0;
	[sflag:s14] =	ssyncadd.s32 $0xFFFFC000  }
0x179: {  	[tilespmem:s19], [sflag:$0x1] =	stream.indirect.gather [hbm4b:s5+s18], $0x20, s20, s18, $0xb8;
	[tilespmem:$0x12400] =	vst v63  }
0x17a: {  	s22 =	sadd.s32 $0x680, s0;
	s20 =	simm.s32 $0x7400  }
0x17b: {  	[tilespmem:s20], [sflag:$0x1] =	stream.indirect.gather [hbm4b:s5+s18], $0x20, s22, s18, $0xb8;
	[tilespmem:$0x12400] =	vst v63  }
0x17c: {  	s20 =	sadd.s32 $0x700, s0;
	s22 =	simm.s32 $0x8400  }
0x17d: {  	[tilespmem:s22], [sflag:$0x1] =	stream.indirect.gather [hbm4b:s5+s18], $0x20, s20, s18, $0xb8;
	[tilespmem:$0x12400] =	vst v63  }
0x17e: {  	s22 =	sadd.s32 $0x780, s0  }
0x17f: {  	[tilespmem:s24], [sflag:$0x1] =	stream.indirect.gather [hbm4b:s5+s18], $0x20, s22, s18, $0xb8;
	[tilespmem:$0x12400] =	vst v63  }
0x180: {  	_ =	swait.ge [sflag:s15], $0x1000  }
0x181: {  	[sflag:s15] =	ssyncset.done $0x0  }
0x182: {  	[sflag:s15] =	ssyncadd.s32 $0xFFFFF000  }
0x183: {  	_ =	swait.ge [sflag:s15], $0x1000  }
0x184: {  	[sflag:s15] =	ssyncset.done $0x0  }
0x185: {  	[sflag:s15] =	ssyncadd.s32 $0xFFFFF000  }
0x186: {  	_ =	swait.ge [sflag:s15], $0x1000  }
0x187: {  	[sflag:s15] =	ssyncset.done $0x0  }
0x188: {  	[sflag:s15] =	ssyncadd.s32 $0xFFFFF000  }
0x189: {  	_ =	swait.ge [sflag:s15], $0x1000  }
0x18a: {  	[sflag:s15] =	ssyncset.done $0x0  }
0x18b: {  	s11 =	simm.s32 $0x0;
	[sflag:s15] =	ssyncadd.s32 $0xFFFFF000  }
0x18c: {  	v0 =	vld [tilespmem:s11+$0xE400]  }
0x18d: {  	v1 =	vld [tilespmem:s11+$0xE410]  }
0x18e: {  	v2 =	vld [tilespmem:s11+$0xE420]  }
0x18f: {  	v3 =	vld [tilespmem:s11+$0xE430]  }
0x190: {  	v4 =	vld [tilespmem:s11+$0xE440]  }
0x191: {  	v5 =	vld [tilespmem:s11+$0xE450];
	v0 =	vmul.f32 $5.656854150e+00, v0  }
0x192: {  	v6 =	vld [tilespmem:s11+$0xE460];
	v1 =	vmul.f32 $5.656854150e+00, v1  }
0x193: {  	v7 =	vld [tilespmem:s11+$0xE470];
	[tilespmem:s11+$0xE400] =	vst v0;
	v0 =	vmul.f32 $5.656854150e+00, v2  }
0x194: {  	v8 =	vld [tilespmem:s11+$0xE480];
	[tilespmem:s11+$0xE410] =	vst v1;
	v1 =	vmul.f32 $5.656854150e+00, v3  }
0x195: {  	v9 =	vld [tilespmem:s11+$0xE490];
	[tilespmem:s11+$0xE420] =	vst v0;
	v0 =	vmul.f32 $5.656854150e+00, v4  }
0x196: {  	v2 =	vmul.f32 $5.656854150e+00, v5;
	[tilespmem:s11+$0xE430] =	vst v1;
	v1 =	vld [tilespmem:s11+$0xE4A0]  }
0x197: {  	v3 =	vmul.f32 $5.656854150e+00, v6;
	[tilespmem:s11+$0xE440] =	vst v0;
	v0 =	vld [tilespmem:s11+$0xE4B0]  }
0x198: {  	[tilespmem:s11+$0xE450] =	vst v2;
	v2 =	vld [tilespmem:s11+$0xE4C0];
	v4 =	vmul.f32 $5.656854150e+00, v7  }
0x199: {  	v6 =	vmul.f32 $5.656854150e+00, v8;
	[tilespmem:s11+$0xE460] =	vst v3;
	v3 =	vld [tilespmem:s11+$0xE4D0]  }
0x19a: {  	s20 =	simm.s32 $0x400;
	v5 =	vmul.f32 $5.656854150e+00, v9;
	[tilespmem:s11+$0xE470] =	vst v4;
	v4 =	vld [tilespmem:s11+$0xE4E0]  }
.LBB2_21:
0x19b: {  	s22 =	sshra.s32 s20, $0x2;
	p0 =	sne.s32 s20, $0xFC00;
	[tilespmem:s11+$0xE480] =	vst v6;
	v1 =	vmul.f32 $5.656854150e+00, v1;
	v6 =	vld [tilespmem:s11+$0xE4F0]  }
0x19c: {  	v7 =	vld [tilespmem:s22+$0xE400];
	[tilespmem:s11+$0xE490] =	vst v5;
	v0 =	vmul.f32 $5.656854150e+00, v0  }
0x19d: {  	v5 =	vld [tilespmem:s22+$0xE410];
	[tilespmem:s11+$0xE4A0] =	vst v1;
	v1 =	vmul.f32 $5.656854150e+00, v2  }
0x19e: {  	v2 =	vld [tilespmem:s22+$0xE420];
	[tilespmem:s11+$0xE4B0] =	vst v0;
	v0 =	vmul.f32 $5.656854150e+00, v3  }
0x19f: {  	v3 =	vld [tilespmem:s22+$0xE430];
	[tilespmem:s11+$0xE4C0] =	vst v1;
	v1 =	vmul.f32 $5.656854150e+00, v4  }
0x1a0: {  	v4 =	vld [tilespmem:s22+$0xE440];
	[tilespmem:s11+$0xE4D0] =	vst v0;
	v0 =	vmul.f32 $5.656854150e+00, v6  }
0x1a1: {  	v6 =	vmul.f32 $5.656854150e+00, v7;
	v7 =	vld [tilespmem:s22+$0xE450];
	[tilespmem:s11+$0xE4E0] =	vst v1  }
0x1a2: {  	v1 =	vmul.f32 $5.656854150e+00, v5;
	v5 =	vld [tilespmem:s22+$0xE460];
	[tilespmem:s11+$0xE4F0] =	vst v0;
	s11 =	smov.u32 s22  }
0x1a3: {  	[tilespmem:s11+$0xE400] =	vst v6;
	v0 =	vmul.f32 $5.656854150e+00, v2;
	v2 =	vld [tilespmem:s11+$0xE470]  }
0x1a4: {  	[tilespmem:s11+$0xE410] =	vst v1;
	v1 =	vmul.f32 $5.656854150e+00, v3;
	v3 =	vld [tilespmem:s11+$0xE480]  }
0x1a5: {  	[tilespmem:s11+$0xE420] =	vst v0;
	v0 =	vmul.f32 $5.656854150e+00, v4;
	v4 =	vld [tilespmem:s11+$0xE490]  }
.Ltmp9:
0x1a6: {  	[tilespmem:s11+$0xE430] =	vst v1;
	v6 =	vmul.f32 $5.656854150e+00, v7;
	v1 =	vld [tilespmem:s11+$0xE4A0];
	(pc) =	sbr.rel @p0 .LBB2_21-.Ltmp9, $4  }
0x1a7: {  	[tilespmem:s11+$0xE440] =	vst v0;
	v5 =	vmul.f32 $5.656854150e+00, v5;
	v0 =	vld [tilespmem:s11+$0xE4B0]  }
0x1a8: {  	[tilespmem:s11+$0xE450] =	vst v6;
	v7 =	vmul.f32 $5.656854150e+00, v2;
	v2 =	vld [tilespmem:s11+$0xE4C0]  }
0x1a9: {  	[tilespmem:s11+$0xE460] =	vst v5;
	v6 =	vmul.f32 $5.656854150e+00, v3;
	v3 =	vld [tilespmem:s11+$0xE4D0]  }
0x1aa: {  	s20 =	sadd.s32 $0x400, s20;
	[tilespmem:s11+$0xE470] =	vst v7;
	v5 =	vmul.f32 $5.656854150e+00, v4;
	v4 =	vld [tilespmem:s11+$0xE4E0]  }
0x1ab: {  	[tilespmem:s11+$0xE480] =	vst v6;
	v1 =	vmul.f32 $5.656854150e+00, v1;
	v59 =	vld [tilespmem:s11+$0xE4F0]  }
0x1ac: {  	[tilespmem:s11+$0xE490] =	vst v5;
	v0 =	vmul.f32 $5.656854150e+00, v0  }
0x1ad: {  	[tilespmem:s11+$0xE4A0] =	vst v1;
	v60 =	vmul.f32 $5.656854150e+00, v2  }
0x1ae: {  	[tilespmem:s11+$0xE4B0] =	vst v0;
	v61 =	vmul.f32 $5.656854150e+00, v3  }
0x1af: {  	s20 =	sshll.u32 s28, $0x5;
	[tilespmem:s11+$0xE4C0] =	vst v60;
	v62 =	vmul.f32 $5.656854150e+00, v4  }
0x1b0: {  	s20 =	sadd.s32 s4, s20;
	[tilespmem:s11+$0xE4D0] =	vst v61;
	v63 =	vmul.f32 $5.656854150e+00, v59  }
0x1b1: {  	s20 =	sshrl.u32 s20, $0x3;
	[tilespmem:s11+$0xE4E0] =	vst v62  }
0x1b2: {  	s22 =	sadd.s32 s2, s20;
	[tilespmem:s11+$0xE4F0] =	vst v63  }
0x1b3: {  	[hbm4b:s22+s23] =	stream.strided.scatter [tilespmem:s30], [sflag:$0x6], $0x4000, s25, s23, $0x38;
	[tilespmem:$0x12400] =	vst v63  }
0x1b4: {  	_ =	swait.ge [sflag:s16], $0x4000  }
0x1b5: {  	[sflag:s16] =	ssyncset.done $0x0  }
0x1b6: {  	s28 =	sadd.s32 $0x800, s0;
	s17 =	sadd.s32 $0x1, s17;
	[sflag:s16] =	ssyncadd.s32 $0xFFFFC000  }
0x1b7: {  	[tilespmem:s26], [sflag:$0x2] =	stream.indirect.gather [hbm4b:s5+s18], $0x20, s28, s18, $0xb8;
	[tilespmem:$0x12400] =	vst v63  }
0x1b8: {  	p0 =	sne.s32 s17, $0x10;
	s20 =	sadd.s32 $0x880, s0  }
0x1b9: {  	[tilespmem:s29], [sflag:$0x2] =	stream.indirect.gather [hbm4b:s5+s18], $0x20, s20, s18, $0xb8;
	[tilespmem:$0x12400] =	vst v63  }
.Ltmp10:
0x1ba: {  	_ = 	snop;
	(pc) =	sbr.rel @p0 .LBB2_16-.Ltmp10, $4  }
0x1bb: {  	s22 =	sadd.s32 $0x900, s0  }
0x1bc: {  	[tilespmem:s31], [sflag:$0x2] =	stream.indirect.gather [hbm4b:s5+s18], $0x20, s22, s18, $0xb8;
	[tilespmem:$0x12400] =	vst v63  }
0x1bd: {  	s28 =	sadd.s32 $0x980, s0  }
0x1be: {  	[tilespmem:s1], [sflag:$0x2] =	stream.indirect.gather [hbm4b:s5+s18], $0x20, s28, s18, $0xb8;
	[tilespmem:$0x12400] =	vst v63  }
0x1bf: {  	_ =	swait.ge [sflag:s21], $0x1000  }
0x1c0: {  	[sflag:s21] =	ssyncset.done $0x0  }
0x1c1: {  	[sflag:s21] =	ssyncadd.s32 $0xFFFFF000  }
0x1c2: {  	_ =	swait.ge [sflag:s21], $0x1000  }
0x1c3: {  	[sflag:s21] =	ssyncset.done $0x0  }
0x1c4: {  	[sflag:s21] =	ssyncadd.s32 $0xFFFFF000  }
0x1c5: {  	_ =	swait.ge [sflag:s21], $0x1000  }
0x1c6: {  	[sflag:s21] =	ssyncset.done $0x0  }
0x1c7: {  	[sflag:s21] =	ssyncadd.s32 $0xFFFFF000  }
0x1c8: {  	_ =	swait.ge [sflag:s21], $0x1000  }
0x1c9: {  	[sflag:s21] =	ssyncset.done $0x0  }
0x1ca: {  	s0 =	simm.s32 $0x0;
	[sflag:s21] =	ssyncadd.s32 $0xFFFFF000  }
0x1cb: {  	v0 =	vld [tilespmem:s0+$0x6400]  }
0x1cc: {  	v1 =	vld [tilespmem:s0+$0x6410]  }
0x1cd: {  	v2 =	vld [tilespmem:s0+$0x6420]  }
0x1ce: {  	v3 =	vld [tilespmem:s0+$0x6430]  }
0x1cf: {  	v4 =	vld [tilespmem:s0+$0x6440]  }
0x1d0: {  	v5 =	vld [tilespmem:s0+$0x6450];
	v0 =	vmul.f32 $5.656854150e+00, v0  }
0x1d1: {  	v6 =	vld [tilespmem:s0+$0x6460];
	v1 =	vmul.f32 $5.656854150e+00, v1  }
0x1d2: {  	v7 =	vld [tilespmem:s0+$0x6470];
	[tilespmem:s0+$0x6400] =	vst v0;
	v0 =	vmul.f32 $5.656854150e+00, v2  }
0x1d3: {  	v8 =	vld [tilespmem:s0+$0x6480];
	[tilespmem:s0+$0x6410] =	vst v1;
	v1 =	vmul.f32 $5.656854150e+00, v3  }
0x1d4: {  	v9 =	vld [tilespmem:s0+$0x6490];
	[tilespmem:s0+$0x6420] =	vst v0;
	v0 =	vmul.f32 $5.656854150e+00, v4  }
0x1d5: {  	v2 =	vmul.f32 $5.656854150e+00, v5;
	[tilespmem:s0+$0x6430] =	vst v1;
	v1 =	vld [tilespmem:s0+$0x64A0]  }
0x1d6: {  	v3 =	vmul.f32 $5.656854150e+00, v6;
	[tilespmem:s0+$0x6440] =	vst v0;
	v0 =	vld [tilespmem:s0+$0x64B0]  }
0x1d7: {  	[tilespmem:s0+$0x6450] =	vst v2;
	v2 =	vld [tilespmem:s0+$0x64C0];
	v4 =	vmul.f32 $5.656854150e+00, v7  }
0x1d8: {  	v6 =	vmul.f32 $5.656854150e+00, v8;
	[tilespmem:s0+$0x6460] =	vst v3;
	v3 =	vld [tilespmem:s0+$0x64D0]  }
0x1d9: {  	s11 =	simm.s32 $0x400;
	v5 =	vmul.f32 $5.656854150e+00, v9;
	[tilespmem:s0+$0x6470] =	vst v4;
	v4 =	vld [tilespmem:s0+$0x64E0]  }
.LBB2_24:
0x1da: {  	s17 =	sshra.s32 s11, $0x2;
	p0 =	sne.s32 s11, $0xFC00;
	[tilespmem:s0+$0x6480] =	vst v6;
	v1 =	vmul.f32 $5.656854150e+00, v1;
	v6 =	vld [tilespmem:s0+$0x64F0]  }
0x1db: {  	v7 =	vld [tilespmem:s17+$0x6400];
	[tilespmem:s0+$0x6490] =	vst v5;
	v0 =	vmul.f32 $5.656854150e+00, v0  }
0x1dc: {  	v5 =	vld [tilespmem:s17+$0x6410];
	[tilespmem:s0+$0x64A0] =	vst v1;
	v1 =	vmul.f32 $5.656854150e+00, v2  }
0x1dd: {  	v2 =	vld [tilespmem:s17+$0x6420];
	[tilespmem:s0+$0x64B0] =	vst v0;
	v0 =	vmul.f32 $5.656854150e+00, v3  }
0x1de: {  	v3 =	vld [tilespmem:s17+$0x6430];
	[tilespmem:s0+$0x64C0] =	vst v1;
	v1 =	vmul.f32 $5.656854150e+00, v4  }
0x1df: {  	v4 =	vld [tilespmem:s17+$0x6440];
	[tilespmem:s0+$0x64D0] =	vst v0;
	v0 =	vmul.f32 $5.656854150e+00, v6  }
0x1e0: {  	v6 =	vmul.f32 $5.656854150e+00, v7;
	v7 =	vld [tilespmem:s17+$0x6450];
	[tilespmem:s0+$0x64E0] =	vst v1  }
0x1e1: {  	v1 =	vmul.f32 $5.656854150e+00, v5;
	v5 =	vld [tilespmem:s17+$0x6460];
	[tilespmem:s0+$0x64F0] =	vst v0;
	s0 =	smov.u32 s17  }
0x1e2: {  	[tilespmem:s0+$0x6400] =	vst v6;
	v0 =	vmul.f32 $5.656854150e+00, v2;
	v2 =	vld [tilespmem:s0+$0x6470]  }
0x1e3: {  	[tilespmem:s0+$0x6410] =	vst v1;
	v1 =	vmul.f32 $5.656854150e+00, v3;
	v3 =	vld [tilespmem:s0+$0x6480]  }
0x1e4: {  	[tilespmem:s0+$0x6420] =	vst v0;
	v0 =	vmul.f32 $5.656854150e+00, v4;
	v4 =	vld [tilespmem:s0+$0x6490]  }
.Ltmp11:
0x1e5: {  	[tilespmem:s0+$0x6430] =	vst v1;
	v6 =	vmul.f32 $5.656854150e+00, v7;
	v1 =	vld [tilespmem:s0+$0x64A0];
	(pc) =	sbr.rel @p0 .LBB2_24-.Ltmp11, $4  }
0x1e6: {  	[tilespmem:s0+$0x6440] =	vst v0;
	v5 =	vmul.f32 $5.656854150e+00, v5;
	v0 =	vld [tilespmem:s0+$0x64B0]  }
0x1e7: {  	[tilespmem:s0+$0x6450] =	vst v6;
	v7 =	vmul.f32 $5.656854150e+00, v2;
	v2 =	vld [tilespmem:s0+$0x64C0]  }
0x1e8: {  	[tilespmem:s0+$0x6460] =	vst v5;
	v6 =	vmul.f32 $5.656854150e+00, v3;
	v3 =	vld [tilespmem:s0+$0x64D0]  }
0x1e9: {  	s11 =	sadd.s32 $0x400, s11;
	[tilespmem:s0+$0x6470] =	vst v7;
	v5 =	vmul.f32 $5.656854150e+00, v4;
	v4 =	vld [tilespmem:s0+$0x64E0]  }
0x1ea: {  	[tilespmem:s0+$0x6480] =	vst v6;
	v1 =	vmul.f32 $5.656854150e+00, v1;
	v6 =	vld [tilespmem:s0+$0x64F0]  }
0x1eb: {  	[tilespmem:s0+$0x6490] =	vst v5;
	v0 =	vmul.f32 $5.656854150e+00, v0  }
0x1ec: {  	[tilespmem:s0+$0x64A0] =	vst v1;
	v1 =	vmul.f32 $5.656854150e+00, v2  }
0x1ed: {  	[tilespmem:s0+$0x64B0] =	vst v0;
	v0 =	vmul.f32 $5.656854150e+00, v3  }
0x1ee: {  	[tilespmem:s0+$0x64C0] =	vst v1;
	v1 =	vmul.f32 $5.656854150e+00, v4  }
0x1ef: {  	[tilespmem:s0+$0x64D0] =	vst v0;
	v0 =	vmul.f32 $5.656854150e+00, v6  }
0x1f0: {  	[tilespmem:s0+$0x64E0] =	vst v1  }
0x1f1: {  	s28 =	rddreg [dreg:$0x6];
	[tilespmem:s0+$0x64F0] =	vst v0  }
0x1f2: {  	[hbm4b:s28+s23] =	stream.strided.scatter [tilespmem:s19], [sflag:$0x4], $0x4000, s25, s23, $0x38;
	[tilespmem:$0x12400] =	vst v63  }
0x1f3: {  	_ =	swait.ge [sflag:s12], $0x1000  }
0x1f4: {  	[sflag:s12] =	ssyncset.done $0x0  }
0x1f5: {  	[sflag:s12] =	ssyncadd.s32 $0xFFFFF000  }
0x1f6: {  	_ =	swait.ge [sflag:s12], $0x1000  }
0x1f7: {  	[sflag:s12] =	ssyncset.done $0x0  }
0x1f8: {  	[sflag:s12] =	ssyncadd.s32 $0xFFFFF000  }
0x1f9: {  	_ =	swait.ge [sflag:s12], $0x1000  }
0x1fa: {  	[sflag:s12] =	ssyncset.done $0x0  }
0x1fb: {  	[sflag:s12] =	ssyncadd.s32 $0xFFFFF000  }
0x1fc: {  	_ =	swait.ge [sflag:s12], $0x1000  }
0x1fd: {  	[sflag:s12] =	ssyncset.done $0x0  }
0x1fe: {  	s0 =	simm.s32 $0x0;
	[sflag:s12] =	ssyncadd.s32 $0xFFFFF000  }
0x1ff: {  	v0 =	vld [tilespmem:s0+$0xA400]  }
0x200: {  	v1 =	vld [tilespmem:s0+$0xA410]  }
0x201: {  	v2 =	vld [tilespmem:s0+$0xA420]  }
0x202: {  	v3 =	vld [tilespmem:s0+$0xA430]  }
0x203: {  	v4 =	vld [tilespmem:s0+$0xA440]  }
0x204: {  	v5 =	vld [tilespmem:s0+$0xA450];
	v0 =	vmul.f32 $5.656854150e+00, v0  }
0x205: {  	v6 =	vld [tilespmem:s0+$0xA460];
	v1 =	vmul.f32 $5.656854150e+00, v1  }
0x206: {  	v7 =	vld [tilespmem:s0+$0xA470];
	[tilespmem:s0+$0xA400] =	vst v0;
	v0 =	vmul.f32 $5.656854150e+00, v2  }
0x207: {  	v8 =	vld [tilespmem:s0+$0xA480];
	[tilespmem:s0+$0xA410] =	vst v1;
	v1 =	vmul.f32 $5.656854150e+00, v3  }
0x208: {  	v9 =	vld [tilespmem:s0+$0xA490];
	[tilespmem:s0+$0xA420] =	vst v0;
	v0 =	vmul.f32 $5.656854150e+00, v4  }
0x209: {  	v2 =	vmul.f32 $5.656854150e+00, v5;
	[tilespmem:s0+$0xA430] =	vst v1;
	v1 =	vld [tilespmem:s0+$0xA4A0]  }
0x20a: {  	v3 =	vmul.f32 $5.656854150e+00, v6;
	[tilespmem:s0+$0xA440] =	vst v0;
	v0 =	vld [tilespmem:s0+$0xA4B0]  }
0x20b: {  	[tilespmem:s0+$0xA450] =	vst v2;
	v2 =	vld [tilespmem:s0+$0xA4C0];
	v4 =	vmul.f32 $5.656854150e+00, v7  }
0x20c: {  	v6 =	vmul.f32 $5.656854150e+00, v8;
	[tilespmem:s0+$0xA460] =	vst v3;
	v3 =	vld [tilespmem:s0+$0xA4D0]  }
0x20d: {  	s11 =	simm.s32 $0x400;
	s20 =	simm.s32 $0x7;
	v5 =	vmul.f32 $5.656854150e+00, v9;
	[tilespmem:s0+$0xA470] =	vst v4;
	v4 =	vld [tilespmem:s0+$0xA4E0]  }
.LBB2_26:
0x20e: {  	s17 =	sshra.s32 s11, $0x2;
	p0 =	sne.s32 s11, $0xFC00;
	[tilespmem:s0+$0xA480] =	vst v6;
	v1 =	vmul.f32 $5.656854150e+00, v1;
	v6 =	vld [tilespmem:s0+$0xA4F0]  }
0x20f: {  	v7 =	vld [tilespmem:s17+$0xA400];
	[tilespmem:s0+$0xA490] =	vst v5;
	v0 =	vmul.f32 $5.656854150e+00, v0  }
0x210: {  	v5 =	vld [tilespmem:s17+$0xA410];
	[tilespmem:s0+$0xA4A0] =	vst v1;
	v1 =	vmul.f32 $5.656854150e+00, v2  }
0x211: {  	v2 =	vld [tilespmem:s17+$0xA420];
	[tilespmem:s0+$0xA4B0] =	vst v0;
	v0 =	vmul.f32 $5.656854150e+00, v3  }
0x212: {  	v3 =	vld [tilespmem:s17+$0xA430];
	[tilespmem:s0+$0xA4C0] =	vst v1;
	v1 =	vmul.f32 $5.656854150e+00, v4  }
0x213: {  	v4 =	vld [tilespmem:s17+$0xA440];
	[tilespmem:s0+$0xA4D0] =	vst v0;
	v0 =	vmul.f32 $5.656854150e+00, v6  }
0x214: {  	v6 =	vmul.f32 $5.656854150e+00, v7;
	v7 =	vld [tilespmem:s17+$0xA450];
	[tilespmem:s0+$0xA4E0] =	vst v1  }
0x215: {  	v1 =	vmul.f32 $5.656854150e+00, v5;
	v5 =	vld [tilespmem:s17+$0xA460];
	[tilespmem:s0+$0xA4F0] =	vst v0;
	s0 =	smov.u32 s17  }
0x216: {  	[tilespmem:s0+$0xA400] =	vst v6;
	v0 =	vmul.f32 $5.656854150e+00, v2;
	v2 =	vld [tilespmem:s0+$0xA470]  }
0x217: {  	[tilespmem:s0+$0xA410] =	vst v1;
	v1 =	vmul.f32 $5.656854150e+00, v3;
	v3 =	vld [tilespmem:s0+$0xA480]  }
0x218: {  	[tilespmem:s0+$0xA420] =	vst v0;
	v0 =	vmul.f32 $5.656854150e+00, v4;
	v4 =	vld [tilespmem:s0+$0xA490]  }
.Ltmp12:
0x219: {  	[tilespmem:s0+$0xA430] =	vst v1;
	v6 =	vmul.f32 $5.656854150e+00, v7;
	v1 =	vld [tilespmem:s0+$0xA4A0];
	(pc) =	sbr.rel @p0 .LBB2_26-.Ltmp12, $4  }
0x21a: {  	[tilespmem:s0+$0xA440] =	vst v0;
	v5 =	vmul.f32 $5.656854150e+00, v5;
	v0 =	vld [tilespmem:s0+$0xA4B0]  }
0x21b: {  	[tilespmem:s0+$0xA450] =	vst v6;
	v7 =	vmul.f32 $5.656854150e+00, v2;
	v2 =	vld [tilespmem:s0+$0xA4C0]  }
0x21c: {  	[tilespmem:s0+$0xA460] =	vst v5;
	v6 =	vmul.f32 $5.656854150e+00, v3;
	v3 =	vld [tilespmem:s0+$0xA4D0]  }
0x21d: {  	s11 =	sadd.s32 $0x400, s11;
	[tilespmem:s0+$0xA470] =	vst v7;
	v5 =	vmul.f32 $5.656854150e+00, v4;
	v4 =	vld [tilespmem:s0+$0xA4E0]  }
0x21e: {  	[tilespmem:s0+$0xA480] =	vst v6;
	v1 =	vmul.f32 $5.656854150e+00, v1;
	v59 =	vld [tilespmem:s0+$0xA4F0]  }
0x21f: {  	[tilespmem:s0+$0xA490] =	vst v5;
	v0 =	vmul.f32 $5.656854150e+00, v0  }
0x220: {  	[tilespmem:s0+$0xA4A0] =	vst v1;
	v60 =	vmul.f32 $5.656854150e+00, v2  }
0x221: {  	[tilespmem:s0+$0xA4B0] =	vst v0;
	v61 =	vmul.f32 $5.656854150e+00, v3  }
0x222: {  	[tilespmem:s0+$0xA4C0] =	vst v60;
	v62 =	vmul.f32 $5.656854150e+00, v4  }
0x223: {  	[tilespmem:s0+$0xA4D0] =	vst v61;
	v63 =	vmul.f32 $5.656854150e+00, v59  }
0x224: {  	[tilespmem:s0+$0xA4E0] =	vst v62  }
0x225: {  	s22 =	rddreg [dreg:$0x7];
	[tilespmem:s0+$0xA4F0] =	vst v63  }
0x226: {  	[hbm4b:s22+s23] =	stream.strided.scatter [tilespmem:s26], [sflag:$0x5], $0x4000, s25, s23, $0x38;
	[tilespmem:$0x12400] =	vst v63  }
0x227: {  	_ =	swait.ge [sflag:s9], $0x4000  }
0x228: {  	[sflag:s9] =	ssyncset.done $0x0  }
0x229: {  	[sflag:s9] =	ssyncadd.s32 $0xFFFFC000  }
0x22a: {  	_ =	swait.ge [sflag:s14], $0x4000  }
0x22b: {  	[sflag:s14] =	ssyncset.done $0x0  }
0x22c: {  	[sflag:s14] =	ssyncadd.s32 $0xFFFFC000  }
0x22d: {  	_ =	swait.ge [sflag:s16], $0x4000  }
0x22e: {  	s11 =	rddreg [dreg:$0x9]  }
0x22f: {  	s28 =	rddreg [dreg:$0x8];
	s11 =	sadd.s32 $0x1, s11  }
0x230: {  	p0 =	sne.s32 s11, s28  }
.Ltmp13:
0x231: {  	_ = 	snop;
	(pc) =	sbr.rel @p0 .LBB2_1-.Ltmp13, $3  }
0x232: {  	_ =	sdelay $0x1  }
0x233: {  	[sflag:s16] =	ssyncset.done $0x0  }
0x234: {  	[sflag:s16] =	ssyncadd.s32 $0xFFFFC000  }
0x235: {  	_ =	sfence.sel $0x180000  }
0x236: {  	[bflag:$0x0] =	sbarrier.arrive $0xFFFF  }
0x237: {  	_ =	strace $0x90000047  }
0x238: {  	s0 =	stileid.u32;
	[bflag:$0x2] =	sbarrier.arrive $0xFFFF  }
0x239: {  	p0 =	sne.s32 s0, $0x0;
	s0 =	rddreg [dreg:$0x2]  }
0x23a: {  	s0 =	sadd.s32 @!p0 $0x100000, s0  }
0x23b: {  	[sflag:s0] =	ssyncadd.tile.s32 @!p0 $0x1;
	_ =	shalt  }
.Lfunc_end2:
_tile_overlayer_lowered:
.L_overlay_start_2:
0x23c: {  	(tag) =	ssettag $0x2  }
0x23d: {  	s0 =	rddreg [dreg:$0x0];
	s2 =	stileid.u32  }
0x23e: {  	s1 =	rddreg [dreg:$0x1];
	p0 =	sne.s32 s2, $0x0  }
0x23f: {  	s3 =	rddreg [dreg:$0x2];
	[bflag:$0x3] =	sbarrier.arrive $0xFFFF;
	s2 =	simm.s32 @!p0 $0x1C07  }
0x240: {  	[timem:s3], [sflag:s2] =	dma.local @!p0 [hbm:s0], s1  }
0x241: {  	s0 =	simm.s32 @!p0 $0x7  }
0x242: {  	_ =	swait.ge @!p0 [sflag:s0], s1  }
0x243: {  	s1 =	ssub.s32 @!p0 $0x0, s1;
	[sflag:s0] =	ssyncset.done @!p0 $0x0  }
0x244: {  	[sflag:s0] =	ssyncadd.s32 @!p0 s1  }
0x245: {  	[bflag:$0x3] =	sbarrier.arrive $0xFFFF  }
0x246: {  	_ =	shalt  }

// kernel: sparse-core-data-format-call.cloned.1.call-start
scs
called_computation_lowered:
.L_overlay_start_0:
0x0: {  	s2 =	sld [smem:$0x3FD9]  }
0x1: {  	s3 =	sld [smem:$0x3FFE];
	_ =	sdelay $0x1  }
0x2: {  	s1 =	srdreg.scid  }
0x3: {  	s0 =	sand.u32 $0x1, s1  }
0x4: {  	s18 =	sshll.u32 s0, $0xA;
	s2 =	sadd.s32 s3, s2  }
0x5: {  	s2 =	sadd.s32 s2, s18  }
0x6: {  	[smem:$0x3FC6] =	sst s2  }
0x7: {  	_ = 	snop  }
0x8: {  	s2 =	sld [smem:$0x3FD0];
	(tm) =	ssettm $0x1  }
0x9: {  	s19 =	sld [smem:$0x3FFB];
	_ =	sdelay $0x3  }
0xa: {  	_ =	strace s19  }
0xb: {  	s3 =	sld [smem:$0x3FFC];
	_ =	sdelay $0x3  }
0xc: {  	_ =	strace s3  }
0xd: {  	s3 =	sld [smem:$0x3FFD];
	_ =	sdelay $0x3  }
0xe: {  	_ =	strace s3  }
0xf: {  	_ =	strace $0x8FFFFFFF  }
0x10: {  	s20 =	sld [smem:$0x3FDB];
	_ =	sdelay $0x1  }
0x11: {  	s4 =	simm.s32 $_scs_section_size  }
0x12: {  	s5 =	simm.s32 $_size__tile_overlayer_lowered;
	s6 =	simm.s32 $_tile_overlayer_lowered  }
0x13: {  	s23 =	simm.s32 $0x1BFF;
	s22 =	sshll.u32 s6, $0x1;
	s3 =	sadd.s32 s4, s20  }
0x14: {  	s7 =	simm.s32 $0x0;
	s21 =	sshll.u32 s5, $0x1;
	s5 =	sadd.s32 s22, s3  }
0x15: {  	[timem:s7], [sflag:s23] =	dma.local [hbm:s5], s21  }
0x16: {  	_ =	swait.ge [sflag:s23], s21  }
0x17: {  	s4 =	ssub.s32 $0x0, s21;
	[sflag:s23] =	ssyncset.done $0x0  }
0x18: {  	[sflag:s23] =	ssyncadd.s32 s4;
	_ =	sdelay $0x1  }
0x19: {  	s24 =	simm.s32 $0x1B8B  }
0x1a: {  	_ =	swait.ge [sflag:s24], $0x1  }
0x1b: {  	[sflag:s24] =	ssyncset.done $0x0  }
0x1c: {  	s26 =	simm.s32 $0x1B8E;
	s25 =	sld [smem:$0x3FFE];
	[sflag:s24] =	ssyncadd.s32 $0xFFFFFFFF  }
0x1d: {  	s27 =	simm.s32 $execute0_lowered;
	[smem:$0x3FD2] =	sst s26  }
0x1e: {  	s5 =	sshll.u32 s27, $0x1;
	_ =	strace $0x80000049;
	[dreg:$0x1] =	wrdreg $0xFFFFFFFF  }
0x1f: {  	s28 =	simm.s32 $_size_execute0_lowered;
	s3 =	sadd.s32 s3, s5;
	[dreg:$0x0] =	wrdreg $0x0  }
0x20: {  	s5 =	sshll.u32 s28, $0x1;
	[dreg:$0x2] =	wrdreg s3  }
0x21: {  	[dreg:$0x3] =	wrdreg s5  }
0x22: {  	[dreg:$0x4] =	wrdreg $0xC0  }
0x23: {  	_ =	task [dreg:s7], $0x5FFFF  }
0x24: {  	[dreg:$0x1] =	wrdreg $0xFFFFFFFF  }
0x25: {  	[dreg:$0x0] =	wrdreg $0x60  }
0x26: {  	[dreg:$0x2] =	wrdreg s25  }
0x27: {  	[dreg:$0x3] =	wrdreg s2  }
0x28: {  	[dreg:$0x4] =	wrdreg $0x9  }
0x29: {  	_ =	task.clear_ibuf [dreg:s7], $0x5FFFF;
	_ =	strace $0x90000049  }
0x2a: {  	s29 =	simm.s32 $0x9;
	_ =	strace $0x8000004B  }
0x2b: {  	_ =	swait.ge [sflag:s29], $0x1  }
0x2c: {  	[sflag:s29] =	ssyncadd.s32 $0xFFFFFFFF  }
0x2d: {  	_ =	strace $0x9000004B  }
0x2e: {  	_ =	sfence  }
0x2f: {  	s30 =	sld [smem:$0x0];
	_ =	sdelay $0x2  }
0x30: {  	s31 =	sshll.u32 s1, $0xD;
	s1 =	sshrl.u32 s1, $0x2  }
0x31: {  	s3 =	sand.u32 $0x4000, s31;
	s1 =	sadd.s32 s1, s30  }
0x32: {  	s0 =	sor.u32 s3, s0;
	s1 =	sshll.u32 s1, $0x11  }
0x33: {  	s0 =	sor.u32 s1, s0  }
0x34: {  	s0 =	sadd.s32 $0x8F2B, s0  }
0x35: {  	[sflag:s0] =	ssyncadd.remote.s32 $0x1  }
0x36: {  	_ =	sfence.sel $0xFFFF  }
0x37: {  	[dreg:$0x0] =	wrdreg $0xFFFFFFFF;
	(pc) =	sbr.abs _section_cstart, $3  }
0x38: {  	[dreg:$0x1] =	wrdreg $0xFFFFFFFF  }
0x39: {  	_ =	task.clear_ibuf [dreg:s7], $0x2FFFF;
	_ =	strace $0x9FFFFFFF  }
0x3a: {  	(tm) =	ssettm $0x7FFFFFFF  }
0x3b: {  	_ =	shalt  }
tec
execute0_lowered:
.L_overlay_start_1:
0x0: {  	(tag) =	ssettag $0x1  }
0x1: {  	s0 =	srdreg.scid  }
0x2: {  	s1 =	sshll.u32 s0, $0x4  }
0x3: {  	s0 =	stileid.u32;
	s1 =	sand.u32 $0x10, s1  }
0x4: {  	s1 =	sor.u32 s0, s1  }
0x5: {  	s6 =	rddreg [dreg:$0x0];
	s4 =	simm.s32 $0x1;
	s2 =	sshll.u32 s1, $0x7  }
0x6: {  	s7 =	simm.s32 $0x2;
	s12 =	simm.s32 $0x0;
	s1 =	ssub.s32 $0x4000, s2  }
0x7: {  	s8 =	simm.s32 $0x20000;
	s13 =	simm.s32 $0x0;
	s3 =	sand.u32 $0xF80, s1  }
0x8: {  	s9 =	simm.s32 $0x0;
	s5 =	sshrl.u32 s1, $0xC;
	p0 =	sne.s32 s3, $0x0  }
.Ltmp0:
0x9: {  	s1 =	rddreg [dreg:$0x2];
	s4 =	simm.s32 @!p0 $0x0;
	(pc) =	sbr.rel .LBB1_1-.Ltmp0, $4  }
0xa: {  	s11 =	simm.s32 $0x0;
	s3 =	rddreg [dreg:$0x1];
	s5 =	sadd.s32 s4, s5  }
0xb: {  	_ =	strace $0x8000004A;
	s4 =	simm.s32 $0x1;
	s5 =	smul.u32 $0x32, s5  }
0xc: {  	s6 =	sadd.s32 $0xA00, s6;
	s10 =	smov.u32 s2;
	[sflag:s4] =	ssyncpa.u1 $0x0  }
0xd: {  	p0 =	por $0x0, $0x0;
	[sflag:s7] =	ssyncpa.u1 $0x0;
	s7 =	sor.u32 $0x1, s5  }
.LBB1_4:
0xe: {  	s16 =	sshll.u32 s13, $0x3;
	s17 =	sand.u32 $0x78, s13  }
0xf: {  	s30 =	sand.u32 $0xF800, s13;
	s12 =	sshll.u32 s12, $0x10;
	s16 =	sand.u32 $0x3C00, s16  }
0x10: {  	s31 =	sand.u32 $0x7, s13;
	s16 =	sor.u32 s17, s16;
	s17 =	sadd.s32 s3, s30  }
0x11: {  	s13 =	sshll.u32 s31, $0x12;
	s16 =	sshrl.u32 s16, $0x3;
	s12 =	sadd.s32 s12, s17  }
0x12: {  	[tilespmem:s15+$0x0 ss:$0x81] =	vst.msk $0xffff, v0;
	s13 =	sor.u32 $0x400, s13;
	s12 =	sadd.s32 s16, s12  }
0x13: {  	[hbm4b:s12+s13] =	stream.strided.scatter [tilespmem:s14], [sflag:$0x2], $0x1000, s8, s13, $0x20;
	[tilespmem:$0x4040] =	vst v63  }
.LBB1_5:
0x14: {  	s14 =	sadd.s32 $0x1, s9  }
0x15: {  	s12 =	sadd.s32 $0x1000, s10;
	s16 =	smov.u32 s10;
	p2 =	sgt.s32 s14, $0x31  }
0x16: {  	s16 =	smov.u32 @p2 s12  }
0x17: {  	s14 =	simm.s32 @p2 $0x0;
	p2 =	sgt.s32 s16, $0x3FFF  }
0x18: {  	s16 =	smov.u32 @p2 s2;
	p2 =	sne.s32 s11, s7  }
.Ltmp1:
0x19: {  	p1 =	slt.u32 s11, $0x2;
	(pc) =	sbr.rel @!p2 .LBB1_6-.Ltmp1, $4  }
0x1a: {  	s15 =	simm.s32 @!p1 $0x2  }
0x1b: {  	s13 =	smov.u32 s10;
	p0 =	por !p0, !p0;
	_ =	swait.ge @!p1 [sflag:s15], $0x1000  }
0x1c: {  	s12 =	smov.u32 s9;
	[sflag:s15] =	ssyncset.done @!p1 $0x0;
	s9 =	smov.u32 s14  }
0x1d: {  	s11 =	sadd.s32 $0x1, s11;
	[sflag:s15] =	ssyncadd.s32 @!p1 $0xFFFFF000;
	s10 =	smov.u32 s16  }
.LBB1_1:
0x1e: {  	p1 =	sge.u32 s11, s5  }
0x1f: {  	s14 =	sand.u32 @!p1 $0x1FFFFFF, s9  }
0x20: {  	s15 =	smulhi.u32 @!p1 $0x4924925, s14;
	_ =	sdelay $0x1  }
0x21: {  	s15 =	smul.u32 @!p1 $0x38, s15  }
0x22: {  	s16 =	sxor.u32 @!p1 $0xFFFFFFFF, s11;
	s17 =	smul.u32 @!p1 $0x380, s10  }
0x23: {  	s31 =	sadd.s32 $0xFFFFFFFF, s11;
	s16 =	sshll.u32 @!p1 s16, $0xC;
	s14 =	ssub.s32 @!p1 s14, s15  }
0x24: {  	s15 =	sand.u32 @!p1 $0x1000, s16;
	s16 =	sadd.s32 @!p1 s6, s17;
	s14 =	sshll.u32 @!p1 s14, $0x4  }
0x25: {  	s17 =	simm.s32 @!p1 $0x1C00;
	s14 =	sadd.s32 @!p1 s14, s16;
	s16 =	simm.s32 @!p1 $0x20  }
0x26: {  	[tilespmem:s15], [sflag:$0x1] =	stream.strided.gather @!p1 [hbm4b:s14+s16], $0x1000, s17, s16, $0x38;
	[tilespmem:$0x4040] =	vst v63  }
0x27: {  	p1 =	sge.u32 s31, s5  }
.Ltmp2:
0x28: {  	_ = 	snop;
	(pc) =	sbr.rel @p1 .LBB1_5-.Ltmp2, $1  }
0x29: {  	_ =	sdelay $0x3  }
0x2a: {  	s14 =	simm.s32 $0x1  }
0x2b: {  	_ =	swait.ge [sflag:s4], $0x1000;
	s14 =	simm.s32 @!p0 $0x0  }
0x2c: {  	[sflag:s4] =	ssyncset.done $0x0;
	s15 =	sshll.u32 s14, $0xC  }
0x2d: {  	[sflag:s4] =	ssyncadd.s32 $0xFFFFF000;
	s18 =	sor.u32 $0x10, s15  }
0x2e: {  	s14 =	smul.u32 $0x4080, s14;
	v1 =	vld [tilespmem:s18+$0x0]  }
0x2f: {  	s30 =	sand.u32 $0x1, s11;
	v0 =	vld [tilespmem:s18+$0xFFFFFFF0]  }
0x30: {  	s15 =	smul.u32 $0x4080, s30;
	s14 =	sshrl.u32 s14, $0x2  }
0x31: {  	s16 =	sor.u32 $0x2000, s14  }
0x32: {  	s31 =	sshrl.u32 s15, $0x2;
	s15 =	sadd.s32 $0x0, s16  }
0x33: {  	s17 =	simm.s32 $0x4;
	s18 =	sadd.s32 $0x20, s18;
	s14 =	sor.u32 $0x2000, s31;
	[tilespmem:s15+$0x810 ss:$0x81] =	vst.msk $0xffff, v1  }
.LBB1_3:
0x34: {  	v1 =	vld [tilespmem:s18+$0x0];
	p1 =	sne.s32 s17, $0x1FC;
	[tilespmem:s15+$0x0 ss:$0x81] =	vst.msk $0xffff, v0;
	s15 =	smov.u32 s17;
	s17 =	sadd.s32 $0x4, s17  }
.Ltmp3:
0x35: {  	v0 =	vld [tilespmem:s18+$0xFFFFFFF0];
	(pc) =	sbr.rel @p1 .LBB1_3-.Ltmp3, $4  }
0x36: {  	_ = 	snop  }
0x37: {  	s15 =	sshra.s32 s15, $0x2  }
0x38: {  	s15 =	sadd.s32 s15, s16  }
0x39: {  	s18 =	sadd.s32 $0x20, s18;
	[tilespmem:s15+$0x810 ss:$0x81] =	vst.msk $0xffff, v1  }
.Ltmp4:
0x3a: {  	_ = 	snop;
	(pc) =	sbr.rel .LBB1_4-.Ltmp4, $1  }
0x3b: {  	_ =	sdelay $0x3  }
.LBB1_6:
0x3c: {  	_ =	sfence.sel $0x180000  }
0x3d: {  	s2 =	simm.s32 $0x1;
	[bflag:$0x0] =	sbarrier.arrive $0xFFFF  }
0x3e: {  	s31 =	simm.s32 $0x2;
	[sflag:s2] =	ssyncpa.u1 $0x1  }
0x3f: {  	[sflag:s31] =	ssyncpa.u1 $0x1  }
0x40: {  	p0 =	sne.s32 s0, $0x0;
	_ =	strace $0x9000004A  }
0x41: {  	s0 =	sadd.s32 @!p0 $0x100000, s1;
	[bflag:$0x2] =	sbarrier.arrive $0xFFFF  }
0x42: {  	[sflag:s0] =	ssyncadd.tile.s32 @!p0 $0x1;
	_ =	shalt  }
.Lfunc_end1:
_tile_overlayer_lowered:
.L_overlay_start_2:
0x43: {  	(tag) =	ssettag $0x2  }
0x44: {  	s0 =	rddreg [dreg:$0x0];
	s2 =	stileid.u32  }
0x45: {  	s1 =	rddreg [dreg:$0x1];
	p0 =	sne.s32 s2, $0x0  }
0x46: {  	s3 =	rddreg [dreg:$0x2];
	[bflag:$0x3] =	sbarrier.arrive $0xFFFF;
	s2 =	simm.s32 @!p0 $0x1C01  }
0x47: {  	[timem:s3], [sflag:s2] =	dma.local @!p0 [hbm:s0], s1  }
0x48: {  	s0 =	simm.s32 @!p0 $0x1  }
0x49: {  	_ =	swait.ge @!p0 [sflag:s0], s1  }
0x4a: {  	s1 =	ssub.s32 @!p0 $0x0, s1;
	[sflag:s0] =	ssyncset.done @!p0 $0x0  }
0x4b: {  	[sflag:s0] =	ssyncadd.s32 @!p0 s1  }
0x4c: {  	[bflag:$0x3] =	sbarrier.arrive $0xFFFF  }
0x4d: {  	_ =	shalt  }

</sc_bundles>
